<compile_context>
chip_gen: v7x
topology: tpu7x:2x2x1
jax: 0.10.2.dev20260603
libtpu: 0.0.44.dev20260713+nightly
codegen_flags: <defaults>
</compile_context>

<pallas_src>
import functools
import jax
import jax.numpy as jnp
import numpy as np
from jax import lax
from jax.experimental import pallas as pl
from jax.experimental.pallas import tpu as pltpu
from jax.experimental.pallas import tpu_sc as plsc

TM = 256
NC, NS, L = 2, 16, 16
NW = NC * NS


def _router_schedule_body(xf_ref, gw_ref, l128_ref, l32_ref, sl8_ref,
                          logits_ref, w_ref, pos_ref, te_ref, ft_ref,
                          nxt_ref, slt_ref):
    S, Dm = xf_ref.shape
    Ee = gw_ref.shape[0]
    xfv = xf_ref[...]
    logits = jnp.dot(xfv, gw_ref[...].T, preferred_element_type=jnp.float32)
    logits_ref[...] = logits

    m = jnp.max(logits, axis=-1, keepdims=True)
    ex = jnp.exp(logits - m)
    rw = ex / jnp.sum(ex, axis=-1, keepdims=True)

    iota_e = lax.broadcasted_iota(jnp.int32, (S, Ee), 1)
    m1 = jnp.max(rw, axis=-1, keepdims=True)
    e1 = jnp.min(jnp.where(rw == m1, iota_e, Ee), axis=-1, keepdims=True)
    oh1 = iota_e == e1
    rwm = jnp.where(oh1, -1.0, rw)
    m2 = jnp.max(rwm, axis=-1, keepdims=True)
    e2 = jnp.min(jnp.where(rwm == m2, iota_e, Ee), axis=-1, keepdims=True)
    oh2 = iota_e == e2
    denom = m1 + m2
    ones_row = jnp.ones((1, 128), jnp.float32)
    w_ref[...] = jnp.concatenate([(m1 / denom) * ones_row,
                                  (m2 / denom) * ones_row], axis=0)

    O = jnp.concatenate([oh1, oh2], axis=0).astype(jnp.float32)
    cnt = jnp.sum(O, axis=0, keepdims=True)
    pc = jnp.ceil(cnt / TM) * TM
    off = jnp.dot(pc, sl8_ref[...], preferred_element_type=jnp.float32)

    gtile = lax.broadcasted_iota(jnp.int32, (1, 128), 1).astype(
        jnp.float32) * TM
    te_acc = jnp.zeros((1, 128), jnp.float32)
    ft_acc = jnp.zeros((1, 128), jnp.float32)
    for e in range(Ee):
        off2_e = off[0:1, e:e + 1] + pc[0:1, e:e + 1]
        te_acc = te_acc + (gtile >= off2_e).astype(jnp.float32)
        ft_acc = ft_acc + (gtile == off[0:1, e:e + 1]).astype(jnp.float32)
    te_v = jnp.minimum(te_acc, Ee - 1)
    te_ref[...] = te_v.astype(jnp.int32)
    ft_ref[...] = jnp.minimum(ft_acc, 1.0).astype(jnp.int32)

    ord_acc = jnp.zeros((1, 128), jnp.float32)
    for e in range(Ee):
        if e == Ee - 1:
            uniq = jnp.ones((1, 1), jnp.float32)
        else:
            uniq = (pc[0:1, e:e + 1] > 0).astype(jnp.float32)
        ord_acc = ord_acc + uniq * (gtile >= off[0:1, e:e + 1]).astype(
            jnp.float32)
    f = ord_acc - 1.0
    slt_ref[...] = (f - 2.0 * jnp.floor(f / 2.0)).astype(jnp.int32)

    nxt_e = [None] * Ee
    nxt_e[Ee - 1] = jnp.full((1, 1), -1.0, jnp.float32)
    for e in range(Ee - 2, -1, -1):
        if e == Ee - 2:
            nxt_e[e] = jnp.full((1, 1), float(Ee - 1), jnp.float32)
        else:
            pres = cnt[0:1, e + 1:e + 2] > 0
            nxt_e[e] = jnp.where(pres, float(e + 1), nxt_e[e + 1])
    nxt_acc = jnp.zeros((1, 128), jnp.float32)
    for e in range(Ee):
        nxt_acc = jnp.where(te_v == e, nxt_e[e], nxt_acc)
    nxt_ref[...] = nxt_acc.astype(jnp.int32)

    NA = 2 * S
    NB = NA // 128
    l128 = l128_ref[...]
    blocks = [O[i * 128:(i + 1) * 128, :] for i in range(NB)]
    s_rows = [jnp.sum(b, axis=0, keepdims=True) for b in blocks]
    sblk = jnp.concatenate(s_rows, axis=0)
    base = jnp.dot(l32_ref[...], sblk, preferred_element_type=jnp.float32)
    pos_parts = []
    for i in range(NB):
        r = jnp.dot(l128, blocks[i], preferred_element_type=jnp.float32)
        r = r + base[i:i + 1, :] + off
        pos_parts.append(jnp.sum(blocks[i] * r, axis=1, keepdims=True))
    pos_ref[...] = jnp.concatenate(pos_parts, axis=0).astype(jnp.int32)


def _gmm_body(te_ref, ft_ref, nxt_ref, slt_ref, xs_ref, wg_hbm, wu_hbm,
              wd_hbm, ws_ref, ys_ref, wgb, wub, wdb, semw):
    g = pl.program_id(0)
    e = te_ref[g]
    sl = slt_ref[g]
    nx = nxt_ref[g]

    def _copies(ex, s):
        return (pltpu.make_async_copy(wg_hbm.at[ex], wgb.at[s], semw.at[s]),
                pltpu.make_async_copy(wu_hbm.at[ex], wub.at[s], semw.at[s]),
                pltpu.make_async_copy(wd_hbm.at[ex], wdb.at[s], semw.at[s]))

    @pl.when(g == 0)
    def _():
        for cp in _copies(e, sl):
            cp.start()
        for cp in _copies(e, sl):
            cp.wait()

    @pl.when((g > 0) & (ft_ref[g] == 1))
    def _():
        for cp in _copies(e, sl):
            cp.wait()

    @pl.when((ft_ref[g] == 1) & (nx >= 0))
    def _():
        for cp in _copies(nx, 1 - sl):
            cp.start()

    xb = xs_ref[...]
    a1 = lax.dot_general(xb, wgb[sl], (((1,), (1,)), ((), ())),
                         preferred_element_type=jnp.float32)
    a2 = lax.dot_general(xb, wub[sl], (((1,), (1,)), ((), ())),
                         preferred_element_type=jnp.float32)
    h = a1 * jax.nn.sigmoid(a1) * a2
    y = lax.dot_general(h, wdb[sl], (((1,), (1,)), ((), ())),
                        preferred_element_type=jnp.float32)
    ys_ref[...] = y * ws_ref[:, 0:1]


def _run_dispatch(xf, pos, w_aug, P):
    S, Dm = xf.shape
    NA = pos.shape[0]
    asg_pw = NA // NW
    nch = asg_pw // L
    mesh = plsc.VectorSubcoreMesh(core_axis_name="c", subcore_axis_name="s")

    CH = 32
    nch = asg_pw // CH

    @functools.partial(
        pl.kernel, mesh=mesh,
        out_type=(jax.ShapeDtypeStruct((P, Dm), jnp.float32),
                  jax.ShapeDtypeStruct((P, 128), jnp.float32)),
        scratch_types=[
            [pltpu.VMEM((CH,), jnp.int32)] * 2,
            [pltpu.VMEM((CH, Dm), jnp.float32)] * 2,
            [pltpu.VMEM((CH, 128), jnp.float32)] * 2,
            [pltpu.SemaphoreType.DMA] * 2,
            [pltpu.SemaphoreType.DMA] * 2,
        ],
    )
    def disp(x_hbm, pos_hbm, w_hbm, xs_hbm, ws_hbm,
             p_v, rows_v, wrow_v, sem_l, sem_s):
        wid = lax.axis_index("s") * NC + lax.axis_index("c")
        i0 = wid * asg_pw
        tok0 = jnp.where(i0 >= S, i0 - S, i0)

        sc_handles = {}
        for c in range(nch):
            sl = c % 2
            if c >= 2:
                for h in sc_handles.pop(c - 2):
                    h.wait()
            hp = pltpu.async_copy(pos_hbm.at[pl.ds(i0 + c * CH, CH)],
                                  p_v[sl], sem_l[sl])
            hx = pltpu.async_copy(x_hbm.at[pl.ds(tok0 + c * CH, CH)],
                                  rows_v[sl], sem_l[sl])
            hw = pltpu.async_copy(w_hbm.at[pl.ds(i0 + c * CH, CH)],
                                  wrow_v[sl], sem_l[sl])
            hp.wait()
            hx.wait()
            hw.wait()
            h0 = pltpu.async_copy(rows_v[sl], xs_hbm.at[p_v[sl]], sem_s[sl])
            h1 = pltpu.async_copy(wrow_v[sl], ws_hbm.at[p_v[sl]], sem_s[sl])
            sc_handles[c] = (h0, h1)
        for hs in sc_handles.values():
            for h in hs:
                h.wait()

    return disp(xf, pos, w_aug)


def _run_combine(ys, pos, S, Dm):
    toks_pw = S // NW
    CH = 16
    nch = toks_pw // CH
    nf = Dm // L
    mesh = plsc.VectorSubcoreMesh(core_axis_name="c", subcore_axis_name="s")

    @functools.partial(
        pl.kernel, mesh=mesh,
        out_type=jax.ShapeDtypeStruct((S, Dm), jnp.float32),
        scratch_types=[
            pltpu.VMEM((toks_pw,), jnp.int32),
            pltpu.VMEM((toks_pw,), jnp.int32),
            [pltpu.VMEM((2 * CH,), jnp.int32)] * 2,
            [pltpu.VMEM((2 * CH, Dm), jnp.float32)] * 2,
            [pltpu.SemaphoreType.DMA] * 2,
            [pltpu.SemaphoreType.DMA] * 2,
        ],
    )
    def comb(ys_hbm, pos_hbm, out_hbm, p0_v, p1_v, idx, buf, sem_g, sem_o):
        wid = lax.axis_index("s") * NC + lax.axis_index("c")
        base_t = wid * toks_pw
        pltpu.sync_copy(pos_hbm.at[pl.ds(base_t, toks_pw)], p0_v)
        pltpu.sync_copy(pos_hbm.at[pl.ds(S + base_t, toks_pw)], p1_v)

        def start_gather(c):
            sl = c % 2
            idx[sl][pl.ds(0, CH)] = p0_v[pl.ds(c * CH, CH)]
            idx[sl][pl.ds(CH, CH)] = p1_v[pl.ds(c * CH, CH)]
            return pltpu.async_copy(ys_hbm.at[idx[sl]], buf[sl], sem_g[sl])

        g_handles = {0: start_gather(0)}
        o_handles = {}
        for c in range(nch):
            sl = c % 2
            if c + 1 < nch:
                if c - 1 >= 0:
                    o_handles.pop(c - 1).wait()
                g_handles[c + 1] = start_gather(c + 1)
            g_handles.pop(c).wait()
            for j in range(CH):
                def feat(f, _, j=j):
                    buf[sl][j, pl.ds(f * L, L)] = (
                        buf[sl][j, pl.ds(f * L, L)]
                        + buf[sl][j + CH, pl.ds(f * L, L)])
                    return _
                lax.fori_loop(0, nf, feat, None)
            o_handles[c] = pltpu.async_copy(
                buf[sl].at[pl.ds(0, CH)],
                out_hbm.at[pl.ds(base_t + c * CH, CH)], sem_o[sl])
        for h in o_handles.values():
            h.wait()

    return comb(ys, pos)


def _run_router(xf, gate_w):
    S, Dm = xf.shape
    Ee = gate_w.shape[0]
    NA = 2 * S
    NB = NA // 128
    l128 = jnp.asarray(np.tril(np.ones((128, 128), np.float32), -1))
    l32 = jnp.asarray(np.tril(np.ones((NB, NB), np.float32), -1))
    sl8 = jnp.asarray(np.triu(np.ones((Ee, Ee), np.float32), 1))
    return pl.pallas_call(
        _router_schedule_body,
        out_shape=(
            jax.ShapeDtypeStruct((S, Ee), jnp.float32),
            jax.ShapeDtypeStruct((NA, 128), jnp.float32),
            jax.ShapeDtypeStruct((NA, 1), jnp.int32),
            jax.ShapeDtypeStruct((1, 128), jnp.int32),
            jax.ShapeDtypeStruct((1, 128), jnp.int32),
            jax.ShapeDtypeStruct((1, 128), jnp.int32),
            jax.ShapeDtypeStruct((1, 128), jnp.int32),
        ),
    )(xf, gate_w, l128, l32, sl8)


def _run_gmm(xs, wg, wu, wd, ws, tile_expert, ft, nxt, slt, nt):
    P, Dm = xs.shape
    Ee, FF, _ = wg.shape
    grid_spec = pltpu.PrefetchScalarGridSpec(
        num_scalar_prefetch=4,
        grid=(nt,),
        in_specs=[
            pl.BlockSpec((TM, Dm), lambda g, te, ft, nx, st: (g, 0)),
            pl.BlockSpec(memory_space=pl.ANY),
            pl.BlockSpec(memory_space=pl.ANY),
            pl.BlockSpec(memory_space=pl.ANY),
            pl.BlockSpec((TM, 128), lambda g, te, ft, nx, st: (g, 0)),
        ],
        out_specs=pl.BlockSpec((TM, Dm), lambda g, te, ft, nx, st: (g, 0)),
        scratch_shapes=[
            pltpu.VMEM((2, FF, Dm), jnp.float32),
            pltpu.VMEM((2, FF, Dm), jnp.float32),
            pltpu.VMEM((2, Dm, FF), jnp.float32),
            pltpu.SemaphoreType.DMA((2,)),
        ],
    )
    return pl.pallas_call(
        _gmm_body,
        grid_spec=grid_spec,
        out_shape=jax.ShapeDtypeStruct((P, Dm), jnp.float32),
        compiler_params=pltpu.CompilerParams(
            dimension_semantics=("arbitrary",),
            vmem_limit_bytes=100 * 1024 * 1024),
    )(tile_expert, ft, nxt, slt, xs, wg, wu, wd, ws)


def kernel(x, gate_w, wg, wu, wd):
    b, s, d = x.shape
    Ee = gate_w.shape[0]
    xf = x.reshape(b * s, d)
    S = b * s
    NA = 2 * S
    P = NA + Ee * TM
    NT = P // TM

    logits, w_aug, pos, te, ft, nxt, slt = _run_router(xf, gate_w)
    pos = pos.reshape(NA)
    te = te.reshape(128)
    ft = ft.reshape(128)
    nxt = nxt.reshape(128)
    slt = slt.reshape(128)

    xs, ws = _run_dispatch(xf, pos, w_aug, P)

    ys = _run_gmm(xs, wg, wu, wd, ws, te, ft, nxt, slt, NT)

    final = _run_combine(ys, pos, S, d)
    return final.reshape(b, s, d), logits

# --- scband reference (transcript-rebuilt; emitter-appended) ---
"""Pipeline reference for scband-sparse-mo-eblock-40999757807880 (READ-ONLY COPY).

The authoritative reference and input builder live on the scoring server;
editing this copy changes nothing except your own understanding.
"""

import jax, jax.numpy as jnp
import numpy as np

B, S, D = 1, 2048, 1024
E, K, FF = 8, 2, 2048


def setup_inputs(seed: int = 0) -> dict:
    key = jax.random.key(seed)
    ks = jax.random.split(key, 5)
    x = jax.random.normal(ks[0], (B, S, D), dtype=jnp.float32)
    gate_w = jax.random.normal(ks[1], (E, D), dtype=jnp.float32) * 0.02
    wg = jax.random.normal(ks[2], (E, FF, D), dtype=jnp.float32) * 0.02
    wu = jax.random.normal(ks[3], (E, FF, D), dtype=jnp.float32) * 0.02
    wd = jax.random.normal(ks[4], (E, D, FF), dtype=jnp.float32) * 0.02
    return {"x": x, "gate_w": gate_w, "wg": wg, "wu": wu, "wd": wd}


def reference(x, gate_w, wg, wu, wd):
    b, s, d = x.shape
    xf = x.reshape(-1, d)
    router_logits = xf @ gate_w.T
    routing_weights = jax.nn.softmax(router_logits.astype(jnp.float32), axis=-1)
    rw_k, selected = jax.lax.top_k(routing_weights, K)
    rw_k = rw_k / jnp.sum(rw_k, axis=-1, keepdims=True)
    rw_k = rw_k.astype(x.dtype)
    final = jnp.zeros_like(xf)
    for e in range(E):
        # per-token weight for this expert (0 if not selected) -- math-equivalent
        # to the torch gather/index_add dispatch
        w_e = jnp.sum(rw_k * (selected == e).astype(rw_k.dtype), axis=-1)
        h = jax.nn.silu(xf @ wg[e].T) * (xf @ wu[e].T)
        y = h @ wd[e].T
        final = final + w_e[:, None] * y
    return final.reshape(b, s, d), router_logits

if __name__ == "__main__":
    import jax
    _d = setup_inputs()
    print(jax.jit(kernel)(*tuple(_d.values())))

</pallas_src>

<mosaic_0001>
#map = affine_map<(d0, d1) -> (0, 0)>
#map1 = affine_map<(d0, d1) -> (0)>
module attributes {stable_mosaic.version = 14 : i64} {
  func.func @disp(%arg0: i32, %arg1: i32, %arg2: memref<2048x1024xf32, #tpu.memory_space<hbm>>, %arg3: memref<4096xi32, #tpu.memory_space<hbm>>, %arg4: memref<4096x128xf32, #tpu.memory_space<hbm>>, %arg5: memref<6144x1024xf32, #tpu.memory_space<hbm>>, %arg6: memref<6144x128xf32, #tpu.memory_space<hbm>>, %arg7: memref<32xi32, #tpu.memory_space<vmem>>, %arg8: memref<32xi32, #tpu.memory_space<vmem>>, %arg9: memref<32x1024xf32, #tpu.memory_space<vmem>>, %arg10: memref<32x1024xf32, #tpu.memory_space<vmem>>, %arg11: memref<32x128xf32, #tpu.memory_space<vmem>>, %arg12: memref<32x128xf32, #tpu.memory_space<vmem>>, %arg13: memref<!tpu.dma_semaphore, #tpu.memory_space<semaphore_mem>>, %arg14: memref<!tpu.dma_semaphore, #tpu.memory_space<semaphore_mem>>, %arg15: memref<!tpu.dma_semaphore, #tpu.memory_space<semaphore_mem>>, %arg16: memref<!tpu.dma_semaphore, #tpu.memory_space<semaphore_mem>>) attributes {dimension_semantics = [#tpu.dimension_semantics<core_parallel>, #tpu.dimension_semantics<subcore_parallel>], iteration_bounds = array<i64: 2, 16>, scalar_prefetch = 0 : i64, scratch_operands = 10 : i64, tpu.core_type = #tpu.core_type<sc_vector_subcore>, window_params = [{transform_indices = #map}, {transform_indices = #map1}, {transform_indices = #map}, {transform_indices = #map}, {transform_indices = #map}]} {
    %mul3A = arith.constant 2 : i32
    %mul3A_0 = arith.muli %arg1, %mul3A : i32
    %add3A = arith.addi %mul3A_0, %arg0 : i32
    %mul3A_1 = arith.constant 128 : i32
    %mul3A_2 = arith.muli %add3A, %mul3A_1 : i32
    %ge3A = arith.constant 2048 : i32
    %ge3A_3 = arith.cmpi sge, %mul3A_2, %ge3A : i32
    %sub3A = arith.constant 2048 : i32
    %sub3A_4 = arith.subi %mul3A_2, %sub3A : i32
    %select_n3A = arith.select %ge3A_3, %sub3A_4, %mul3A_2 : i32
    %add3A_5 = arith.constant 0 : i32
    %add3A_6 = arith.addi %mul3A_2, %add3A_5 : i32
    %dma_start3A = tpu.memref_slice %arg3[%add3A_6] : memref<4096xi32, #tpu.memory_space<hbm>> -> memref<32xi32, #tpu.memory_space<hbm>>
    %dma_start3A_7 = tpu.memref_slice %arg3[%add3A_6] : memref<4096xi32, #tpu.memory_space<hbm>> -> memref<32xi32, #tpu.memory_space<hbm>>
    tpu.enqueue_dma source(%dma_start3A_7 : memref<32xi32, #tpu.memory_space<hbm>>) target(%arg7 : memref<32xi32, #tpu.memory_space<vmem>>) target_semaphore(%arg13 : memref<!tpu.dma_semaphore, #tpu.memory_space<semaphore_mem>>)
    %add3A_8 = arith.constant 0 : i32
    %add3A_9 = arith.addi %select_n3A, %add3A_8 : i32
    %dma_start3A_10 = arith.constant 0 : i32
    %dma_start3A_11 = tpu.memref_slice %arg2[%add3A_9, %dma_start3A_10] : memref<2048x1024xf32, #tpu.memory_space<hbm>> -> memref<32x1024xf32, #tpu.memory_space<hbm>>
    %dma_start3A_12 = arith.constant 0 : i32
    %dma_start3A_13 = tpu.memref_slice %arg2[%add3A_9, %dma_start3A_12] : memref<2048x1024xf32, #tpu.memory_space<hbm>> -> memref<32x1024xf32, #tpu.memory_space<hbm>>
    tpu.enqueue_dma source(%dma_start3A_13 : memref<32x1024xf32, #tpu.memory_space<hbm>>) target(%arg9 : memref<32x1024xf32, #tpu.memory_space<vmem>>) target_semaphore(%arg13 : memref<!tpu.dma_semaphore, #tpu.memory_space<semaphore_mem>>)
    %add3A_14 = arith.constant 0 : i32
    %add3A_15 = arith.addi %mul3A_2, %add3A_14 : i32
    %dma_start3A_16 = arith.constant 0 : i32
    %dma_start3A_17 = tpu.memref_slice %arg4[%add3A_15, %dma_start3A_16] : memref<4096x128xf32, #tpu.memory_space<hbm>> -> memref<32x128xf32, #tpu.memory_space<hbm>>
    %dma_start3A_18 = arith.constant 0 : i32
    %dma_start3A_19 = tpu.memref_slice %arg4[%add3A_15, %dma_start3A_18] : memref<4096x128xf32, #tpu.memory_space<hbm>> -> memref<32x128xf32, #tpu.memory_space<hbm>>
    tpu.enqueue_dma source(%dma_start3A_19 : memref<32x128xf32, #tpu.memory_space<hbm>>) target(%arg11 : memref<32x128xf32, #tpu.memory_space<vmem>>) target_semaphore(%arg13 : memref<!tpu.dma_semaphore, #tpu.memory_space<semaphore_mem>>)
    %dma_wait3A = tpu.memref_slice %arg3[%add3A_6] : memref<4096xi32, #tpu.memory_space<hbm>> -> memref<32xi32, #tpu.memory_space<hbm>>
    %dma_wait3A_20 = tpu.memref_slice %arg3[%add3A_6] : memref<4096xi32, #tpu.memory_space<hbm>> -> memref<32xi32, #tpu.memory_space<hbm>>
    tpu.wait_dma2 semaphore(%arg13 : memref<!tpu.dma_semaphore, #tpu.memory_space<semaphore_mem>>) src(%dma_wait3A_20 : memref<32xi32, #tpu.memory_space<hbm>>) dst(%arg7 : memref<32xi32, #tpu.memory_space<vmem>>)
    %dma_wait3A_21 = arith.constant 0 : i32
    %dma_wait3A_22 = tpu.memref_slice %arg2[%add3A_9, %dma_wait3A_21] : memref<2048x1024xf32, #tpu.memory_space<hbm>> -> memref<32x1024xf32, #tpu.memory_space<hbm>>
    %dma_wait3A_23 = arith.constant 0 : i32
    %dma_wait3A_24 = tpu.memref_slice %arg2[%add3A_9, %dma_wait3A_23] : memref<2048x1024xf32, #tpu.memory_space<hbm>> -> memref<32x1024xf32, #tpu.memory_space<hbm>>
    tpu.wait_dma2 semaphore(%arg13 : memref<!tpu.dma_semaphore, #tpu.memory_space<semaphore_mem>>) src(%dma_wait3A_24 : memref<32x1024xf32, #tpu.memory_space<hbm>>) dst(%arg9 : memref<32x1024xf32, #tpu.memory_space<vmem>>)
    %dma_wait3A_25 = arith.constant 0 : i32
    %dma_wait3A_26 = tpu.memref_slice %arg4[%add3A_15, %dma_wait3A_25] : memref<4096x128xf32, #tpu.memory_space<hbm>> -> memref<32x128xf32, #tpu.memory_space<hbm>>
    %dma_wait3A_27 = arith.constant 0 : i32
    %dma_wait3A_28 = tpu.memref_slice %arg4[%add3A_15, %dma_wait3A_27] : memref<4096x128xf32, #tpu.memory_space<hbm>> -> memref<32x128xf32, #tpu.memory_space<hbm>>
    tpu.wait_dma2 semaphore(%arg13 : memref<!tpu.dma_semaphore, #tpu.memory_space<semaphore_mem>>) src(%dma_wait3A_28 : memref<32x128xf32, #tpu.memory_space<hbm>>) dst(%arg11 : memref<32x128xf32, #tpu.memory_space<vmem>>)
    %dma_start3A_29 = arith.constant 0 : i32
    %dma_start3A_30 = arith.constant 0 : i32
    %dma_start3A_31 = tpu.memref_slice %arg5[%dma_start3A_29, %dma_start3A_30] : memref<6144x1024xf32, #tpu.memory_space<hbm>> -> memref<6144x1024xf32, #tpu.memory_space<hbm>>
    tpu.enqueue_indirect_dma source(%arg9 : memref<32x1024xf32, #tpu.memory_space<vmem>>) target(%dma_start3A_31 : memref<6144x1024xf32, #tpu.memory_space<hbm>>) offsets(%arg7 : memref<32xi32, #tpu.memory_space<vmem>>) semaphore(%arg15 : memref<!tpu.dma_semaphore, #tpu.memory_space<semaphore_mem>>)
    %dma_start3A_32 = arith.constant 0 : i32
    %dma_start3A_33 = arith.constant 0 : i32
    %dma_start3A_34 = tpu.memref_slice %arg6[%dma_start3A_32, %dma_start3A_33] : memref<6144x128xf32, #tpu.memory_space<hbm>> -> memref<6144x128xf32, #tpu.memory_space<hbm>>
    tpu.enqueue_indirect_dma source(%arg11 : memref<32x128xf32, #tpu.memory_space<vmem>>) target(%dma_start3A_34 : memref<6144x128xf32, #tpu.memory_space<hbm>>) offsets(%arg7 : memref<32xi32, #tpu.memory_space<vmem>>) semaphore(%arg15 : memref<!tpu.dma_semaphore, #tpu.memory_space<semaphore_mem>>)
    %add3A_35 = arith.constant 32 : i32
    %add3A_36 = arith.addi %mul3A_2, %add3A_35 : i32
    %dma_start3A_37 = tpu.memref_slice %arg3[%add3A_36] : memref<4096xi32, #tpu.memory_space<hbm>> -> memref<32xi32, #tpu.memory_space<hbm>>
    %dma_start3A_38 = tpu.memref_slice %arg3[%add3A_36] : memref<4096xi32, #tpu.memory_space<hbm>> -> memref<32xi32, #tpu.memory_space<hbm>>
    tpu.enqueue_dma source(%dma_start3A_38 : memref<32xi32, #tpu.memory_space<hbm>>) target(%arg8 : memref<32xi32, #tpu.memory_space<vmem>>) target_semaphore(%arg14 : memref<!tpu.dma_semaphore, #tpu.memory_space<semaphore_mem>>)
    %add3A_39 = arith.constant 32 : i32
    %add3A_40 = arith.addi %select_n3A, %add3A_39 : i32
    %dma_start3A_41 = arith.constant 0 : i32
    %dma_start3A_42 = tpu.memref_slice %arg2[%add3A_40, %dma_start3A_41] : memref<2048x1024xf32, #tpu.memory_space<hbm>> -> memref<32x1024xf32, #tpu.memory_space<hbm>>
    %dma_start3A_43 = arith.constant 0 : i32
    %dma_start3A_44 = tpu.memref_slice %arg2[%add3A_40, %dma_start3A_43] : memref<2048x1024xf32, #tpu.memory_space<hbm>> -> memref<32x1024xf32, #tpu.memory_space<hbm>>
    tpu.enqueue_dma source(%dma_start3A_44 : memref<32x1024xf32, #tpu.memory_space<hbm>>) target(%arg10 : memref<32x1024xf32, #tpu.memory_space<vmem>>) target_semaphore(%arg14 : memref<!tpu.dma_semaphore, #tpu.memory_space<semaphore_mem>>)
    %add3A_45 = arith.constant 32 : i32
    %add3A_46 = arith.addi %mul3A_2, %add3A_45 : i32
    %dma_start3A_47 = arith.constant 0 : i32
    %dma_start3A_48 = tpu.memref_slice %arg4[%add3A_46, %dma_start3A_47] : memref<4096x128xf32, #tpu.memory_space<hbm>> -> memref<32x128xf32, #tpu.memory_space<hbm>>
    %dma_start3A_49 = arith.constant 0 : i32
    %dma_start3A_50 = tpu.memref_slice %arg4[%add3A_46, %dma_start3A_49] : memref<4096x128xf32, #tpu.memory_space<hbm>> -> memref<32x128xf32, #tpu.memory_space<hbm>>
    tpu.enqueue_dma source(%dma_start3A_50 : memref<32x128xf32, #tpu.memory_space<hbm>>) target(%arg12 : memref<32x128xf32, #tpu.memory_space<vmem>>) target_semaphore(%arg14 : memref<!tpu.dma_semaphore, #tpu.memory_space<semaphore_mem>>)
    %dma_wait3A_51 = tpu.memref_slice %arg3[%add3A_36] : memref<4096xi32, #tpu.memory_space<hbm>> -> memref<32xi32, #tpu.memory_space<hbm>>
    %dma_wait3A_52 = tpu.memref_slice %arg3[%add3A_36] : memref<4096xi32, #tpu.memory_space<hbm>> -> memref<32xi32, #tpu.memory_space<hbm>>
    tpu.wait_dma2 semaphore(%arg14 : memref<!tpu.dma_semaphore, #tpu.memory_space<semaphore_mem>>) src(%dma_wait3A_52 : memref<32xi32, #tpu.memory_space<hbm>>) dst(%arg8 : memref<32xi32, #tpu.memory_space<vmem>>)
    %dma_wait3A_53 = arith.constant 0 : i32
    %dma_wait3A_54 = tpu.memref_slice %arg2[%add3A_40, %dma_wait3A_53] : memref<2048x1024xf32, #tpu.memory_space<hbm>> -> memref<32x1024xf32, #tpu.memory_space<hbm>>
    %dma_wait3A_55 = arith.constant 0 : i32
    %dma_wait3A_56 = tpu.memref_slice %arg2[%add3A_40, %dma_wait3A_55] : memref<2048x1024xf32, #tpu.memory_space<hbm>> -> memref<32x1024xf32, #tpu.memory_space<hbm>>
    tpu.wait_dma2 semaphore(%arg14 : memref<!tpu.dma_semaphore, #tpu.memory_space<semaphore_mem>>) src(%dma_wait3A_56 : memref<32x1024xf32, #tpu.memory_space<hbm>>) dst(%arg10 : memref<32x1024xf32, #tpu.memory_space<vmem>>)
    %dma_wait3A_57 = arith.constant 0 : i32
    %dma_wait3A_58 = tpu.memref_slice %arg4[%add3A_46, %dma_wait3A_57] : memref<4096x128xf32, #tpu.memory_space<hbm>> -> memref<32x128xf32, #tpu.memory_space<hbm>>
    %dma_wait3A_59 = arith.constant 0 : i32
    %dma_wait3A_60 = tpu.memref_slice %arg4[%add3A_46, %dma_wait3A_59] : memref<4096x128xf32, #tpu.memory_space<hbm>> -> memref<32x128xf32, #tpu.memory_space<hbm>>
    tpu.wait_dma2 semaphore(%arg14 : memref<!tpu.dma_semaphore, #tpu.memory_space<semaphore_mem>>) src(%dma_wait3A_60 : memref<32x128xf32, #tpu.memory_space<hbm>>) dst(%arg12 : memref<32x128xf32, #tpu.memory_space<vmem>>)
    %dma_start3A_61 = arith.constant 0 : i32
    %dma_start3A_62 = arith.constant 0 : i32
    %dma_start3A_63 = tpu.memref_slice %arg5[%dma_start3A_61, %dma_start3A_62] : memref<6144x1024xf32, #tpu.memory_space<hbm>> -> memref<6144x1024xf32, #tpu.memory_space<hbm>>
    tpu.enqueue_indirect_dma source(%arg10 : memref<32x1024xf32, #tpu.memory_space<vmem>>) target(%dma_start3A_63 : memref<6144x1024xf32, #tpu.memory_space<hbm>>) offsets(%arg8 : memref<32xi32, #tpu.memory_space<vmem>>) semaphore(%arg16 : memref<!tpu.dma_semaphore, #tpu.memory_space<semaphore_mem>>)
    %dma_start3A_64 = arith.constant 0 : i32
    %dma_start3A_65 = arith.constant 0 : i32
    %dma_start3A_66 = tpu.memref_slice %arg6[%dma_start3A_64, %dma_start3A_65] : memref<6144x128xf32, #tpu.memory_space<hbm>> -> memref<6144x128xf32, #tpu.memory_space<hbm>>
    tpu.enqueue_indirect_dma source(%arg12 : memref<32x128xf32, #tpu.memory_space<vmem>>) target(%dma_start3A_66 : memref<6144x128xf32, #tpu.memory_space<hbm>>) offsets(%arg8 : memref<32xi32, #tpu.memory_space<vmem>>) semaphore(%arg16 : memref<!tpu.dma_semaphore, #tpu.memory_space<semaphore_mem>>)
    %dma_wait3A_67 = arith.constant 0 : i32
    %dma_wait3A_68 = arith.constant 0 : i32
    %dma_wait3A_69 = tpu.memref_slice %arg5[%dma_wait3A_67, %dma_wait3A_68] : memref<6144x1024xf32, #tpu.memory_space<hbm>> -> memref<6144x1024xf32, #tpu.memory_space<hbm>>
    tpu.wait_indirect_dma semaphore(%arg15 : memref<!tpu.dma_semaphore, #tpu.memory_space<semaphore_mem>>) src(%arg9 : memref<32x1024xf32, #tpu.memory_space<vmem>>) dst(%dma_wait3A_69 : memref<6144x1024xf32, #tpu.memory_space<hbm>>)
    %dma_wait3A_70 = arith.constant 0 : i32
    %dma_wait3A_71 = arith.constant 0 : i32
    %dma_wait3A_72 = tpu.memref_slice %arg6[%dma_wait3A_70, %dma_wait3A_71] : memref<6144x128xf32, #tpu.memory_space<hbm>> -> memref<6144x128xf32, #tpu.memory_space<hbm>>
    tpu.wait_indirect_dma semaphore(%arg15 : memref<!tpu.dma_semaphore, #tpu.memory_space<semaphore_mem>>) src(%arg11 : memref<32x128xf32, #tpu.memory_space<vmem>>) dst(%dma_wait3A_72 : memref<6144x128xf32, #tpu.memory_space<hbm>>)
    %add3A_73 = arith.constant 64 : i32
    %add3A_74 = arith.addi %mul3A_2, %add3A_73 : i32
    %dma_start3A_75 = tpu.memref_slice %arg3[%add3A_74] : memref<4096xi32, #tpu.memory_space<hbm>> -> memref<32xi32, #tpu.memory_space<hbm>>
    %dma_start3A_76 = tpu.memref_slice %arg3[%add3A_74] : memref<4096xi32, #tpu.memory_space<hbm>> -> memref<32xi32, #tpu.memory_space<hbm>>
    tpu.enqueue_dma source(%dma_start3A_76 : memref<32xi32, #tpu.memory_space<hbm>>) target(%arg7 : memref<32xi32, #tpu.memory_space<vmem>>) target_semaphore(%arg13 : memref<!tpu.dma_semaphore, #tpu.memory_space<semaphore_mem>>)
    %add3A_77 = arith.constant 64 : i32
    %add3A_78 = arith.addi %select_n3A, %add3A_77 : i32
    %dma_start3A_79 = arith.constant 0 : i32
    %dma_start3A_80 = tpu.memref_slice %arg2[%add3A_78, %dma_start3A_79] : memref<2048x1024xf32, #tpu.memory_space<hbm>> -> memref<32x1024xf32, #tpu.memory_space<hbm>>
    %dma_start3A_81 = arith.constant 0 : i32
    %dma_start3A_82 = tpu.memref_slice %arg2[%add3A_78, %dma_start3A_81] : memref<2048x1024xf32, #tpu.memory_space<hbm>> -> memref<32x1024xf32, #tpu.memory_space<hbm>>
    tpu.enqueue_dma source(%dma_start3A_82 : memref<32x1024xf32, #tpu.memory_space<hbm>>) target(%arg9 : memref<32x1024xf32, #tpu.memory_space<vmem>>) target_semaphore(%arg13 : memref<!tpu.dma_semaphore, #tpu.memory_space<semaphore_mem>>)
    %add3A_83 = arith.constant 64 : i32
    %add3A_84 = arith.addi %mul3A_2, %add3A_83 : i32
    %dma_start3A_85 = arith.constant 0 : i32
    %dma_start3A_86 = tpu.memref_slice %arg4[%add3A_84, %dma_start3A_85] : memref<4096x128xf32, #tpu.memory_space<hbm>> -> memref<32x128xf32, #tpu.memory_space<hbm>>
    %dma_start3A_87 = arith.constant 0 : i32
    %dma_start3A_88 = tpu.memref_slice %arg4[%add3A_84, %dma_start3A_87] : memref<4096x128xf32, #tpu.memory_space<hbm>> -> memref<32x128xf32, #tpu.memory_space<hbm>>
    tpu.enqueue_dma source(%dma_start3A_88 : memref<32x128xf32, #tpu.memory_space<hbm>>) target(%arg11 : memref<32x128xf32, #tpu.memory_space<vmem>>) target_semaphore(%arg13 : memref<!tpu.dma_semaphore, #tpu.memory_space<semaphore_mem>>)
    %dma_wait3A_89 = tpu.memref_slice %arg3[%add3A_74] : memref<4096xi32, #tpu.memory_space<hbm>> -> memref<32xi32, #tpu.memory_space<hbm>>
    %dma_wait3A_90 = tpu.memref_slice %arg3[%add3A_74] : memref<4096xi32, #tpu.memory_space<hbm>> -> memref<32xi32, #tpu.memory_space<hbm>>
    tpu.wait_dma2 semaphore(%arg13 : memref<!tpu.dma_semaphore, #tpu.memory_space<semaphore_mem>>) src(%dma_wait3A_90 : memref<32xi32, #tpu.memory_space<hbm>>) dst(%arg7 : memref<32xi32, #tpu.memory_space<vmem>>)
    %dma_wait3A_91 = arith.constant 0 : i32
    %dma_wait3A_92 = tpu.memref_slice %arg2[%add3A_78, %dma_wait3A_91] : memref<2048x1024xf32, #tpu.memory_space<hbm>> -> memref<32x1024xf32, #tpu.memory_space<hbm>>
    %dma_wait3A_93 = arith.constant 0 : i32
    %dma_wait3A_94 = tpu.memref_slice %arg2[%add3A_78, %dma_wait3A_93] : memref<2048x1024xf32, #tpu.memory_space<hbm>> -> memref<32x1024xf32, #tpu.memory_space<hbm>>
    tpu.wait_dma2 semaphore(%arg13 : memref<!tpu.dma_semaphore, #tpu.memory_space<semaphore_mem>>) src(%dma_wait3A_94 : memref<32x1024xf32, #tpu.memory_space<hbm>>) dst(%arg9 : memref<32x1024xf32, #tpu.memory_space<vmem>>)
    %dma_wait3A_95 = arith.constant 0 : i32
    %dma_wait3A_96 = tpu.memref_slice %arg4[%add3A_84, %dma_wait3A_95] : memref<4096x128xf32, #tpu.memory_space<hbm>> -> memref<32x128xf32, #tpu.memory_space<hbm>>
    %dma_wait3A_97 = arith.constant 0 : i32
    %dma_wait3A_98 = tpu.memref_slice %arg4[%add3A_84, %dma_wait3A_97] : memref<4096x128xf32, #tpu.memory_space<hbm>> -> memref<32x128xf32, #tpu.memory_space<hbm>>
    tpu.wait_dma2 semaphore(%arg13 : memref<!tpu.dma_semaphore, #tpu.memory_space<semaphore_mem>>) src(%dma_wait3A_98 : memref<32x128xf32, #tpu.memory_space<hbm>>) dst(%arg11 : memref<32x128xf32, #tpu.memory_space<vmem>>)
    %dma_start3A_99 = arith.constant 0 : i32
    %dma_start3A_100 = arith.constant 0 : i32
    %dma_start3A_101 = tpu.memref_slice %arg5[%dma_start3A_99, %dma_start3A_100] : memref<6144x1024xf32, #tpu.memory_space<hbm>> -> memref<6144x1024xf32, #tpu.memory_space<hbm>>
    tpu.enqueue_indirect_dma source(%arg9 : memref<32x1024xf32, #tpu.memory_space<vmem>>) target(%dma_start3A_101 : memref<6144x1024xf32, #tpu.memory_space<hbm>>) offsets(%arg7 : memref<32xi32, #tpu.memory_space<vmem>>) semaphore(%arg15 : memref<!tpu.dma_semaphore, #tpu.memory_space<semaphore_mem>>)
    %dma_start3A_102 = arith.constant 0 : i32
    %dma_start3A_103 = arith.constant 0 : i32
    %dma_start3A_104 = tpu.memref_slice %arg6[%dma_start3A_102, %dma_start3A_103] : memref<6144x128xf32, #tpu.memory_space<hbm>> -> memref<6144x128xf32, #tpu.memory_space<hbm>>
    tpu.enqueue_indirect_dma source(%arg11 : memref<32x128xf32, #tpu.memory_space<vmem>>) target(%dma_start3A_104 : memref<6144x128xf32, #tpu.memory_space<hbm>>) offsets(%arg7 : memref<32xi32, #tpu.memory_space<vmem>>) semaphore(%arg15 : memref<!tpu.dma_semaphore, #tpu.memory_space<semaphore_mem>>)
    %dma_wait3A_105 = arith.constant 0 : i32
    %dma_wait3A_106 = arith.constant 0 : i32
    %dma_wait3A_107 = tpu.memref_slice %arg5[%dma_wait3A_105, %dma_wait3A_106] : memref<6144x1024xf32, #tpu.memory_space<hbm>> -> memref<6144x1024xf32, #tpu.memory_space<hbm>>
    tpu.wait_indirect_dma semaphore(%arg16 : memref<!tpu.dma_semaphore, #tpu.memory_space<semaphore_mem>>) src(%arg10 : memref<32x1024xf32, #tpu.memory_space<vmem>>) dst(%dma_wait3A_107 : memref<6144x1024xf32, #tpu.memory_space<hbm>>)
    %dma_wait3A_108 = arith.constant 0 : i32
    %dma_wait3A_109 = arith.constant 0 : i32
    %dma_wait3A_110 = tpu.memref_slice %arg6[%dma_wait3A_108, %dma_wait3A_109] : memref<6144x128xf32, #tpu.memory_space<hbm>> -> memref<6144x128xf32, #tpu.memory_space<hbm>>
    tpu.wait_indirect_dma semaphore(%arg16 : memref<!tpu.dma_semaphore, #tpu.memory_space<semaphore_mem>>) src(%arg12 : memref<32x128xf32, #tpu.memory_space<vmem>>) dst(%dma_wait3A_110 : memref<6144x128xf32, #tpu.memory_space<hbm>>)
    %add3A_111 = arith.constant 96 : i32
    %add3A_112 = arith.addi %mul3A_2, %add3A_111 : i32
    %dma_start3A_113 = tpu.memref_slice %arg3[%add3A_112] : memref<4096xi32, #tpu.memory_space<hbm>> -> memref<32xi32, #tpu.memory_space<hbm>>
    %dma_start3A_114 = tpu.memref_slice %arg3[%add3A_112] : memref<4096xi32, #tpu.memory_space<hbm>> -> memref<32xi32, #tpu.memory_space<hbm>>
    tpu.enqueue_dma source(%dma_start3A_114 : memref<32xi32, #tpu.memory_space<hbm>>) target(%arg8 : memref<32xi32, #tpu.memory_space<vmem>>) target_semaphore(%arg14 : memref<!tpu.dma_semaphore, #tpu.memory_space<semaphore_mem>>)
    %add3A_115 = arith.constant 96 : i32
    %add3A_116 = arith.addi %select_n3A, %add3A_115 : i32
    %dma_start3A_117 = arith.constant 0 : i32
    %dma_start3A_118 = tpu.memref_slice %arg2[%add3A_116, %dma_start3A_117] : memref<2048x1024xf32, #tpu.memory_space<hbm>> -> memref<32x1024xf32, #tpu.memory_space<hbm>>
    %dma_start3A_119 = arith.constant 0 : i32
    %dma_start3A_120 = tpu.memref_slice %arg2[%add3A_116, %dma_start3A_119] : memref<2048x1024xf32, #tpu.memory_space<hbm>> -> memref<32x1024xf32, #tpu.memory_space<hbm>>
    tpu.enqueue_dma source(%dma_start3A_120 : memref<32x1024xf32, #tpu.memory_space<hbm>>) target(%arg10 : memref<32x1024xf32, #tpu.memory_space<vmem>>) target_semaphore(%arg14 : memref<!tpu.dma_semaphore, #tpu.memory_space<semaphore_mem>>)
    %add3A_121 = arith.constant 96 : i32
    %add3A_122 = arith.addi %mul3A_2, %add3A_121 : i32
    %dma_start3A_123 = arith.constant 0 : i32
    %dma_start3A_124 = tpu.memref_slice %arg4[%add3A_122, %dma_start3A_123] : memref<4096x128xf32, #tpu.memory_space<hbm>> -> memref<32x128xf32, #tpu.memory_space<hbm>>
    %dma_start3A_125 = arith.constant 0 : i32
    %dma_start3A_126 = tpu.memref_slice %arg4[%add3A_122, %dma_start3A_125] : memref<4096x128xf32, #tpu.memory_space<hbm>> -> memref<32x128xf32, #tpu.memory_space<hbm>>
    tpu.enqueue_dma source(%dma_start3A_126 : memref<32x128xf32, #tpu.memory_space<hbm>>) target(%arg12 : memref<32x128xf32, #tpu.memory_space<vmem>>) target_semaphore(%arg14 : memref<!tpu.dma_semaphore, #tpu.memory_space<semaphore_mem>>)
    %dma_wait3A_127 = tpu.memref_slice %arg3[%add3A_112] : memref<4096xi32, #tpu.memory_space<hbm>> -> memref<32xi32, #tpu.memory_space<hbm>>
    %dma_wait3A_128 = tpu.memref_slice %arg3[%add3A_112] : memref<4096xi32, #tpu.memory_space<hbm>> -> memref<32xi32, #tpu.memory_space<hbm>>
    tpu.wait_dma2 semaphore(%arg14 : memref<!tpu.dma_semaphore, #tpu.memory_space<semaphore_mem>>) src(%dma_wait3A_128 : memref<32xi32, #tpu.memory_space<hbm>>) dst(%arg8 : memref<32xi32, #tpu.memory_space<vmem>>)
    %dma_wait3A_129 = arith.constant 0 : i32
    %dma_wait3A_130 = tpu.memref_slice %arg2[%add3A_116, %dma_wait3A_129] : memref<2048x1024xf32, #tpu.memory_space<hbm>> -> memref<32x1024xf32, #tpu.memory_space<hbm>>
    %dma_wait3A_131 = arith.constant 0 : i32
    %dma_wait3A_132 = tpu.memref_slice %arg2[%add3A_116, %dma_wait3A_131] : memref<2048x1024xf32, #tpu.memory_space<hbm>> -> memref<32x1024xf32, #tpu.memory_space<hbm>>
    tpu.wait_dma2 semaphore(%arg14 : memref<!tpu.dma_semaphore, #tpu.memory_space<semaphore_mem>>) src(%dma_wait3A_132 : memref<32x1024xf32, #tpu.memory_space<hbm>>) dst(%arg10 : memref<32x1024xf32, #tpu.memory_space<vmem>>)
    %dma_wait3A_133 = arith.constant 0 : i32
    %dma_wait3A_134 = tpu.memref_slice %arg4[%add3A_122, %dma_wait3A_133] : memref<4096x128xf32, #tpu.memory_space<hbm>> -> memref<32x128xf32, #tpu.memory_space<hbm>>
    %dma_wait3A_135 = arith.constant 0 : i32
    %dma_wait3A_136 = tpu.memref_slice %arg4[%add3A_122, %dma_wait3A_135] : memref<4096x128xf32, #tpu.memory_space<hbm>> -> memref<32x128xf32, #tpu.memory_space<hbm>>
    tpu.wait_dma2 semaphore(%arg14 : memref<!tpu.dma_semaphore, #tpu.memory_space<semaphore_mem>>) src(%dma_wait3A_136 : memref<32x128xf32, #tpu.memory_space<hbm>>) dst(%arg12 : memref<32x128xf32, #tpu.memory_space<vmem>>)
    %dma_start3A_137 = arith.constant 0 : i32
    %dma_start3A_138 = arith.constant 0 : i32
    %dma_start3A_139 = tpu.memref_slice %arg5[%dma_start3A_137, %dma_start3A_138] : memref<6144x1024xf32, #tpu.memory_space<hbm>> -> memref<6144x1024xf32, #tpu.memory_space<hbm>>
    tpu.enqueue_indirect_dma source(%arg10 : memref<32x1024xf32, #tpu.memory_space<vmem>>) target(%dma_start3A_139 : memref<6144x1024xf32, #tpu.memory_space<hbm>>) offsets(%arg8 : memref<32xi32, #tpu.memory_space<vmem>>) semaphore(%arg16 : memref<!tpu.dma_semaphore, #tpu.memory_space<semaphore_mem>>)
    %dma_start3A_140 = arith.constant 0 : i32
    %dma_start3A_141 = arith.constant 0 : i32
    %dma_start3A_142 = tpu.memref_slice %arg6[%dma_start3A_140, %dma_start3A_141] : memref<6144x128xf32, #tpu.memory_space<hbm>> -> memref<6144x128xf32, #tpu.memory_space<hbm>>
    tpu.enqueue_indirect_dma source(%arg12 : memref<32x128xf32, #tpu.memory_space<vmem>>) target(%dma_start3A_142 : memref<6144x128xf32, #tpu.memory_space<hbm>>) offsets(%arg8 : memref<32xi32, #tpu.memory_space<vmem>>) semaphore(%arg16 : memref<!tpu.dma_semaphore, #tpu.memory_space<semaphore_mem>>)
    %dma_wait3A_143 = arith.constant 0 : i32
    %dma_wait3A_144 = arith.constant 0 : i32
    %dma_wait3A_145 = tpu.memref_slice %arg5[%dma_wait3A_143, %dma_wait3A_144] : memref<6144x1024xf32, #tpu.memory_space<hbm>> -> memref<6144x1024xf32, #tpu.memory_space<hbm>>
    tpu.wait_indirect_dma semaphore(%arg15 : memref<!tpu.dma_semaphore, #tpu.memory_space<semaphore_mem>>) src(%arg9 : memref<32x1024xf32, #tpu.memory_space<vmem>>) dst(%dma_wait3A_145 : memref<6144x1024xf32, #tpu.memory_space<hbm>>)
    %dma_wait3A_146 = arith.constant 0 : i32
    %dma_wait3A_147 = arith.constant 0 : i32
    %dma_wait3A_148 = tpu.memref_slice %arg6[%dma_wait3A_146, %dma_wait3A_147] : memref<6144x128xf32, #tpu.memory_space<hbm>> -> memref<6144x128xf32, #tpu.memory_space<hbm>>
    tpu.wait_indirect_dma semaphore(%arg15 : memref<!tpu.dma_semaphore, #tpu.memory_space<semaphore_mem>>) src(%arg11 : memref<32x128xf32, #tpu.memory_space<vmem>>) dst(%dma_wait3A_148 : memref<6144x128xf32, #tpu.memory_space<hbm>>)
    %dma_wait3A_149 = arith.constant 0 : i32
    %dma_wait3A_150 = arith.constant 0 : i32
    %dma_wait3A_151 = tpu.memref_slice %arg5[%dma_wait3A_149, %dma_wait3A_150] : memref<6144x1024xf32, #tpu.memory_space<hbm>> -> memref<6144x1024xf32, #tpu.memory_space<hbm>>
    tpu.wait_indirect_dma semaphore(%arg16 : memref<!tpu.dma_semaphore, #tpu.memory_space<semaphore_mem>>) src(%arg10 : memref<32x1024xf32, #tpu.memory_space<vmem>>) dst(%dma_wait3A_151 : memref<6144x1024xf32, #tpu.memory_space<hbm>>)
    %dma_wait3A_152 = arith.constant 0 : i32
    %dma_wait3A_153 = arith.constant 0 : i32
    %dma_wait3A_154 = tpu.memref_slice %arg6[%dma_wait3A_152, %dma_wait3A_153] : memref<6144x128xf32, #tpu.memory_space<hbm>> -> memref<6144x128xf32, #tpu.memory_space<hbm>>
    tpu.wait_indirect_dma semaphore(%arg16 : memref<!tpu.dma_semaphore, #tpu.memory_space<semaphore_mem>>) src(%arg12 : memref<32x128xf32, #tpu.memory_space<vmem>>) dst(%dma_wait3A_154 : memref<6144x128xf32, #tpu.memory_space<hbm>>)
    return
  }
}

#map = affine_map<(d0, d1) -> (0, 0)>
#map1 = affine_map<(d0, d1) -> (0)>
module attributes {stable_mosaic.version = 14 : i64} {
  func.func @comb(%arg0: i32, %arg1: i32, %arg2: memref<6144x1024xf32, #tpu.memory_space<hbm>>, %arg3: memref<4096xi32, #tpu.memory_space<hbm>>, %arg4: memref<2048x1024xf32, #tpu.memory_space<hbm>>, %arg5: memref<64xi32, #tpu.memory_space<vmem>>, %arg6: memref<64xi32, #tpu.memory_space<vmem>>, %arg7: memref<32xi32, #tpu.memory_space<vmem>>, %arg8: memref<32xi32, #tpu.memory_space<vmem>>, %arg9: memref<32x1024xf32, #tpu.memory_space<vmem>>, %arg10: memref<32x1024xf32, #tpu.memory_space<vmem>>, %arg11: memref<!tpu.dma_semaphore, #tpu.memory_space<semaphore_mem>>, %arg12: memref<!tpu.dma_semaphore, #tpu.memory_space<semaphore_mem>>, %arg13: memref<!tpu.dma_semaphore, #tpu.memory_space<semaphore_mem>>, %arg14: memref<!tpu.dma_semaphore, #tpu.memory_space<semaphore_mem>>) attributes {dimension_semantics = [#tpu.dimension_semantics<core_parallel>, #tpu.dimension_semantics<subcore_parallel>], iteration_bounds = array<i64: 2, 16>, scalar_prefetch = 0 : i64, scratch_operands = 10 : i64, tpu.core_type = #tpu.core_type<sc_vector_subcore>, window_params = [{transform_indices = #map}, {transform_indices = #map1}, {transform_indices = #map}]} {
    %mul3A = arith.constant 2 : i32
    %mul3A_0 = arith.muli %arg1, %mul3A : i32
    %add3A = arith.addi %mul3A_0, %arg0 : i32
    %mul3A_1 = arith.constant 64 : i32
    %mul3A_2 = arith.muli %add3A, %mul3A_1 : i32
    "tpu.region"() ({
      %run_scoped3A = tpu.sem_alloc : memref<!tpu.dma_semaphore, #tpu.memory_space<semaphore_mem>>
      %dma_start3A_488 = tpu.memref_slice %arg3[%mul3A_2] : memref<4096xi32, #tpu.memory_space<hbm>> -> memref<64xi32, #tpu.memory_space<hbm>>
      %dma_start3A_489 = tpu.memref_slice %arg3[%mul3A_2] : memref<4096xi32, #tpu.memory_space<hbm>> -> memref<64xi32, #tpu.memory_space<hbm>>
      tpu.enqueue_dma source(%dma_start3A_489 : memref<64xi32, #tpu.memory_space<hbm>>) target(%arg5 : memref<64xi32, #tpu.memory_space<vmem>>) target_semaphore(%run_scoped3A : memref<!tpu.dma_semaphore, #tpu.memory_space<semaphore_mem>>)
      %dma_wait3A_490 = tpu.memref_slice %arg3[%mul3A_2] : memref<4096xi32, #tpu.memory_space<hbm>> -> memref<64xi32, #tpu.memory_space<hbm>>
      %dma_wait3A_491 = tpu.memref_slice %arg3[%mul3A_2] : memref<4096xi32, #tpu.memory_space<hbm>> -> memref<64xi32, #tpu.memory_space<hbm>>
      tpu.wait_dma2 semaphore(%run_scoped3A : memref<!tpu.dma_semaphore, #tpu.memory_space<semaphore_mem>>) src(%dma_wait3A_491 : memref<64xi32, #tpu.memory_space<hbm>>) dst(%arg5 : memref<64xi32, #tpu.memory_space<vmem>>)
      tpu.yield
    }) : () -> ()
    %add3A_3 = arith.constant 2048 : i32
    %add3A_4 = arith.addi %add3A_3, %mul3A_2 : i32
    "tpu.region"() ({
      %run_scoped3A = tpu.sem_alloc : memref<!tpu.dma_semaphore, #tpu.memory_space<semaphore_mem>>
      %dma_start3A_488 = tpu.memref_slice %arg3[%add3A_4] : memref<4096xi32, #tpu.memory_space<hbm>> -> memref<64xi32, #tpu.memory_space<hbm>>
      %dma_start3A_489 = tpu.memref_slice %arg3[%add3A_4] : memref<4096xi32, #tpu.memory_space<hbm>> -> memref<64xi32, #tpu.memory_space<hbm>>
      tpu.enqueue_dma source(%dma_start3A_489 : memref<64xi32, #tpu.memory_space<hbm>>) target(%arg6 : memref<64xi32, #tpu.memory_space<vmem>>) target_semaphore(%run_scoped3A : memref<!tpu.dma_semaphore, #tpu.memory_space<semaphore_mem>>)
      %dma_wait3A_490 = tpu.memref_slice %arg3[%add3A_4] : memref<4096xi32, #tpu.memory_space<hbm>> -> memref<64xi32, #tpu.memory_space<hbm>>
      %dma_wait3A_491 = tpu.memref_slice %arg3[%add3A_4] : memref<4096xi32, #tpu.memory_space<hbm>> -> memref<64xi32, #tpu.memory_space<hbm>>
      tpu.wait_dma2 semaphore(%run_scoped3A : memref<!tpu.dma_semaphore, #tpu.memory_space<semaphore_mem>>) src(%dma_wait3A_491 : memref<64xi32, #tpu.memory_space<hbm>>) dst(%arg6 : memref<64xi32, #tpu.memory_space<vmem>>)
      tpu.yield
    }) : () -> ()
    %get3A = arith.constant 0 : index
    %get3A_5 = tpu.vector_load %arg5[%get3A] {strides = array<i32>} : memref<64xi32, #tpu.memory_space<vmem>>, vector<16xi32>,
    %get3A_6 = vector.shape_cast %get3A_5 : vector<16xi32> to vector<16xi32>
    %swap3A = arith.constant 0 : index
    %swap3A_7 = tpu.vector_load %arg7[%swap3A] {strides = array<i32>} : memref<32xi32, #tpu.memory_space<vmem>>, vector<16xi32>,
    %swap3A_8 = vector.shape_cast %swap3A_7 : vector<16xi32> to vector<16xi32>
    %swap3A_9 = vector.shape_cast %get3A_6 : vector<16xi32> to vector<16xi32>
    tpu.vector_store %arg7[%swap3A], %swap3A_9 {strides = array<i32>} : memref<32xi32, #tpu.memory_space<vmem>>, vector<16xi32>,
    %get3A_10 = arith.constant 0 : index
    %get3A_11 = tpu.vector_load %arg6[%get3A_10] {strides = array<i32>} : memref<64xi32, #tpu.memory_space<vmem>>, vector<16xi32>,
    %get3A_12 = vector.shape_cast %get3A_11 : vector<16xi32> to vector<16xi32>
    %swap3A_13 = arith.constant 16 : index
    %swap3A_14 = tpu.vector_load %arg7[%swap3A_13] {strides = array<i32>} : memref<32xi32, #tpu.memory_space<vmem>>, vector<16xi32>,
    %swap3A_15 = vector.shape_cast %swap3A_14 : vector<16xi32> to vector<16xi32>
    %swap3A_16 = vector.shape_cast %get3A_12 : vector<16xi32> to vector<16xi32>
    tpu.vector_store %arg7[%swap3A_13], %swap3A_16 {strides = array<i32>} : memref<32xi32, #tpu.memory_space<vmem>>, vector<16xi32>,
    %dma_start3A = arith.constant 0 : i32
    %dma_start3A_17 = arith.constant 0 : i32
    %dma_start3A_18 = tpu.memref_slice %arg2[%dma_start3A, %dma_start3A_17] : memref<6144x1024xf32, #tpu.memory_space<hbm>> -> memref<6144x1024xf32, #tpu.memory_space<hbm>>
    tpu.enqueue_indirect_dma source(%dma_start3A_18 : memref<6144x1024xf32, #tpu.memory_space<hbm>>) target(%arg9 : memref<32x1024xf32, #tpu.memory_space<vmem>>) offsets(%arg7 : memref<32xi32, #tpu.memory_space<vmem>>) semaphore(%arg11 : memref<!tpu.dma_semaphore, #tpu.memory_space<semaphore_mem>>)
    %get3A_19 = arith.constant 16 : index
    %get3A_20 = tpu.vector_load %arg5[%get3A_19] {strides = array<i32>} : memref<64xi32, #tpu.memory_space<vmem>>, vector<16xi32>,
    %get3A_21 = vector.shape_cast %get3A_20 : vector<16xi32> to vector<16xi32>
    %swap3A_22 = arith.constant 0 : index
    %swap3A_23 = tpu.vector_load %arg8[%swap3A_22] {strides = array<i32>} : memref<32xi32, #tpu.memory_space<vmem>>, vector<16xi32>,
    %swap3A_24 = vector.shape_cast %swap3A_23 : vector<16xi32> to vector<16xi32>
    %swap3A_25 = vector.shape_cast %get3A_21 : vector<16xi32> to vector<16xi32>
    tpu.vector_store %arg8[%swap3A_22], %swap3A_25 {strides = array<i32>} : memref<32xi32, #tpu.memory_space<vmem>>, vector<16xi32>,
    %get3A_26 = arith.constant 16 : index
    %get3A_27 = tpu.vector_load %arg6[%get3A_26] {strides = array<i32>} : memref<64xi32, #tpu.memory_space<vmem>>, vector<16xi32>,
    %get3A_28 = vector.shape_cast %get3A_27 : vector<16xi32> to vector<16xi32>
    %swap3A_29 = arith.constant 16 : index
    %swap3A_30 = tpu.vector_load %arg8[%swap3A_29] {strides = array<i32>} : memref<32xi32, #tpu.memory_space<vmem>>, vector<16xi32>,
    %swap3A_31 = vector.shape_cast %swap3A_30 : vector<16xi32> to vector<16xi32>
    %swap3A_32 = vector.shape_cast %get3A_28 : vector<16xi32> to vector<16xi32>
    tpu.vector_store %arg8[%swap3A_29], %swap3A_32 {strides = array<i32>} : memref<32xi32, #tpu.memory_space<vmem>>, vector<16xi32>,
    %dma_start3A_33 = arith.constant 0 : i32
    %dma_start3A_34 = arith.constant 0 : i32
    %dma_start3A_35 = tpu.memref_slice %arg2[%dma_start3A_33, %dma_start3A_34] : memref<6144x1024xf32, #tpu.memory_space<hbm>> -> memref<6144x1024xf32, #tpu.memory_space<hbm>>
    tpu.enqueue_indirect_dma source(%dma_start3A_35 : memref<6144x1024xf32, #tpu.memory_space<hbm>>) target(%arg10 : memref<32x1024xf32, #tpu.memory_space<vmem>>) offsets(%arg8 : memref<32xi32, #tpu.memory_space<vmem>>) semaphore(%arg12 : memref<!tpu.dma_semaphore, #tpu.memory_space<semaphore_mem>>)
    %dma_wait3A = arith.constant 0 : i32
    %dma_wait3A_36 = arith.constant 0 : i32
    %dma_wait3A_37 = tpu.memref_slice %arg2[%dma_wait3A, %dma_wait3A_36] : memref<6144x1024xf32, #tpu.memory_space<hbm>> -> memref<6144x1024xf32, #tpu.memory_space<hbm>>
    tpu.wait_indirect_dma semaphore(%arg11 : memref<!tpu.dma_semaphore, #tpu.memory_space<semaphore_mem>>) src(%dma_wait3A_37 : memref<6144x1024xf32, #tpu.memory_space<hbm>>) dst(%arg9 : memref<32x1024xf32, #tpu.memory_space<vmem>>)
    %scan3A = arith.constant 0 : i32
    %scan3A_38 = arith.constant 64 : i32
    %scan3A_39 = arith.addi %scan3A, %scan3A_38 : i32
    %scan3A_40 = arith.constant 1 : i32
    scf.for %scan3A_488 = %scan3A to %scan3A_39 step %scan3A_40  : i32 {
      %mul3A_489 = arith.constant 16 : i32
      %mul3A_490 = arith.muli %scan3A_488, %mul3A_489 : i32
      %get3A_491 = arith.constant 0 : i32
      %get3A_492 = arith.index_cast %get3A_491 : i32 to index
      %get3A_493 = arith.index_cast %mul3A_490 : i32 to index
      %get3A_494 = tpu.vector_load %arg9[%get3A_492, %get3A_493] {strides = array<i32>} : memref<32x1024xf32, #tpu.memory_space<vmem>>, vector<1x16xf32>,
      %get3A_495 = vector.shape_cast %get3A_494 : vector<1x16xf32> to vector<16xf32>
      %mul3A_496 = arith.constant 16 : i32
      %mul3A_497 = arith.muli %scan3A_488, %mul3A_496 : i32
      %get3A_498 = arith.constant 16 : i32
      %get3A_499 = arith.index_cast %get3A_498 : i32 to index
      %get3A_500 = arith.index_cast %mul3A_497 : i32 to index
      %get3A_501 = tpu.vector_load %arg9[%get3A_499, %get3A_500] {strides = array<i32>} : memref<32x1024xf32, #tpu.memory_space<vmem>>, vector<1x16xf32>,
      %get3A_502 = vector.shape_cast %get3A_501 : vector<1x16xf32> to vector<16xf32>
      %add3A_503 = arith.addf %get3A_495, %get3A_502 : vector<16xf32>
      %mul3A_504 = arith.constant 16 : i32
      %mul3A_505 = arith.muli %scan3A_488, %mul3A_504 : i32
      %swap3A_506 = arith.constant 0 : i32
      %swap3A_507 = arith.index_cast %swap3A_506 : i32 to index
      %swap3A_508 = arith.index_cast %mul3A_505 : i32 to index
      %swap3A_509 = tpu.vector_load %arg9[%swap3A_507, %swap3A_508] {strides = array<i32>} : memref<32x1024xf32, #tpu.memory_space<vmem>>, vector<1x16xf32>,
      %swap3A_510 = vector.shape_cast %swap3A_509 : vector<1x16xf32> to vector<16xf32>
      %swap3A_511 = vector.shape_cast %add3A_503 : vector<16xf32> to vector<1x16xf32>
      tpu.vector_store %arg9[%swap3A_507, %swap3A_508], %swap3A_511 {strides = array<i32>} : memref<32x1024xf32, #tpu.memory_space<vmem>>, vector<1x16xf32>,
    }
    %scan3A_41 = arith.constant 64 : i32
    %scan3A_42 = arith.constant 0 : i32
    %scan3A_43 = arith.constant 64 : i32
    %scan3A_44 = arith.addi %scan3A_42, %scan3A_43 : i32
    %scan3A_45 = arith.constant 1 : i32
    scf.for %scan3A_488 = %scan3A_42 to %scan3A_44 step %scan3A_45  : i32 {
      %mul3A_489 = arith.constant 16 : i32
      %mul3A_490 = arith.muli %scan3A_488, %mul3A_489 : i32
      %get3A_491 = arith.constant 1 : i32
      %get3A_492 = arith.index_cast %get3A_491 : i32 to index
      %get3A_493 = arith.index_cast %mul3A_490 : i32 to index
      %get3A_494 = tpu.vector_load %arg9[%get3A_492, %get3A_493] {strides = array<i32>} : memref<32x1024xf32, #tpu.memory_space<vmem>>, vector<1x16xf32>,
      %get3A_495 = vector.shape_cast %get3A_494 : vector<1x16xf32> to vector<16xf32>
      %mul3A_496 = arith.constant 16 : i32
      %mul3A_497 = arith.muli %scan3A_488, %mul3A_496 : i32
      %get3A_498 = arith.constant 17 : i32
      %get3A_499 = arith.index_cast %get3A_498 : i32 to index
      %get3A_500 = arith.index_cast %mul3A_497 : i32 to index
      %get3A_501 = tpu.vector_load %arg9[%get3A_499, %get3A_500] {strides = array<i32>} : memref<32x1024xf32, #tpu.memory_space<vmem>>, vector<1x16xf32>,
      %get3A_502 = vector.shape_cast %get3A_501 : vector<1x16xf32> to vector<16xf32>
      %add3A_503 = arith.addf %get3A_495, %get3A_502 : vector<16xf32>
      %mul3A_504 = arith.constant 16 : i32
      %mul3A_505 = arith.muli %scan3A_488, %mul3A_504 : i32
      %swap3A_506 = arith.constant 1 : i32
      %swap3A_507 = arith.index_cast %swap3A_506 : i32 to index
      %swap3A_508 = arith.index_cast %mul3A_505 : i32 to index
      %swap3A_509 = tpu.vector_load %arg9[%swap3A_507, %swap3A_508] {strides = array<i32>} : memref<32x1024xf32, #tpu.memory_space<vmem>>, vector<1x16xf32>,
      %swap3A_510 = vector.shape_cast %swap3A_509 : vector<1x16xf32> to vector<16xf32>
      %swap3A_511 = vector.shape_cast %add3A_503 : vector<16xf32> to vector<1x16xf32>
      tpu.vector_store %arg9[%swap3A_507, %swap3A_508], %swap3A_511 {strides = array<i32>} : memref<32x1024xf32, #tpu.memory_space<vmem>>, vector<1x16xf32>,
    }
    %scan3A_46 = arith.constant 64 : i32
    %scan3A_47 = arith.constant 0 : i32
    %scan3A_48 = arith.constant 64 : i32
    %scan3A_49 = arith.addi %scan3A_47, %scan3A_48 : i32
    %scan3A_50 = arith.constant 1 : i32
    scf.for %scan3A_488 = %scan3A_47 to %scan3A_49 step %scan3A_50  : i32 {
      %mul3A_489 = arith.constant 16 : i32
      %mul3A_490 = arith.muli %scan3A_488, %mul3A_489 : i32
      %get3A_491 = arith.constant 2 : i32
      %get3A_492 = arith.index_cast %get3A_491 : i32 to index
      %get3A_493 = arith.index_cast %mul3A_490 : i32 to index
      %get3A_494 = tpu.vector_load %arg9[%get3A_492, %get3A_493] {strides = array<i32>} : memref<32x1024xf32, #tpu.memory_space<vmem>>, vector<1x16xf32>,
      %get3A_495 = vector.shape_cast %get3A_494 : vector<1x16xf32> to vector<16xf32>
      %mul3A_496 = arith.constant 16 : i32
      %mul3A_497 = arith.muli %scan3A_488, %mul3A_496 : i32
      %get3A_498 = arith.constant 18 : i32
      %get3A_499 = arith.index_cast %get3A_498 : i32 to index
      %get3A_500 = arith.index_cast %mul3A_497 : i32 to index
      %get3A_501 = tpu.vector_load %arg9[%get3A_499, %get3A_500] {strides = array<i32>} : memref<32x1024xf32, #tpu.memory_space<vmem>>, vector<1x16xf32>,
      %get3A_502 = vector.shape_cast %get3A_501 : vector<1x16xf32> to vector<16xf32>
      %add3A_503 = arith.addf %get3A_495, %get3A_502 : vector<16xf32>
      %mul3A_504 = arith.constant 16 : i32
      %mul3A_505 = arith.muli %scan3A_488, %mul3A_504 : i32
      %swap3A_506 = arith.constant 2 : i32
      %swap3A_507 = arith.index_cast %swap3A_506 : i32 to index
      %swap3A_508 = arith.index_cast %mul3A_505 : i32 to index
      %swap3A_509 = tpu.vector_load %arg9[%swap3A_507, %swap3A_508] {strides = array<i32>} : memref<32x1024xf32, #tpu.memory_space<vmem>>, vector<1x16xf32>,
      %swap3A_510 = vector.shape_cast %swap3A_509 : vector<1x16xf32> to vector<16xf32>
      %swap3A_511 = vector.shape_cast %add3A_503 : vector<16xf32> to vector<1x16xf32>
      tpu.vector_store %arg9[%swap3A_507, %swap3A_508], %swap3A_511 {strides = array<i32>} : memref<32x1024xf32, #tpu.memory_space<vmem>>, vector<1x16xf32>,
    }
    %scan3A_51 = arith.constant 64 : i32
    %scan3A_52 = arith.constant 0 : i32
    %scan3A_53 = arith.constant 64 : i32
    %scan3A_54 = arith.addi %scan3A_52, %scan3A_53 : i32
    %scan3A_55 = arith.constant 1 : i32
    scf.for %scan3A_488 = %scan3A_52 to %scan3A_54 step %scan3A_55  : i32 {
      %mul3A_489 = arith.constant 16 : i32
      %mul3A_490 = arith.muli %scan3A_488, %mul3A_489 : i32
      %get3A_491 = arith.constant 3 : i32
      %get3A_492 = arith.index_cast %get3A_491 : i32 to index
      %get3A_493 = arith.index_cast %mul3A_490 : i32 to index
      %get3A_494 = tpu.vector_load %arg9[%get3A_492, %get3A_493] {strides = array<i32>} : memref<32x1024xf32, #tpu.memory_space<vmem>>, vector<1x16xf32>,
      %get3A_495 = vector.shape_cast %get3A_494 : vector<1x16xf32> to vector<16xf32>
      %mul3A_496 = arith.constant 16 : i32
      %mul3A_497 = arith.muli %scan3A_488, %mul3A_496 : i32
      %get3A_498 = arith.constant 19 : i32
      %get3A_499 = arith.index_cast %get3A_498 : i32 to index
      %get3A_500 = arith.index_cast %mul3A_497 : i32 to index
      %get3A_501 = tpu.vector_load %arg9[%get3A_499, %get3A_500] {strides = array<i32>} : memref<32x1024xf32, #tpu.memory_space<vmem>>, vector<1x16xf32>,
      %get3A_502 = vector.shape_cast %get3A_501 : vector<1x16xf32> to vector<16xf32>
      %add3A_503 = arith.addf %get3A_495, %get3A_502 : vector<16xf32>
      %mul3A_504 = arith.constant 16 : i32
      %mul3A_505 = arith.muli %scan3A_488, %mul3A_504 : i32
      %swap3A_506 = arith.constant 3 : i32
      %swap3A_507 = arith.index_cast %swap3A_506 : i32 to index
      %swap3A_508 = arith.index_cast %mul3A_505 : i32 to index
      %swap3A_509 = tpu.vector_load %arg9[%swap3A_507, %swap3A_508] {strides = array<i32>} : memref<32x1024xf32, #tpu.memory_space<vmem>>, vector<1x16xf32>,
      %swap3A_510 = vector.shape_cast %swap3A_509 : vector<1x16xf32> to vector<16xf32>
      %swap3A_511 = vector.shape_cast %add3A_503 : vector<16xf32> to vector<1x16xf32>
      tpu.vector_store %arg9[%swap3A_507, %swap3A_508], %swap3A_511 {strides = array<i32>} : memref<32x1024xf32, #tpu.memory_space<vmem>>, vector<1x16xf32>,
    }
    %scan3A_56 = arith.constant 64 : i32
    %scan3A_57 = arith.constant 0 : i32
    %scan3A_58 = arith.constant 64 : i32
    %scan3A_59 = arith.addi %scan3A_57, %scan3A_58 : i32
    %scan3A_60 = arith.constant 1 : i32
    scf.for %scan3A_488 = %scan3A_57 to %scan3A_59 step %scan3A_60  : i32 {
      %mul3A_489 = arith.constant 16 : i32
      %mul3A_490 = arith.muli %scan3A_488, %mul3A_489 : i32
      %get3A_491 = arith.constant 4 : i32
      %get3A_492 = arith.index_cast %get3A_491 : i32 to index
      %get3A_493 = arith.index_cast %mul3A_490 : i32 to index
      %get3A_494 = tpu.vector_load %arg9[%get3A_492, %get3A_493] {strides = array<i32>} : memref<32x1024xf32, #tpu.memory_space<vmem>>, vector<1x16xf32>,
      %get3A_495 = vector.shape_cast %get3A_494 : vector<1x16xf32> to vector<16xf32>
      %mul3A_496 = arith.constant 16 : i32
      %mul3A_497 = arith.muli %scan3A_488, %mul3A_496 : i32
      %get3A_498 = arith.constant 20 : i32
      %get3A_499 = arith.index_cast %get3A_498 : i32 to index
      %get3A_500 = arith.index_cast %mul3A_497 : i32 to index
      %get3A_501 = tpu.vector_load %arg9[%get3A_499, %get3A_500] {strides = array<i32>} : memref<32x1024xf32, #tpu.memory_space<vmem>>, vector<1x16xf32>,
      %get3A_502 = vector.shape_cast %get3A_501 : vector<1x16xf32> to vector<16xf32>
      %add3A_503 = arith.addf %get3A_495, %get3A_502 : vector<16xf32>
      %mul3A_504 = arith.constant 16 : i32
      %mul3A_505 = arith.muli %scan3A_488, %mul3A_504 : i32
      %swap3A_506 = arith.constant 4 : i32
      %swap3A_507 = arith.index_cast %swap3A_506 : i32 to index
      %swap3A_508 = arith.index_cast %mul3A_505 : i32 to index
      %swap3A_509 = tpu.vector_load %arg9[%swap3A_507, %swap3A_508] {strides = array<i32>} : memref<32x1024xf32, #tpu.memory_space<vmem>>, vector<1x16xf32>,
      %swap3A_510 = vector.shape_cast %swap3A_509 : vector<1x16xf32> to vector<16xf32>
      %swap3A_511 = vector.shape_cast %add3A_503 : vector<16xf32> to vector<1x16xf32>
      tpu.vector_store %arg9[%swap3A_507, %swap3A_508], %swap3A_511 {strides = array<i32>} : memref<32x1024xf32, #tpu.memory_space<vmem>>, vector<1x16xf32>,
    }
    %scan3A_61 = arith.constant 64 : i32
    %scan3A_62 = arith.constant 0 : i32
    %scan3A_63 = arith.constant 64 : i32
    %scan3A_64 = arith.addi %scan3A_62, %scan3A_63 : i32
    %scan3A_65 = arith.constant 1 : i32
    scf.for %scan3A_488 = %scan3A_62 to %scan3A_64 step %scan3A_65  : i32 {
      %mul3A_489 = arith.constant 16 : i32
      %mul3A_490 = arith.muli %scan3A_488, %mul3A_489 : i32
      %get3A_491 = arith.constant 5 : i32
      %get3A_492 = arith.index_cast %get3A_491 : i32 to index
      %get3A_493 = arith.index_cast %mul3A_490 : i32 to index
      %get3A_494 = tpu.vector_load %arg9[%get3A_492, %get3A_493] {strides = array<i32>} : memref<32x1024xf32, #tpu.memory_space<vmem>>, vector<1x16xf32>,
      %get3A_495 = vector.shape_cast %get3A_494 : vector<1x16xf32> to vector<16xf32>
      %mul3A_496 = arith.constant 16 : i32
      %mul3A_497 = arith.muli %scan3A_488, %mul3A_496 : i32
      %get3A_498 = arith.constant 21 : i32
      %get3A_499 = arith.index_cast %get3A_498 : i32 to index
      %get3A_500 = arith.index_cast %mul3A_497 : i32 to index
      %get3A_501 = tpu.vector_load %arg9[%get3A_499, %get3A_500] {strides = array<i32>} : memref<32x1024xf32, #tpu.memory_space<vmem>>, vector<1x16xf32>,
      %get3A_502 = vector.shape_cast %get3A_501 : vector<1x16xf32> to vector<16xf32>
      %add3A_503 = arith.addf %get3A_495, %get3A_502 : vector<16xf32>
      %mul3A_504 = arith.constant 16 : i32
      %mul3A_505 = arith.muli %scan3A_488, %mul3A_504 : i32
      %swap3A_506 = arith.constant 5 : i32
      %swap3A_507 = arith.index_cast %swap3A_506 : i32 to index
      %swap3A_508 = arith.index_cast %mul3A_505 : i32 to index
      %swap3A_509 = tpu.vector_load %arg9[%swap3A_507, %swap3A_508] {strides = array<i32>} : memref<32x1024xf32, #tpu.memory_space<vmem>>, vector<1x16xf32>,
      %swap3A_510 = vector.shape_cast %swap3A_509 : vector<1x16xf32> to vector<16xf32>
      %swap3A_511 = vector.shape_cast %add3A_503 : vector<16xf32> to vector<1x16xf32>
      tpu.vector_store %arg9[%swap3A_507, %swap3A_508], %swap3A_511 {strides = array<i32>} : memref<32x1024xf32, #tpu.memory_space<vmem>>, vector<1x16xf32>,
    }
    %scan3A_66 = arith.constant 64 : i32
    %scan3A_67 = arith.constant 0 : i32
    %scan3A_68 = arith.constant 64 : i32
    %scan3A_69 = arith.addi %scan3A_67, %scan3A_68 : i32
    %scan3A_70 = arith.constant 1 : i32
    scf.for %scan3A_488 = %scan3A_67 to %scan3A_69 step %scan3A_70  : i32 {
      %mul3A_489 = arith.constant 16 : i32
      %mul3A_490 = arith.muli %scan3A_488, %mul3A_489 : i32
      %get3A_491 = arith.constant 6 : i32
      %get3A_492 = arith.index_cast %get3A_491 : i32 to index
      %get3A_493 = arith.index_cast %mul3A_490 : i32 to index
      %get3A_494 = tpu.vector_load %arg9[%get3A_492, %get3A_493] {strides = array<i32>} : memref<32x1024xf32, #tpu.memory_space<vmem>>, vector<1x16xf32>,
      %get3A_495 = vector.shape_cast %get3A_494 : vector<1x16xf32> to vector<16xf32>
      %mul3A_496 = arith.constant 16 : i32
      %mul3A_497 = arith.muli %scan3A_488, %mul3A_496 : i32
      %get3A_498 = arith.constant 22 : i32
      %get3A_499 = arith.index_cast %get3A_498 : i32 to index
      %get3A_500 = arith.index_cast %mul3A_497 : i32 to index
      %get3A_501 = tpu.vector_load %arg9[%get3A_499, %get3A_500] {strides = array<i32>} : memref<32x1024xf32, #tpu.memory_space<vmem>>, vector<1x16xf32>,
      %get3A_502 = vector.shape_cast %get3A_501 : vector<1x16xf32> to vector<16xf32>
      %add3A_503 = arith.addf %get3A_495, %get3A_502 : vector<16xf32>
      %mul3A_504 = arith.constant 16 : i32
      %mul3A_505 = arith.muli %scan3A_488, %mul3A_504 : i32
      %swap3A_506 = arith.constant 6 : i32
      %swap3A_507 = arith.index_cast %swap3A_506 : i32 to index
      %swap3A_508 = arith.index_cast %mul3A_505 : i32 to index
      %swap3A_509 = tpu.vector_load %arg9[%swap3A_507, %swap3A_508] {strides = array<i32>} : memref<32x1024xf32, #tpu.memory_space<vmem>>, vector<1x16xf32>,
      %swap3A_510 = vector.shape_cast %swap3A_509 : vector<1x16xf32> to vector<16xf32>
      %swap3A_511 = vector.shape_cast %add3A_503 : vector<16xf32> to vector<1x16xf32>
      tpu.vector_store %arg9[%swap3A_507, %swap3A_508], %swap3A_511 {strides = array<i32>} : memref<32x1024xf32, #tpu.memory_space<vmem>>, vector<1x16xf32>,
    }
    %scan3A_71 = arith.constant 64 : i32
    %scan3A_72 = arith.constant 0 : i32
    %scan3A_73 = arith.constant 64 : i32
    %scan3A_74 = arith.addi %scan3A_72, %scan3A_73 : i32
    %scan3A_75 = arith.constant 1 : i32
    scf.for %scan3A_488 = %scan3A_72 to %scan3A_74 step %scan3A_75  : i32 {
      %mul3A_489 = arith.constant 16 : i32
      %mul3A_490 = arith.muli %scan3A_488, %mul3A_489 : i32
      %get3A_491 = arith.constant 7 : i32
      %get3A_492 = arith.index_cast %get3A_491 : i32 to index
      %get3A_493 = arith.index_cast %mul3A_490 : i32 to index
      %get3A_494 = tpu.vector_load %arg9[%get3A_492, %get3A_493] {strides = array<i32>} : memref<32x1024xf32, #tpu.memory_space<vmem>>, vector<1x16xf32>,
      %get3A_495 = vector.shape_cast %get3A_494 : vector<1x16xf32> to vector<16xf32>
      %mul3A_496 = arith.constant 16 : i32
      %mul3A_497 = arith.muli %scan3A_488, %mul3A_496 : i32
      %get3A_498 = arith.constant 23 : i32
      %get3A_499 = arith.index_cast %get3A_498 : i32 to index
      %get3A_500 = arith.index_cast %mul3A_497 : i32 to index
      %get3A_501 = tpu.vector_load %arg9[%get3A_499, %get3A_500] {strides = array<i32>} : memref<32x1024xf32, #tpu.memory_space<vmem>>, vector<1x16xf32>,
      %get3A_502 = vector.shape_cast %get3A_501 : vector<1x16xf32> to vector<16xf32>
      %add3A_503 = arith.addf %get3A_495, %get3A_502 : vector<16xf32>
      %mul3A_504 = arith.constant 16 : i32
      %mul3A_505 = arith.muli %scan3A_488, %mul3A_504 : i32
      %swap3A_506 = arith.constant 7 : i32
      %swap3A_507 = arith.index_cast %swap3A_506 : i32 to index
      %swap3A_508 = arith.index_cast %mul3A_505 : i32 to index
      %swap3A_509 = tpu.vector_load %arg9[%swap3A_507, %swap3A_508] {strides = array<i32>} : memref<32x1024xf32, #tpu.memory_space<vmem>>, vector<1x16xf32>,
      %swap3A_510 = vector.shape_cast %swap3A_509 : vector<1x16xf32> to vector<16xf32>
      %swap3A_511 = vector.shape_cast %add3A_503 : vector<16xf32> to vector<1x16xf32>
      tpu.vector_store %arg9[%swap3A_507, %swap3A_508], %swap3A_511 {strides = array<i32>} : memref<32x1024xf32, #tpu.memory_space<vmem>>, vector<1x16xf32>,
    }
    %scan3A_76 = arith.constant 64 : i32
    %scan3A_77 = arith.constant 0 : i32
    %scan3A_78 = arith.constant 64 : i32
    %scan3A_79 = arith.addi %scan3A_77, %scan3A_78 : i32
    %scan3A_80 = arith.constant 1 : i32
    scf.for %scan3A_488 = %scan3A_77 to %scan3A_79 step %scan3A_80  : i32 {
      %mul3A_489 = arith.constant 16 : i32
      %mul3A_490 = arith.muli %scan3A_488, %mul3A_489 : i32
      %get3A_491 = arith.constant 8 : i32
      %get3A_492 = arith.index_cast %get3A_491 : i32 to index
      %get3A_493 = arith.index_cast %mul3A_490 : i32 to index
      %get3A_494 = tpu.vector_load %arg9[%get3A_492, %get3A_493] {strides = array<i32>} : memref<32x1024xf32, #tpu.memory_space<vmem>>, vector<1x16xf32>,
      %get3A_495 = vector.shape_cast %get3A_494 : vector<1x16xf32> to vector<16xf32>
      %mul3A_496 = arith.constant 16 : i32
      %mul3A_497 = arith.muli %scan3A_488, %mul3A_496 : i32
      %get3A_498 = arith.constant 24 : i32
      %get3A_499 = arith.index_cast %get3A_498 : i32 to index
      %get3A_500 = arith.index_cast %mul3A_497 : i32 to index
      %get3A_501 = tpu.vector_load %arg9[%get3A_499, %get3A_500] {strides = array<i32>} : memref<32x1024xf32, #tpu.memory_space<vmem>>, vector<1x16xf32>,
      %get3A_502 = vector.shape_cast %get3A_501 : vector<1x16xf32> to vector<16xf32>
      %add3A_503 = arith.addf %get3A_495, %get3A_502 : vector<16xf32>
      %mul3A_504 = arith.constant 16 : i32
      %mul3A_505 = arith.muli %scan3A_488, %mul3A_504 : i32
      %swap3A_506 = arith.constant 8 : i32
      %swap3A_507 = arith.index_cast %swap3A_506 : i32 to index
      %swap3A_508 = arith.index_cast %mul3A_505 : i32 to index
      %swap3A_509 = tpu.vector_load %arg9[%swap3A_507, %swap3A_508] {strides = array<i32>} : memref<32x1024xf32, #tpu.memory_space<vmem>>, vector<1x16xf32>,
      %swap3A_510 = vector.shape_cast %swap3A_509 : vector<1x16xf32> to vector<16xf32>
      %swap3A_511 = vector.shape_cast %add3A_503 : vector<16xf32> to vector<1x16xf32>
      tpu.vector_store %arg9[%swap3A_507, %swap3A_508], %swap3A_511 {strides = array<i32>} : memref<32x1024xf32, #tpu.memory_space<vmem>>, vector<1x16xf32>,
    }
    %scan3A_81 = arith.constant 64 : i32
    %scan3A_82 = arith.constant 0 : i32
    %scan3A_83 = arith.constant 64 : i32
    %scan3A_84 = arith.addi %scan3A_82, %scan3A_83 : i32
    %scan3A_85 = arith.constant 1 : i32
    scf.for %scan3A_488 = %scan3A_82 to %scan3A_84 step %scan3A_85  : i32 {
      %mul3A_489 = arith.constant 16 : i32
      %mul3A_490 = arith.muli %scan3A_488, %mul3A_489 : i32
      %get3A_491 = arith.constant 9 : i32
      %get3A_492 = arith.index_cast %get3A_491 : i32 to index
      %get3A_493 = arith.index_cast %mul3A_490 : i32 to index
      %get3A_494 = tpu.vector_load %arg9[%get3A_492, %get3A_493] {strides = array<i32>} : memref<32x1024xf32, #tpu.memory_space<vmem>>, vector<1x16xf32>,
      %get3A_495 = vector.shape_cast %get3A_494 : vector<1x16xf32> to vector<16xf32>
      %mul3A_496 = arith.constant 16 : i32
      %mul3A_497 = arith.muli %scan3A_488, %mul3A_496 : i32
      %get3A_498 = arith.constant 25 : i32
      %get3A_499 = arith.index_cast %get3A_498 : i32 to index
      %get3A_500 = arith.index_cast %mul3A_497 : i32 to index
      %get3A_501 = tpu.vector_load %arg9[%get3A_499, %get3A_500] {strides = array<i32>} : memref<32x1024xf32, #tpu.memory_space<vmem>>, vector<1x16xf32>,
      %get3A_502 = vector.shape_cast %get3A_501 : vector<1x16xf32> to vector<16xf32>
      %add3A_503 = arith.addf %get3A_495, %get3A_502 : vector<16xf32>
      %mul3A_504 = arith.constant 16 : i32
      %mul3A_505 = arith.muli %scan3A_488, %mul3A_504 : i32
      %swap3A_506 = arith.constant 9 : i32
      %swap3A_507 = arith.index_cast %swap3A_506 : i32 to index
      %swap3A_508 = arith.index_cast %mul3A_505 : i32 to index
      %swap3A_509 = tpu.vector_load %arg9[%swap3A_507, %swap3A_508] {strides = array<i32>} : memref<32x1024xf32, #tpu.memory_space<vmem>>, vector<1x16xf32>,
      %swap3A_510 = vector.shape_cast %swap3A_509 : vector<1x16xf32> to vector<16xf32>
      %swap3A_511 = vector.shape_cast %add3A_503 : vector<16xf32> to vector<1x16xf32>
      tpu.vector_store %arg9[%swap3A_507, %swap3A_508], %swap3A_511 {strides = array<i32>} : memref<32x1024xf32, #tpu.memory_space<vmem>>, vector<1x16xf32>,
    }
    %scan3A_86 = arith.constant 64 : i32
    %scan3A_87 = arith.constant 0 : i32
    %scan3A_88 = arith.constant 64 : i32
    %scan3A_89 = arith.addi %scan3A_87, %scan3A_88 : i32
    %scan3A_90 = arith.constant 1 : i32
    scf.for %scan3A_488 = %scan3A_87 to %scan3A_89 step %scan3A_90  : i32 {
      %mul3A_489 = arith.constant 16 : i32
      %mul3A_490 = arith.muli %scan3A_488, %mul3A_489 : i32
      %get3A_491 = arith.constant 10 : i32
      %get3A_492 = arith.index_cast %get3A_491 : i32 to index
      %get3A_493 = arith.index_cast %mul3A_490 : i32 to index
      %get3A_494 = tpu.vector_load %arg9[%get3A_492, %get3A_493] {strides = array<i32>} : memref<32x1024xf32, #tpu.memory_space<vmem>>, vector<1x16xf32>,
      %get3A_495 = vector.shape_cast %get3A_494 : vector<1x16xf32> to vector<16xf32>
      %mul3A_496 = arith.constant 16 : i32
      %mul3A_497 = arith.muli %scan3A_488, %mul3A_496 : i32
      %get3A_498 = arith.constant 26 : i32
      %get3A_499 = arith.index_cast %get3A_498 : i32 to index
      %get3A_500 = arith.index_cast %mul3A_497 : i32 to index
      %get3A_501 = tpu.vector_load %arg9[%get3A_499, %get3A_500] {strides = array<i32>} : memref<32x1024xf32, #tpu.memory_space<vmem>>, vector<1x16xf32>,
      %get3A_502 = vector.shape_cast %get3A_501 : vector<1x16xf32> to vector<16xf32>
      %add3A_503 = arith.addf %get3A_495, %get3A_502 : vector<16xf32>
      %mul3A_504 = arith.constant 16 : i32
      %mul3A_505 = arith.muli %scan3A_488, %mul3A_504 : i32
      %swap3A_506 = arith.constant 10 : i32
      %swap3A_507 = arith.index_cast %swap3A_506 : i32 to index
      %swap3A_508 = arith.index_cast %mul3A_505 : i32 to index
      %swap3A_509 = tpu.vector_load %arg9[%swap3A_507, %swap3A_508] {strides = array<i32>} : memref<32x1024xf32, #tpu.memory_space<vmem>>, vector<1x16xf32>,
      %swap3A_510 = vector.shape_cast %swap3A_509 : vector<1x16xf32> to vector<16xf32>
      %swap3A_511 = vector.shape_cast %add3A_503 : vector<16xf32> to vector<1x16xf32>
      tpu.vector_store %arg9[%swap3A_507, %swap3A_508], %swap3A_511 {strides = array<i32>} : memref<32x1024xf32, #tpu.memory_space<vmem>>, vector<1x16xf32>,
    }
    %scan3A_91 = arith.constant 64 : i32
    %scan3A_92 = arith.constant 0 : i32
    %scan3A_93 = arith.constant 64 : i32
    %scan3A_94 = arith.addi %scan3A_92, %scan3A_93 : i32
    %scan3A_95 = arith.constant 1 : i32
    scf.for %scan3A_488 = %scan3A_92 to %scan3A_94 step %scan3A_95  : i32 {
      %mul3A_489 = arith.constant 16 : i32
      %mul3A_490 = arith.muli %scan3A_488, %mul3A_489 : i32
      %get3A_491 = arith.constant 11 : i32
      %get3A_492 = arith.index_cast %get3A_491 : i32 to index
      %get3A_493 = arith.index_cast %mul3A_490 : i32 to index
      %get3A_494 = tpu.vector_load %arg9[%get3A_492, %get3A_493] {strides = array<i32>} : memref<32x1024xf32, #tpu.memory_space<vmem>>, vector<1x16xf32>,
      %get3A_495 = vector.shape_cast %get3A_494 : vector<1x16xf32> to vector<16xf32>
      %mul3A_496 = arith.constant 16 : i32
      %mul3A_497 = arith.muli %scan3A_488, %mul3A_496 : i32
      %get3A_498 = arith.constant 27 : i32
      %get3A_499 = arith.index_cast %get3A_498 : i32 to index
      %get3A_500 = arith.index_cast %mul3A_497 : i32 to index
      %get3A_501 = tpu.vector_load %arg9[%get3A_499, %get3A_500] {strides = array<i32>} : memref<32x1024xf32, #tpu.memory_space<vmem>>, vector<1x16xf32>,
      %get3A_502 = vector.shape_cast %get3A_501 : vector<1x16xf32> to vector<16xf32>
      %add3A_503 = arith.addf %get3A_495, %get3A_502 : vector<16xf32>
      %mul3A_504 = arith.constant 16 : i32
      %mul3A_505 = arith.muli %scan3A_488, %mul3A_504 : i32
      %swap3A_506 = arith.constant 11 : i32
      %swap3A_507 = arith.index_cast %swap3A_506 : i32 to index
      %swap3A_508 = arith.index_cast %mul3A_505 : i32 to index
      %swap3A_509 = tpu.vector_load %arg9[%swap3A_507, %swap3A_508] {strides = array<i32>} : memref<32x1024xf32, #tpu.memory_space<vmem>>, vector<1x16xf32>,
      %swap3A_510 = vector.shape_cast %swap3A_509 : vector<1x16xf32> to vector<16xf32>
      %swap3A_511 = vector.shape_cast %add3A_503 : vector<16xf32> to vector<1x16xf32>
      tpu.vector_store %arg9[%swap3A_507, %swap3A_508], %swap3A_511 {strides = array<i32>} : memref<32x1024xf32, #tpu.memory_space<vmem>>, vector<1x16xf32>,
    }
    %scan3A_96 = arith.constant 64 : i32
    %scan3A_97 = arith.constant 0 : i32
    %scan3A_98 = arith.constant 64 : i32
    %scan3A_99 = arith.addi %scan3A_97, %scan3A_98 : i32
    %scan3A_100 = arith.constant 1 : i32
    scf.for %scan3A_488 = %scan3A_97 to %scan3A_99 step %scan3A_100  : i32 {
      %mul3A_489 = arith.constant 16 : i32
      %mul3A_490 = arith.muli %scan3A_488, %mul3A_489 : i32
      %get3A_491 = arith.constant 12 : i32
      %get3A_492 = arith.index_cast %get3A_491 : i32 to index
      %get3A_493 = arith.index_cast %mul3A_490 : i32 to index
      %get3A_494 = tpu.vector_load %arg9[%get3A_492, %get3A_493] {strides = array<i32>} : memref<32x1024xf32, #tpu.memory_space<vmem>>, vector<1x16xf32>,
      %get3A_495 = vector.shape_cast %get3A_494 : vector<1x16xf32> to vector<16xf32>
      %mul3A_496 = arith.constant 16 : i32
      %mul3A_497 = arith.muli %scan3A_488, %mul3A_496 : i32
      %get3A_498 = arith.constant 28 : i32
      %get3A_499 = arith.index_cast %get3A_498 : i32 to index
      %get3A_500 = arith.index_cast %mul3A_497 : i32 to index
      %get3A_501 = tpu.vector_load %arg9[%get3A_499, %get3A_500] {strides = array<i32>} : memref<32x1024xf32, #tpu.memory_space<vmem>>, vector<1x16xf32>,
      %get3A_502 = vector.shape_cast %get3A_501 : vector<1x16xf32> to vector<16xf32>
      %add3A_503 = arith.addf %get3A_495, %get3A_502 : vector<16xf32>
      %mul3A_504 = arith.constant 16 : i32
      %mul3A_505 = arith.muli %scan3A_488, %mul3A_504 : i32
      %swap3A_506 = arith.constant 12 : i32
      %swap3A_507 = arith.index_cast %swap3A_506 : i32 to index
      %swap3A_508 = arith.index_cast %mul3A_505 : i32 to index
      %swap3A_509 = tpu.vector_load %arg9[%swap3A_507, %swap3A_508] {strides = array<i32>} : memref<32x1024xf32, #tpu.memory_space<vmem>>, vector<1x16xf32>,
      %swap3A_510 = vector.shape_cast %swap3A_509 : vector<1x16xf32> to vector<16xf32>
      %swap3A_511 = vector.shape_cast %add3A_503 : vector<16xf32> to vector<1x16xf32>
      tpu.vector_store %arg9[%swap3A_507, %swap3A_508], %swap3A_511 {strides = array<i32>} : memref<32x1024xf32, #tpu.memory_space<vmem>>, vector<1x16xf32>,
    }
    %scan3A_101 = arith.constant 64 : i32
    %scan3A_102 = arith.constant 0 : i32
    %scan3A_103 = arith.constant 64 : i32
    %scan3A_104 = arith.addi %scan3A_102, %scan3A_103 : i32
    %scan3A_105 = arith.constant 1 : i32
    scf.for %scan3A_488 = %scan3A_102 to %scan3A_104 step %scan3A_105  : i32 {
      %mul3A_489 = arith.constant 16 : i32
      %mul3A_490 = arith.muli %scan3A_488, %mul3A_489 : i32
      %get3A_491 = arith.constant 13 : i32
      %get3A_492 = arith.index_cast %get3A_491 : i32 to index
      %get3A_493 = arith.index_cast %mul3A_490 : i32 to index
      %get3A_494 = tpu.vector_load %arg9[%get3A_492, %get3A_493] {strides = array<i32>} : memref<32x1024xf32, #tpu.memory_space<vmem>>, vector<1x16xf32>,
      %get3A_495 = vector.shape_cast %get3A_494 : vector<1x16xf32> to vector<16xf32>
      %mul3A_496 = arith.constant 16 : i32
      %mul3A_497 = arith.muli %scan3A_488, %mul3A_496 : i32
      %get3A_498 = arith.constant 29 : i32
      %get3A_499 = arith.index_cast %get3A_498 : i32 to index
      %get3A_500 = arith.index_cast %mul3A_497 : i32 to index
      %get3A_501 = tpu.vector_load %arg9[%get3A_499, %get3A_500] {strides = array<i32>} : memref<32x1024xf32, #tpu.memory_space<vmem>>, vector<1x16xf32>,
      %get3A_502 = vector.shape_cast %get3A_501 : vector<1x16xf32> to vector<16xf32>
      %add3A_503 = arith.addf %get3A_495, %get3A_502 : vector<16xf32>
      %mul3A_504 = arith.constant 16 : i32
      %mul3A_505 = arith.muli %scan3A_488, %mul3A_504 : i32
      %swap3A_506 = arith.constant 13 : i32
      %swap3A_507 = arith.index_cast %swap3A_506 : i32 to index
      %swap3A_508 = arith.index_cast %mul3A_505 : i32 to index
      %swap3A_509 = tpu.vector_load %arg9[%swap3A_507, %swap3A_508] {strides = array<i32>} : memref<32x1024xf32, #tpu.memory_space<vmem>>, vector<1x16xf32>,
      %swap3A_510 = vector.shape_cast %swap3A_509 : vector<1x16xf32> to vector<16xf32>
      %swap3A_511 = vector.shape_cast %add3A_503 : vector<16xf32> to vector<1x16xf32>
      tpu.vector_store %arg9[%swap3A_507, %swap3A_508], %swap3A_511 {strides = array<i32>} : memref<32x1024xf32, #tpu.memory_space<vmem>>, vector<1x16xf32>,
    }
    %scan3A_106 = arith.constant 64 : i32
    %scan3A_107 = arith.constant 0 : i32
    %scan3A_108 = arith.constant 64 : i32
    %scan3A_109 = arith.addi %scan3A_107, %scan3A_108 : i32
    %scan3A_110 = arith.constant 1 : i32
    scf.for %scan3A_488 = %scan3A_107 to %scan3A_109 step %scan3A_110  : i32 {
      %mul3A_489 = arith.constant 16 : i32
      %mul3A_490 = arith.muli %scan3A_488, %mul3A_489 : i32
      %get3A_491 = arith.constant 14 : i32
      %get3A_492 = arith.index_cast %get3A_491 : i32 to index
      %get3A_493 = arith.index_cast %mul3A_490 : i32 to index
      %get3A_494 = tpu.vector_load %arg9[%get3A_492, %get3A_493] {strides = array<i32>} : memref<32x1024xf32, #tpu.memory_space<vmem>>, vector<1x16xf32>,
      %get3A_495 = vector.shape_cast %get3A_494 : vector<1x16xf32> to vector<16xf32>
      %mul3A_496 = arith.constant 16 : i32
      %mul3A_497 = arith.muli %scan3A_488, %mul3A_496 : i32
      %get3A_498 = arith.constant 30 : i32
      %get3A_499 = arith.index_cast %get3A_498 : i32 to index
      %get3A_500 = arith.index_cast %mul3A_497 : i32 to index
      %get3A_501 = tpu.vector_load %arg9[%get3A_499, %get3A_500] {strides = array<i32>} : memref<32x1024xf32, #tpu.memory_space<vmem>>, vector<1x16xf32>,
      %get3A_502 = vector.shape_cast %get3A_501 : vector<1x16xf32> to vector<16xf32>
      %add3A_503 = arith.addf %get3A_495, %get3A_502 : vector<16xf32>
      %mul3A_504 = arith.constant 16 : i32
      %mul3A_505 = arith.muli %scan3A_488, %mul3A_504 : i32
      %swap3A_506 = arith.constant 14 : i32
      %swap3A_507 = arith.index_cast %swap3A_506 : i32 to index
      %swap3A_508 = arith.index_cast %mul3A_505 : i32 to index
      %swap3A_509 = tpu.vector_load %arg9[%swap3A_507, %swap3A_508] {strides = array<i32>} : memref<32x1024xf32, #tpu.memory_space<vmem>>, vector<1x16xf32>,
      %swap3A_510 = vector.shape_cast %swap3A_509 : vector<1x16xf32> to vector<16xf32>
      %swap3A_511 = vector.shape_cast %add3A_503 : vector<16xf32> to vector<1x16xf32>
      tpu.vector_store %arg9[%swap3A_507, %swap3A_508], %swap3A_511 {strides = array<i32>} : memref<32x1024xf32, #tpu.memory_space<vmem>>, vector<1x16xf32>,
    }
    %scan3A_111 = arith.constant 64 : i32
    %scan3A_112 = arith.constant 0 : i32
    %scan3A_113 = arith.constant 64 : i32
    %scan3A_114 = arith.addi %scan3A_112, %scan3A_113 : i32
    %scan3A_115 = arith.constant 1 : i32
    scf.for %scan3A_488 = %scan3A_112 to %scan3A_114 step %scan3A_115  : i32 {
      %mul3A_489 = arith.constant 16 : i32
      %mul3A_490 = arith.muli %scan3A_488, %mul3A_489 : i32
      %get3A_491 = arith.constant 15 : i32
      %get3A_492 = arith.index_cast %get3A_491 : i32 to index
      %get3A_493 = arith.index_cast %mul3A_490 : i32 to index
      %get3A_494 = tpu.vector_load %arg9[%get3A_492, %get3A_493] {strides = array<i32>} : memref<32x1024xf32, #tpu.memory_space<vmem>>, vector<1x16xf32>,
      %get3A_495 = vector.shape_cast %get3A_494 : vector<1x16xf32> to vector<16xf32>
      %mul3A_496 = arith.constant 16 : i32
      %mul3A_497 = arith.muli %scan3A_488, %mul3A_496 : i32
      %get3A_498 = arith.constant 31 : i32
      %get3A_499 = arith.index_cast %get3A_498 : i32 to index
      %get3A_500 = arith.index_cast %mul3A_497 : i32 to index
      %get3A_501 = tpu.vector_load %arg9[%get3A_499, %get3A_500] {strides = array<i32>} : memref<32x1024xf32, #tpu.memory_space<vmem>>, vector<1x16xf32>,
      %get3A_502 = vector.shape_cast %get3A_501 : vector<1x16xf32> to vector<16xf32>
      %add3A_503 = arith.addf %get3A_495, %get3A_502 : vector<16xf32>
      %mul3A_504 = arith.constant 16 : i32
      %mul3A_505 = arith.muli %scan3A_488, %mul3A_504 : i32
      %swap3A_506 = arith.constant 15 : i32
      %swap3A_507 = arith.index_cast %swap3A_506 : i32 to index
      %swap3A_508 = arith.index_cast %mul3A_505 : i32 to index
      %swap3A_509 = tpu.vector_load %arg9[%swap3A_507, %swap3A_508] {strides = array<i32>} : memref<32x1024xf32, #tpu.memory_space<vmem>>, vector<1x16xf32>,
      %swap3A_510 = vector.shape_cast %swap3A_509 : vector<1x16xf32> to vector<16xf32>
      %swap3A_511 = vector.shape_cast %add3A_503 : vector<16xf32> to vector<1x16xf32>
      tpu.vector_store %arg9[%swap3A_507, %swap3A_508], %swap3A_511 {strides = array<i32>} : memref<32x1024xf32, #tpu.memory_space<vmem>>, vector<1x16xf32>,
    }
    %scan3A_116 = arith.constant 64 : i32
    %add3A_117 = arith.constant 0 : i32
    %add3A_118 = arith.addi %mul3A_2, %add3A_117 : i32
    %dma_start3A_119 = arith.constant 0 : i32
    %dma_start3A_120 = arith.constant 0 : i32
    %dma_start3A_121 = tpu.memref_slice %arg9[%dma_start3A_119, %dma_start3A_120] : memref<32x1024xf32, #tpu.memory_space<vmem>> -> memref<16x1024xf32, #tpu.memory_space<vmem>>
    %dma_start3A_122 = arith.constant 0 : i32
    %dma_start3A_123 = tpu.memref_slice %arg4[%add3A_118, %dma_start3A_122] : memref<2048x1024xf32, #tpu.memory_space<hbm>> -> memref<16x1024xf32, #tpu.memory_space<hbm>>
    %dma_start3A_124 = arith.constant 0 : i32
    %dma_start3A_125 = tpu.memref_slice %arg4[%add3A_118, %dma_start3A_124] : memref<2048x1024xf32, #tpu.memory_space<hbm>> -> memref<16x1024xf32, #tpu.memory_space<hbm>>
    %dma_start3A_126 = arith.constant 0 : i32
    %dma_start3A_127 = arith.constant 0 : i32
    %dma_start3A_128 = tpu.memref_slice %arg9[%dma_start3A_126, %dma_start3A_127] : memref<32x1024xf32, #tpu.memory_space<vmem>> -> memref<16x1024xf32, #tpu.memory_space<vmem>>
    tpu.enqueue_dma source(%dma_start3A_128 : memref<16x1024xf32, #tpu.memory_space<vmem>>) target(%dma_start3A_125 : memref<16x1024xf32, #tpu.memory_space<hbm>>) target_semaphore(%arg13 : memref<!tpu.dma_semaphore, #tpu.memory_space<semaphore_mem>>)
    %dma_wait3A_129 = arith.constant 0 : i32
    %dma_wait3A_130 = arith.constant 0 : i32
    %dma_wait3A_131 = tpu.memref_slice %arg9[%dma_wait3A_129, %dma_wait3A_130] : memref<32x1024xf32, #tpu.memory_space<vmem>> -> memref<16x1024xf32, #tpu.memory_space<vmem>>
    %dma_wait3A_132 = arith.constant 0 : i32
    %dma_wait3A_133 = tpu.memref_slice %arg4[%add3A_118, %dma_wait3A_132] : memref<2048x1024xf32, #tpu.memory_space<hbm>> -> memref<16x1024xf32, #tpu.memory_space<hbm>>
    %dma_wait3A_134 = arith.constant 0 : i32
    %dma_wait3A_135 = tpu.memref_slice %arg4[%add3A_118, %dma_wait3A_134] : memref<2048x1024xf32, #tpu.memory_space<hbm>> -> memref<16x1024xf32, #tpu.memory_space<hbm>>
    %dma_wait3A_136 = arith.constant 0 : i32
    %dma_wait3A_137 = arith.constant 0 : i32
    %dma_wait3A_138 = tpu.memref_slice %arg9[%dma_wait3A_136, %dma_wait3A_137] : memref<32x1024xf32, #tpu.memory_space<vmem>> -> memref<16x1024xf32, #tpu.memory_space<vmem>>
    tpu.wait_dma2 semaphore(%arg13 : memref<!tpu.dma_semaphore, #tpu.memory_space<semaphore_mem>>) src(%dma_wait3A_138 : memref<16x1024xf32, #tpu.memory_space<vmem>>) dst(%dma_wait3A_135 : memref<16x1024xf32, #tpu.memory_space<hbm>>)
    %get3A_139 = arith.constant 32 : index
    %get3A_140 = tpu.vector_load %arg5[%get3A_139] {strides = array<i32>} : memref<64xi32, #tpu.memory_space<vmem>>, vector<16xi32>,
    %get3A_141 = vector.shape_cast %get3A_140 : vector<16xi32> to vector<16xi32>
    %swap3A_142 = arith.constant 0 : index
    %swap3A_143 = tpu.vector_load %arg7[%swap3A_142] {strides = array<i32>} : memref<32xi32, #tpu.memory_space<vmem>>, vector<16xi32>,
    %swap3A_144 = vector.shape_cast %swap3A_143 : vector<16xi32> to vector<16xi32>
    %swap3A_145 = vector.shape_cast %get3A_141 : vector<16xi32> to vector<16xi32>
    tpu.vector_store %arg7[%swap3A_142], %swap3A_145 {strides = array<i32>} : memref<32xi32, #tpu.memory_space<vmem>>, vector<16xi32>,
    %get3A_146 = arith.constant 32 : index
    %get3A_147 = tpu.vector_load %arg6[%get3A_146] {strides = array<i32>} : memref<64xi32, #tpu.memory_space<vmem>>, vector<16xi32>,
    %get3A_148 = vector.shape_cast %get3A_147 : vector<16xi32> to vector<16xi32>
    %swap3A_149 = arith.constant 16 : index
    %swap3A_150 = tpu.vector_load %arg7[%swap3A_149] {strides = array<i32>} : memref<32xi32, #tpu.memory_space<vmem>>, vector<16xi32>,
    %swap3A_151 = vector.shape_cast %swap3A_150 : vector<16xi32> to vector<16xi32>
    %swap3A_152 = vector.shape_cast %get3A_148 : vector<16xi32> to vector<16xi32>
    tpu.vector_store %arg7[%swap3A_149], %swap3A_152 {strides = array<i32>} : memref<32xi32, #tpu.memory_space<vmem>>, vector<16xi32>,
    %dma_start3A_153 = arith.constant 0 : i32
    %dma_start3A_154 = arith.constant 0 : i32
    %dma_start3A_155 = tpu.memref_slice %arg2[%dma_start3A_153, %dma_start3A_154] : memref<6144x1024xf32, #tpu.memory_space<hbm>> -> memref<6144x1024xf32, #tpu.memory_space<hbm>>
    tpu.enqueue_indirect_dma source(%dma_start3A_155 : memref<6144x1024xf32, #tpu.memory_space<hbm>>) target(%arg9 : memref<32x1024xf32, #tpu.memory_space<vmem>>) offsets(%arg7 : memref<32xi32, #tpu.memory_space<vmem>>) semaphore(%arg11 : memref<!tpu.dma_semaphore, #tpu.memory_space<semaphore_mem>>)
    %dma_wait3A_156 = arith.constant 0 : i32
    %dma_wait3A_157 = arith.constant 0 : i32
    %dma_wait3A_158 = tpu.memref_slice %arg2[%dma_wait3A_156, %dma_wait3A_157] : memref<6144x1024xf32, #tpu.memory_space<hbm>> -> memref<6144x1024xf32, #tpu.memory_space<hbm>>
    tpu.wait_indirect_dma semaphore(%arg12 : memref<!tpu.dma_semaphore, #tpu.memory_space<semaphore_mem>>) src(%dma_wait3A_158 : memref<6144x1024xf32, #tpu.memory_space<hbm>>) dst(%arg10 : memref<32x1024xf32, #tpu.memory_space<vmem>>)
    %scan3A_159 = arith.constant 0 : i32
    %scan3A_160 = arith.constant 64 : i32
    %scan3A_161 = arith.addi %scan3A_159, %scan3A_160 : i32
    %scan3A_162 = arith.constant 1 : i32
    scf.for %scan3A_488 = %scan3A_159 to %scan3A_161 step %scan3A_162  : i32 {
      %mul3A_489 = arith.constant 16 : i32
      %mul3A_490 = arith.muli %scan3A_488, %mul3A_489 : i32
      %get3A_491 = arith.constant 0 : i32
      %get3A_492 = arith.index_cast %get3A_491 : i32 to index
      %get3A_493 = arith.index_cast %mul3A_490 : i32 to index
      %get3A_494 = tpu.vector_load %arg10[%get3A_492, %get3A_493] {strides = array<i32>} : memref<32x1024xf32, #tpu.memory_space<vmem>>, vector<1x16xf32>,
      %get3A_495 = vector.shape_cast %get3A_494 : vector<1x16xf32> to vector<16xf32>
      %mul3A_496 = arith.constant 16 : i32
      %mul3A_497 = arith.muli %scan3A_488, %mul3A_496 : i32
      %get3A_498 = arith.constant 16 : i32
      %get3A_499 = arith.index_cast %get3A_498 : i32 to index
      %get3A_500 = arith.index_cast %mul3A_497 : i32 to index
      %get3A_501 = tpu.vector_load %arg10[%get3A_499, %get3A_500] {strides = array<i32>} : memref<32x1024xf32, #tpu.memory_space<vmem>>, vector<1x16xf32>,
      %get3A_502 = vector.shape_cast %get3A_501 : vector<1x16xf32> to vector<16xf32>
      %add3A_503 = arith.addf %get3A_495, %get3A_502 : vector<16xf32>
      %mul3A_504 = arith.constant 16 : i32
      %mul3A_505 = arith.muli %scan3A_488, %mul3A_504 : i32
      %swap3A_506 = arith.constant 0 : i32
      %swap3A_507 = arith.index_cast %swap3A_506 : i32 to index
      %swap3A_508 = arith.index_cast %mul3A_505 : i32 to index
      %swap3A_509 = tpu.vector_load %arg10[%swap3A_507, %swap3A_508] {strides = array<i32>} : memref<32x1024xf32, #tpu.memory_space<vmem>>, vector<1x16xf32>,
      %swap3A_510 = vector.shape_cast %swap3A_509 : vector<1x16xf32> to vector<16xf32>
      %swap3A_511 = vector.shape_cast %add3A_503 : vector<16xf32> to vector<1x16xf32>
      tpu.vector_store %arg10[%swap3A_507, %swap3A_508], %swap3A_511 {strides = array<i32>} : memref<32x1024xf32, #tpu.memory_space<vmem>>, vector<1x16xf32>,
    }
    %scan3A_163 = arith.constant 64 : i32
    %scan3A_164 = arith.constant 0 : i32
    %scan3A_165 = arith.constant 64 : i32
    %scan3A_166 = arith.addi %scan3A_164, %scan3A_165 : i32
    %scan3A_167 = arith.constant 1 : i32
    scf.for %scan3A_488 = %scan3A_164 to %scan3A_166 step %scan3A_167  : i32 {
      %mul3A_489 = arith.constant 16 : i32
      %mul3A_490 = arith.muli %scan3A_488, %mul3A_489 : i32
      %get3A_491 = arith.constant 1 : i32
      %get3A_492 = arith.index_cast %get3A_491 : i32 to index
      %get3A_493 = arith.index_cast %mul3A_490 : i32 to index
      %get3A_494 = tpu.vector_load %arg10[%get3A_492, %get3A_493] {strides = array<i32>} : memref<32x1024xf32, #tpu.memory_space<vmem>>, vector<1x16xf32>,
      %get3A_495 = vector.shape_cast %get3A_494 : vector<1x16xf32> to vector<16xf32>
      %mul3A_496 = arith.constant 16 : i32
      %mul3A_497 = arith.muli %scan3A_488, %mul3A_496 : i32
      %get3A_498 = arith.constant 17 : i32
      %get3A_499 = arith.index_cast %get3A_498 : i32 to index
      %get3A_500 = arith.index_cast %mul3A_497 : i32 to index
      %get3A_501 = tpu.vector_load %arg10[%get3A_499, %get3A_500] {strides = array<i32>} : memref<32x1024xf32, #tpu.memory_space<vmem>>, vector<1x16xf32>,
      %get3A_502 = vector.shape_cast %get3A_501 : vector<1x16xf32> to vector<16xf32>
      %add3A_503 = arith.addf %get3A_495, %get3A_502 : vector<16xf32>
      %mul3A_504 = arith.constant 16 : i32
      %mul3A_505 = arith.muli %scan3A_488, %mul3A_504 : i32
      %swap3A_506 = arith.constant 1 : i32
      %swap3A_507 = arith.index_cast %swap3A_506 : i32 to index
      %swap3A_508 = arith.index_cast %mul3A_505 : i32 to index
      %swap3A_509 = tpu.vector_load %arg10[%swap3A_507, %swap3A_508] {strides = array<i32>} : memref<32x1024xf32, #tpu.memory_space<vmem>>, vector<1x16xf32>,
      %swap3A_510 = vector.shape_cast %swap3A_509 : vector<1x16xf32> to vector<16xf32>
      %swap3A_511 = vector.shape_cast %add3A_503 : vector<16xf32> to vector<1x16xf32>
      tpu.vector_store %arg10[%swap3A_507, %swap3A_508], %swap3A_511 {strides = array<i32>} : memref<32x1024xf32, #tpu.memory_space<vmem>>, vector<1x16xf32>,
    }
    %scan3A_168 = arith.constant 64 : i32
    %scan3A_169 = arith.constant 0 : i32
    %scan3A_170 = arith.constant 64 : i32
    %scan3A_171 = arith.addi %scan3A_169, %scan3A_170 : i32
    %scan3A_172 = arith.constant 1 : i32
    scf.for %scan3A_488 = %scan3A_169 to %scan3A_171 step %scan3A_172  : i32 {
      %mul3A_489 = arith.constant 16 : i32
      %mul3A_490 = arith.muli %scan3A_488, %mul3A_489 : i32
      %get3A_491 = arith.constant 2 : i32
      %get3A_492 = arith.index_cast %get3A_491 : i32 to index
      %get3A_493 = arith.index_cast %mul3A_490 : i32 to index
      %get3A_494 = tpu.vector_load %arg10[%get3A_492, %get3A_493] {strides = array<i32>} : memref<32x1024xf32, #tpu.memory_space<vmem>>, vector<1x16xf32>,
      %get3A_495 = vector.shape_cast %get3A_494 : vector<1x16xf32> to vector<16xf32>
      %mul3A_496 = arith.constant 16 : i32
      %mul3A_497 = arith.muli %scan3A_488, %mul3A_496 : i32
      %get3A_498 = arith.constant 18 : i32
      %get3A_499 = arith.index_cast %get3A_498 : i32 to index
      %get3A_500 = arith.index_cast %mul3A_497 : i32 to index
      %get3A_501 = tpu.vector_load %arg10[%get3A_499, %get3A_500] {strides = array<i32>} : memref<32x1024xf32, #tpu.memory_space<vmem>>, vector<1x16xf32>,
      %get3A_502 = vector.shape_cast %get3A_501 : vector<1x16xf32> to vector<16xf32>
      %add3A_503 = arith.addf %get3A_495, %get3A_502 : vector<16xf32>
      %mul3A_504 = arith.constant 16 : i32
      %mul3A_505 = arith.muli %scan3A_488, %mul3A_504 : i32
      %swap3A_506 = arith.constant 2 : i32
      %swap3A_507 = arith.index_cast %swap3A_506 : i32 to index
      %swap3A_508 = arith.index_cast %mul3A_505 : i32 to index
      %swap3A_509 = tpu.vector_load %arg10[%swap3A_507, %swap3A_508] {strides = array<i32>} : memref<32x1024xf32, #tpu.memory_space<vmem>>, vector<1x16xf32>,
      %swap3A_510 = vector.shape_cast %swap3A_509 : vector<1x16xf32> to vector<16xf32>
      %swap3A_511 = vector.shape_cast %add3A_503 : vector<16xf32> to vector<1x16xf32>
      tpu.vector_store %arg10[%swap3A_507, %swap3A_508], %swap3A_511 {strides = array<i32>} : memref<32x1024xf32, #tpu.memory_space<vmem>>, vector<1x16xf32>,
    }
    %scan3A_173 = arith.constant 64 : i32
    %scan3A_174 = arith.constant 0 : i32
    %scan3A_175 = arith.constant 64 : i32
    %scan3A_176 = arith.addi %scan3A_174, %scan3A_175 : i32
    %scan3A_177 = arith.constant 1 : i32
    scf.for %scan3A_488 = %scan3A_174 to %scan3A_176 step %scan3A_177  : i32 {
      %mul3A_489 = arith.constant 16 : i32
      %mul3A_490 = arith.muli %scan3A_488, %mul3A_489 : i32
      %get3A_491 = arith.constant 3 : i32
      %get3A_492 = arith.index_cast %get3A_491 : i32 to index
      %get3A_493 = arith.index_cast %mul3A_490 : i32 to index
      %get3A_494 = tpu.vector_load %arg10[%get3A_492, %get3A_493] {strides = array<i32>} : memref<32x1024xf32, #tpu.memory_space<vmem>>, vector<1x16xf32>,
      %get3A_495 = vector.shape_cast %get3A_494 : vector<1x16xf32> to vector<16xf32>
      %mul3A_496 = arith.constant 16 : i32
      %mul3A_497 = arith.muli %scan3A_488, %mul3A_496 : i32
      %get3A_498 = arith.constant 19 : i32
      %get3A_499 = arith.index_cast %get3A_498 : i32 to index
      %get3A_500 = arith.index_cast %mul3A_497 : i32 to index
      %get3A_501 = tpu.vector_load %arg10[%get3A_499, %get3A_500] {strides = array<i32>} : memref<32x1024xf32, #tpu.memory_space<vmem>>, vector<1x16xf32>,
      %get3A_502 = vector.shape_cast %get3A_501 : vector<1x16xf32> to vector<16xf32>
      %add3A_503 = arith.addf %get3A_495, %get3A_502 : vector<16xf32>
      %mul3A_504 = arith.constant 16 : i32
      %mul3A_505 = arith.muli %scan3A_488, %mul3A_504 : i32
      %swap3A_506 = arith.constant 3 : i32
      %swap3A_507 = arith.index_cast %swap3A_506 : i32 to index
      %swap3A_508 = arith.index_cast %mul3A_505 : i32 to index
      %swap3A_509 = tpu.vector_load %arg10[%swap3A_507, %swap3A_508] {strides = array<i32>} : memref<32x1024xf32, #tpu.memory_space<vmem>>, vector<1x16xf32>,
      %swap3A_510 = vector.shape_cast %swap3A_509 : vector<1x16xf32> to vector<16xf32>
      %swap3A_511 = vector.shape_cast %add3A_503 : vector<16xf32> to vector<1x16xf32>
      tpu.vector_store %arg10[%swap3A_507, %swap3A_508], %swap3A_511 {strides = array<i32>} : memref<32x1024xf32, #tpu.memory_space<vmem>>, vector<1x16xf32>,
    }
    %scan3A_178 = arith.constant 64 : i32
    %scan3A_179 = arith.constant 0 : i32
    %scan3A_180 = arith.constant 64 : i32
    %scan3A_181 = arith.addi %scan3A_179, %scan3A_180 : i32
    %scan3A_182 = arith.constant 1 : i32
    scf.for %scan3A_488 = %scan3A_179 to %scan3A_181 step %scan3A_182  : i32 {
      %mul3A_489 = arith.constant 16 : i32
      %mul3A_490 = arith.muli %scan3A_488, %mul3A_489 : i32
      %get3A_491 = arith.constant 4 : i32
      %get3A_492 = arith.index_cast %get3A_491 : i32 to index
      %get3A_493 = arith.index_cast %mul3A_490 : i32 to index
      %get3A_494 = tpu.vector_load %arg10[%get3A_492, %get3A_493] {strides = array<i32>} : memref<32x1024xf32, #tpu.memory_space<vmem>>, vector<1x16xf32>,
      %get3A_495 = vector.shape_cast %get3A_494 : vector<1x16xf32> to vector<16xf32>
      %mul3A_496 = arith.constant 16 : i32
      %mul3A_497 = arith.muli %scan3A_488, %mul3A_496 : i32
      %get3A_498 = arith.constant 20 : i32
      %get3A_499 = arith.index_cast %get3A_498 : i32 to index
      %get3A_500 = arith.index_cast %mul3A_497 : i32 to index
      %get3A_501 = tpu.vector_load %arg10[%get3A_499, %get3A_500] {strides = array<i32>} : memref<32x1024xf32, #tpu.memory_space<vmem>>, vector<1x16xf32>,
      %get3A_502 = vector.shape_cast %get3A_501 : vector<1x16xf32> to vector<16xf32>
      %add3A_503 = arith.addf %get3A_495, %get3A_502 : vector<16xf32>
      %mul3A_504 = arith.constant 16 : i32
      %mul3A_505 = arith.muli %scan3A_488, %mul3A_504 : i32
      %swap3A_506 = arith.constant 4 : i32
      %swap3A_507 = arith.index_cast %swap3A_506 : i32 to index
      %swap3A_508 = arith.index_cast %mul3A_505 : i32 to index
      %swap3A_509 = tpu.vector_load %arg10[%swap3A_507, %swap3A_508] {strides = array<i32>} : memref<32x1024xf32, #tpu.memory_space<vmem>>, vector<1x16xf32>,
      %swap3A_510 = vector.shape_cast %swap3A_509 : vector<1x16xf32> to vector<16xf32>
      %swap3A_511 = vector.shape_cast %add3A_503 : vector<16xf32> to vector<1x16xf32>
      tpu.vector_store %arg10[%swap3A_507, %swap3A_508], %swap3A_511 {strides = array<i32>} : memref<32x1024xf32, #tpu.memory_space<vmem>>, vector<1x16xf32>,
    }
    %scan3A_183 = arith.constant 64 : i32
    %scan3A_184 = arith.constant 0 : i32
    %scan3A_185 = arith.constant 64 : i32
    %scan3A_186 = arith.addi %scan3A_184, %scan3A_185 : i32
    %scan3A_187 = arith.constant 1 : i32
    scf.for %scan3A_488 = %scan3A_184 to %scan3A_186 step %scan3A_187  : i32 {
      %mul3A_489 = arith.constant 16 : i32
      %mul3A_490 = arith.muli %scan3A_488, %mul3A_489 : i32
      %get3A_491 = arith.constant 5 : i32
      %get3A_492 = arith.index_cast %get3A_491 : i32 to index
      %get3A_493 = arith.index_cast %mul3A_490 : i32 to index
      %get3A_494 = tpu.vector_load %arg10[%get3A_492, %get3A_493] {strides = array<i32>} : memref<32x1024xf32, #tpu.memory_space<vmem>>, vector<1x16xf32>,
      %get3A_495 = vector.shape_cast %get3A_494 : vector<1x16xf32> to vector<16xf32>
      %mul3A_496 = arith.constant 16 : i32
      %mul3A_497 = arith.muli %scan3A_488, %mul3A_496 : i32
      %get3A_498 = arith.constant 21 : i32
      %get3A_499 = arith.index_cast %get3A_498 : i32 to index
      %get3A_500 = arith.index_cast %mul3A_497 : i32 to index
      %get3A_501 = tpu.vector_load %arg10[%get3A_499, %get3A_500] {strides = array<i32>} : memref<32x1024xf32, #tpu.memory_space<vmem>>, vector<1x16xf32>,
      %get3A_502 = vector.shape_cast %get3A_501 : vector<1x16xf32> to vector<16xf32>
      %add3A_503 = arith.addf %get3A_495, %get3A_502 : vector<16xf32>
      %mul3A_504 = arith.constant 16 : i32
      %mul3A_505 = arith.muli %scan3A_488, %mul3A_504 : i32
      %swap3A_506 = arith.constant 5 : i32
      %swap3A_507 = arith.index_cast %swap3A_506 : i32 to index
      %swap3A_508 = arith.index_cast %mul3A_505 : i32 to index
      %swap3A_509 = tpu.vector_load %arg10[%swap3A_507, %swap3A_508] {strides = array<i32>} : memref<32x1024xf32, #tpu.memory_space<vmem>>, vector<1x16xf32>,
      %swap3A_510 = vector.shape_cast %swap3A_509 : vector<1x16xf32> to vector<16xf32>
      %swap3A_511 = vector.shape_cast %add3A_503 : vector<16xf32> to vector<1x16xf32>
      tpu.vector_store %arg10[%swap3A_507, %swap3A_508], %swap3A_511 {strides = array<i32>} : memref<32x1024xf32, #tpu.memory_space<vmem>>, vector<1x16xf32>,
    }
    %scan3A_188 = arith.constant 64 : i32
    %scan3A_189 = arith.constant 0 : i32
    %scan3A_190 = arith.constant 64 : i32
    %scan3A_191 = arith.addi %scan3A_189, %scan3A_190 : i32
    %scan3A_192 = arith.constant 1 : i32
    scf.for %scan3A_488 = %scan3A_189 to %scan3A_191 step %scan3A_192  : i32 {
      %mul3A_489 = arith.constant 16 : i32
      %mul3A_490 = arith.muli %scan3A_488, %mul3A_489 : i32
      %get3A_491 = arith.constant 6 : i32
      %get3A_492 = arith.index_cast %get3A_491 : i32 to index
      %get3A_493 = arith.index_cast %mul3A_490 : i32 to index
      %get3A_494 = tpu.vector_load %arg10[%get3A_492, %get3A_493] {strides = array<i32>} : memref<32x1024xf32, #tpu.memory_space<vmem>>, vector<1x16xf32>,
      %get3A_495 = vector.shape_cast %get3A_494 : vector<1x16xf32> to vector<16xf32>
      %mul3A_496 = arith.constant 16 : i32
      %mul3A_497 = arith.muli %scan3A_488, %mul3A_496 : i32
      %get3A_498 = arith.constant 22 : i32
      %get3A_499 = arith.index_cast %get3A_498 : i32 to index
      %get3A_500 = arith.index_cast %mul3A_497 : i32 to index
      %get3A_501 = tpu.vector_load %arg10[%get3A_499, %get3A_500] {strides = array<i32>} : memref<32x1024xf32, #tpu.memory_space<vmem>>, vector<1x16xf32>,
      %get3A_502 = vector.shape_cast %get3A_501 : vector<1x16xf32> to vector<16xf32>
      %add3A_503 = arith.addf %get3A_495, %get3A_502 : vector<16xf32>
      %mul3A_504 = arith.constant 16 : i32
      %mul3A_505 = arith.muli %scan3A_488, %mul3A_504 : i32
      %swap3A_506 = arith.constant 6 : i32
      %swap3A_507 = arith.index_cast %swap3A_506 : i32 to index
      %swap3A_508 = arith.index_cast %mul3A_505 : i32 to index
      %swap3A_509 = tpu.vector_load %arg10[%swap3A_507, %swap3A_508] {strides = array<i32>} : memref<32x1024xf32, #tpu.memory_space<vmem>>, vector<1x16xf32>,
      %swap3A_510 = vector.shape_cast %swap3A_509 : vector<1x16xf32> to vector<16xf32>
      %swap3A_511 = vector.shape_cast %add3A_503 : vector<16xf32> to vector<1x16xf32>
      tpu.vector_store %arg10[%swap3A_507, %swap3A_508], %swap3A_511 {strides = array<i32>} : memref<32x1024xf32, #tpu.memory_space<vmem>>, vector<1x16xf32>,
    }
    %scan3A_193 = arith.constant 64 : i32
    %scan3A_194 = arith.constant 0 : i32
    %scan3A_195 = arith.constant 64 : i32
    %scan3A_196 = arith.addi %scan3A_194, %scan3A_195 : i32
    %scan3A_197 = arith.constant 1 : i32
    scf.for %scan3A_488 = %scan3A_194 to %scan3A_196 step %scan3A_197  : i32 {
      %mul3A_489 = arith.constant 16 : i32
      %mul3A_490 = arith.muli %scan3A_488, %mul3A_489 : i32
      %get3A_491 = arith.constant 7 : i32
      %get3A_492 = arith.index_cast %get3A_491 : i32 to index
      %get3A_493 = arith.index_cast %mul3A_490 : i32 to index
      %get3A_494 = tpu.vector_load %arg10[%get3A_492, %get3A_493] {strides = array<i32>} : memref<32x1024xf32, #tpu.memory_space<vmem>>, vector<1x16xf32>,
      %get3A_495 = vector.shape_cast %get3A_494 : vector<1x16xf32> to vector<16xf32>
      %mul3A_496 = arith.constant 16 : i32
      %mul3A_497 = arith.muli %scan3A_488, %mul3A_496 : i32
      %get3A_498 = arith.constant 23 : i32
      %get3A_499 = arith.index_cast %get3A_498 : i32 to index
      %get3A_500 = arith.index_cast %mul3A_497 : i32 to index
      %get3A_501 = tpu.vector_load %arg10[%get3A_499, %get3A_500] {strides = array<i32>} : memref<32x1024xf32, #tpu.memory_space<vmem>>, vector<1x16xf32>,
      %get3A_502 = vector.shape_cast %get3A_501 : vector<1x16xf32> to vector<16xf32>
      %add3A_503 = arith.addf %get3A_495, %get3A_502 : vector<16xf32>
      %mul3A_504 = arith.constant 16 : i32
      %mul3A_505 = arith.muli %scan3A_488, %mul3A_504 : i32
      %swap3A_506 = arith.constant 7 : i32
      %swap3A_507 = arith.index_cast %swap3A_506 : i32 to index
      %swap3A_508 = arith.index_cast %mul3A_505 : i32 to index
      %swap3A_509 = tpu.vector_load %arg10[%swap3A_507, %swap3A_508] {strides = array<i32>} : memref<32x1024xf32, #tpu.memory_space<vmem>>, vector<1x16xf32>,
      %swap3A_510 = vector.shape_cast %swap3A_509 : vector<1x16xf32> to vector<16xf32>
      %swap3A_511 = vector.shape_cast %add3A_503 : vector<16xf32> to vector<1x16xf32>
      tpu.vector_store %arg10[%swap3A_507, %swap3A_508], %swap3A_511 {strides = array<i32>} : memref<32x1024xf32, #tpu.memory_space<vmem>>, vector<1x16xf32>,
    }
    %scan3A_198 = arith.constant 64 : i32
    %scan3A_199 = arith.constant 0 : i32
    %scan3A_200 = arith.constant 64 : i32
    %scan3A_201 = arith.addi %scan3A_199, %scan3A_200 : i32
    %scan3A_202 = arith.constant 1 : i32
    scf.for %scan3A_488 = %scan3A_199 to %scan3A_201 step %scan3A_202  : i32 {
      %mul3A_489 = arith.constant 16 : i32
      %mul3A_490 = arith.muli %scan3A_488, %mul3A_489 : i32
      %get3A_491 = arith.constant 8 : i32
      %get3A_492 = arith.index_cast %get3A_491 : i32 to index
      %get3A_493 = arith.index_cast %mul3A_490 : i32 to index
      %get3A_494 = tpu.vector_load %arg10[%get3A_492, %get3A_493] {strides = array<i32>} : memref<32x1024xf32, #tpu.memory_space<vmem>>, vector<1x16xf32>,
      %get3A_495 = vector.shape_cast %get3A_494 : vector<1x16xf32> to vector<16xf32>
      %mul3A_496 = arith.constant 16 : i32
      %mul3A_497 = arith.muli %scan3A_488, %mul3A_496 : i32
      %get3A_498 = arith.constant 24 : i32
      %get3A_499 = arith.index_cast %get3A_498 : i32 to index
      %get3A_500 = arith.index_cast %mul3A_497 : i32 to index
      %get3A_501 = tpu.vector_load %arg10[%get3A_499, %get3A_500] {strides = array<i32>} : memref<32x1024xf32, #tpu.memory_space<vmem>>, vector<1x16xf32>,
      %get3A_502 = vector.shape_cast %get3A_501 : vector<1x16xf32> to vector<16xf32>
      %add3A_503 = arith.addf %get3A_495, %get3A_502 : vector<16xf32>
      %mul3A_504 = arith.constant 16 : i32
      %mul3A_505 = arith.muli %scan3A_488, %mul3A_504 : i32
      %swap3A_506 = arith.constant 8 : i32
      %swap3A_507 = arith.index_cast %swap3A_506 : i32 to index
      %swap3A_508 = arith.index_cast %mul3A_505 : i32 to index
      %swap3A_509 = tpu.vector_load %arg10[%swap3A_507, %swap3A_508] {strides = array<i32>} : memref<32x1024xf32, #tpu.memory_space<vmem>>, vector<1x16xf32>,
      %swap3A_510 = vector.shape_cast %swap3A_509 : vector<1x16xf32> to vector<16xf32>
      %swap3A_511 = vector.shape_cast %add3A_503 : vector<16xf32> to vector<1x16xf32>
      tpu.vector_store %arg10[%swap3A_507, %swap3A_508], %swap3A_511 {strides = array<i32>} : memref<32x1024xf32, #tpu.memory_space<vmem>>, vector<1x16xf32>,
    }
    %scan3A_203 = arith.constant 64 : i32
    %scan3A_204 = arith.constant 0 : i32
    %scan3A_205 = arith.constant 64 : i32
    %scan3A_206 = arith.addi %scan3A_204, %scan3A_205 : i32
    %scan3A_207 = arith.constant 1 : i32
    scf.for %scan3A_488 = %scan3A_204 to %scan3A_206 step %scan3A_207  : i32 {
      %mul3A_489 = arith.constant 16 : i32
      %mul3A_490 = arith.muli %scan3A_488, %mul3A_489 : i32
      %get3A_491 = arith.constant 9 : i32
      %get3A_492 = arith.index_cast %get3A_491 : i32 to index
      %get3A_493 = arith.index_cast %mul3A_490 : i32 to index
      %get3A_494 = tpu.vector_load %arg10[%get3A_492, %get3A_493] {strides = array<i32>} : memref<32x1024xf32, #tpu.memory_space<vmem>>, vector<1x16xf32>,
      %get3A_495 = vector.shape_cast %get3A_494 : vector<1x16xf32> to vector<16xf32>
      %mul3A_496 = arith.constant 16 : i32
      %mul3A_497 = arith.muli %scan3A_488, %mul3A_496 : i32
      %get3A_498 = arith.constant 25 : i32
      %get3A_499 = arith.index_cast %get3A_498 : i32 to index
      %get3A_500 = arith.index_cast %mul3A_497 : i32 to index
      %get3A_501 = tpu.vector_load %arg10[%get3A_499, %get3A_500] {strides = array<i32>} : memref<32x1024xf32, #tpu.memory_space<vmem>>, vector<1x16xf32>,
      %get3A_502 = vector.shape_cast %get3A_501 : vector<1x16xf32> to vector<16xf32>
      %add3A_503 = arith.addf %get3A_495, %get3A_502 : vector<16xf32>
      %mul3A_504 = arith.constant 16 : i32
      %mul3A_505 = arith.muli %scan3A_488, %mul3A_504 : i32
      %swap3A_506 = arith.constant 9 : i32
      %swap3A_507 = arith.index_cast %swap3A_506 : i32 to index
      %swap3A_508 = arith.index_cast %mul3A_505 : i32 to index
      %swap3A_509 = tpu.vector_load %arg10[%swap3A_507, %swap3A_508] {strides = array<i32>} : memref<32x1024xf32, #tpu.memory_space<vmem>>, vector<1x16xf32>,
      %swap3A_510 = vector.shape_cast %swap3A_509 : vector<1x16xf32> to vector<16xf32>
      %swap3A_511 = vector.shape_cast %add3A_503 : vector<16xf32> to vector<1x16xf32>
      tpu.vector_store %arg10[%swap3A_507, %swap3A_508], %swap3A_511 {strides = array<i32>} : memref<32x1024xf32, #tpu.memory_space<vmem>>, vector<1x16xf32>,
    }
    %scan3A_208 = arith.constant 64 : i32
    %scan3A_209 = arith.constant 0 : i32
    %scan3A_210 = arith.constant 64 : i32
    %scan3A_211 = arith.addi %scan3A_209, %scan3A_210 : i32
    %scan3A_212 = arith.constant 1 : i32
    scf.for %scan3A_488 = %scan3A_209 to %scan3A_211 step %scan3A_212  : i32 {
      %mul3A_489 = arith.constant 16 : i32
      %mul3A_490 = arith.muli %scan3A_488, %mul3A_489 : i32
      %get3A_491 = arith.constant 10 : i32
      %get3A_492 = arith.index_cast %get3A_491 : i32 to index
      %get3A_493 = arith.index_cast %mul3A_490 : i32 to index
      %get3A_494 = tpu.vector_load %arg10[%get3A_492, %get3A_493] {strides = array<i32>} : memref<32x1024xf32, #tpu.memory_space<vmem>>, vector<1x16xf32>,
      %get3A_495 = vector.shape_cast %get3A_494 : vector<1x16xf32> to vector<16xf32>
      %mul3A_496 = arith.constant 16 : i32
      %mul3A_497 = arith.muli %scan3A_488, %mul3A_496 : i32
      %get3A_498 = arith.constant 26 : i32
      %get3A_499 = arith.index_cast %get3A_498 : i32 to index
      %get3A_500 = arith.index_cast %mul3A_497 : i32 to index
      %get3A_501 = tpu.vector_load %arg10[%get3A_499, %get3A_500] {strides = array<i32>} : memref<32x1024xf32, #tpu.memory_space<vmem>>, vector<1x16xf32>,
      %get3A_502 = vector.shape_cast %get3A_501 : vector<1x16xf32> to vector<16xf32>
      %add3A_503 = arith.addf %get3A_495, %get3A_502 : vector<16xf32>
      %mul3A_504 = arith.constant 16 : i32
      %mul3A_505 = arith.muli %scan3A_488, %mul3A_504 : i32
      %swap3A_506 = arith.constant 10 : i32
      %swap3A_507 = arith.index_cast %swap3A_506 : i32 to index
      %swap3A_508 = arith.index_cast %mul3A_505 : i32 to index
      %swap3A_509 = tpu.vector_load %arg10[%swap3A_507, %swap3A_508] {strides = array<i32>} : memref<32x1024xf32, #tpu.memory_space<vmem>>, vector<1x16xf32>,
      %swap3A_510 = vector.shape_cast %swap3A_509 : vector<1x16xf32> to vector<16xf32>
      %swap3A_511 = vector.shape_cast %add3A_503 : vector<16xf32> to vector<1x16xf32>
      tpu.vector_store %arg10[%swap3A_507, %swap3A_508], %swap3A_511 {strides = array<i32>} : memref<32x1024xf32, #tpu.memory_space<vmem>>, vector<1x16xf32>,
    }
    %scan3A_213 = arith.constant 64 : i32
    %scan3A_214 = arith.constant 0 : i32
    %scan3A_215 = arith.constant 64 : i32
    %scan3A_216 = arith.addi %scan3A_214, %scan3A_215 : i32
    %scan3A_217 = arith.constant 1 : i32
    scf.for %scan3A_488 = %scan3A_214 to %scan3A_216 step %scan3A_217  : i32 {
      %mul3A_489 = arith.constant 16 : i32
      %mul3A_490 = arith.muli %scan3A_488, %mul3A_489 : i32
      %get3A_491 = arith.constant 11 : i32
      %get3A_492 = arith.index_cast %get3A_491 : i32 to index
      %get3A_493 = arith.index_cast %mul3A_490 : i32 to index
      %get3A_494 = tpu.vector_load %arg10[%get3A_492, %get3A_493] {strides = array<i32>} : memref<32x1024xf32, #tpu.memory_space<vmem>>, vector<1x16xf32>,
      %get3A_495 = vector.shape_cast %get3A_494 : vector<1x16xf32> to vector<16xf32>
      %mul3A_496 = arith.constant 16 : i32
      %mul3A_497 = arith.muli %scan3A_488, %mul3A_496 : i32
      %get3A_498 = arith.constant 27 : i32
      %get3A_499 = arith.index_cast %get3A_498 : i32 to index
      %get3A_500 = arith.index_cast %mul3A_497 : i32 to index
      %get3A_501 = tpu.vector_load %arg10[%get3A_499, %get3A_500] {strides = array<i32>} : memref<32x1024xf32, #tpu.memory_space<vmem>>, vector<1x16xf32>,
      %get3A_502 = vector.shape_cast %get3A_501 : vector<1x16xf32> to vector<16xf32>
      %add3A_503 = arith.addf %get3A_495, %get3A_502 : vector<16xf32>
      %mul3A_504 = arith.constant 16 : i32
      %mul3A_505 = arith.muli %scan3A_488, %mul3A_504 : i32
      %swap3A_506 = arith.constant 11 : i32
      %swap3A_507 = arith.index_cast %swap3A_506 : i32 to index
      %swap3A_508 = arith.index_cast %mul3A_505 : i32 to index
      %swap3A_509 = tpu.vector_load %arg10[%swap3A_507, %swap3A_508] {strides = array<i32>} : memref<32x1024xf32, #tpu.memory_space<vmem>>, vector<1x16xf32>,
      %swap3A_510 = vector.shape_cast %swap3A_509 : vector<1x16xf32> to vector<16xf32>
      %swap3A_511 = vector.shape_cast %add3A_503 : vector<16xf32> to vector<1x16xf32>
      tpu.vector_store %arg10[%swap3A_507, %swap3A_508], %swap3A_511 {strides = array<i32>} : memref<32x1024xf32, #tpu.memory_space<vmem>>, vector<1x16xf32>,
    }
    %scan3A_218 = arith.constant 64 : i32
    %scan3A_219 = arith.constant 0 : i32
    %scan3A_220 = arith.constant 64 : i32
    %scan3A_221 = arith.addi %scan3A_219, %scan3A_220 : i32
    %scan3A_222 = arith.constant 1 : i32
    scf.for %scan3A_488 = %scan3A_219 to %scan3A_221 step %scan3A_222  : i32 {
      %mul3A_489 = arith.constant 16 : i32
      %mul3A_490 = arith.muli %scan3A_488, %mul3A_489 : i32
      %get3A_491 = arith.constant 12 : i32
      %get3A_492 = arith.index_cast %get3A_491 : i32 to index
      %get3A_493 = arith.index_cast %mul3A_490 : i32 to index
      %get3A_494 = tpu.vector_load %arg10[%get3A_492, %get3A_493] {strides = array<i32>} : memref<32x1024xf32, #tpu.memory_space<vmem>>, vector<1x16xf32>,
      %get3A_495 = vector.shape_cast %get3A_494 : vector<1x16xf32> to vector<16xf32>
      %mul3A_496 = arith.constant 16 : i32
      %mul3A_497 = arith.muli %scan3A_488, %mul3A_496 : i32
      %get3A_498 = arith.constant 28 : i32
      %get3A_499 = arith.index_cast %get3A_498 : i32 to index
      %get3A_500 = arith.index_cast %mul3A_497 : i32 to index
      %get3A_501 = tpu.vector_load %arg10[%get3A_499, %get3A_500] {strides = array<i32>} : memref<32x1024xf32, #tpu.memory_space<vmem>>, vector<1x16xf32>,
      %get3A_502 = vector.shape_cast %get3A_501 : vector<1x16xf32> to vector<16xf32>
      %add3A_503 = arith.addf %get3A_495, %get3A_502 : vector<16xf32>
      %mul3A_504 = arith.constant 16 : i32
      %mul3A_505 = arith.muli %scan3A_488, %mul3A_504 : i32
      %swap3A_506 = arith.constant 12 : i32
      %swap3A_507 = arith.index_cast %swap3A_506 : i32 to index
      %swap3A_508 = arith.index_cast %mul3A_505 : i32 to index
      %swap3A_509 = tpu.vector_load %arg10[%swap3A_507, %swap3A_508] {strides = array<i32>} : memref<32x1024xf32, #tpu.memory_space<vmem>>, vector<1x16xf32>,
      %swap3A_510 = vector.shape_cast %swap3A_509 : vector<1x16xf32> to vector<16xf32>
      %swap3A_511 = vector.shape_cast %add3A_503 : vector<16xf32> to vector<1x16xf32>
      tpu.vector_store %arg10[%swap3A_507, %swap3A_508], %swap3A_511 {strides = array<i32>} : memref<32x1024xf32, #tpu.memory_space<vmem>>, vector<1x16xf32>,
    }
    %scan3A_223 = arith.constant 64 : i32
    %scan3A_224 = arith.constant 0 : i32
    %scan3A_225 = arith.constant 64 : i32
    %scan3A_226 = arith.addi %scan3A_224, %scan3A_225 : i32
    %scan3A_227 = arith.constant 1 : i32
    scf.for %scan3A_488 = %scan3A_224 to %scan3A_226 step %scan3A_227  : i32 {
      %mul3A_489 = arith.constant 16 : i32
      %mul3A_490 = arith.muli %scan3A_488, %mul3A_489 : i32
      %get3A_491 = arith.constant 13 : i32
      %get3A_492 = arith.index_cast %get3A_491 : i32 to index
      %get3A_493 = arith.index_cast %mul3A_490 : i32 to index
      %get3A_494 = tpu.vector_load %arg10[%get3A_492, %get3A_493] {strides = array<i32>} : memref<32x1024xf32, #tpu.memory_space<vmem>>, vector<1x16xf32>,
      %get3A_495 = vector.shape_cast %get3A_494 : vector<1x16xf32> to vector<16xf32>
      %mul3A_496 = arith.constant 16 : i32
      %mul3A_497 = arith.muli %scan3A_488, %mul3A_496 : i32
      %get3A_498 = arith.constant 29 : i32
      %get3A_499 = arith.index_cast %get3A_498 : i32 to index
      %get3A_500 = arith.index_cast %mul3A_497 : i32 to index
      %get3A_501 = tpu.vector_load %arg10[%get3A_499, %get3A_500] {strides = array<i32>} : memref<32x1024xf32, #tpu.memory_space<vmem>>, vector<1x16xf32>,
      %get3A_502 = vector.shape_cast %get3A_501 : vector<1x16xf32> to vector<16xf32>
      %add3A_503 = arith.addf %get3A_495, %get3A_502 : vector<16xf32>
      %mul3A_504 = arith.constant 16 : i32
      %mul3A_505 = arith.muli %scan3A_488, %mul3A_504 : i32
      %swap3A_506 = arith.constant 13 : i32
      %swap3A_507 = arith.index_cast %swap3A_506 : i32 to index
      %swap3A_508 = arith.index_cast %mul3A_505 : i32 to index
      %swap3A_509 = tpu.vector_load %arg10[%swap3A_507, %swap3A_508] {strides = array<i32>} : memref<32x1024xf32, #tpu.memory_space<vmem>>, vector<1x16xf32>,
      %swap3A_510 = vector.shape_cast %swap3A_509 : vector<1x16xf32> to vector<16xf32>
      %swap3A_511 = vector.shape_cast %add3A_503 : vector<16xf32> to vector<1x16xf32>
      tpu.vector_store %arg10[%swap3A_507, %swap3A_508], %swap3A_511 {strides = array<i32>} : memref<32x1024xf32, #tpu.memory_space<vmem>>, vector<1x16xf32>,
    }
    %scan3A_228 = arith.constant 64 : i32
    %scan3A_229 = arith.constant 0 : i32
    %scan3A_230 = arith.constant 64 : i32
    %scan3A_231 = arith.addi %scan3A_229, %scan3A_230 : i32
    %scan3A_232 = arith.constant 1 : i32
    scf.for %scan3A_488 = %scan3A_229 to %scan3A_231 step %scan3A_232  : i32 {
      %mul3A_489 = arith.constant 16 : i32
      %mul3A_490 = arith.muli %scan3A_488, %mul3A_489 : i32
      %get3A_491 = arith.constant 14 : i32
      %get3A_492 = arith.index_cast %get3A_491 : i32 to index
      %get3A_493 = arith.index_cast %mul3A_490 : i32 to index
      %get3A_494 = tpu.vector_load %arg10[%get3A_492, %get3A_493] {strides = array<i32>} : memref<32x1024xf32, #tpu.memory_space<vmem>>, vector<1x16xf32>,
      %get3A_495 = vector.shape_cast %get3A_494 : vector<1x16xf32> to vector<16xf32>
      %mul3A_496 = arith.constant 16 : i32
      %mul3A_497 = arith.muli %scan3A_488, %mul3A_496 : i32
      %get3A_498 = arith.constant 30 : i32
      %get3A_499 = arith.index_cast %get3A_498 : i32 to index
      %get3A_500 = arith.index_cast %mul3A_497 : i32 to index
      %get3A_501 = tpu.vector_load %arg10[%get3A_499, %get3A_500] {strides = array<i32>} : memref<32x1024xf32, #tpu.memory_space<vmem>>, vector<1x16xf32>,
      %get3A_502 = vector.shape_cast %get3A_501 : vector<1x16xf32> to vector<16xf32>
      %add3A_503 = arith.addf %get3A_495, %get3A_502 : vector<16xf32>
      %mul3A_504 = arith.constant 16 : i32
      %mul3A_505 = arith.muli %scan3A_488, %mul3A_504 : i32
      %swap3A_506 = arith.constant 14 : i32
      %swap3A_507 = arith.index_cast %swap3A_506 : i32 to index
      %swap3A_508 = arith.index_cast %mul3A_505 : i32 to index
      %swap3A_509 = tpu.vector_load %arg10[%swap3A_507, %swap3A_508] {strides = array<i32>} : memref<32x1024xf32, #tpu.memory_space<vmem>>, vector<1x16xf32>,
      %swap3A_510 = vector.shape_cast %swap3A_509 : vector<1x16xf32> to vector<16xf32>
      %swap3A_511 = vector.shape_cast %add3A_503 : vector<16xf32> to vector<1x16xf32>
      tpu.vector_store %arg10[%swap3A_507, %swap3A_508], %swap3A_511 {strides = array<i32>} : memref<32x1024xf32, #tpu.memory_space<vmem>>, vector<1x16xf32>,
    }
    %scan3A_233 = arith.constant 64 : i32
    %scan3A_234 = arith.constant 0 : i32
    %scan3A_235 = arith.constant 64 : i32
    %scan3A_236 = arith.addi %scan3A_234, %scan3A_235 : i32
    %scan3A_237 = arith.constant 1 : i32
    scf.for %scan3A_488 = %scan3A_234 to %scan3A_236 step %scan3A_237  : i32 {
      %mul3A_489 = arith.constant 16 : i32
      %mul3A_490 = arith.muli %scan3A_488, %mul3A_489 : i32
      %get3A_491 = arith.constant 15 : i32
      %get3A_492 = arith.index_cast %get3A_491 : i32 to index
      %get3A_493 = arith.index_cast %mul3A_490 : i32 to index
      %get3A_494 = tpu.vector_load %arg10[%get3A_492, %get3A_493] {strides = array<i32>} : memref<32x1024xf32, #tpu.memory_space<vmem>>, vector<1x16xf32>,
      %get3A_495 = vector.shape_cast %get3A_494 : vector<1x16xf32> to vector<16xf32>
      %mul3A_496 = arith.constant 16 : i32
      %mul3A_497 = arith.muli %scan3A_488, %mul3A_496 : i32
      %get3A_498 = arith.constant 31 : i32
      %get3A_499 = arith.index_cast %get3A_498 : i32 to index
      %get3A_500 = arith.index_cast %mul3A_497 : i32 to index
      %get3A_501 = tpu.vector_load %arg10[%get3A_499, %get3A_500] {strides = array<i32>} : memref<32x1024xf32, #tpu.memory_space<vmem>>, vector<1x16xf32>,
      %get3A_502 = vector.shape_cast %get3A_501 : vector<1x16xf32> to vector<16xf32>
      %add3A_503 = arith.addf %get3A_495, %get3A_502 : vector<16xf32>
      %mul3A_504 = arith.constant 16 : i32
      %mul3A_505 = arith.muli %scan3A_488, %mul3A_504 : i32
      %swap3A_506 = arith.constant 15 : i32
      %swap3A_507 = arith.index_cast %swap3A_506 : i32 to index
      %swap3A_508 = arith.index_cast %mul3A_505 : i32 to index
      %swap3A_509 = tpu.vector_load %arg10[%swap3A_507, %swap3A_508] {strides = array<i32>} : memref<32x1024xf32, #tpu.memory_space<vmem>>, vector<1x16xf32>,
      %swap3A_510 = vector.shape_cast %swap3A_509 : vector<1x16xf32> to vector<16xf32>
      %swap3A_511 = vector.shape_cast %add3A_503 : vector<16xf32> to vector<1x16xf32>
      tpu.vector_store %arg10[%swap3A_507, %swap3A_508], %swap3A_511 {strides = array<i32>} : memref<32x1024xf32, #tpu.memory_space<vmem>>, vector<1x16xf32>,
    }
    %scan3A_238 = arith.constant 64 : i32
    %add3A_239 = arith.constant 16 : i32
    %add3A_240 = arith.addi %mul3A_2, %add3A_239 : i32
    %dma_start3A_241 = arith.constant 0 : i32
    %dma_start3A_242 = arith.constant 0 : i32
    %dma_start3A_243 = tpu.memref_slice %arg10[%dma_start3A_241, %dma_start3A_242] : memref<32x1024xf32, #tpu.memory_space<vmem>> -> memref<16x1024xf32, #tpu.memory_space<vmem>>
    %dma_start3A_244 = arith.constant 0 : i32
    %dma_start3A_245 = tpu.memref_slice %arg4[%add3A_240, %dma_start3A_244] : memref<2048x1024xf32, #tpu.memory_space<hbm>> -> memref<16x1024xf32, #tpu.memory_space<hbm>>
    %dma_start3A_246 = arith.constant 0 : i32
    %dma_start3A_247 = tpu.memref_slice %arg4[%add3A_240, %dma_start3A_246] : memref<2048x1024xf32, #tpu.memory_space<hbm>> -> memref<16x1024xf32, #tpu.memory_space<hbm>>
    %dma_start3A_248 = arith.constant 0 : i32
    %dma_start3A_249 = arith.constant 0 : i32
    %dma_start3A_250 = tpu.memref_slice %arg10[%dma_start3A_248, %dma_start3A_249] : memref<32x1024xf32, #tpu.memory_space<vmem>> -> memref<16x1024xf32, #tpu.memory_space<vmem>>
    tpu.enqueue_dma source(%dma_start3A_250 : memref<16x1024xf32, #tpu.memory_space<vmem>>) target(%dma_start3A_247 : memref<16x1024xf32, #tpu.memory_space<hbm>>) target_semaphore(%arg14 : memref<!tpu.dma_semaphore, #tpu.memory_space<semaphore_mem>>)
    %dma_wait3A_251 = arith.constant 0 : i32
    %dma_wait3A_252 = arith.constant 0 : i32
    %dma_wait3A_253 = tpu.memref_slice %arg10[%dma_wait3A_251, %dma_wait3A_252] : memref<32x1024xf32, #tpu.memory_space<vmem>> -> memref<16x1024xf32, #tpu.memory_space<vmem>>
    %dma_wait3A_254 = arith.constant 0 : i32
    %dma_wait3A_255 = tpu.memref_slice %arg4[%add3A_240, %dma_wait3A_254] : memref<2048x1024xf32, #tpu.memory_space<hbm>> -> memref<16x1024xf32, #tpu.memory_space<hbm>>
    %dma_wait3A_256 = arith.constant 0 : i32
    %dma_wait3A_257 = tpu.memref_slice %arg4[%add3A_240, %dma_wait3A_256] : memref<2048x1024xf32, #tpu.memory_space<hbm>> -> memref<16x1024xf32, #tpu.memory_space<hbm>>
    %dma_wait3A_258 = arith.constant 0 : i32
    %dma_wait3A_259 = arith.constant 0 : i32
    %dma_wait3A_260 = tpu.memref_slice %arg10[%dma_wait3A_258, %dma_wait3A_259] : memref<32x1024xf32, #tpu.memory_space<vmem>> -> memref<16x1024xf32, #tpu.memory_space<vmem>>
    tpu.wait_dma2 semaphore(%arg14 : memref<!tpu.dma_semaphore, #tpu.memory_space<semaphore_mem>>) src(%dma_wait3A_260 : memref<16x1024xf32, #tpu.memory_space<vmem>>) dst(%dma_wait3A_257 : memref<16x1024xf32, #tpu.memory_space<hbm>>)
    %get3A_261 = arith.constant 48 : index
    %get3A_262 = tpu.vector_load %arg5[%get3A_261] {strides = array<i32>} : memref<64xi32, #tpu.memory_space<vmem>>, vector<16xi32>,
    %get3A_263 = vector.shape_cast %get3A_262 : vector<16xi32> to vector<16xi32>
    %swap3A_264 = arith.constant 0 : index
    %swap3A_265 = tpu.vector_load %arg8[%swap3A_264] {strides = array<i32>} : memref<32xi32, #tpu.memory_space<vmem>>, vector<16xi32>,
    %swap3A_266 = vector.shape_cast %swap3A_265 : vector<16xi32> to vector<16xi32>
    %swap3A_267 = vector.shape_cast %get3A_263 : vector<16xi32> to vector<16xi32>
    tpu.vector_store %arg8[%swap3A_264], %swap3A_267 {strides = array<i32>} : memref<32xi32, #tpu.memory_space<vmem>>, vector<16xi32>,
    %get3A_268 = arith.constant 48 : index
    %get3A_269 = tpu.vector_load %arg6[%get3A_268] {strides = array<i32>} : memref<64xi32, #tpu.memory_space<vmem>>, vector<16xi32>,
    %get3A_270 = vector.shape_cast %get3A_269 : vector<16xi32> to vector<16xi32>
    %swap3A_271 = arith.constant 16 : index
    %swap3A_272 = tpu.vector_load %arg8[%swap3A_271] {strides = array<i32>} : memref<32xi32, #tpu.memory_space<vmem>>, vector<16xi32>,
    %swap3A_273 = vector.shape_cast %swap3A_272 : vector<16xi32> to vector<16xi32>
    %swap3A_274 = vector.shape_cast %get3A_270 : vector<16xi32> to vector<16xi32>
    tpu.vector_store %arg8[%swap3A_271], %swap3A_274 {strides = array<i32>} : memref<32xi32, #tpu.memory_space<vmem>>, vector<16xi32>,
    %dma_start3A_275 = arith.constant 0 : i32
    %dma_start3A_276 = arith.constant 0 : i32
    %dma_start3A_277 = tpu.memref_slice %arg2[%dma_start3A_275, %dma_start3A_276] : memref<6144x1024xf32, #tpu.memory_space<hbm>> -> memref<6144x1024xf32, #tpu.memory_space<hbm>>
    tpu.enqueue_indirect_dma source(%dma_start3A_277 : memref<6144x1024xf32, #tpu.memory_space<hbm>>) target(%arg10 : memref<32x1024xf32, #tpu.memory_space<vmem>>) offsets(%arg8 : memref<32xi32, #tpu.memory_space<vmem>>) semaphore(%arg12 : memref<!tpu.dma_semaphore, #tpu.memory_space<semaphore_mem>>)
    %dma_wait3A_278 = arith.constant 0 : i32
    %dma_wait3A_279 = arith.constant 0 : i32
    %dma_wait3A_280 = tpu.memref_slice %arg2[%dma_wait3A_278, %dma_wait3A_279] : memref<6144x1024xf32, #tpu.memory_space<hbm>> -> memref<6144x1024xf32, #tpu.memory_space<hbm>>
    tpu.wait_indirect_dma semaphore(%arg11 : memref<!tpu.dma_semaphore, #tpu.memory_space<semaphore_mem>>) src(%dma_wait3A_280 : memref<6144x1024xf32, #tpu.memory_space<hbm>>) dst(%arg9 : memref<32x1024xf32, #tpu.memory_space<vmem>>)
    %scan3A_281 = arith.constant 0 : i32
    %scan3A_282 = arith.constant 64 : i32
    %scan3A_283 = arith.addi %scan3A_281, %scan3A_282 : i32
    %scan3A_284 = arith.constant 1 : i32
    scf.for %scan3A_488 = %scan3A_281 to %scan3A_283 step %scan3A_284  : i32 {
      %mul3A_489 = arith.constant 16 : i32
      %mul3A_490 = arith.muli %scan3A_488, %mul3A_489 : i32
      %get3A_491 = arith.constant 0 : i32
      %get3A_492 = arith.index_cast %get3A_491 : i32 to index
      %get3A_493 = arith.index_cast %mul3A_490 : i32 to index
      %get3A_494 = tpu.vector_load %arg9[%get3A_492, %get3A_493] {strides = array<i32>} : memref<32x1024xf32, #tpu.memory_space<vmem>>, vector<1x16xf32>,
      %get3A_495 = vector.shape_cast %get3A_494 : vector<1x16xf32> to vector<16xf32>
      %mul3A_496 = arith.constant 16 : i32
      %mul3A_497 = arith.muli %scan3A_488, %mul3A_496 : i32
      %get3A_498 = arith.constant 16 : i32
      %get3A_499 = arith.index_cast %get3A_498 : i32 to index
      %get3A_500 = arith.index_cast %mul3A_497 : i32 to index
      %get3A_501 = tpu.vector_load %arg9[%get3A_499, %get3A_500] {strides = array<i32>} : memref<32x1024xf32, #tpu.memory_space<vmem>>, vector<1x16xf32>,
      %get3A_502 = vector.shape_cast %get3A_501 : vector<1x16xf32> to vector<16xf32>
      %add3A_503 = arith.addf %get3A_495, %get3A_502 : vector<16xf32>
      %mul3A_504 = arith.constant 16 : i32
      %mul3A_505 = arith.muli %scan3A_488, %mul3A_504 : i32
      %swap3A_506 = arith.constant 0 : i32
      %swap3A_507 = arith.index_cast %swap3A_506 : i32 to index
      %swap3A_508 = arith.index_cast %mul3A_505 : i32 to index
      %swap3A_509 = tpu.vector_load %arg9[%swap3A_507, %swap3A_508] {strides = array<i32>} : memref<32x1024xf32, #tpu.memory_space<vmem>>, vector<1x16xf32>,
      %swap3A_510 = vector.shape_cast %swap3A_509 : vector<1x16xf32> to vector<16xf32>
      %swap3A_511 = vector.shape_cast %add3A_503 : vector<16xf32> to vector<1x16xf32>
      tpu.vector_store %arg9[%swap3A_507, %swap3A_508], %swap3A_511 {strides = array<i32>} : memref<32x1024xf32, #tpu.memory_space<vmem>>, vector<1x16xf32>,
    }
    %scan3A_285 = arith.constant 64 : i32
    %scan3A_286 = arith.constant 0 : i32
    %scan3A_287 = arith.constant 64 : i32
    %scan3A_288 = arith.addi %scan3A_286, %scan3A_287 : i32
    %scan3A_289 = arith.constant 1 : i32
    scf.for %scan3A_488 = %scan3A_286 to %scan3A_288 step %scan3A_289  : i32 {
      %mul3A_489 = arith.constant 16 : i32
      %mul3A_490 = arith.muli %scan3A_488, %mul3A_489 : i32
      %get3A_491 = arith.constant 1 : i32
      %get3A_492 = arith.index_cast %get3A_491 : i32 to index
      %get3A_493 = arith.index_cast %mul3A_490 : i32 to index
      %get3A_494 = tpu.vector_load %arg9[%get3A_492, %get3A_493] {strides = array<i32>} : memref<32x1024xf32, #tpu.memory_space<vmem>>, vector<1x16xf32>,
      %get3A_495 = vector.shape_cast %get3A_494 : vector<1x16xf32> to vector<16xf32>
      %mul3A_496 = arith.constant 16 : i32
      %mul3A_497 = arith.muli %scan3A_488, %mul3A_496 : i32
      %get3A_498 = arith.constant 17 : i32
      %get3A_499 = arith.index_cast %get3A_498 : i32 to index
      %get3A_500 = arith.index_cast %mul3A_497 : i32 to index
      %get3A_501 = tpu.vector_load %arg9[%get3A_499, %get3A_500] {strides = array<i32>} : memref<32x1024xf32, #tpu.memory_space<vmem>>, vector<1x16xf32>,
      %get3A_502 = vector.shape_cast %get3A_501 : vector<1x16xf32> to vector<16xf32>
      %add3A_503 = arith.addf %get3A_495, %get3A_502 : vector<16xf32>
      %mul3A_504 = arith.constant 16 : i32
      %mul3A_505 = arith.muli %scan3A_488, %mul3A_504 : i32
      %swap3A_506 = arith.constant 1 : i32
      %swap3A_507 = arith.index_cast %swap3A_506 : i32 to index
      %swap3A_508 = arith.index_cast %mul3A_505 : i32 to index
      %swap3A_509 = tpu.vector_load %arg9[%swap3A_507, %swap3A_508] {strides = array<i32>} : memref<32x1024xf32, #tpu.memory_space<vmem>>, vector<1x16xf32>,
      %swap3A_510 = vector.shape_cast %swap3A_509 : vector<1x16xf32> to vector<16xf32>
      %swap3A_511 = vector.shape_cast %add3A_503 : vector<16xf32> to vector<1x16xf32>
      tpu.vector_store %arg9[%swap3A_507, %swap3A_508], %swap3A_511 {strides = array<i32>} : memref<32x1024xf32, #tpu.memory_space<vmem>>, vector<1x16xf32>,
    }
    %scan3A_290 = arith.constant 64 : i32
    %scan3A_291 = arith.constant 0 : i32
    %scan3A_292 = arith.constant 64 : i32
    %scan3A_293 = arith.addi %scan3A_291, %scan3A_292 : i32
    %scan3A_294 = arith.constant 1 : i32
    scf.for %scan3A_488 = %scan3A_291 to %scan3A_293 step %scan3A_294  : i32 {
      %mul3A_489 = arith.constant 16 : i32
      %mul3A_490 = arith.muli %scan3A_488, %mul3A_489 : i32
      %get3A_491 = arith.constant 2 : i32
      %get3A_492 = arith.index_cast %get3A_491 : i32 to index
      %get3A_493 = arith.index_cast %mul3A_490 : i32 to index
      %get3A_494 = tpu.vector_load %arg9[%get3A_492, %get3A_493] {strides = array<i32>} : memref<32x1024xf32, #tpu.memory_space<vmem>>, vector<1x16xf32>,
      %get3A_495 = vector.shape_cast %get3A_494 : vector<1x16xf32> to vector<16xf32>
      %mul3A_496 = arith.constant 16 : i32
      %mul3A_497 = arith.muli %scan3A_488, %mul3A_496 : i32
      %get3A_498 = arith.constant 18 : i32
      %get3A_499 = arith.index_cast %get3A_498 : i32 to index
      %get3A_500 = arith.index_cast %mul3A_497 : i32 to index
      %get3A_501 = tpu.vector_load %arg9[%get3A_499, %get3A_500] {strides = array<i32>} : memref<32x1024xf32, #tpu.memory_space<vmem>>, vector<1x16xf32>,
      %get3A_502 = vector.shape_cast %get3A_501 : vector<1x16xf32> to vector<16xf32>
      %add3A_503 = arith.addf %get3A_495, %get3A_502 : vector<16xf32>
      %mul3A_504 = arith.constant 16 : i32
      %mul3A_505 = arith.muli %scan3A_488, %mul3A_504 : i32
      %swap3A_506 = arith.constant 2 : i32
      %swap3A_507 = arith.index_cast %swap3A_506 : i32 to index
      %swap3A_508 = arith.index_cast %mul3A_505 : i32 to index
      %swap3A_509 = tpu.vector_load %arg9[%swap3A_507, %swap3A_508] {strides = array<i32>} : memref<32x1024xf32, #tpu.memory_space<vmem>>, vector<1x16xf32>,
      %swap3A_510 = vector.shape_cast %swap3A_509 : vector<1x16xf32> to vector<16xf32>
      %swap3A_511 = vector.shape_cast %add3A_503 : vector<16xf32> to vector<1x16xf32>
      tpu.vector_store %arg9[%swap3A_507, %swap3A_508], %swap3A_511 {strides = array<i32>} : memref<32x1024xf32, #tpu.memory_space<vmem>>, vector<1x16xf32>,
    }
    %scan3A_295 = arith.constant 64 : i32
    %scan3A_296 = arith.constant 0 : i32
    %scan3A_297 = arith.constant 64 : i32
    %scan3A_298 = arith.addi %scan3A_296, %scan3A_297 : i32
    %scan3A_299 = arith.constant 1 : i32
    scf.for %scan3A_488 = %scan3A_296 to %scan3A_298 step %scan3A_299  : i32 {
      %mul3A_489 = arith.constant 16 : i32
      %mul3A_490 = arith.muli %scan3A_488, %mul3A_489 : i32
      %get3A_491 = arith.constant 3 : i32
      %get3A_492 = arith.index_cast %get3A_491 : i32 to index
      %get3A_493 = arith.index_cast %mul3A_490 : i32 to index
      %get3A_494 = tpu.vector_load %arg9[%get3A_492, %get3A_493] {strides = array<i32>} : memref<32x1024xf32, #tpu.memory_space<vmem>>, vector<1x16xf32>,
      %get3A_495 = vector.shape_cast %get3A_494 : vector<1x16xf32> to vector<16xf32>
      %mul3A_496 = arith.constant 16 : i32
      %mul3A_497 = arith.muli %scan3A_488, %mul3A_496 : i32
      %get3A_498 = arith.constant 19 : i32
      %get3A_499 = arith.index_cast %get3A_498 : i32 to index
      %get3A_500 = arith.index_cast %mul3A_497 : i32 to index
      %get3A_501 = tpu.vector_load %arg9[%get3A_499, %get3A_500] {strides = array<i32>} : memref<32x1024xf32, #tpu.memory_space<vmem>>, vector<1x16xf32>,
      %get3A_502 = vector.shape_cast %get3A_501 : vector<1x16xf32> to vector<16xf32>
      %add3A_503 = arith.addf %get3A_495, %get3A_502 : vector<16xf32>
      %mul3A_504 = arith.constant 16 : i32
      %mul3A_505 = arith.muli %scan3A_488, %mul3A_504 : i32
      %swap3A_506 = arith.constant 3 : i32
      %swap3A_507 = arith.index_cast %swap3A_506 : i32 to index
      %swap3A_508 = arith.index_cast %mul3A_505 : i32 to index
      %swap3A_509 = tpu.vector_load %arg9[%swap3A_507, %swap3A_508] {strides = array<i32>} : memref<32x1024xf32, #tpu.memory_space<vmem>>, vector<1x16xf32>,
      %swap3A_510 = vector.shape_cast %swap3A_509 : vector<1x16xf32> to vector<16xf32>
      %swap3A_511 = vector.shape_cast %add3A_503 : vector<16xf32> to vector<1x16xf32>
      tpu.vector_store %arg9[%swap3A_507, %swap3A_508], %swap3A_511 {strides = array<i32>} : memref<32x1024xf32, #tpu.memory_space<vmem>>, vector<1x16xf32>,
    }
    %scan3A_300 = arith.constant 64 : i32
    %scan3A_301 = arith.constant 0 : i32
    %scan3A_302 = arith.constant 64 : i32
    %scan3A_303 = arith.addi %scan3A_301, %scan3A_302 : i32
    %scan3A_304 = arith.constant 1 : i32
    scf.for %scan3A_488 = %scan3A_301 to %scan3A_303 step %scan3A_304  : i32 {
      %mul3A_489 = arith.constant 16 : i32
      %mul3A_490 = arith.muli %scan3A_488, %mul3A_489 : i32
      %get3A_491 = arith.constant 4 : i32
      %get3A_492 = arith.index_cast %get3A_491 : i32 to index
      %get3A_493 = arith.index_cast %mul3A_490 : i32 to index
      %get3A_494 = tpu.vector_load %arg9[%get3A_492, %get3A_493] {strides = array<i32>} : memref<32x1024xf32, #tpu.memory_space<vmem>>, vector<1x16xf32>,
      %get3A_495 = vector.shape_cast %get3A_494 : vector<1x16xf32> to vector<16xf32>
      %mul3A_496 = arith.constant 16 : i32
      %mul3A_497 = arith.muli %scan3A_488, %mul3A_496 : i32
      %get3A_498 = arith.constant 20 : i32
      %get3A_499 = arith.index_cast %get3A_498 : i32 to index
      %get3A_500 = arith.index_cast %mul3A_497 : i32 to index
      %get3A_501 = tpu.vector_load %arg9[%get3A_499, %get3A_500] {strides = array<i32>} : memref<32x1024xf32, #tpu.memory_space<vmem>>, vector<1x16xf32>,
      %get3A_502 = vector.shape_cast %get3A_501 : vector<1x16xf32> to vector<16xf32>
      %add3A_503 = arith.addf %get3A_495, %get3A_502 : vector<16xf32>
      %mul3A_504 = arith.constant 16 : i32
      %mul3A_505 = arith.muli %scan3A_488, %mul3A_504 : i32
      %swap3A_506 = arith.constant 4 : i32
      %swap3A_507 = arith.index_cast %swap3A_506 : i32 to index
      %swap3A_508 = arith.index_cast %mul3A_505 : i32 to index
      %swap3A_509 = tpu.vector_load %arg9[%swap3A_507, %swap3A_508] {strides = array<i32>} : memref<32x1024xf32, #tpu.memory_space<vmem>>, vector<1x16xf32>,
      %swap3A_510 = vector.shape_cast %swap3A_509 : vector<1x16xf32> to vector<16xf32>
      %swap3A_511 = vector.shape_cast %add3A_503 : vector<16xf32> to vector<1x16xf32>
      tpu.vector_store %arg9[%swap3A_507, %swap3A_508], %swap3A_511 {strides = array<i32>} : memref<32x1024xf32, #tpu.memory_space<vmem>>, vector<1x16xf32>,
    }
    %scan3A_305 = arith.constant 64 : i32
    %scan3A_306 = arith.constant 0 : i32
    %scan3A_307 = arith.constant 64 : i32
    %scan3A_308 = arith.addi %scan3A_306, %scan3A_307 : i32
    %scan3A_309 = arith.constant 1 : i32
    scf.for %scan3A_488 = %scan3A_306 to %scan3A_308 step %scan3A_309  : i32 {
      %mul3A_489 = arith.constant 16 : i32
      %mul3A_490 = arith.muli %scan3A_488, %mul3A_489 : i32
      %get3A_491 = arith.constant 5 : i32
      %get3A_492 = arith.index_cast %get3A_491 : i32 to index
      %get3A_493 = arith.index_cast %mul3A_490 : i32 to index
      %get3A_494 = tpu.vector_load %arg9[%get3A_492, %get3A_493] {strides = array<i32>} : memref<32x1024xf32, #tpu.memory_space<vmem>>, vector<1x16xf32>,
      %get3A_495 = vector.shape_cast %get3A_494 : vector<1x16xf32> to vector<16xf32>
      %mul3A_496 = arith.constant 16 : i32
      %mul3A_497 = arith.muli %scan3A_488, %mul3A_496 : i32
      %get3A_498 = arith.constant 21 : i32
      %get3A_499 = arith.index_cast %get3A_498 : i32 to index
      %get3A_500 = arith.index_cast %mul3A_497 : i32 to index
      %get3A_501 = tpu.vector_load %arg9[%get3A_499, %get3A_500] {strides = array<i32>} : memref<32x1024xf32, #tpu.memory_space<vmem>>, vector<1x16xf32>,
      %get3A_502 = vector.shape_cast %get3A_501 : vector<1x16xf32> to vector<16xf32>
      %add3A_503 = arith.addf %get3A_495, %get3A_502 : vector<16xf32>
      %mul3A_504 = arith.constant 16 : i32
      %mul3A_505 = arith.muli %scan3A_488, %mul3A_504 : i32
      %swap3A_506 = arith.constant 5 : i32
      %swap3A_507 = arith.index_cast %swap3A_506 : i32 to index
      %swap3A_508 = arith.index_cast %mul3A_505 : i32 to index
      %swap3A_509 = tpu.vector_load %arg9[%swap3A_507, %swap3A_508] {strides = array<i32>} : memref<32x1024xf32, #tpu.memory_space<vmem>>, vector<1x16xf32>,
      %swap3A_510 = vector.shape_cast %swap3A_509 : vector<1x16xf32> to vector<16xf32>
      %swap3A_511 = vector.shape_cast %add3A_503 : vector<16xf32> to vector<1x16xf32>
      tpu.vector_store %arg9[%swap3A_507, %swap3A_508], %swap3A_511 {strides = array<i32>} : memref<32x1024xf32, #tpu.memory_space<vmem>>, vector<1x16xf32>,
    }
    %scan3A_310 = arith.constant 64 : i32
    %scan3A_311 = arith.constant 0 : i32
    %scan3A_312 = arith.constant 64 : i32
    %scan3A_313 = arith.addi %scan3A_311, %scan3A_312 : i32
    %scan3A_314 = arith.constant 1 : i32
    scf.for %scan3A_488 = %scan3A_311 to %scan3A_313 step %scan3A_314  : i32 {
      %mul3A_489 = arith.constant 16 : i32
      %mul3A_490 = arith.muli %scan3A_488, %mul3A_489 : i32
      %get3A_491 = arith.constant 6 : i32
      %get3A_492 = arith.index_cast %get3A_491 : i32 to index
      %get3A_493 = arith.index_cast %mul3A_490 : i32 to index
      %get3A_494 = tpu.vector_load %arg9[%get3A_492, %get3A_493] {strides = array<i32>} : memref<32x1024xf32, #tpu.memory_space<vmem>>, vector<1x16xf32>,
      %get3A_495 = vector.shape_cast %get3A_494 : vector<1x16xf32> to vector<16xf32>
      %mul3A_496 = arith.constant 16 : i32
      %mul3A_497 = arith.muli %scan3A_488, %mul3A_496 : i32
      %get3A_498 = arith.constant 22 : i32
      %get3A_499 = arith.index_cast %get3A_498 : i32 to index
      %get3A_500 = arith.index_cast %mul3A_497 : i32 to index
      %get3A_501 = tpu.vector_load %arg9[%get3A_499, %get3A_500] {strides = array<i32>} : memref<32x1024xf32, #tpu.memory_space<vmem>>, vector<1x16xf32>,
      %get3A_502 = vector.shape_cast %get3A_501 : vector<1x16xf32> to vector<16xf32>
      %add3A_503 = arith.addf %get3A_495, %get3A_502 : vector<16xf32>
      %mul3A_504 = arith.constant 16 : i32
      %mul3A_505 = arith.muli %scan3A_488, %mul3A_504 : i32
      %swap3A_506 = arith.constant 6 : i32
      %swap3A_507 = arith.index_cast %swap3A_506 : i32 to index
      %swap3A_508 = arith.index_cast %mul3A_505 : i32 to index
      %swap3A_509 = tpu.vector_load %arg9[%swap3A_507, %swap3A_508] {strides = array<i32>} : memref<32x1024xf32, #tpu.memory_space<vmem>>, vector<1x16xf32>,
      %swap3A_510 = vector.shape_cast %swap3A_509 : vector<1x16xf32> to vector<16xf32>
      %swap3A_511 = vector.shape_cast %add3A_503 : vector<16xf32> to vector<1x16xf32>
      tpu.vector_store %arg9[%swap3A_507, %swap3A_508], %swap3A_511 {strides = array<i32>} : memref<32x1024xf32, #tpu.memory_space<vmem>>, vector<1x16xf32>,
    }
    %scan3A_315 = arith.constant 64 : i32
    %scan3A_316 = arith.constant 0 : i32
    %scan3A_317 = arith.constant 64 : i32
    %scan3A_318 = arith.addi %scan3A_316, %scan3A_317 : i32
    %scan3A_319 = arith.constant 1 : i32
    scf.for %scan3A_488 = %scan3A_316 to %scan3A_318 step %scan3A_319  : i32 {
      %mul3A_489 = arith.constant 16 : i32
      %mul3A_490 = arith.muli %scan3A_488, %mul3A_489 : i32
      %get3A_491 = arith.constant 7 : i32
      %get3A_492 = arith.index_cast %get3A_491 : i32 to index
      %get3A_493 = arith.index_cast %mul3A_490 : i32 to index
      %get3A_494 = tpu.vector_load %arg9[%get3A_492, %get3A_493] {strides = array<i32>} : memref<32x1024xf32, #tpu.memory_space<vmem>>, vector<1x16xf32>,
      %get3A_495 = vector.shape_cast %get3A_494 : vector<1x16xf32> to vector<16xf32>
      %mul3A_496 = arith.constant 16 : i32
      %mul3A_497 = arith.muli %scan3A_488, %mul3A_496 : i32
      %get3A_498 = arith.constant 23 : i32
      %get3A_499 = arith.index_cast %get3A_498 : i32 to index
      %get3A_500 = arith.index_cast %mul3A_497 : i32 to index
      %get3A_501 = tpu.vector_load %arg9[%get3A_499, %get3A_500] {strides = array<i32>} : memref<32x1024xf32, #tpu.memory_space<vmem>>, vector<1x16xf32>,
      %get3A_502 = vector.shape_cast %get3A_501 : vector<1x16xf32> to vector<16xf32>
      %add3A_503 = arith.addf %get3A_495, %get3A_502 : vector<16xf32>
      %mul3A_504 = arith.constant 16 : i32
      %mul3A_505 = arith.muli %scan3A_488, %mul3A_504 : i32
      %swap3A_506 = arith.constant 7 : i32
      %swap3A_507 = arith.index_cast %swap3A_506 : i32 to index
      %swap3A_508 = arith.index_cast %mul3A_505 : i32 to index
      %swap3A_509 = tpu.vector_load %arg9[%swap3A_507, %swap3A_508] {strides = array<i32>} : memref<32x1024xf32, #tpu.memory_space<vmem>>, vector<1x16xf32>,
      %swap3A_510 = vector.shape_cast %swap3A_509 : vector<1x16xf32> to vector<16xf32>
      %swap3A_511 = vector.shape_cast %add3A_503 : vector<16xf32> to vector<1x16xf32>
      tpu.vector_store %arg9[%swap3A_507, %swap3A_508], %swap3A_511 {strides = array<i32>} : memref<32x1024xf32, #tpu.memory_space<vmem>>, vector<1x16xf32>,
    }
    %scan3A_320 = arith.constant 64 : i32
    %scan3A_321 = arith.constant 0 : i32
    %scan3A_322 = arith.constant 64 : i32
    %scan3A_323 = arith.addi %scan3A_321, %scan3A_322 : i32
    %scan3A_324 = arith.constant 1 : i32
    scf.for %scan3A_488 = %scan3A_321 to %scan3A_323 step %scan3A_324  : i32 {
      %mul3A_489 = arith.constant 16 : i32
      %mul3A_490 = arith.muli %scan3A_488, %mul3A_489 : i32
      %get3A_491 = arith.constant 8 : i32
      %get3A_492 = arith.index_cast %get3A_491 : i32 to index
      %get3A_493 = arith.index_cast %mul3A_490 : i32 to index
      %get3A_494 = tpu.vector_load %arg9[%get3A_492, %get3A_493] {strides = array<i32>} : memref<32x1024xf32, #tpu.memory_space<vmem>>, vector<1x16xf32>,
      %get3A_495 = vector.shape_cast %get3A_494 : vector<1x16xf32> to vector<16xf32>
      %mul3A_496 = arith.constant 16 : i32
      %mul3A_497 = arith.muli %scan3A_488, %mul3A_496 : i32
      %get3A_498 = arith.constant 24 : i32
      %get3A_499 = arith.index_cast %get3A_498 : i32 to index
      %get3A_500 = arith.index_cast %mul3A_497 : i32 to index
      %get3A_501 = tpu.vector_load %arg9[%get3A_499, %get3A_500] {strides = array<i32>} : memref<32x1024xf32, #tpu.memory_space<vmem>>, vector<1x16xf32>,
      %get3A_502 = vector.shape_cast %get3A_501 : vector<1x16xf32> to vector<16xf32>
      %add3A_503 = arith.addf %get3A_495, %get3A_502 : vector<16xf32>
      %mul3A_504 = arith.constant 16 : i32
      %mul3A_505 = arith.muli %scan3A_488, %mul3A_504 : i32
      %swap3A_506 = arith.constant 8 : i32
      %swap3A_507 = arith.index_cast %swap3A_506 : i32 to index
      %swap3A_508 = arith.index_cast %mul3A_505 : i32 to index
      %swap3A_509 = tpu.vector_load %arg9[%swap3A_507, %swap3A_508] {strides = array<i32>} : memref<32x1024xf32, #tpu.memory_space<vmem>>, vector<1x16xf32>,
      %swap3A_510 = vector.shape_cast %swap3A_509 : vector<1x16xf32> to vector<16xf32>
      %swap3A_511 = vector.shape_cast %add3A_503 : vector<16xf32> to vector<1x16xf32>
      tpu.vector_store %arg9[%swap3A_507, %swap3A_508], %swap3A_511 {strides = array<i32>} : memref<32x1024xf32, #tpu.memory_space<vmem>>, vector<1x16xf32>,
    }
    %scan3A_325 = arith.constant 64 : i32
    %scan3A_326 = arith.constant 0 : i32
    %scan3A_327 = arith.constant 64 : i32
    %scan3A_328 = arith.addi %scan3A_326, %scan3A_327 : i32
    %scan3A_329 = arith.constant 1 : i32
    scf.for %scan3A_488 = %scan3A_326 to %scan3A_328 step %scan3A_329  : i32 {
      %mul3A_489 = arith.constant 16 : i32
      %mul3A_490 = arith.muli %scan3A_488, %mul3A_489 : i32
      %get3A_491 = arith.constant 9 : i32
      %get3A_492 = arith.index_cast %get3A_491 : i32 to index
      %get3A_493 = arith.index_cast %mul3A_490 : i32 to index
      %get3A_494 = tpu.vector_load %arg9[%get3A_492, %get3A_493] {strides = array<i32>} : memref<32x1024xf32, #tpu.memory_space<vmem>>, vector<1x16xf32>,
      %get3A_495 = vector.shape_cast %get3A_494 : vector<1x16xf32> to vector<16xf32>
      %mul3A_496 = arith.constant 16 : i32
      %mul3A_497 = arith.muli %scan3A_488, %mul3A_496 : i32
      %get3A_498 = arith.constant 25 : i32
      %get3A_499 = arith.index_cast %get3A_498 : i32 to index
      %get3A_500 = arith.index_cast %mul3A_497 : i32 to index
      %get3A_501 = tpu.vector_load %arg9[%get3A_499, %get3A_500] {strides = array<i32>} : memref<32x1024xf32, #tpu.memory_space<vmem>>, vector<1x16xf32>,
      %get3A_502 = vector.shape_cast %get3A_501 : vector<1x16xf32> to vector<16xf32>
      %add3A_503 = arith.addf %get3A_495, %get3A_502 : vector<16xf32>
      %mul3A_504 = arith.constant 16 : i32
      %mul3A_505 = arith.muli %scan3A_488, %mul3A_504 : i32
      %swap3A_506 = arith.constant 9 : i32
      %swap3A_507 = arith.index_cast %swap3A_506 : i32 to index
      %swap3A_508 = arith.index_cast %mul3A_505 : i32 to index
      %swap3A_509 = tpu.vector_load %arg9[%swap3A_507, %swap3A_508] {strides = array<i32>} : memref<32x1024xf32, #tpu.memory_space<vmem>>, vector<1x16xf32>,
      %swap3A_510 = vector.shape_cast %swap3A_509 : vector<1x16xf32> to vector<16xf32>
      %swap3A_511 = vector.shape_cast %add3A_503 : vector<16xf32> to vector<1x16xf32>
      tpu.vector_store %arg9[%swap3A_507, %swap3A_508], %swap3A_511 {strides = array<i32>} : memref<32x1024xf32, #tpu.memory_space<vmem>>, vector<1x16xf32>,
    }
    %scan3A_330 = arith.constant 64 : i32
    %scan3A_331 = arith.constant 0 : i32
    %scan3A_332 = arith.constant 64 : i32
    %scan3A_333 = arith.addi %scan3A_331, %scan3A_332 : i32
    %scan3A_334 = arith.constant 1 : i32
    scf.for %scan3A_488 = %scan3A_331 to %scan3A_333 step %scan3A_334  : i32 {
      %mul3A_489 = arith.constant 16 : i32
      %mul3A_490 = arith.muli %scan3A_488, %mul3A_489 : i32
      %get3A_491 = arith.constant 10 : i32
      %get3A_492 = arith.index_cast %get3A_491 : i32 to index
      %get3A_493 = arith.index_cast %mul3A_490 : i32 to index
      %get3A_494 = tpu.vector_load %arg9[%get3A_492, %get3A_493] {strides = array<i32>} : memref<32x1024xf32, #tpu.memory_space<vmem>>, vector<1x16xf32>,
      %get3A_495 = vector.shape_cast %get3A_494 : vector<1x16xf32> to vector<16xf32>
      %mul3A_496 = arith.constant 16 : i32
      %mul3A_497 = arith.muli %scan3A_488, %mul3A_496 : i32
      %get3A_498 = arith.constant 26 : i32
      %get3A_499 = arith.index_cast %get3A_498 : i32 to index
      %get3A_500 = arith.index_cast %mul3A_497 : i32 to index
      %get3A_501 = tpu.vector_load %arg9[%get3A_499, %get3A_500] {strides = array<i32>} : memref<32x1024xf32, #tpu.memory_space<vmem>>, vector<1x16xf32>,
      %get3A_502 = vector.shape_cast %get3A_501 : vector<1x16xf32> to vector<16xf32>
      %add3A_503 = arith.addf %get3A_495, %get3A_502 : vector<16xf32>
      %mul3A_504 = arith.constant 16 : i32
      %mul3A_505 = arith.muli %scan3A_488, %mul3A_504 : i32
      %swap3A_506 = arith.constant 10 : i32
      %swap3A_507 = arith.index_cast %swap3A_506 : i32 to index
      %swap3A_508 = arith.index_cast %mul3A_505 : i32 to index
      %swap3A_509 = tpu.vector_load %arg9[%swap3A_507, %swap3A_508] {strides = array<i32>} : memref<32x1024xf32, #tpu.memory_space<vmem>>, vector<1x16xf32>,
      %swap3A_510 = vector.shape_cast %swap3A_509 : vector<1x16xf32> to vector<16xf32>
      %swap3A_511 = vector.shape_cast %add3A_503 : vector<16xf32> to vector<1x16xf32>
      tpu.vector_store %arg9[%swap3A_507, %swap3A_508], %swap3A_511 {strides = array<i32>} : memref<32x1024xf32, #tpu.memory_space<vmem>>, vector<1x16xf32>,
    }
    %scan3A_335 = arith.constant 64 : i32
    %scan3A_336 = arith.constant 0 : i32
    %scan3A_337 = arith.constant 64 : i32
    %scan3A_338 = arith.addi %scan3A_336, %scan3A_337 : i32
    %scan3A_339 = arith.constant 1 : i32
    scf.for %scan3A_488 = %scan3A_336 to %scan3A_338 step %scan3A_339  : i32 {
      %mul3A_489 = arith.constant 16 : i32
      %mul3A_490 = arith.muli %scan3A_488, %mul3A_489 : i32
      %get3A_491 = arith.constant 11 : i32
      %get3A_492 = arith.index_cast %get3A_491 : i32 to index
      %get3A_493 = arith.index_cast %mul3A_490 : i32 to index
      %get3A_494 = tpu.vector_load %arg9[%get3A_492, %get3A_493] {strides = array<i32>} : memref<32x1024xf32, #tpu.memory_space<vmem>>, vector<1x16xf32>,
      %get3A_495 = vector.shape_cast %get3A_494 : vector<1x16xf32> to vector<16xf32>
      %mul3A_496 = arith.constant 16 : i32
      %mul3A_497 = arith.muli %scan3A_488, %mul3A_496 : i32
      %get3A_498 = arith.constant 27 : i32
      %get3A_499 = arith.index_cast %get3A_498 : i32 to index
      %get3A_500 = arith.index_cast %mul3A_497 : i32 to index
      %get3A_501 = tpu.vector_load %arg9[%get3A_499, %get3A_500] {strides = array<i32>} : memref<32x1024xf32, #tpu.memory_space<vmem>>, vector<1x16xf32>,
      %get3A_502 = vector.shape_cast %get3A_501 : vector<1x16xf32> to vector<16xf32>
      %add3A_503 = arith.addf %get3A_495, %get3A_502 : vector<16xf32>
      %mul3A_504 = arith.constant 16 : i32
      %mul3A_505 = arith.muli %scan3A_488, %mul3A_504 : i32
      %swap3A_506 = arith.constant 11 : i32
      %swap3A_507 = arith.index_cast %swap3A_506 : i32 to index
      %swap3A_508 = arith.index_cast %mul3A_505 : i32 to index
      %swap3A_509 = tpu.vector_load %arg9[%swap3A_507, %swap3A_508] {strides = array<i32>} : memref<32x1024xf32, #tpu.memory_space<vmem>>, vector<1x16xf32>,
      %swap3A_510 = vector.shape_cast %swap3A_509 : vector<1x16xf32> to vector<16xf32>
      %swap3A_511 = vector.shape_cast %add3A_503 : vector<16xf32> to vector<1x16xf32>
      tpu.vector_store %arg9[%swap3A_507, %swap3A_508], %swap3A_511 {strides = array<i32>} : memref<32x1024xf32, #tpu.memory_space<vmem>>, vector<1x16xf32>,
    }
    %scan3A_340 = arith.constant 64 : i32
    %scan3A_341 = arith.constant 0 : i32
    %scan3A_342 = arith.constant 64 : i32
    %scan3A_343 = arith.addi %scan3A_341, %scan3A_342 : i32
    %scan3A_344 = arith.constant 1 : i32
    scf.for %scan3A_488 = %scan3A_341 to %scan3A_343 step %scan3A_344  : i32 {
      %mul3A_489 = arith.constant 16 : i32
      %mul3A_490 = arith.muli %scan3A_488, %mul3A_489 : i32
      %get3A_491 = arith.constant 12 : i32
      %get3A_492 = arith.index_cast %get3A_491 : i32 to index
      %get3A_493 = arith.index_cast %mul3A_490 : i32 to index
      %get3A_494 = tpu.vector_load %arg9[%get3A_492, %get3A_493] {strides = array<i32>} : memref<32x1024xf32, #tpu.memory_space<vmem>>, vector<1x16xf32>,
      %get3A_495 = vector.shape_cast %get3A_494 : vector<1x16xf32> to vector<16xf32>
      %mul3A_496 = arith.constant 16 : i32
      %mul3A_497 = arith.muli %scan3A_488, %mul3A_496 : i32
      %get3A_498 = arith.constant 28 : i32
      %get3A_499 = arith.index_cast %get3A_498 : i32 to index
      %get3A_500 = arith.index_cast %mul3A_497 : i32 to index
      %get3A_501 = tpu.vector_load %arg9[%get3A_499, %get3A_500] {strides = array<i32>} : memref<32x1024xf32, #tpu.memory_space<vmem>>, vector<1x16xf32>,
      %get3A_502 = vector.shape_cast %get3A_501 : vector<1x16xf32> to vector<16xf32>
      %add3A_503 = arith.addf %get3A_495, %get3A_502 : vector<16xf32>
      %mul3A_504 = arith.constant 16 : i32
      %mul3A_505 = arith.muli %scan3A_488, %mul3A_504 : i32
      %swap3A_506 = arith.constant 12 : i32
      %swap3A_507 = arith.index_cast %swap3A_506 : i32 to index
      %swap3A_508 = arith.index_cast %mul3A_505 : i32 to index
      %swap3A_509 = tpu.vector_load %arg9[%swap3A_507, %swap3A_508] {strides = array<i32>} : memref<32x1024xf32, #tpu.memory_space<vmem>>, vector<1x16xf32>,
      %swap3A_510 = vector.shape_cast %swap3A_509 : vector<1x16xf32> to vector<16xf32>
      %swap3A_511 = vector.shape_cast %add3A_503 : vector<16xf32> to vector<1x16xf32>
      tpu.vector_store %arg9[%swap3A_507, %swap3A_508], %swap3A_511 {strides = array<i32>} : memref<32x1024xf32, #tpu.memory_space<vmem>>, vector<1x16xf32>,
    }
    %scan3A_345 = arith.constant 64 : i32
    %scan3A_346 = arith.constant 0 : i32
    %scan3A_347 = arith.constant 64 : i32
    %scan3A_348 = arith.addi %scan3A_346, %scan3A_347 : i32
    %scan3A_349 = arith.constant 1 : i32
    scf.for %scan3A_488 = %scan3A_346 to %scan3A_348 step %scan3A_349  : i32 {
      %mul3A_489 = arith.constant 16 : i32
      %mul3A_490 = arith.muli %scan3A_488, %mul3A_489 : i32
      %get3A_491 = arith.constant 13 : i32
      %get3A_492 = arith.index_cast %get3A_491 : i32 to index
      %get3A_493 = arith.index_cast %mul3A_490 : i32 to index
      %get3A_494 = tpu.vector_load %arg9[%get3A_492, %get3A_493] {strides = array<i32>} : memref<32x1024xf32, #tpu.memory_space<vmem>>, vector<1x16xf32>,
      %get3A_495 = vector.shape_cast %get3A_494 : vector<1x16xf32> to vector<16xf32>
      %mul3A_496 = arith.constant 16 : i32
      %mul3A_497 = arith.muli %scan3A_488, %mul3A_496 : i32
      %get3A_498 = arith.constant 29 : i32
      %get3A_499 = arith.index_cast %get3A_498 : i32 to index
      %get3A_500 = arith.index_cast %mul3A_497 : i32 to index
      %get3A_501 = tpu.vector_load %arg9[%get3A_499, %get3A_500] {strides = array<i32>} : memref<32x1024xf32, #tpu.memory_space<vmem>>, vector<1x16xf32>,
      %get3A_502 = vector.shape_cast %get3A_501 : vector<1x16xf32> to vector<16xf32>
      %add3A_503 = arith.addf %get3A_495, %get3A_502 : vector<16xf32>
      %mul3A_504 = arith.constant 16 : i32
      %mul3A_505 = arith.muli %scan3A_488, %mul3A_504 : i32
      %swap3A_506 = arith.constant 13 : i32
      %swap3A_507 = arith.index_cast %swap3A_506 : i32 to index
      %swap3A_508 = arith.index_cast %mul3A_505 : i32 to index
      %swap3A_509 = tpu.vector_load %arg9[%swap3A_507, %swap3A_508] {strides = array<i32>} : memref<32x1024xf32, #tpu.memory_space<vmem>>, vector<1x16xf32>,
      %swap3A_510 = vector.shape_cast %swap3A_509 : vector<1x16xf32> to vector<16xf32>
      %swap3A_511 = vector.shape_cast %add3A_503 : vector<16xf32> to vector<1x16xf32>
      tpu.vector_store %arg9[%swap3A_507, %swap3A_508], %swap3A_511 {strides = array<i32>} : memref<32x1024xf32, #tpu.memory_space<vmem>>, vector<1x16xf32>,
    }
    %scan3A_350 = arith.constant 64 : i32
    %scan3A_351 = arith.constant 0 : i32
    %scan3A_352 = arith.constant 64 : i32
    %scan3A_353 = arith.addi %scan3A_351, %scan3A_352 : i32
    %scan3A_354 = arith.constant 1 : i32
    scf.for %scan3A_488 = %scan3A_351 to %scan3A_353 step %scan3A_354  : i32 {
      %mul3A_489 = arith.constant 16 : i32
      %mul3A_490 = arith.muli %scan3A_488, %mul3A_489 : i32
      %get3A_491 = arith.constant 14 : i32
      %get3A_492 = arith.index_cast %get3A_491 : i32 to index
      %get3A_493 = arith.index_cast %mul3A_490 : i32 to index
      %get3A_494 = tpu.vector_load %arg9[%get3A_492, %get3A_493] {strides = array<i32>} : memref<32x1024xf32, #tpu.memory_space<vmem>>, vector<1x16xf32>,
      %get3A_495 = vector.shape_cast %get3A_494 : vector<1x16xf32> to vector<16xf32>
      %mul3A_496 = arith.constant 16 : i32
      %mul3A_497 = arith.muli %scan3A_488, %mul3A_496 : i32
      %get3A_498 = arith.constant 30 : i32
      %get3A_499 = arith.index_cast %get3A_498 : i32 to index
      %get3A_500 = arith.index_cast %mul3A_497 : i32 to index
      %get3A_501 = tpu.vector_load %arg9[%get3A_499, %get3A_500] {strides = array<i32>} : memref<32x1024xf32, #tpu.memory_space<vmem>>, vector<1x16xf32>,
      %get3A_502 = vector.shape_cast %get3A_501 : vector<1x16xf32> to vector<16xf32>
      %add3A_503 = arith.addf %get3A_495, %get3A_502 : vector<16xf32>
      %mul3A_504 = arith.constant 16 : i32
      %mul3A_505 = arith.muli %scan3A_488, %mul3A_504 : i32
      %swap3A_506 = arith.constant 14 : i32
      %swap3A_507 = arith.index_cast %swap3A_506 : i32 to index
      %swap3A_508 = arith.index_cast %mul3A_505 : i32 to index
      %swap3A_509 = tpu.vector_load %arg9[%swap3A_507, %swap3A_508] {strides = array<i32>} : memref<32x1024xf32, #tpu.memory_space<vmem>>, vector<1x16xf32>,
      %swap3A_510 = vector.shape_cast %swap3A_509 : vector<1x16xf32> to vector<16xf32>
      %swap3A_511 = vector.shape_cast %add3A_503 : vector<16xf32> to vector<1x16xf32>
      tpu.vector_store %arg9[%swap3A_507, %swap3A_508], %swap3A_511 {strides = array<i32>} : memref<32x1024xf32, #tpu.memory_space<vmem>>, vector<1x16xf32>,
    }
    %scan3A_355 = arith.constant 64 : i32
    %scan3A_356 = arith.constant 0 : i32
    %scan3A_357 = arith.constant 64 : i32
    %scan3A_358 = arith.addi %scan3A_356, %scan3A_357 : i32
    %scan3A_359 = arith.constant 1 : i32
    scf.for %scan3A_488 = %scan3A_356 to %scan3A_358 step %scan3A_359  : i32 {
      %mul3A_489 = arith.constant 16 : i32
      %mul3A_490 = arith.muli %scan3A_488, %mul3A_489 : i32
      %get3A_491 = arith.constant 15 : i32
      %get3A_492 = arith.index_cast %get3A_491 : i32 to index
      %get3A_493 = arith.index_cast %mul3A_490 : i32 to index
      %get3A_494 = tpu.vector_load %arg9[%get3A_492, %get3A_493] {strides = array<i32>} : memref<32x1024xf32, #tpu.memory_space<vmem>>, vector<1x16xf32>,
      %get3A_495 = vector.shape_cast %get3A_494 : vector<1x16xf32> to vector<16xf32>
      %mul3A_496 = arith.constant 16 : i32
      %mul3A_497 = arith.muli %scan3A_488, %mul3A_496 : i32
      %get3A_498 = arith.constant 31 : i32
      %get3A_499 = arith.index_cast %get3A_498 : i32 to index
      %get3A_500 = arith.index_cast %mul3A_497 : i32 to index
      %get3A_501 = tpu.vector_load %arg9[%get3A_499, %get3A_500] {strides = array<i32>} : memref<32x1024xf32, #tpu.memory_space<vmem>>, vector<1x16xf32>,
      %get3A_502 = vector.shape_cast %get3A_501 : vector<1x16xf32> to vector<16xf32>
      %add3A_503 = arith.addf %get3A_495, %get3A_502 : vector<16xf32>
      %mul3A_504 = arith.constant 16 : i32
      %mul3A_505 = arith.muli %scan3A_488, %mul3A_504 : i32
      %swap3A_506 = arith.constant 15 : i32
      %swap3A_507 = arith.index_cast %swap3A_506 : i32 to index
      %swap3A_508 = arith.index_cast %mul3A_505 : i32 to index
      %swap3A_509 = tpu.vector_load %arg9[%swap3A_507, %swap3A_508] {strides = array<i32>} : memref<32x1024xf32, #tpu.memory_space<vmem>>, vector<1x16xf32>,
      %swap3A_510 = vector.shape_cast %swap3A_509 : vector<1x16xf32> to vector<16xf32>
      %swap3A_511 = vector.shape_cast %add3A_503 : vector<16xf32> to vector<1x16xf32>
      tpu.vector_store %arg9[%swap3A_507, %swap3A_508], %swap3A_511 {strides = array<i32>} : memref<32x1024xf32, #tpu.memory_space<vmem>>, vector<1x16xf32>,
    }
    %scan3A_360 = arith.constant 64 : i32
    %add3A_361 = arith.constant 32 : i32
    %add3A_362 = arith.addi %mul3A_2, %add3A_361 : i32
    %dma_start3A_363 = arith.constant 0 : i32
    %dma_start3A_364 = arith.constant 0 : i32
    %dma_start3A_365 = tpu.memref_slice %arg9[%dma_start3A_363, %dma_start3A_364] : memref<32x1024xf32, #tpu.memory_space<vmem>> -> memref<16x1024xf32, #tpu.memory_space<vmem>>
    %dma_start3A_366 = arith.constant 0 : i32
    %dma_start3A_367 = tpu.memref_slice %arg4[%add3A_362, %dma_start3A_366] : memref<2048x1024xf32, #tpu.memory_space<hbm>> -> memref<16x1024xf32, #tpu.memory_space<hbm>>
    %dma_start3A_368 = arith.constant 0 : i32
    %dma_start3A_369 = tpu.memref_slice %arg4[%add3A_362, %dma_start3A_368] : memref<2048x1024xf32, #tpu.memory_space<hbm>> -> memref<16x1024xf32, #tpu.memory_space<hbm>>
    %dma_start3A_370 = arith.constant 0 : i32
    %dma_start3A_371 = arith.constant 0 : i32
    %dma_start3A_372 = tpu.memref_slice %arg9[%dma_start3A_370, %dma_start3A_371] : memref<32x1024xf32, #tpu.memory_space<vmem>> -> memref<16x1024xf32, #tpu.memory_space<vmem>>
    tpu.enqueue_dma source(%dma_start3A_372 : memref<16x1024xf32, #tpu.memory_space<vmem>>) target(%dma_start3A_369 : memref<16x1024xf32, #tpu.memory_space<hbm>>) target_semaphore(%arg13 : memref<!tpu.dma_semaphore, #tpu.memory_space<semaphore_mem>>)
    %dma_wait3A_373 = arith.constant 0 : i32
    %dma_wait3A_374 = arith.constant 0 : i32
    %dma_wait3A_375 = tpu.memref_slice %arg2[%dma_wait3A_373, %dma_wait3A_374] : memref<6144x1024xf32, #tpu.memory_space<hbm>> -> memref<6144x1024xf32, #tpu.memory_space<hbm>>
    tpu.wait_indirect_dma semaphore(%arg12 : memref<!tpu.dma_semaphore, #tpu.memory_space<semaphore_mem>>) src(%dma_wait3A_375 : memref<6144x1024xf32, #tpu.memory_space<hbm>>) dst(%arg10 : memref<32x1024xf32, #tpu.memory_space<vmem>>)
    %scan3A_376 = arith.constant 0 : i32
    %scan3A_377 = arith.constant 64 : i32
    %scan3A_378 = arith.addi %scan3A_376, %scan3A_377 : i32
    %scan3A_379 = arith.constant 1 : i32
    scf.for %scan3A_488 = %scan3A_376 to %scan3A_378 step %scan3A_379  : i32 {
      %mul3A_489 = arith.constant 16 : i32
      %mul3A_490 = arith.muli %scan3A_488, %mul3A_489 : i32
      %get3A_491 = arith.constant 0 : i32
      %get3A_492 = arith.index_cast %get3A_491 : i32 to index
      %get3A_493 = arith.index_cast %mul3A_490 : i32 to index
      %get3A_494 = tpu.vector_load %arg10[%get3A_492, %get3A_493] {strides = array<i32>} : memref<32x1024xf32, #tpu.memory_space<vmem>>, vector<1x16xf32>,
      %get3A_495 = vector.shape_cast %get3A_494 : vector<1x16xf32> to vector<16xf32>
      %mul3A_496 = arith.constant 16 : i32
      %mul3A_497 = arith.muli %scan3A_488, %mul3A_496 : i32
      %get3A_498 = arith.constant 16 : i32
      %get3A_499 = arith.index_cast %get3A_498 : i32 to index
      %get3A_500 = arith.index_cast %mul3A_497 : i32 to index
      %get3A_501 = tpu.vector_load %arg10[%get3A_499, %get3A_500] {strides = array<i32>} : memref<32x1024xf32, #tpu.memory_space<vmem>>, vector<1x16xf32>,
      %get3A_502 = vector.shape_cast %get3A_501 : vector<1x16xf32> to vector<16xf32>
      %add3A_503 = arith.addf %get3A_495, %get3A_502 : vector<16xf32>
      %mul3A_504 = arith.constant 16 : i32
      %mul3A_505 = arith.muli %scan3A_488, %mul3A_504 : i32
      %swap3A_506 = arith.constant 0 : i32
      %swap3A_507 = arith.index_cast %swap3A_506 : i32 to index
      %swap3A_508 = arith.index_cast %mul3A_505 : i32 to index
      %swap3A_509 = tpu.vector_load %arg10[%swap3A_507, %swap3A_508] {strides = array<i32>} : memref<32x1024xf32, #tpu.memory_space<vmem>>, vector<1x16xf32>,
      %swap3A_510 = vector.shape_cast %swap3A_509 : vector<1x16xf32> to vector<16xf32>
      %swap3A_511 = vector.shape_cast %add3A_503 : vector<16xf32> to vector<1x16xf32>
      tpu.vector_store %arg10[%swap3A_507, %swap3A_508], %swap3A_511 {strides = array<i32>} : memref<32x1024xf32, #tpu.memory_space<vmem>>, vector<1x16xf32>,
    }
    %scan3A_380 = arith.constant 64 : i32
    %scan3A_381 = arith.constant 0 : i32
    %scan3A_382 = arith.constant 64 : i32
    %scan3A_383 = arith.addi %scan3A_381, %scan3A_382 : i32
    %scan3A_384 = arith.constant 1 : i32
    scf.for %scan3A_488 = %scan3A_381 to %scan3A_383 step %scan3A_384  : i32 {
      %mul3A_489 = arith.constant 16 : i32
      %mul3A_490 = arith.muli %scan3A_488, %mul3A_489 : i32
      %get3A_491 = arith.constant 1 : i32
      %get3A_492 = arith.index_cast %get3A_491 : i32 to index
      %get3A_493 = arith.index_cast %mul3A_490 : i32 to index
      %get3A_494 = tpu.vector_load %arg10[%get3A_492, %get3A_493] {strides = array<i32>} : memref<32x1024xf32, #tpu.memory_space<vmem>>, vector<1x16xf32>,
      %get3A_495 = vector.shape_cast %get3A_494 : vector<1x16xf32> to vector<16xf32>
      %mul3A_496 = arith.constant 16 : i32
      %mul3A_497 = arith.muli %scan3A_488, %mul3A_496 : i32
      %get3A_498 = arith.constant 17 : i32
      %get3A_499 = arith.index_cast %get3A_498 : i32 to index
      %get3A_500 = arith.index_cast %mul3A_497 : i32 to index
      %get3A_501 = tpu.vector_load %arg10[%get3A_499, %get3A_500] {strides = array<i32>} : memref<32x1024xf32, #tpu.memory_space<vmem>>, vector<1x16xf32>,
      %get3A_502 = vector.shape_cast %get3A_501 : vector<1x16xf32> to vector<16xf32>
      %add3A_503 = arith.addf %get3A_495, %get3A_502 : vector<16xf32>
      %mul3A_504 = arith.constant 16 : i32
      %mul3A_505 = arith.muli %scan3A_488, %mul3A_504 : i32
      %swap3A_506 = arith.constant 1 : i32
      %swap3A_507 = arith.index_cast %swap3A_506 : i32 to index
      %swap3A_508 = arith.index_cast %mul3A_505 : i32 to index
      %swap3A_509 = tpu.vector_load %arg10[%swap3A_507, %swap3A_508] {strides = array<i32>} : memref<32x1024xf32, #tpu.memory_space<vmem>>, vector<1x16xf32>,
      %swap3A_510 = vector.shape_cast %swap3A_509 : vector<1x16xf32> to vector<16xf32>
      %swap3A_511 = vector.shape_cast %add3A_503 : vector<16xf32> to vector<1x16xf32>
      tpu.vector_store %arg10[%swap3A_507, %swap3A_508], %swap3A_511 {strides = array<i32>} : memref<32x1024xf32, #tpu.memory_space<vmem>>, vector<1x16xf32>,
    }
    %scan3A_385 = arith.constant 64 : i32
    %scan3A_386 = arith.constant 0 : i32
    %scan3A_387 = arith.constant 64 : i32
    %scan3A_388 = arith.addi %scan3A_386, %scan3A_387 : i32
    %scan3A_389 = arith.constant 1 : i32
    scf.for %scan3A_488 = %scan3A_386 to %scan3A_388 step %scan3A_389  : i32 {
      %mul3A_489 = arith.constant 16 : i32
      %mul3A_490 = arith.muli %scan3A_488, %mul3A_489 : i32
      %get3A_491 = arith.constant 2 : i32
      %get3A_492 = arith.index_cast %get3A_491 : i32 to index
      %get3A_493 = arith.index_cast %mul3A_490 : i32 to index
      %get3A_494 = tpu.vector_load %arg10[%get3A_492, %get3A_493] {strides = array<i32>} : memref<32x1024xf32, #tpu.memory_space<vmem>>, vector<1x16xf32>,
      %get3A_495 = vector.shape_cast %get3A_494 : vector<1x16xf32> to vector<16xf32>
      %mul3A_496 = arith.constant 16 : i32
      %mul3A_497 = arith.muli %scan3A_488, %mul3A_496 : i32
      %get3A_498 = arith.constant 18 : i32
      %get3A_499 = arith.index_cast %get3A_498 : i32 to index
      %get3A_500 = arith.index_cast %mul3A_497 : i32 to index
      %get3A_501 = tpu.vector_load %arg10[%get3A_499, %get3A_500] {strides = array<i32>} : memref<32x1024xf32, #tpu.memory_space<vmem>>, vector<1x16xf32>,
      %get3A_502 = vector.shape_cast %get3A_501 : vector<1x16xf32> to vector<16xf32>
      %add3A_503 = arith.addf %get3A_495, %get3A_502 : vector<16xf32>
      %mul3A_504 = arith.constant 16 : i32
      %mul3A_505 = arith.muli %scan3A_488, %mul3A_504 : i32
      %swap3A_506 = arith.constant 2 : i32
      %swap3A_507 = arith.index_cast %swap3A_506 : i32 to index
      %swap3A_508 = arith.index_cast %mul3A_505 : i32 to index
      %swap3A_509 = tpu.vector_load %arg10[%swap3A_507, %swap3A_508] {strides = array<i32>} : memref<32x1024xf32, #tpu.memory_space<vmem>>, vector<1x16xf32>,
      %swap3A_510 = vector.shape_cast %swap3A_509 : vector<1x16xf32> to vector<16xf32>
      %swap3A_511 = vector.shape_cast %add3A_503 : vector<16xf32> to vector<1x16xf32>
      tpu.vector_store %arg10[%swap3A_507, %swap3A_508], %swap3A_511 {strides = array<i32>} : memref<32x1024xf32, #tpu.memory_space<vmem>>, vector<1x16xf32>,
    }
    %scan3A_390 = arith.constant 64 : i32
    %scan3A_391 = arith.constant 0 : i32
    %scan3A_392 = arith.constant 64 : i32
    %scan3A_393 = arith.addi %scan3A_391, %scan3A_392 : i32
    %scan3A_394 = arith.constant 1 : i32
    scf.for %scan3A_488 = %scan3A_391 to %scan3A_393 step %scan3A_394  : i32 {
      %mul3A_489 = arith.constant 16 : i32
      %mul3A_490 = arith.muli %scan3A_488, %mul3A_489 : i32
      %get3A_491 = arith.constant 3 : i32
      %get3A_492 = arith.index_cast %get3A_491 : i32 to index
      %get3A_493 = arith.index_cast %mul3A_490 : i32 to index
      %get3A_494 = tpu.vector_load %arg10[%get3A_492, %get3A_493] {strides = array<i32>} : memref<32x1024xf32, #tpu.memory_space<vmem>>, vector<1x16xf32>,
      %get3A_495 = vector.shape_cast %get3A_494 : vector<1x16xf32> to vector<16xf32>
      %mul3A_496 = arith.constant 16 : i32
      %mul3A_497 = arith.muli %scan3A_488, %mul3A_496 : i32
      %get3A_498 = arith.constant 19 : i32
      %get3A_499 = arith.index_cast %get3A_498 : i32 to index
      %get3A_500 = arith.index_cast %mul3A_497 : i32 to index
      %get3A_501 = tpu.vector_load %arg10[%get3A_499, %get3A_500] {strides = array<i32>} : memref<32x1024xf32, #tpu.memory_space<vmem>>, vector<1x16xf32>,
      %get3A_502 = vector.shape_cast %get3A_501 : vector<1x16xf32> to vector<16xf32>
      %add3A_503 = arith.addf %get3A_495, %get3A_502 : vector<16xf32>
      %mul3A_504 = arith.constant 16 : i32
      %mul3A_505 = arith.muli %scan3A_488, %mul3A_504 : i32
      %swap3A_506 = arith.constant 3 : i32
      %swap3A_507 = arith.index_cast %swap3A_506 : i32 to index
      %swap3A_508 = arith.index_cast %mul3A_505 : i32 to index
      %swap3A_509 = tpu.vector_load %arg10[%swap3A_507, %swap3A_508] {strides = array<i32>} : memref<32x1024xf32, #tpu.memory_space<vmem>>, vector<1x16xf32>,
      %swap3A_510 = vector.shape_cast %swap3A_509 : vector<1x16xf32> to vector<16xf32>
      %swap3A_511 = vector.shape_cast %add3A_503 : vector<16xf32> to vector<1x16xf32>
      tpu.vector_store %arg10[%swap3A_507, %swap3A_508], %swap3A_511 {strides = array<i32>} : memref<32x1024xf32, #tpu.memory_space<vmem>>, vector<1x16xf32>,
    }
    %scan3A_395 = arith.constant 64 : i32
    %scan3A_396 = arith.constant 0 : i32
    %scan3A_397 = arith.constant 64 : i32
    %scan3A_398 = arith.addi %scan3A_396, %scan3A_397 : i32
    %scan3A_399 = arith.constant 1 : i32
    scf.for %scan3A_488 = %scan3A_396 to %scan3A_398 step %scan3A_399  : i32 {
      %mul3A_489 = arith.constant 16 : i32
      %mul3A_490 = arith.muli %scan3A_488, %mul3A_489 : i32
      %get3A_491 = arith.constant 4 : i32
      %get3A_492 = arith.index_cast %get3A_491 : i32 to index
      %get3A_493 = arith.index_cast %mul3A_490 : i32 to index
      %get3A_494 = tpu.vector_load %arg10[%get3A_492, %get3A_493] {strides = array<i32>} : memref<32x1024xf32, #tpu.memory_space<vmem>>, vector<1x16xf32>,
      %get3A_495 = vector.shape_cast %get3A_494 : vector<1x16xf32> to vector<16xf32>
      %mul3A_496 = arith.constant 16 : i32
      %mul3A_497 = arith.muli %scan3A_488, %mul3A_496 : i32
      %get3A_498 = arith.constant 20 : i32
      %get3A_499 = arith.index_cast %get3A_498 : i32 to index
      %get3A_500 = arith.index_cast %mul3A_497 : i32 to index
      %get3A_501 = tpu.vector_load %arg10[%get3A_499, %get3A_500] {strides = array<i32>} : memref<32x1024xf32, #tpu.memory_space<vmem>>, vector<1x16xf32>,
      %get3A_502 = vector.shape_cast %get3A_501 : vector<1x16xf32> to vector<16xf32>
      %add3A_503 = arith.addf %get3A_495, %get3A_502 : vector<16xf32>
      %mul3A_504 = arith.constant 16 : i32
      %mul3A_505 = arith.muli %scan3A_488, %mul3A_504 : i32
      %swap3A_506 = arith.constant 4 : i32
      %swap3A_507 = arith.index_cast %swap3A_506 : i32 to index
      %swap3A_508 = arith.index_cast %mul3A_505 : i32 to index
      %swap3A_509 = tpu.vector_load %arg10[%swap3A_507, %swap3A_508] {strides = array<i32>} : memref<32x1024xf32, #tpu.memory_space<vmem>>, vector<1x16xf32>,
      %swap3A_510 = vector.shape_cast %swap3A_509 : vector<1x16xf32> to vector<16xf32>
      %swap3A_511 = vector.shape_cast %add3A_503 : vector<16xf32> to vector<1x16xf32>
      tpu.vector_store %arg10[%swap3A_507, %swap3A_508], %swap3A_511 {strides = array<i32>} : memref<32x1024xf32, #tpu.memory_space<vmem>>, vector<1x16xf32>,
    }
    %scan3A_400 = arith.constant 64 : i32
    %scan3A_401 = arith.constant 0 : i32
    %scan3A_402 = arith.constant 64 : i32
    %scan3A_403 = arith.addi %scan3A_401, %scan3A_402 : i32
    %scan3A_404 = arith.constant 1 : i32
    scf.for %scan3A_488 = %scan3A_401 to %scan3A_403 step %scan3A_404  : i32 {
      %mul3A_489 = arith.constant 16 : i32
      %mul3A_490 = arith.muli %scan3A_488, %mul3A_489 : i32
      %get3A_491 = arith.constant 5 : i32
      %get3A_492 = arith.index_cast %get3A_491 : i32 to index
      %get3A_493 = arith.index_cast %mul3A_490 : i32 to index
      %get3A_494 = tpu.vector_load %arg10[%get3A_492, %get3A_493] {strides = array<i32>} : memref<32x1024xf32, #tpu.memory_space<vmem>>, vector<1x16xf32>,
      %get3A_495 = vector.shape_cast %get3A_494 : vector<1x16xf32> to vector<16xf32>
      %mul3A_496 = arith.constant 16 : i32
      %mul3A_497 = arith.muli %scan3A_488, %mul3A_496 : i32
      %get3A_498 = arith.constant 21 : i32
      %get3A_499 = arith.index_cast %get3A_498 : i32 to index
      %get3A_500 = arith.index_cast %mul3A_497 : i32 to index
      %get3A_501 = tpu.vector_load %arg10[%get3A_499, %get3A_500] {strides = array<i32>} : memref<32x1024xf32, #tpu.memory_space<vmem>>, vector<1x16xf32>,
      %get3A_502 = vector.shape_cast %get3A_501 : vector<1x16xf32> to vector<16xf32>
      %add3A_503 = arith.addf %get3A_495, %get3A_502 : vector<16xf32>
      %mul3A_504 = arith.constant 16 : i32
      %mul3A_505 = arith.muli %scan3A_488, %mul3A_504 : i32
      %swap3A_506 = arith.constant 5 : i32
      %swap3A_507 = arith.index_cast %swap3A_506 : i32 to index
      %swap3A_508 = arith.index_cast %mul3A_505 : i32 to index
      %swap3A_509 = tpu.vector_load %arg10[%swap3A_507, %swap3A_508] {strides = array<i32>} : memref<32x1024xf32, #tpu.memory_space<vmem>>, vector<1x16xf32>,
      %swap3A_510 = vector.shape_cast %swap3A_509 : vector<1x16xf32> to vector<16xf32>
      %swap3A_511 = vector.shape_cast %add3A_503 : vector<16xf32> to vector<1x16xf32>
      tpu.vector_store %arg10[%swap3A_507, %swap3A_508], %swap3A_511 {strides = array<i32>} : memref<32x1024xf32, #tpu.memory_space<vmem>>, vector<1x16xf32>,
    }
    %scan3A_405 = arith.constant 64 : i32
    %scan3A_406 = arith.constant 0 : i32
    %scan3A_407 = arith.constant 64 : i32
    %scan3A_408 = arith.addi %scan3A_406, %scan3A_407 : i32
    %scan3A_409 = arith.constant 1 : i32
    scf.for %scan3A_488 = %scan3A_406 to %scan3A_408 step %scan3A_409  : i32 {
      %mul3A_489 = arith.constant 16 : i32
      %mul3A_490 = arith.muli %scan3A_488, %mul3A_489 : i32
      %get3A_491 = arith.constant 6 : i32
      %get3A_492 = arith.index_cast %get3A_491 : i32 to index
      %get3A_493 = arith.index_cast %mul3A_490 : i32 to index
      %get3A_494 = tpu.vector_load %arg10[%get3A_492, %get3A_493] {strides = array<i32>} : memref<32x1024xf32, #tpu.memory_space<vmem>>, vector<1x16xf32>,
      %get3A_495 = vector.shape_cast %get3A_494 : vector<1x16xf32> to vector<16xf32>
      %mul3A_496 = arith.constant 16 : i32
      %mul3A_497 = arith.muli %scan3A_488, %mul3A_496 : i32
      %get3A_498 = arith.constant 22 : i32
      %get3A_499 = arith.index_cast %get3A_498 : i32 to index
      %get3A_500 = arith.index_cast %mul3A_497 : i32 to index
      %get3A_501 = tpu.vector_load %arg10[%get3A_499, %get3A_500] {strides = array<i32>} : memref<32x1024xf32, #tpu.memory_space<vmem>>, vector<1x16xf32>,
      %get3A_502 = vector.shape_cast %get3A_501 : vector<1x16xf32> to vector<16xf32>
      %add3A_503 = arith.addf %get3A_495, %get3A_502 : vector<16xf32>
      %mul3A_504 = arith.constant 16 : i32
      %mul3A_505 = arith.muli %scan3A_488, %mul3A_504 : i32
      %swap3A_506 = arith.constant 6 : i32
      %swap3A_507 = arith.index_cast %swap3A_506 : i32 to index
      %swap3A_508 = arith.index_cast %mul3A_505 : i32 to index
      %swap3A_509 = tpu.vector_load %arg10[%swap3A_507, %swap3A_508] {strides = array<i32>} : memref<32x1024xf32, #tpu.memory_space<vmem>>, vector<1x16xf32>,
      %swap3A_510 = vector.shape_cast %swap3A_509 : vector<1x16xf32> to vector<16xf32>
      %swap3A_511 = vector.shape_cast %add3A_503 : vector<16xf32> to vector<1x16xf32>
      tpu.vector_store %arg10[%swap3A_507, %swap3A_508], %swap3A_511 {strides = array<i32>} : memref<32x1024xf32, #tpu.memory_space<vmem>>, vector<1x16xf32>,
    }
    %scan3A_410 = arith.constant 64 : i32
    %scan3A_411 = arith.constant 0 : i32
    %scan3A_412 = arith.constant 64 : i32
    %scan3A_413 = arith.addi %scan3A_411, %scan3A_412 : i32
    %scan3A_414 = arith.constant 1 : i32
    scf.for %scan3A_488 = %scan3A_411 to %scan3A_413 step %scan3A_414  : i32 {
      %mul3A_489 = arith.constant 16 : i32
      %mul3A_490 = arith.muli %scan3A_488, %mul3A_489 : i32
      %get3A_491 = arith.constant 7 : i32
      %get3A_492 = arith.index_cast %get3A_491 : i32 to index
      %get3A_493 = arith.index_cast %mul3A_490 : i32 to index
      %get3A_494 = tpu.vector_load %arg10[%get3A_492, %get3A_493] {strides = array<i32>} : memref<32x1024xf32, #tpu.memory_space<vmem>>, vector<1x16xf32>,
      %get3A_495 = vector.shape_cast %get3A_494 : vector<1x16xf32> to vector<16xf32>
      %mul3A_496 = arith.constant 16 : i32
      %mul3A_497 = arith.muli %scan3A_488, %mul3A_496 : i32
      %get3A_498 = arith.constant 23 : i32
      %get3A_499 = arith.index_cast %get3A_498 : i32 to index
      %get3A_500 = arith.index_cast %mul3A_497 : i32 to index
      %get3A_501 = tpu.vector_load %arg10[%get3A_499, %get3A_500] {strides = array<i32>} : memref<32x1024xf32, #tpu.memory_space<vmem>>, vector<1x16xf32>,
      %get3A_502 = vector.shape_cast %get3A_501 : vector<1x16xf32> to vector<16xf32>
      %add3A_503 = arith.addf %get3A_495, %get3A_502 : vector<16xf32>
      %mul3A_504 = arith.constant 16 : i32
      %mul3A_505 = arith.muli %scan3A_488, %mul3A_504 : i32
      %swap3A_506 = arith.constant 7 : i32
      %swap3A_507 = arith.index_cast %swap3A_506 : i32 to index
      %swap3A_508 = arith.index_cast %mul3A_505 : i32 to index
      %swap3A_509 = tpu.vector_load %arg10[%swap3A_507, %swap3A_508] {strides = array<i32>} : memref<32x1024xf32, #tpu.memory_space<vmem>>, vector<1x16xf32>,
      %swap3A_510 = vector.shape_cast %swap3A_509 : vector<1x16xf32> to vector<16xf32>
      %swap3A_511 = vector.shape_cast %add3A_503 : vector<16xf32> to vector<1x16xf32>
      tpu.vector_store %arg10[%swap3A_507, %swap3A_508], %swap3A_511 {strides = array<i32>} : memref<32x1024xf32, #tpu.memory_space<vmem>>, vector<1x16xf32>,
    }
    %scan3A_415 = arith.constant 64 : i32
    %scan3A_416 = arith.constant 0 : i32
    %scan3A_417 = arith.constant 64 : i32
    %scan3A_418 = arith.addi %scan3A_416, %scan3A_417 : i32
    %scan3A_419 = arith.constant 1 : i32
    scf.for %scan3A_488 = %scan3A_416 to %scan3A_418 step %scan3A_419  : i32 {
      %mul3A_489 = arith.constant 16 : i32
      %mul3A_490 = arith.muli %scan3A_488, %mul3A_489 : i32
      %get3A_491 = arith.constant 8 : i32
      %get3A_492 = arith.index_cast %get3A_491 : i32 to index
      %get3A_493 = arith.index_cast %mul3A_490 : i32 to index
      %get3A_494 = tpu.vector_load %arg10[%get3A_492, %get3A_493] {strides = array<i32>} : memref<32x1024xf32, #tpu.memory_space<vmem>>, vector<1x16xf32>,
      %get3A_495 = vector.shape_cast %get3A_494 : vector<1x16xf32> to vector<16xf32>
      %mul3A_496 = arith.constant 16 : i32
      %mul3A_497 = arith.muli %scan3A_488, %mul3A_496 : i32
      %get3A_498 = arith.constant 24 : i32
      %get3A_499 = arith.index_cast %get3A_498 : i32 to index
      %get3A_500 = arith.index_cast %mul3A_497 : i32 to index
      %get3A_501 = tpu.vector_load %arg10[%get3A_499, %get3A_500] {strides = array<i32>} : memref<32x1024xf32, #tpu.memory_space<vmem>>, vector<1x16xf32>,
      %get3A_502 = vector.shape_cast %get3A_501 : vector<1x16xf32> to vector<16xf32>
      %add3A_503 = arith.addf %get3A_495, %get3A_502 : vector<16xf32>
      %mul3A_504 = arith.constant 16 : i32
      %mul3A_505 = arith.muli %scan3A_488, %mul3A_504 : i32
      %swap3A_506 = arith.constant 8 : i32
      %swap3A_507 = arith.index_cast %swap3A_506 : i32 to index
      %swap3A_508 = arith.index_cast %mul3A_505 : i32 to index
      %swap3A_509 = tpu.vector_load %arg10[%swap3A_507, %swap3A_508] {strides = array<i32>} : memref<32x1024xf32, #tpu.memory_space<vmem>>, vector<1x16xf32>,
      %swap3A_510 = vector.shape_cast %swap3A_509 : vector<1x16xf32> to vector<16xf32>
      %swap3A_511 = vector.shape_cast %add3A_503 : vector<16xf32> to vector<1x16xf32>
      tpu.vector_store %arg10[%swap3A_507, %swap3A_508], %swap3A_511 {strides = array<i32>} : memref<32x1024xf32, #tpu.memory_space<vmem>>, vector<1x16xf32>,
    }
    %scan3A_420 = arith.constant 64 : i32
    %scan3A_421 = arith.constant 0 : i32
    %scan3A_422 = arith.constant 64 : i32
    %scan3A_423 = arith.addi %scan3A_421, %scan3A_422 : i32
    %scan3A_424 = arith.constant 1 : i32
    scf.for %scan3A_488 = %scan3A_421 to %scan3A_423 step %scan3A_424  : i32 {
      %mul3A_489 = arith.constant 16 : i32
      %mul3A_490 = arith.muli %scan3A_488, %mul3A_489 : i32
      %get3A_491 = arith.constant 9 : i32
      %get3A_492 = arith.index_cast %get3A_491 : i32 to index
      %get3A_493 = arith.index_cast %mul3A_490 : i32 to index
      %get3A_494 = tpu.vector_load %arg10[%get3A_492, %get3A_493] {strides = array<i32>} : memref<32x1024xf32, #tpu.memory_space<vmem>>, vector<1x16xf32>,
      %get3A_495 = vector.shape_cast %get3A_494 : vector<1x16xf32> to vector<16xf32>
      %mul3A_496 = arith.constant 16 : i32
      %mul3A_497 = arith.muli %scan3A_488, %mul3A_496 : i32
      %get3A_498 = arith.constant 25 : i32
      %get3A_499 = arith.index_cast %get3A_498 : i32 to index
      %get3A_500 = arith.index_cast %mul3A_497 : i32 to index
      %get3A_501 = tpu.vector_load %arg10[%get3A_499, %get3A_500] {strides = array<i32>} : memref<32x1024xf32, #tpu.memory_space<vmem>>, vector<1x16xf32>,
      %get3A_502 = vector.shape_cast %get3A_501 : vector<1x16xf32> to vector<16xf32>
      %add3A_503 = arith.addf %get3A_495, %get3A_502 : vector<16xf32>
      %mul3A_504 = arith.constant 16 : i32
      %mul3A_505 = arith.muli %scan3A_488, %mul3A_504 : i32
      %swap3A_506 = arith.constant 9 : i32
      %swap3A_507 = arith.index_cast %swap3A_506 : i32 to index
      %swap3A_508 = arith.index_cast %mul3A_505 : i32 to index
      %swap3A_509 = tpu.vector_load %arg10[%swap3A_507, %swap3A_508] {strides = array<i32>} : memref<32x1024xf32, #tpu.memory_space<vmem>>, vector<1x16xf32>,
      %swap3A_510 = vector.shape_cast %swap3A_509 : vector<1x16xf32> to vector<16xf32>
      %swap3A_511 = vector.shape_cast %add3A_503 : vector<16xf32> to vector<1x16xf32>
      tpu.vector_store %arg10[%swap3A_507, %swap3A_508], %swap3A_511 {strides = array<i32>} : memref<32x1024xf32, #tpu.memory_space<vmem>>, vector<1x16xf32>,
    }
    %scan3A_425 = arith.constant 64 : i32
    %scan3A_426 = arith.constant 0 : i32
    %scan3A_427 = arith.constant 64 : i32
    %scan3A_428 = arith.addi %scan3A_426, %scan3A_427 : i32
    %scan3A_429 = arith.constant 1 : i32
    scf.for %scan3A_488 = %scan3A_426 to %scan3A_428 step %scan3A_429  : i32 {
      %mul3A_489 = arith.constant 16 : i32
      %mul3A_490 = arith.muli %scan3A_488, %mul3A_489 : i32
      %get3A_491 = arith.constant 10 : i32
      %get3A_492 = arith.index_cast %get3A_491 : i32 to index
      %get3A_493 = arith.index_cast %mul3A_490 : i32 to index
      %get3A_494 = tpu.vector_load %arg10[%get3A_492, %get3A_493] {strides = array<i32>} : memref<32x1024xf32, #tpu.memory_space<vmem>>, vector<1x16xf32>,
      %get3A_495 = vector.shape_cast %get3A_494 : vector<1x16xf32> to vector<16xf32>
      %mul3A_496 = arith.constant 16 : i32
      %mul3A_497 = arith.muli %scan3A_488, %mul3A_496 : i32
      %get3A_498 = arith.constant 26 : i32
      %get3A_499 = arith.index_cast %get3A_498 : i32 to index
      %get3A_500 = arith.index_cast %mul3A_497 : i32 to index
      %get3A_501 = tpu.vector_load %arg10[%get3A_499, %get3A_500] {strides = array<i32>} : memref<32x1024xf32, #tpu.memory_space<vmem>>, vector<1x16xf32>,
      %get3A_502 = vector.shape_cast %get3A_501 : vector<1x16xf32> to vector<16xf32>
      %add3A_503 = arith.addf %get3A_495, %get3A_502 : vector<16xf32>
      %mul3A_504 = arith.constant 16 : i32
      %mul3A_505 = arith.muli %scan3A_488, %mul3A_504 : i32
      %swap3A_506 = arith.constant 10 : i32
      %swap3A_507 = arith.index_cast %swap3A_506 : i32 to index
      %swap3A_508 = arith.index_cast %mul3A_505 : i32 to index
      %swap3A_509 = tpu.vector_load %arg10[%swap3A_507, %swap3A_508] {strides = array<i32>} : memref<32x1024xf32, #tpu.memory_space<vmem>>, vector<1x16xf32>,
      %swap3A_510 = vector.shape_cast %swap3A_509 : vector<1x16xf32> to vector<16xf32>
      %swap3A_511 = vector.shape_cast %add3A_503 : vector<16xf32> to vector<1x16xf32>
      tpu.vector_store %arg10[%swap3A_507, %swap3A_508], %swap3A_511 {strides = array<i32>} : memref<32x1024xf32, #tpu.memory_space<vmem>>, vector<1x16xf32>,
    }
    %scan3A_430 = arith.constant 64 : i32
    %scan3A_431 = arith.constant 0 : i32
    %scan3A_432 = arith.constant 64 : i32
    %scan3A_433 = arith.addi %scan3A_431, %scan3A_432 : i32
    %scan3A_434 = arith.constant 1 : i32
    scf.for %scan3A_488 = %scan3A_431 to %scan3A_433 step %scan3A_434  : i32 {
      %mul3A_489 = arith.constant 16 : i32
      %mul3A_490 = arith.muli %scan3A_488, %mul3A_489 : i32
      %get3A_491 = arith.constant 11 : i32
      %get3A_492 = arith.index_cast %get3A_491 : i32 to index
      %get3A_493 = arith.index_cast %mul3A_490 : i32 to index
      %get3A_494 = tpu.vector_load %arg10[%get3A_492, %get3A_493] {strides = array<i32>} : memref<32x1024xf32, #tpu.memory_space<vmem>>, vector<1x16xf32>,
      %get3A_495 = vector.shape_cast %get3A_494 : vector<1x16xf32> to vector<16xf32>
      %mul3A_496 = arith.constant 16 : i32
      %mul3A_497 = arith.muli %scan3A_488, %mul3A_496 : i32
      %get3A_498 = arith.constant 27 : i32
      %get3A_499 = arith.index_cast %get3A_498 : i32 to index
      %get3A_500 = arith.index_cast %mul3A_497 : i32 to index
      %get3A_501 = tpu.vector_load %arg10[%get3A_499, %get3A_500] {strides = array<i32>} : memref<32x1024xf32, #tpu.memory_space<vmem>>, vector<1x16xf32>,
      %get3A_502 = vector.shape_cast %get3A_501 : vector<1x16xf32> to vector<16xf32>
      %add3A_503 = arith.addf %get3A_495, %get3A_502 : vector<16xf32>
      %mul3A_504 = arith.constant 16 : i32
      %mul3A_505 = arith.muli %scan3A_488, %mul3A_504 : i32
      %swap3A_506 = arith.constant 11 : i32
      %swap3A_507 = arith.index_cast %swap3A_506 : i32 to index
      %swap3A_508 = arith.index_cast %mul3A_505 : i32 to index
      %swap3A_509 = tpu.vector_load %arg10[%swap3A_507, %swap3A_508] {strides = array<i32>} : memref<32x1024xf32, #tpu.memory_space<vmem>>, vector<1x16xf32>,
      %swap3A_510 = vector.shape_cast %swap3A_509 : vector<1x16xf32> to vector<16xf32>
      %swap3A_511 = vector.shape_cast %add3A_503 : vector<16xf32> to vector<1x16xf32>
      tpu.vector_store %arg10[%swap3A_507, %swap3A_508], %swap3A_511 {strides = array<i32>} : memref<32x1024xf32, #tpu.memory_space<vmem>>, vector<1x16xf32>,
    }
    %scan3A_435 = arith.constant 64 : i32
    %scan3A_436 = arith.constant 0 : i32
    %scan3A_437 = arith.constant 64 : i32
    %scan3A_438 = arith.addi %scan3A_436, %scan3A_437 : i32
    %scan3A_439 = arith.constant 1 : i32
    scf.for %scan3A_488 = %scan3A_436 to %scan3A_438 step %scan3A_439  : i32 {
      %mul3A_489 = arith.constant 16 : i32
      %mul3A_490 = arith.muli %scan3A_488, %mul3A_489 : i32
      %get3A_491 = arith.constant 12 : i32
      %get3A_492 = arith.index_cast %get3A_491 : i32 to index
      %get3A_493 = arith.index_cast %mul3A_490 : i32 to index
      %get3A_494 = tpu.vector_load %arg10[%get3A_492, %get3A_493] {strides = array<i32>} : memref<32x1024xf32, #tpu.memory_space<vmem>>, vector<1x16xf32>,
      %get3A_495 = vector.shape_cast %get3A_494 : vector<1x16xf32> to vector<16xf32>
      %mul3A_496 = arith.constant 16 : i32
      %mul3A_497 = arith.muli %scan3A_488, %mul3A_496 : i32
      %get3A_498 = arith.constant 28 : i32
      %get3A_499 = arith.index_cast %get3A_498 : i32 to index
      %get3A_500 = arith.index_cast %mul3A_497 : i32 to index
      %get3A_501 = tpu.vector_load %arg10[%get3A_499, %get3A_500] {strides = array<i32>} : memref<32x1024xf32, #tpu.memory_space<vmem>>, vector<1x16xf32>,
      %get3A_502 = vector.shape_cast %get3A_501 : vector<1x16xf32> to vector<16xf32>
      %add3A_503 = arith.addf %get3A_495, %get3A_502 : vector<16xf32>
      %mul3A_504 = arith.constant 16 : i32
      %mul3A_505 = arith.muli %scan3A_488, %mul3A_504 : i32
      %swap3A_506 = arith.constant 12 : i32
      %swap3A_507 = arith.index_cast %swap3A_506 : i32 to index
      %swap3A_508 = arith.index_cast %mul3A_505 : i32 to index
      %swap3A_509 = tpu.vector_load %arg10[%swap3A_507, %swap3A_508] {strides = array<i32>} : memref<32x1024xf32, #tpu.memory_space<vmem>>, vector<1x16xf32>,
      %swap3A_510 = vector.shape_cast %swap3A_509 : vector<1x16xf32> to vector<16xf32>
      %swap3A_511 = vector.shape_cast %add3A_503 : vector<16xf32> to vector<1x16xf32>
      tpu.vector_store %arg10[%swap3A_507, %swap3A_508], %swap3A_511 {strides = array<i32>} : memref<32x1024xf32, #tpu.memory_space<vmem>>, vector<1x16xf32>,
    }
    %scan3A_440 = arith.constant 64 : i32
    %scan3A_441 = arith.constant 0 : i32
    %scan3A_442 = arith.constant 64 : i32
    %scan3A_443 = arith.addi %scan3A_441, %scan3A_442 : i32
    %scan3A_444 = arith.constant 1 : i32
    scf.for %scan3A_488 = %scan3A_441 to %scan3A_443 step %scan3A_444  : i32 {
      %mul3A_489 = arith.constant 16 : i32
      %mul3A_490 = arith.muli %scan3A_488, %mul3A_489 : i32
      %get3A_491 = arith.constant 13 : i32
      %get3A_492 = arith.index_cast %get3A_491 : i32 to index
      %get3A_493 = arith.index_cast %mul3A_490 : i32 to index
      %get3A_494 = tpu.vector_load %arg10[%get3A_492, %get3A_493] {strides = array<i32>} : memref<32x1024xf32, #tpu.memory_space<vmem>>, vector<1x16xf32>,
      %get3A_495 = vector.shape_cast %get3A_494 : vector<1x16xf32> to vector<16xf32>
      %mul3A_496 = arith.constant 16 : i32
      %mul3A_497 = arith.muli %scan3A_488, %mul3A_496 : i32
      %get3A_498 = arith.constant 29 : i32
      %get3A_499 = arith.index_cast %get3A_498 : i32 to index
      %get3A_500 = arith.index_cast %mul3A_497 : i32 to index
      %get3A_501 = tpu.vector_load %arg10[%get3A_499, %get3A_500] {strides = array<i32>} : memref<32x1024xf32, #tpu.memory_space<vmem>>, vector<1x16xf32>,
      %get3A_502 = vector.shape_cast %get3A_501 : vector<1x16xf32> to vector<16xf32>
      %add3A_503 = arith.addf %get3A_495, %get3A_502 : vector<16xf32>
      %mul3A_504 = arith.constant 16 : i32
      %mul3A_505 = arith.muli %scan3A_488, %mul3A_504 : i32
      %swap3A_506 = arith.constant 13 : i32
      %swap3A_507 = arith.index_cast %swap3A_506 : i32 to index
      %swap3A_508 = arith.index_cast %mul3A_505 : i32 to index
      %swap3A_509 = tpu.vector_load %arg10[%swap3A_507, %swap3A_508] {strides = array<i32>} : memref<32x1024xf32, #tpu.memory_space<vmem>>, vector<1x16xf32>,
      %swap3A_510 = vector.shape_cast %swap3A_509 : vector<1x16xf32> to vector<16xf32>
      %swap3A_511 = vector.shape_cast %add3A_503 : vector<16xf32> to vector<1x16xf32>
      tpu.vector_store %arg10[%swap3A_507, %swap3A_508], %swap3A_511 {strides = array<i32>} : memref<32x1024xf32, #tpu.memory_space<vmem>>, vector<1x16xf32>,
    }
    %scan3A_445 = arith.constant 64 : i32
    %scan3A_446 = arith.constant 0 : i32
    %scan3A_447 = arith.constant 64 : i32
    %scan3A_448 = arith.addi %scan3A_446, %scan3A_447 : i32
    %scan3A_449 = arith.constant 1 : i32
    scf.for %scan3A_488 = %scan3A_446 to %scan3A_448 step %scan3A_449  : i32 {
      %mul3A_489 = arith.constant 16 : i32
      %mul3A_490 = arith.muli %scan3A_488, %mul3A_489 : i32
      %get3A_491 = arith.constant 14 : i32
      %get3A_492 = arith.index_cast %get3A_491 : i32 to index
      %get3A_493 = arith.index_cast %mul3A_490 : i32 to index
      %get3A_494 = tpu.vector_load %arg10[%get3A_492, %get3A_493] {strides = array<i32>} : memref<32x1024xf32, #tpu.memory_space<vmem>>, vector<1x16xf32>,
      %get3A_495 = vector.shape_cast %get3A_494 : vector<1x16xf32> to vector<16xf32>
      %mul3A_496 = arith.constant 16 : i32
      %mul3A_497 = arith.muli %scan3A_488, %mul3A_496 : i32
      %get3A_498 = arith.constant 30 : i32
      %get3A_499 = arith.index_cast %get3A_498 : i32 to index
      %get3A_500 = arith.index_cast %mul3A_497 : i32 to index
      %get3A_501 = tpu.vector_load %arg10[%get3A_499, %get3A_500] {strides = array<i32>} : memref<32x1024xf32, #tpu.memory_space<vmem>>, vector<1x16xf32>,
      %get3A_502 = vector.shape_cast %get3A_501 : vector<1x16xf32> to vector<16xf32>
      %add3A_503 = arith.addf %get3A_495, %get3A_502 : vector<16xf32>
      %mul3A_504 = arith.constant 16 : i32
      %mul3A_505 = arith.muli %scan3A_488, %mul3A_504 : i32
      %swap3A_506 = arith.constant 14 : i32
      %swap3A_507 = arith.index_cast %swap3A_506 : i32 to index
      %swap3A_508 = arith.index_cast %mul3A_505 : i32 to index
      %swap3A_509 = tpu.vector_load %arg10[%swap3A_507, %swap3A_508] {strides = array<i32>} : memref<32x1024xf32, #tpu.memory_space<vmem>>, vector<1x16xf32>,
      %swap3A_510 = vector.shape_cast %swap3A_509 : vector<1x16xf32> to vector<16xf32>
      %swap3A_511 = vector.shape_cast %add3A_503 : vector<16xf32> to vector<1x16xf32>
      tpu.vector_store %arg10[%swap3A_507, %swap3A_508], %swap3A_511 {strides = array<i32>} : memref<32x1024xf32, #tpu.memory_space<vmem>>, vector<1x16xf32>,
    }
    %scan3A_450 = arith.constant 64 : i32
    %scan3A_451 = arith.constant 0 : i32
    %scan3A_452 = arith.constant 64 : i32
    %scan3A_453 = arith.addi %scan3A_451, %scan3A_452 : i32
    %scan3A_454 = arith.constant 1 : i32
    scf.for %scan3A_488 = %scan3A_451 to %scan3A_453 step %scan3A_454  : i32 {
      %mul3A_489 = arith.constant 16 : i32
      %mul3A_490 = arith.muli %scan3A_488, %mul3A_489 : i32
      %get3A_491 = arith.constant 15 : i32
      %get3A_492 = arith.index_cast %get3A_491 : i32 to index
      %get3A_493 = arith.index_cast %mul3A_490 : i32 to index
      %get3A_494 = tpu.vector_load %arg10[%get3A_492, %get3A_493] {strides = array<i32>} : memref<32x1024xf32, #tpu.memory_space<vmem>>, vector<1x16xf32>,
      %get3A_495 = vector.shape_cast %get3A_494 : vector<1x16xf32> to vector<16xf32>
      %mul3A_496 = arith.constant 16 : i32
      %mul3A_497 = arith.muli %scan3A_488, %mul3A_496 : i32
      %get3A_498 = arith.constant 31 : i32
      %get3A_499 = arith.index_cast %get3A_498 : i32 to index
      %get3A_500 = arith.index_cast %mul3A_497 : i32 to index
      %get3A_501 = tpu.vector_load %arg10[%get3A_499, %get3A_500] {strides = array<i32>} : memref<32x1024xf32, #tpu.memory_space<vmem>>, vector<1x16xf32>,
      %get3A_502 = vector.shape_cast %get3A_501 : vector<1x16xf32> to vector<16xf32>
      %add3A_503 = arith.addf %get3A_495, %get3A_502 : vector<16xf32>
      %mul3A_504 = arith.constant 16 : i32
      %mul3A_505 = arith.muli %scan3A_488, %mul3A_504 : i32
      %swap3A_506 = arith.constant 15 : i32
      %swap3A_507 = arith.index_cast %swap3A_506 : i32 to index
      %swap3A_508 = arith.index_cast %mul3A_505 : i32 to index
      %swap3A_509 = tpu.vector_load %arg10[%swap3A_507, %swap3A_508] {strides = array<i32>} : memref<32x1024xf32, #tpu.memory_space<vmem>>, vector<1x16xf32>,
      %swap3A_510 = vector.shape_cast %swap3A_509 : vector<1x16xf32> to vector<16xf32>
      %swap3A_511 = vector.shape_cast %add3A_503 : vector<16xf32> to vector<1x16xf32>
      tpu.vector_store %arg10[%swap3A_507, %swap3A_508], %swap3A_511 {strides = array<i32>} : memref<32x1024xf32, #tpu.memory_space<vmem>>, vector<1x16xf32>,
    }
    %scan3A_455 = arith.constant 64 : i32
    %add3A_456 = arith.constant 48 : i32
    %add3A_457 = arith.addi %mul3A_2, %add3A_456 : i32
    %dma_start3A_458 = arith.constant 0 : i32
    %dma_start3A_459 = arith.constant 0 : i32
    %dma_start3A_460 = tpu.memref_slice %arg10[%dma_start3A_458, %dma_start3A_459] : memref<32x1024xf32, #tpu.memory_space<vmem>> -> memref<16x1024xf32, #tpu.memory_space<vmem>>
    %dma_start3A_461 = arith.constant 0 : i32
    %dma_start3A_462 = tpu.memref_slice %arg4[%add3A_457, %dma_start3A_461] : memref<2048x1024xf32, #tpu.memory_space<hbm>> -> memref<16x1024xf32, #tpu.memory_space<hbm>>
    %dma_start3A_463 = arith.constant 0 : i32
    %dma_start3A_464 = tpu.memref_slice %arg4[%add3A_457, %dma_start3A_463] : memref<2048x1024xf32, #tpu.memory_space<hbm>> -> memref<16x1024xf32, #tpu.memory_space<hbm>>
    %dma_start3A_465 = arith.constant 0 : i32
    %dma_start3A_466 = arith.constant 0 : i32
    %dma_start3A_467 = tpu.memref_slice %arg10[%dma_start3A_465, %dma_start3A_466] : memref<32x1024xf32, #tpu.memory_space<vmem>> -> memref<16x1024xf32, #tpu.memory_space<vmem>>
    tpu.enqueue_dma source(%dma_start3A_467 : memref<16x1024xf32, #tpu.memory_space<vmem>>) target(%dma_start3A_464 : memref<16x1024xf32, #tpu.memory_space<hbm>>) target_semaphore(%arg14 : memref<!tpu.dma_semaphore, #tpu.memory_space<semaphore_mem>>)
    %dma_wait3A_468 = arith.constant 0 : i32
    %dma_wait3A_469 = arith.constant 0 : i32
    %dma_wait3A_470 = tpu.memref_slice %arg9[%dma_wait3A_468, %dma_wait3A_469] : memref<32x1024xf32, #tpu.memory_space<vmem>> -> memref<16x1024xf32, #tpu.memory_space<vmem>>
    %dma_wait3A_471 = arith.constant 0 : i32
    %dma_wait3A_472 = tpu.memref_slice %arg4[%add3A_362, %dma_wait3A_471] : memref<2048x1024xf32, #tpu.memory_space<hbm>> -> memref<16x1024xf32, #tpu.memory_space<hbm>>
    %dma_wait3A_473 = arith.constant 0 : i32
    %dma_wait3A_474 = tpu.memref_slice %arg4[%add3A_362, %dma_wait3A_473] : memref<2048x1024xf32, #tpu.memory_space<hbm>> -> memref<16x1024xf32, #tpu.memory_space<hbm>>
    %dma_wait3A_475 = arith.constant 0 : i32
    %dma_wait3A_476 = arith.constant 0 : i32
    %dma_wait3A_477 = tpu.memref_slice %arg9[%dma_wait3A_475, %dma_wait3A_476] : memref<32x1024xf32, #tpu.memory_space<vmem>> -> memref<16x1024xf32, #tpu.memory_space<vmem>>
    tpu.wait_dma2 semaphore(%arg13 : memref<!tpu.dma_semaphore, #tpu.memory_space<semaphore_mem>>) src(%dma_wait3A_477 : memref<16x1024xf32, #tpu.memory_space<vmem>>) dst(%dma_wait3A_474 : memref<16x1024xf32, #tpu.memory_space<hbm>>)
    %dma_wait3A_478 = arith.constant 0 : i32
    %dma_wait3A_479 = arith.constant 0 : i32
    %dma_wait3A_480 = tpu.memref_slice %arg10[%dma_wait3A_478, %dma_wait3A_479] : memref<32x1024xf32, #tpu.memory_space<vmem>> -> memref<16x1024xf32, #tpu.memory_space<vmem>>
    %dma_wait3A_481 = arith.constant 0 : i32
    %dma_wait3A_482 = tpu.memref_slice %arg4[%add3A_457, %dma_wait3A_481] : memref<2048x1024xf32, #tpu.memory_space<hbm>> -> memref<16x1024xf32, #tpu.memory_space<hbm>>
    %dma_wait3A_483 = arith.constant 0 : i32
    %dma_wait3A_484 = tpu.memref_slice %arg4[%add3A_457, %dma_wait3A_483] : memref<2048x1024xf32, #tpu.memory_space<hbm>> -> memref<16x1024xf32, #tpu.memory_space<hbm>>
    %dma_wait3A_485 = arith.constant 0 : i32
    %dma_wait3A_486 = arith.constant 0 : i32
    %dma_wait3A_487 = tpu.memref_slice %arg10[%dma_wait3A_485, %dma_wait3A_486] : memref<32x1024xf32, #tpu.memory_space<vmem>> -> memref<16x1024xf32, #tpu.memory_space<vmem>>
    tpu.wait_dma2 semaphore(%arg14 : memref<!tpu.dma_semaphore, #tpu.memory_space<semaphore_mem>>) src(%dma_wait3A_487 : memref<16x1024xf32, #tpu.memory_space<vmem>>) dst(%dma_wait3A_484 : memref<16x1024xf32, #tpu.memory_space<hbm>>)
    return
  }
}

module attributes {stable_mosaic.version = 14 : i64} {
  func.func @_gmm_body(%arg0: i32, %arg1: memref<128xi32, #tpu.memory_space<smem>>, %arg2: memref<128xi32, #tpu.memory_space<smem>>, %arg3: memref<128xi32, #tpu.memory_space<smem>>, %arg4: memref<128xi32, #tpu.memory_space<smem>>, %arg5: memref<256x1024xf32, #tpu.memory_space<vmem>>, %arg6: memref<8x2048x1024xf32, #tpu.memory_space<any>>, %arg7: memref<8x2048x1024xf32, #tpu.memory_space<any>>, %arg8: memref<8x1024x2048xf32, #tpu.memory_space<any>>, %arg9: memref<256x128xf32, #tpu.memory_space<vmem>>, %arg10: memref<256x1024xf32, #tpu.memory_space<vmem>>, %arg11: memref<2x2048x1024xf32, #tpu.memory_space<vmem>>, %arg12: memref<2x2048x1024xf32, #tpu.memory_space<vmem>>, %arg13: memref<2x1024x2048xf32, #tpu.memory_space<vmem>>, %arg14: memref<2x!tpu.dma_semaphore, #tpu.memory_space<semaphore_mem>>) attributes {dimension_semantics = [#tpu.dimension_semantics<arbitrary>], iteration_bounds = array<i64: 24>, scalar_prefetch = 4 : i64, scratch_operands = 4 : i64, tpu.core_type = #tpu.core_type<tc>, window_params = [{transform_indices = @transform_0, window_bounds = array<i64: 256, 1024>}, {}, {}, {}, {transform_indices = @transform_4, window_bounds = array<i64: 256, 128>}, {transform_indices = @transform_5, window_bounds = array<i64: 256, 1024>}]} {
    %get3A = arith.index_cast %arg0 : i32 to index
    %get3A_0 = memref.load %arg1[%get3A] : memref<128xi32, #tpu.memory_space<smem>>
    %get3A_1 = arith.index_cast %arg0 : i32 to index
    %get3A_2 = memref.load %arg4[%get3A_1] : memref<128xi32, #tpu.memory_space<smem>>
    %get3A_3 = arith.index_cast %arg0 : i32 to index
    %get3A_4 = memref.load %arg3[%get3A_3] : memref<128xi32, #tpu.memory_space<smem>>
    %eq3A = arith.constant 0 : i32
    %eq3A_5 = arith.cmpi eq, %arg0, %eq3A : i32
    %convert_element_type3A = arith.extui %eq3A_5 : i1 to i32
    %cond3A = arith.constant 0 : i32
    %cond3A_6 = arith.cmpi ne, %convert_element_type3A, %cond3A : i32
    scf.if %cond3A_6 {
      %dma_start3A = tpu.memref_slice %arg14[%get3A_2] : memref<2x!tpu.dma_semaphore, #tpu.memory_space<semaphore_mem>> -> memref<1x!tpu.dma_semaphore, #tpu.memory_space<semaphore_mem>>
      %dma_start3A_60 = tpu.memref_squeeze %dma_start3A : memref<1x!tpu.dma_semaphore, #tpu.memory_space<semaphore_mem>> -> memref<!tpu.dma_semaphore, #tpu.memory_space<semaphore_mem>>
      %dma_start3A_61 = arith.constant 0 : i32
      %dma_start3A_62 = arith.constant 0 : i32
      %dma_start3A_63 = tpu.memref_slice %arg11[%get3A_2, %dma_start3A_61, %dma_start3A_62] : memref<2x2048x1024xf32, #tpu.memory_space<vmem>> -> memref<1x2048x1024xf32, #tpu.memory_space<vmem>>
      %dma_start3A_64 = tpu.memref_squeeze %dma_start3A_63 : memref<1x2048x1024xf32, #tpu.memory_space<vmem>> -> memref<2048x1024xf32, #tpu.memory_space<vmem>>
      %dma_start3A_65 = arith.constant 0 : i32
      %dma_start3A_66 = arith.constant 0 : i32
      %dma_start3A_67 = tpu.memref_slice %arg6[%get3A_0, %dma_start3A_65, %dma_start3A_66] : memref<8x2048x1024xf32, #tpu.memory_space<any>> -> memref<1x2048x1024xf32, #tpu.memory_space<any>>
      %dma_start3A_68 = tpu.memref_squeeze %dma_start3A_67 : memref<1x2048x1024xf32, #tpu.memory_space<any>> -> memref<2048x1024xf32, #tpu.memory_space<any>>
      tpu.enqueue_dma source(%dma_start3A_68 : memref<2048x1024xf32, #tpu.memory_space<any>>) target(%dma_start3A_64 : memref<2048x1024xf32, #tpu.memory_space<vmem>>) target_semaphore(%dma_start3A_60 : memref<!tpu.dma_semaphore, #tpu.memory_space<semaphore_mem>>)
      %dma_start3A_69 = tpu.memref_slice %arg14[%get3A_2] : memref<2x!tpu.dma_semaphore, #tpu.memory_space<semaphore_mem>> -> memref<1x!tpu.dma_semaphore, #tpu.memory_space<semaphore_mem>>
      %dma_start3A_70 = tpu.memref_squeeze %dma_start3A_69 : memref<1x!tpu.dma_semaphore, #tpu.memory_space<semaphore_mem>> -> memref<!tpu.dma_semaphore, #tpu.memory_space<semaphore_mem>>
      %dma_start3A_71 = arith.constant 0 : i32
      %dma_start3A_72 = arith.constant 0 : i32
      %dma_start3A_73 = tpu.memref_slice %arg12[%get3A_2, %dma_start3A_71, %dma_start3A_72] : memref<2x2048x1024xf32, #tpu.memory_space<vmem>> -> memref<1x2048x1024xf32, #tpu.memory_space<vmem>>
      %dma_start3A_74 = tpu.memref_squeeze %dma_start3A_73 : memref<1x2048x1024xf32, #tpu.memory_space<vmem>> -> memref<2048x1024xf32, #tpu.memory_space<vmem>>
      %dma_start3A_75 = arith.constant 0 : i32
      %dma_start3A_76 = arith.constant 0 : i32
      %dma_start3A_77 = tpu.memref_slice %arg7[%get3A_0, %dma_start3A_75, %dma_start3A_76] : memref<8x2048x1024xf32, #tpu.memory_space<any>> -> memref<1x2048x1024xf32, #tpu.memory_space<any>>
      %dma_start3A_78 = tpu.memref_squeeze %dma_start3A_77 : memref<1x2048x1024xf32, #tpu.memory_space<any>> -> memref<2048x1024xf32, #tpu.memory_space<any>>
      tpu.enqueue_dma source(%dma_start3A_78 : memref<2048x1024xf32, #tpu.memory_space<any>>) target(%dma_start3A_74 : memref<2048x1024xf32, #tpu.memory_space<vmem>>) target_semaphore(%dma_start3A_70 : memref<!tpu.dma_semaphore, #tpu.memory_space<semaphore_mem>>)
      %dma_start3A_79 = tpu.memref_slice %arg14[%get3A_2] : memref<2x!tpu.dma_semaphore, #tpu.memory_space<semaphore_mem>> -> memref<1x!tpu.dma_semaphore, #tpu.memory_space<semaphore_mem>>
      %dma_start3A_80 = tpu.memref_squeeze %dma_start3A_79 : memref<1x!tpu.dma_semaphore, #tpu.memory_space<semaphore_mem>> -> memref<!tpu.dma_semaphore, #tpu.memory_space<semaphore_mem>>
      %dma_start3A_81 = arith.constant 0 : i32
      %dma_start3A_82 = arith.constant 0 : i32
      %dma_start3A_83 = tpu.memref_slice %arg13[%get3A_2, %dma_start3A_81, %dma_start3A_82] : memref<2x1024x2048xf32, #tpu.memory_space<vmem>> -> memref<1x1024x2048xf32, #tpu.memory_space<vmem>>
      %dma_start3A_84 = tpu.memref_squeeze %dma_start3A_83 : memref<1x1024x2048xf32, #tpu.memory_space<vmem>> -> memref<1024x2048xf32, #tpu.memory_space<vmem>>
      %dma_start3A_85 = arith.constant 0 : i32
      %dma_start3A_86 = arith.constant 0 : i32
      %dma_start3A_87 = tpu.memref_slice %arg8[%get3A_0, %dma_start3A_85, %dma_start3A_86] : memref<8x1024x2048xf32, #tpu.memory_space<any>> -> memref<1x1024x2048xf32, #tpu.memory_space<any>>
      %dma_start3A_88 = tpu.memref_squeeze %dma_start3A_87 : memref<1x1024x2048xf32, #tpu.memory_space<any>> -> memref<1024x2048xf32, #tpu.memory_space<any>>
      tpu.enqueue_dma source(%dma_start3A_88 : memref<1024x2048xf32, #tpu.memory_space<any>>) target(%dma_start3A_84 : memref<1024x2048xf32, #tpu.memory_space<vmem>>) target_semaphore(%dma_start3A_80 : memref<!tpu.dma_semaphore, #tpu.memory_space<semaphore_mem>>)
      %dma_wait3A = tpu.memref_slice %arg14[%get3A_2] : memref<2x!tpu.dma_semaphore, #tpu.memory_space<semaphore_mem>> -> memref<1x!tpu.dma_semaphore, #tpu.memory_space<semaphore_mem>>
      %dma_wait3A_89 = tpu.memref_squeeze %dma_wait3A : memref<1x!tpu.dma_semaphore, #tpu.memory_space<semaphore_mem>> -> memref<!tpu.dma_semaphore, #tpu.memory_space<semaphore_mem>>
      %dma_wait3A_90 = arith.constant 0 : i32
      %dma_wait3A_91 = arith.constant 0 : i32
      %dma_wait3A_92 = tpu.memref_slice %arg11[%get3A_2, %dma_wait3A_90, %dma_wait3A_91] : memref<2x2048x1024xf32, #tpu.memory_space<vmem>> -> memref<1x2048x1024xf32, #tpu.memory_space<vmem>>
      %dma_wait3A_93 = tpu.memref_squeeze %dma_wait3A_92 : memref<1x2048x1024xf32, #tpu.memory_space<vmem>> -> memref<2048x1024xf32, #tpu.memory_space<vmem>>
      %dma_wait3A_94 = arith.constant 0 : i32
      %dma_wait3A_95 = arith.constant 0 : i32
      %dma_wait3A_96 = tpu.memref_slice %arg6[%get3A_0, %dma_wait3A_94, %dma_wait3A_95] : memref<8x2048x1024xf32, #tpu.memory_space<any>> -> memref<1x2048x1024xf32, #tpu.memory_space<any>>
      %dma_wait3A_97 = tpu.memref_squeeze %dma_wait3A_96 : memref<1x2048x1024xf32, #tpu.memory_space<any>> -> memref<2048x1024xf32, #tpu.memory_space<any>>
      tpu.wait_dma2 semaphore(%dma_wait3A_89 : memref<!tpu.dma_semaphore, #tpu.memory_space<semaphore_mem>>) src(%dma_wait3A_97 : memref<2048x1024xf32, #tpu.memory_space<any>>) dst(%dma_wait3A_93 : memref<2048x1024xf32, #tpu.memory_space<vmem>>)
      %dma_wait3A_98 = tpu.memref_slice %arg14[%get3A_2] : memref<2x!tpu.dma_semaphore, #tpu.memory_space<semaphore_mem>> -> memref<1x!tpu.dma_semaphore, #tpu.memory_space<semaphore_mem>>
      %dma_wait3A_99 = tpu.memref_squeeze %dma_wait3A_98 : memref<1x!tpu.dma_semaphore, #tpu.memory_space<semaphore_mem>> -> memref<!tpu.dma_semaphore, #tpu.memory_space<semaphore_mem>>
      %dma_wait3A_100 = arith.constant 0 : i32
      %dma_wait3A_101 = arith.constant 0 : i32
      %dma_wait3A_102 = tpu.memref_slice %arg12[%get3A_2, %dma_wait3A_100, %dma_wait3A_101] : memref<2x2048x1024xf32, #tpu.memory_space<vmem>> -> memref<1x2048x1024xf32, #tpu.memory_space<vmem>>
      %dma_wait3A_103 = tpu.memref_squeeze %dma_wait3A_102 : memref<1x2048x1024xf32, #tpu.memory_space<vmem>> -> memref<2048x1024xf32, #tpu.memory_space<vmem>>
      %dma_wait3A_104 = arith.constant 0 : i32
      %dma_wait3A_105 = arith.constant 0 : i32
      %dma_wait3A_106 = tpu.memref_slice %arg7[%get3A_0, %dma_wait3A_104, %dma_wait3A_105] : memref<8x2048x1024xf32, #tpu.memory_space<any>> -> memref<1x2048x1024xf32, #tpu.memory_space<any>>
      %dma_wait3A_107 = tpu.memref_squeeze %dma_wait3A_106 : memref<1x2048x1024xf32, #tpu.memory_space<any>> -> memref<2048x1024xf32, #tpu.memory_space<any>>
      tpu.wait_dma2 semaphore(%dma_wait3A_99 : memref<!tpu.dma_semaphore, #tpu.memory_space<semaphore_mem>>) src(%dma_wait3A_107 : memref<2048x1024xf32, #tpu.memory_space<any>>) dst(%dma_wait3A_103 : memref<2048x1024xf32, #tpu.memory_space<vmem>>)
      %dma_wait3A_108 = tpu.memref_slice %arg14[%get3A_2] : memref<2x!tpu.dma_semaphore, #tpu.memory_space<semaphore_mem>> -> memref<1x!tpu.dma_semaphore, #tpu.memory_space<semaphore_mem>>
      %dma_wait3A_109 = tpu.memref_squeeze %dma_wait3A_108 : memref<1x!tpu.dma_semaphore, #tpu.memory_space<semaphore_mem>> -> memref<!tpu.dma_semaphore, #tpu.memory_space<semaphore_mem>>
      %dma_wait3A_110 = arith.constant 0 : i32
      %dma_wait3A_111 = arith.constant 0 : i32
      %dma_wait3A_112 = tpu.memref_slice %arg13[%get3A_2, %dma_wait3A_110, %dma_wait3A_111] : memref<2x1024x2048xf32, #tpu.memory_space<vmem>> -> memref<1x1024x2048xf32, #tpu.memory_space<vmem>>
      %dma_wait3A_113 = tpu.memref_squeeze %dma_wait3A_112 : memref<1x1024x2048xf32, #tpu.memory_space<vmem>> -> memref<1024x2048xf32, #tpu.memory_space<vmem>>
      %dma_wait3A_114 = arith.constant 0 : i32
      %dma_wait3A_115 = arith.constant 0 : i32
      %dma_wait3A_116 = tpu.memref_slice %arg8[%get3A_0, %dma_wait3A_114, %dma_wait3A_115] : memref<8x1024x2048xf32, #tpu.memory_space<any>> -> memref<1x1024x2048xf32, #tpu.memory_space<any>>
      %dma_wait3A_117 = tpu.memref_squeeze %dma_wait3A_116 : memref<1x1024x2048xf32, #tpu.memory_space<any>> -> memref<1024x2048xf32, #tpu.memory_space<any>>
      tpu.wait_dma2 semaphore(%dma_wait3A_109 : memref<!tpu.dma_semaphore, #tpu.memory_space<semaphore_mem>>) src(%dma_wait3A_117 : memref<1024x2048xf32, #tpu.memory_space<any>>) dst(%dma_wait3A_113 : memref<1024x2048xf32, #tpu.memory_space<vmem>>)
    } else {
    }
    %gt3A = arith.constant 0 : i32
    %gt3A_7 = arith.cmpi sgt, %arg0, %gt3A : i32
    %get3A_8 = arith.index_cast %arg0 : i32 to index
    %get3A_9 = memref.load %arg2[%get3A_8] : memref<128xi32, #tpu.memory_space<smem>>
    %eq3A_10 = arith.constant 1 : i32
    %eq3A_11 = arith.cmpi eq, %get3A_9, %eq3A_10 : i32
    %and3A = arith.andi %gt3A_7, %eq3A_11 : i1
    %convert_element_type3A_12 = arith.extui %and3A : i1 to i32
    %cond3A_13 = arith.constant 0 : i32
    %cond3A_14 = arith.cmpi ne, %convert_element_type3A_12, %cond3A_13 : i32
    scf.if %cond3A_14 {
      %dma_wait3A = tpu.memref_slice %arg14[%get3A_2] : memref<2x!tpu.dma_semaphore, #tpu.memory_space<semaphore_mem>> -> memref<1x!tpu.dma_semaphore, #tpu.memory_space<semaphore_mem>>
      %dma_wait3A_60 = tpu.memref_squeeze %dma_wait3A : memref<1x!tpu.dma_semaphore, #tpu.memory_space<semaphore_mem>> -> memref<!tpu.dma_semaphore, #tpu.memory_space<semaphore_mem>>
      %dma_wait3A_61 = arith.constant 0 : i32
      %dma_wait3A_62 = arith.constant 0 : i32
      %dma_wait3A_63 = tpu.memref_slice %arg11[%get3A_2, %dma_wait3A_61, %dma_wait3A_62] : memref<2x2048x1024xf32, #tpu.memory_space<vmem>> -> memref<1x2048x1024xf32, #tpu.memory_space<vmem>>
      %dma_wait3A_64 = tpu.memref_squeeze %dma_wait3A_63 : memref<1x2048x1024xf32, #tpu.memory_space<vmem>> -> memref<2048x1024xf32, #tpu.memory_space<vmem>>
      %dma_wait3A_65 = arith.constant 0 : i32
      %dma_wait3A_66 = arith.constant 0 : i32
      %dma_wait3A_67 = tpu.memref_slice %arg6[%get3A_0, %dma_wait3A_65, %dma_wait3A_66] : memref<8x2048x1024xf32, #tpu.memory_space<any>> -> memref<1x2048x1024xf32, #tpu.memory_space<any>>
      %dma_wait3A_68 = tpu.memref_squeeze %dma_wait3A_67 : memref<1x2048x1024xf32, #tpu.memory_space<any>> -> memref<2048x1024xf32, #tpu.memory_space<any>>
      tpu.wait_dma2 semaphore(%dma_wait3A_60 : memref<!tpu.dma_semaphore, #tpu.memory_space<semaphore_mem>>) src(%dma_wait3A_68 : memref<2048x1024xf32, #tpu.memory_space<any>>) dst(%dma_wait3A_64 : memref<2048x1024xf32, #tpu.memory_space<vmem>>)
      %dma_wait3A_69 = tpu.memref_slice %arg14[%get3A_2] : memref<2x!tpu.dma_semaphore, #tpu.memory_space<semaphore_mem>> -> memref<1x!tpu.dma_semaphore, #tpu.memory_space<semaphore_mem>>
      %dma_wait3A_70 = tpu.memref_squeeze %dma_wait3A_69 : memref<1x!tpu.dma_semaphore, #tpu.memory_space<semaphore_mem>> -> memref<!tpu.dma_semaphore, #tpu.memory_space<semaphore_mem>>
      %dma_wait3A_71 = arith.constant 0 : i32
      %dma_wait3A_72 = arith.constant 0 : i32
      %dma_wait3A_73 = tpu.memref_slice %arg12[%get3A_2, %dma_wait3A_71, %dma_wait3A_72] : memref<2x2048x1024xf32, #tpu.memory_space<vmem>> -> memref<1x2048x1024xf32, #tpu.memory_space<vmem>>
      %dma_wait3A_74 = tpu.memref_squeeze %dma_wait3A_73 : memref<1x2048x1024xf32, #tpu.memory_space<vmem>> -> memref<2048x1024xf32, #tpu.memory_space<vmem>>
      %dma_wait3A_75 = arith.constant 0 : i32
      %dma_wait3A_76 = arith.constant 0 : i32
      %dma_wait3A_77 = tpu.memref_slice %arg7[%get3A_0, %dma_wait3A_75, %dma_wait3A_76] : memref<8x2048x1024xf32, #tpu.memory_space<any>> -> memref<1x2048x1024xf32, #tpu.memory_space<any>>
      %dma_wait3A_78 = tpu.memref_squeeze %dma_wait3A_77 : memref<1x2048x1024xf32, #tpu.memory_space<any>> -> memref<2048x1024xf32, #tpu.memory_space<any>>
      tpu.wait_dma2 semaphore(%dma_wait3A_70 : memref<!tpu.dma_semaphore, #tpu.memory_space<semaphore_mem>>) src(%dma_wait3A_78 : memref<2048x1024xf32, #tpu.memory_space<any>>) dst(%dma_wait3A_74 : memref<2048x1024xf32, #tpu.memory_space<vmem>>)
      %dma_wait3A_79 = tpu.memref_slice %arg14[%get3A_2] : memref<2x!tpu.dma_semaphore, #tpu.memory_space<semaphore_mem>> -> memref<1x!tpu.dma_semaphore, #tpu.memory_space<semaphore_mem>>
      %dma_wait3A_80 = tpu.memref_squeeze %dma_wait3A_79 : memref<1x!tpu.dma_semaphore, #tpu.memory_space<semaphore_mem>> -> memref<!tpu.dma_semaphore, #tpu.memory_space<semaphore_mem>>
      %dma_wait3A_81 = arith.constant 0 : i32
      %dma_wait3A_82 = arith.constant 0 : i32
      %dma_wait3A_83 = tpu.memref_slice %arg13[%get3A_2, %dma_wait3A_81, %dma_wait3A_82] : memref<2x1024x2048xf32, #tpu.memory_space<vmem>> -> memref<1x1024x2048xf32, #tpu.memory_space<vmem>>
      %dma_wait3A_84 = tpu.memref_squeeze %dma_wait3A_83 : memref<1x1024x2048xf32, #tpu.memory_space<vmem>> -> memref<1024x2048xf32, #tpu.memory_space<vmem>>
      %dma_wait3A_85 = arith.constant 0 : i32
      %dma_wait3A_86 = arith.constant 0 : i32
      %dma_wait3A_87 = tpu.memref_slice %arg8[%get3A_0, %dma_wait3A_85, %dma_wait3A_86] : memref<8x1024x2048xf32, #tpu.memory_space<any>> -> memref<1x1024x2048xf32, #tpu.memory_space<any>>
      %dma_wait3A_88 = tpu.memref_squeeze %dma_wait3A_87 : memref<1x1024x2048xf32, #tpu.memory_space<any>> -> memref<1024x2048xf32, #tpu.memory_space<any>>
      tpu.wait_dma2 semaphore(%dma_wait3A_80 : memref<!tpu.dma_semaphore, #tpu.memory_space<semaphore_mem>>) src(%dma_wait3A_88 : memref<1024x2048xf32, #tpu.memory_space<any>>) dst(%dma_wait3A_84 : memref<1024x2048xf32, #tpu.memory_space<vmem>>)
    } else {
    }
    %get3A_15 = arith.index_cast %arg0 : i32 to index
    %get3A_16 = memref.load %arg2[%get3A_15] : memref<128xi32, #tpu.memory_space<smem>>
    %eq3A_17 = arith.constant 1 : i32
    %eq3A_18 = arith.cmpi eq, %get3A_16, %eq3A_17 : i32
    %ge3A = arith.constant 0 : i32
    %ge3A_19 = arith.cmpi sge, %get3A_4, %ge3A : i32
    %and3A_20 = arith.andi %eq3A_18, %ge3A_19 : i1
    %convert_element_type3A_21 = arith.extui %and3A_20 : i1 to i32
    %cond3A_22 = arith.constant 0 : i32
    %cond3A_23 = arith.cmpi ne, %convert_element_type3A_21, %cond3A_22 : i32
    scf.if %cond3A_23 {
      %sub3A = arith.constant 1 : i32
      %sub3A_60 = arith.subi %sub3A, %get3A_2 : i32
      %dma_start3A = tpu.memref_slice %arg14[%sub3A_60] : memref<2x!tpu.dma_semaphore, #tpu.memory_space<semaphore_mem>> -> memref<1x!tpu.dma_semaphore, #tpu.memory_space<semaphore_mem>>
      %dma_start3A_61 = tpu.memref_squeeze %dma_start3A : memref<1x!tpu.dma_semaphore, #tpu.memory_space<semaphore_mem>> -> memref<!tpu.dma_semaphore, #tpu.memory_space<semaphore_mem>>
      %dma_start3A_62 = arith.constant 0 : i32
      %dma_start3A_63 = arith.constant 0 : i32
      %dma_start3A_64 = tpu.memref_slice %arg11[%sub3A_60, %dma_start3A_62, %dma_start3A_63] : memref<2x2048x1024xf32, #tpu.memory_space<vmem>> -> memref<1x2048x1024xf32, #tpu.memory_space<vmem>>
      %dma_start3A_65 = tpu.memref_squeeze %dma_start3A_64 : memref<1x2048x1024xf32, #tpu.memory_space<vmem>> -> memref<2048x1024xf32, #tpu.memory_space<vmem>>
      %dma_start3A_66 = arith.constant 0 : i32
      %dma_start3A_67 = arith.constant 0 : i32
      %dma_start3A_68 = tpu.memref_slice %arg6[%get3A_4, %dma_start3A_66, %dma_start3A_67] : memref<8x2048x1024xf32, #tpu.memory_space<any>> -> memref<1x2048x1024xf32, #tpu.memory_space<any>>
      %dma_start3A_69 = tpu.memref_squeeze %dma_start3A_68 : memref<1x2048x1024xf32, #tpu.memory_space<any>> -> memref<2048x1024xf32, #tpu.memory_space<any>>
      tpu.enqueue_dma source(%dma_start3A_69 : memref<2048x1024xf32, #tpu.memory_space<any>>) target(%dma_start3A_65 : memref<2048x1024xf32, #tpu.memory_space<vmem>>) target_semaphore(%dma_start3A_61 : memref<!tpu.dma_semaphore, #tpu.memory_space<semaphore_mem>>)
      %dma_start3A_70 = tpu.memref_slice %arg14[%sub3A_60] : memref<2x!tpu.dma_semaphore, #tpu.memory_space<semaphore_mem>> -> memref<1x!tpu.dma_semaphore, #tpu.memory_space<semaphore_mem>>
      %dma_start3A_71 = tpu.memref_squeeze %dma_start3A_70 : memref<1x!tpu.dma_semaphore, #tpu.memory_space<semaphore_mem>> -> memref<!tpu.dma_semaphore, #tpu.memory_space<semaphore_mem>>
      %dma_start3A_72 = arith.constant 0 : i32
      %dma_start3A_73 = arith.constant 0 : i32
      %dma_start3A_74 = tpu.memref_slice %arg12[%sub3A_60, %dma_start3A_72, %dma_start3A_73] : memref<2x2048x1024xf32, #tpu.memory_space<vmem>> -> memref<1x2048x1024xf32, #tpu.memory_space<vmem>>
      %dma_start3A_75 = tpu.memref_squeeze %dma_start3A_74 : memref<1x2048x1024xf32, #tpu.memory_space<vmem>> -> memref<2048x1024xf32, #tpu.memory_space<vmem>>
      %dma_start3A_76 = arith.constant 0 : i32
      %dma_start3A_77 = arith.constant 0 : i32
      %dma_start3A_78 = tpu.memref_slice %arg7[%get3A_4, %dma_start3A_76, %dma_start3A_77] : memref<8x2048x1024xf32, #tpu.memory_space<any>> -> memref<1x2048x1024xf32, #tpu.memory_space<any>>
      %dma_start3A_79 = tpu.memref_squeeze %dma_start3A_78 : memref<1x2048x1024xf32, #tpu.memory_space<any>> -> memref<2048x1024xf32, #tpu.memory_space<any>>
      tpu.enqueue_dma source(%dma_start3A_79 : memref<2048x1024xf32, #tpu.memory_space<any>>) target(%dma_start3A_75 : memref<2048x1024xf32, #tpu.memory_space<vmem>>) target_semaphore(%dma_start3A_71 : memref<!tpu.dma_semaphore, #tpu.memory_space<semaphore_mem>>)
      %dma_start3A_80 = tpu.memref_slice %arg14[%sub3A_60] : memref<2x!tpu.dma_semaphore, #tpu.memory_space<semaphore_mem>> -> memref<1x!tpu.dma_semaphore, #tpu.memory_space<semaphore_mem>>
      %dma_start3A_81 = tpu.memref_squeeze %dma_start3A_80 : memref<1x!tpu.dma_semaphore, #tpu.memory_space<semaphore_mem>> -> memref<!tpu.dma_semaphore, #tpu.memory_space<semaphore_mem>>
      %dma_start3A_82 = arith.constant 0 : i32
      %dma_start3A_83 = arith.constant 0 : i32
      %dma_start3A_84 = tpu.memref_slice %arg13[%sub3A_60, %dma_start3A_82, %dma_start3A_83] : memref<2x1024x2048xf32, #tpu.memory_space<vmem>> -> memref<1x1024x2048xf32, #tpu.memory_space<vmem>>
      %dma_start3A_85 = tpu.memref_squeeze %dma_start3A_84 : memref<1x1024x2048xf32, #tpu.memory_space<vmem>> -> memref<1024x2048xf32, #tpu.memory_space<vmem>>
      %dma_start3A_86 = arith.constant 0 : i32
      %dma_start3A_87 = arith.constant 0 : i32
      %dma_start3A_88 = tpu.memref_slice %arg8[%get3A_4, %dma_start3A_86, %dma_start3A_87] : memref<8x1024x2048xf32, #tpu.memory_space<any>> -> memref<1x1024x2048xf32, #tpu.memory_space<any>>
      %dma_start3A_89 = tpu.memref_squeeze %dma_start3A_88 : memref<1x1024x2048xf32, #tpu.memory_space<any>> -> memref<1024x2048xf32, #tpu.memory_space<any>>
      tpu.enqueue_dma source(%dma_start3A_89 : memref<1024x2048xf32, #tpu.memory_space<any>>) target(%dma_start3A_85 : memref<1024x2048xf32, #tpu.memory_space<vmem>>) target_semaphore(%dma_start3A_81 : memref<!tpu.dma_semaphore, #tpu.memory_space<semaphore_mem>>)
    } else {
    }
    %get3A_24 = arith.constant 0 : index
    %get3A_25 = arith.constant 0 : index
    %get3A_26 = vector.load %arg5[%get3A_24, %get3A_25] : memref<256x1024xf32, #tpu.memory_space<vmem>>, vector<256x1024xf32>
    %get3A_27 = arith.index_cast %get3A_2 : i32 to index
    %get3A_28 = arith.constant 0 : index
    %get3A_29 = arith.constant 0 : index
    %get3A_30 = vector.load %arg11[%get3A_27, %get3A_28, %get3A_29] : memref<2x2048x1024xf32, #tpu.memory_space<vmem>>, vector<1x2048x1024xf32>
    %get3A_31 = vector.shape_cast %get3A_30 : vector<1x2048x1024xf32> to vector<2048x1024xf32>
    %dot_general3A = arith.constant dense<0.000000e+00> : vector<256x2048xf32>
    %dot_general3A_32 = tpu.matmul %get3A_26, %get3A_31, %dot_general3A {dimension_numbers = #tpu.dot_dimension_numbers<[1], [1], [0], [0], [0, 0, 1, 0], [], []>, transpose_lhs_hint = false} : vector<256x1024xf32>, vector<2048x1024xf32>, vector<256x2048xf32> -> vector<256x2048xf32>
    %get3A_33 = arith.index_cast %get3A_2 : i32 to index
    %get3A_34 = arith.constant 0 : index
    %get3A_35 = arith.constant 0 : index
    %get3A_36 = vector.load %arg12[%get3A_33, %get3A_34, %get3A_35] : memref<2x2048x1024xf32, #tpu.memory_space<vmem>>, vector<1x2048x1024xf32>
    %get3A_37 = vector.shape_cast %get3A_36 : vector<1x2048x1024xf32> to vector<2048x1024xf32>
    %dot_general3A_38 = arith.constant dense<0.000000e+00> : vector<256x2048xf32>
    %dot_general3A_39 = tpu.matmul %get3A_26, %get3A_37, %dot_general3A_38 {dimension_numbers = #tpu.dot_dimension_numbers<[1], [1], [0], [0], [0, 0, 1, 0], [], []>, transpose_lhs_hint = false} : vector<256x1024xf32>, vector<2048x1024xf32>, vector<256x2048xf32> -> vector<256x2048xf32>
    %logistic3A = arith.negf %dot_general3A_32 : vector<256x2048xf32>
    %logistic3A_40 = math.exp %logistic3A : vector<256x2048xf32>
    %logistic3A_41 = arith.constant 1.000000e+00 : f32
    %logistic3A_42 = vector.broadcast %logistic3A_41 : f32 to vector<256x2048xf32>
    %logistic3A_43 = arith.addf %logistic3A_42, %logistic3A_40 : vector<256x2048xf32>
    %logistic3A_44 = arith.divf %logistic3A_42, %logistic3A_43 : vector<256x2048xf32>
    %mul3A = arith.mulf %dot_general3A_32, %logistic3A_44 : vector<256x2048xf32>
    %mul3A_45 = arith.mulf %mul3A, %dot_general3A_39 : vector<256x2048xf32>
    %get3A_46 = arith.index_cast %get3A_2 : i32 to index
    %get3A_47 = arith.constant 0 : index
    %get3A_48 = arith.constant 0 : index
    %get3A_49 = vector.load %arg13[%get3A_46, %get3A_47, %get3A_48] : memref<2x1024x2048xf32, #tpu.memory_space<vmem>>, vector<1x1024x2048xf32>
    %get3A_50 = vector.shape_cast %get3A_49 : vector<1x1024x2048xf32> to vector<1024x2048xf32>
    %dot_general3A_51 = arith.constant dense<0.000000e+00> : vector<256x1024xf32>
    %dot_general3A_52 = tpu.matmul %mul3A_45, %get3A_50, %dot_general3A_51 {dimension_numbers = #tpu.dot_dimension_numbers<[1], [1], [0], [0], [0, 0, 1, 0], [], []>, transpose_lhs_hint = false} : vector<256x2048xf32>, vector<1024x2048xf32>, vector<256x1024xf32> -> vector<256x1024xf32>
    %get3A_53 = arith.constant 0 : index
    %get3A_54 = arith.constant 0 : index
    %get3A_55 = vector.load %arg9[%get3A_53, %get3A_54] : memref<256x128xf32, #tpu.memory_space<vmem>>, vector<256x1xf32>
    %mul3A_56 = vector.broadcast %get3A_55 : vector<256x1xf32> to vector<256x1024xf32>
    %mul3A_57 = arith.mulf %dot_general3A_52, %mul3A_56 : vector<256x1024xf32>
    %swap3A = arith.constant 0 : index
    %swap3A_58 = arith.constant 0 : index
    %swap3A_59 = vector.load %arg10[%swap3A, %swap3A_58] : memref<256x1024xf32, #tpu.memory_space<vmem>>, vector<256x1024xf32>
    tpu.vector_store %arg10[%swap3A, %swap3A_58], %mul3A_57 {strides = array<i32>} : memref<256x1024xf32, #tpu.memory_space<vmem>>, vector<256x1024xf32>,
    return
  }
  func.func @transform_0(%arg0: i32, %arg1: memref<128xi32, #tpu.memory_space<smem>>, %arg2: memref<128xi32, #tpu.memory_space<smem>>, %arg3: memref<128xi32, #tpu.memory_space<smem>>, %arg4: memref<128xi32, #tpu.memory_space<smem>>) -> (i32, i32) {
    %c0_i32 = arith.constant 0 : i32
    %c0_i32_0 = arith.constant 0 : i32
    return %arg0, %c0_i32 : i32, i32
  }
  func.func @transform_4(%arg0: i32, %arg1: memref<128xi32, #tpu.memory_space<smem>>, %arg2: memref<128xi32, #tpu.memory_space<smem>>, %arg3: memref<128xi32, #tpu.memory_space<smem>>, %arg4: memref<128xi32, #tpu.memory_space<smem>>) -> (i32, i32) {
    %c0_i32 = arith.constant 0 : i32
    %c0_i32_0 = arith.constant 0 : i32
    return %arg0, %c0_i32 : i32, i32
  }
  func.func @transform_5(%arg0: i32, %arg1: memref<128xi32, #tpu.memory_space<smem>>, %arg2: memref<128xi32, #tpu.memory_space<smem>>, %arg3: memref<128xi32, #tpu.memory_space<smem>>, %arg4: memref<128xi32, #tpu.memory_space<smem>>) -> (i32, i32) {
    %c0_i32 = arith.constant 0 : i32
    %c0_i32_0 = arith.constant 0 : i32
    return %arg0, %c0_i32 : i32, i32
  }
}

module attributes {stable_mosaic.version = 14 : i64} {
  func.func @_router_schedule_body(%arg0: memref<2048x1024xf32, #tpu.memory_space<vmem>>, %arg1: memref<8x1024xf32, #tpu.memory_space<vmem>>, %arg2: memref<128x128xf32, #tpu.memory_space<vmem>>, %arg3: memref<32x32xf32, #tpu.memory_space<vmem>>, %arg4: memref<8x8xf32, #tpu.memory_space<vmem>>, %arg5: memref<2048x8xf32, #tpu.memory_space<vmem>>, %arg6: memref<4096x128xf32, #tpu.memory_space<vmem>>, %arg7: memref<4096x1xi32, #tpu.memory_space<vmem>>, %arg8: memref<1x128xi32, #tpu.memory_space<vmem>>, %arg9: memref<1x128xi32, #tpu.memory_space<vmem>>, %arg10: memref<1x128xi32, #tpu.memory_space<vmem>>, %arg11: memref<1x128xi32, #tpu.memory_space<vmem>>) attributes {dimension_semantics = [], scalar_prefetch = 0 : i64, scratch_operands = 0 : i64, tpu.core_type = #tpu.core_type<tc>} {
    %get3A = arith.constant 0 : index
    %get3A_0 = arith.constant 0 : index
    %get3A_1 = vector.load %arg0[%get3A, %get3A_0] : memref<2048x1024xf32, #tpu.memory_space<vmem>>, vector<2048x1024xf32>
    %get3A_2 = arith.constant 0 : index
    %get3A_3 = arith.constant 0 : index
    %get3A_4 = vector.load %arg1[%get3A_2, %get3A_3] : memref<8x1024xf32, #tpu.memory_space<vmem>>, vector<8x1024xf32>
    %transpose3A = tpu.transpose %get3A_4, [1, 0] : vector<8x1024xf32> -> vector<1024x8xf32>
    %dot_general3A = arith.constant dense<0.000000e+00> : vector<2048x8xf32>
    %dot_general3A_5 = tpu.matmul %get3A_1, %transpose3A, %dot_general3A {dimension_numbers = #tpu.dot_dimension_numbers<[1], [0], [0], [1], [0, 0, 1, 1], [], []>, transpose_lhs_hint = false} : vector<2048x1024xf32>, vector<1024x8xf32>, vector<2048x8xf32> -> vector<2048x8xf32>
    %swap3A = arith.constant 0 : index
    %swap3A_6 = arith.constant 0 : index
    %swap3A_7 = vector.load %arg5[%swap3A, %swap3A_6] : memref<2048x8xf32, #tpu.memory_space<vmem>>, vector<2048x8xf32>
    tpu.vector_store %arg5[%swap3A, %swap3A_6], %dot_general3A_5 {strides = array<i32>} : memref<2048x8xf32, #tpu.memory_space<vmem>>, vector<2048x8xf32>,
    %reduce_max3A = arith.constant dense<0xFF800000> : vector<2048xf32>
    %reduce_max3A_8 = vector.multi_reduction <maximumf>, %dot_general3A_5, %reduce_max3A [1] : vector<2048x8xf32> to vector<2048xf32>
    %broadcast_in_dim3A = vector.shape_cast %reduce_max3A_8 : vector<2048xf32> to vector<2048x1xf32>
    %sub3A = vector.broadcast %broadcast_in_dim3A : vector<2048x1xf32> to vector<2048x8xf32>
    %sub3A_9 = arith.subf %dot_general3A_5, %sub3A : vector<2048x8xf32>
    %exp3A = math.exp %sub3A_9 : vector<2048x8xf32>
    %reduce_sum3A = arith.constant dense<0.000000e+00> : vector<2048xf32>
    %reduce_sum3A_10 = vector.multi_reduction <add>, %exp3A, %reduce_sum3A [1] : vector<2048x8xf32> to vector<2048xf32>
    %broadcast_in_dim3A_11 = vector.shape_cast %reduce_sum3A_10 : vector<2048xf32> to vector<2048x1xf32>
    %div3A = vector.broadcast %broadcast_in_dim3A_11 : vector<2048x1xf32> to vector<2048x8xf32>
    %div3A_12 = arith.divf %exp3A, %div3A : vector<2048x8xf32>
    %iota3A = tpu.iota {dimensions = array<i32: 1>} : vector<2048x8xi32>
    %reduce_max3A_13 = arith.constant dense<0xFF800000> : vector<2048xf32>
    %reduce_max3A_14 = vector.multi_reduction <maximumf>, %div3A_12, %reduce_max3A_13 [1] : vector<2048x8xf32> to vector<2048xf32>
    %broadcast_in_dim3A_15 = vector.shape_cast %reduce_max3A_14 : vector<2048xf32> to vector<2048x1xf32>
    %eq3A = vector.broadcast %broadcast_in_dim3A_15 : vector<2048x1xf32> to vector<2048x8xf32>
    %eq3A_16 = arith.cmpf oeq, %div3A_12, %eq3A : vector<2048x8xf32>
    %jit3A = arith.constant 8 : i32
    %broadcast_in_dim3A_17 = vector.broadcast %jit3A : i32 to vector<2048x8xi32>
    %select_n3A = arith.select %eq3A_16, %iota3A, %broadcast_in_dim3A_17 : vector<2048x8xi1>, vector<2048x8xi32>
    %reduce_min3A = arith.constant dense<2147483647> : vector<2048xi32>
    %reduce_min3A_18 = vector.multi_reduction <minsi>, %select_n3A, %reduce_min3A [1] : vector<2048x8xi32> to vector<2048xi32>
    %broadcast_in_dim3A_19 = vector.shape_cast %reduce_min3A_18 : vector<2048xi32> to vector<2048x1xi32>
    %eq3A_20 = vector.broadcast %broadcast_in_dim3A_19 : vector<2048x1xi32> to vector<2048x8xi32>
    %eq3A_21 = arith.cmpi eq, %iota3A, %eq3A_20 : vector<2048x8xi32>
    %jit3A_22 = arith.constant -1.000000e+00 : f32
    %broadcast_in_dim3A_23 = vector.broadcast %jit3A_22 : f32 to vector<2048x8xf32>
    %select_n3A_24 = arith.select %eq3A_21, %broadcast_in_dim3A_23, %div3A_12 : vector<2048x8xi1>, vector<2048x8xf32>
    %reduce_max3A_25 = arith.constant dense<0xFF800000> : vector<2048xf32>
    %reduce_max3A_26 = vector.multi_reduction <maximumf>, %select_n3A_24, %reduce_max3A_25 [1] : vector<2048x8xf32> to vector<2048xf32>
    %broadcast_in_dim3A_27 = vector.shape_cast %reduce_max3A_26 : vector<2048xf32> to vector<2048x1xf32>
    %eq3A_28 = vector.broadcast %broadcast_in_dim3A_27 : vector<2048x1xf32> to vector<2048x8xf32>
    %eq3A_29 = arith.cmpf oeq, %select_n3A_24, %eq3A_28 : vector<2048x8xf32>
    %jit3A_30 = arith.constant 8 : i32
    %broadcast_in_dim3A_31 = vector.broadcast %jit3A_30 : i32 to vector<2048x8xi32>
    %select_n3A_32 = arith.select %eq3A_29, %iota3A, %broadcast_in_dim3A_31 : vector<2048x8xi1>, vector<2048x8xi32>
    %reduce_min3A_33 = arith.constant dense<2147483647> : vector<2048xi32>
    %reduce_min3A_34 = vector.multi_reduction <minsi>, %select_n3A_32, %reduce_min3A_33 [1] : vector<2048x8xi32> to vector<2048xi32>
    %broadcast_in_dim3A_35 = vector.shape_cast %reduce_min3A_34 : vector<2048xi32> to vector<2048x1xi32>
    %eq3A_36 = vector.broadcast %broadcast_in_dim3A_35 : vector<2048x1xi32> to vector<2048x8xi32>
    %eq3A_37 = arith.cmpi eq, %iota3A, %eq3A_36 : vector<2048x8xi32>
    %add3A = arith.addf %broadcast_in_dim3A_15, %broadcast_in_dim3A_27 : vector<2048x1xf32>
    %broadcast_in_dim3A_38 = arith.constant 1.000000e+00 : f32
    %broadcast_in_dim3A_39 = vector.broadcast %broadcast_in_dim3A_38 : f32 to vector<1x128xf32>
    %div3A_40 = arith.divf %broadcast_in_dim3A_15, %add3A : vector<2048x1xf32>
    %mul3A = vector.broadcast %div3A_40 : vector<2048x1xf32> to vector<2048x128xf32>
    %mul3A_41 = vector.broadcast %broadcast_in_dim3A_39 : vector<1x128xf32> to vector<2048x128xf32>
    %mul3A_42 = arith.mulf %mul3A, %mul3A_41 : vector<2048x128xf32>
    %div3A_43 = arith.divf %broadcast_in_dim3A_27, %add3A : vector<2048x1xf32>
    %mul3A_44 = vector.broadcast %div3A_43 : vector<2048x1xf32> to vector<2048x128xf32>
    %mul3A_45 = vector.broadcast %broadcast_in_dim3A_39 : vector<1x128xf32> to vector<2048x128xf32>
    %mul3A_46 = arith.mulf %mul3A_44, %mul3A_45 : vector<2048x128xf32>
    %concatenate3A = tpu.concatenate %mul3A_42, %mul3A_46 in 0 : vector<2048x128xf32>, vector<2048x128xf32> -> vector<4096x128xf32>
    %swap3A_47 = arith.constant 0 : index
    %swap3A_48 = arith.constant 0 : index
    %swap3A_49 = vector.load %arg6[%swap3A_47, %swap3A_48] : memref<4096x128xf32, #tpu.memory_space<vmem>>, vector<4096x128xf32>
    tpu.vector_store %arg6[%swap3A_47, %swap3A_48], %concatenate3A {strides = array<i32>} : memref<4096x128xf32, #tpu.memory_space<vmem>>, vector<4096x128xf32>,
    %concatenate3A_50 = tpu.concatenate %eq3A_21, %eq3A_37 in 0 : vector<2048x8xi1>, vector<2048x8xi1> -> vector<4096x8xi1>
    %convert_element_type3A = arith.extui %concatenate3A_50 : vector<4096x8xi1> to vector<4096x8xi32>
    %convert_element_type3A_51 = arith.sitofp %convert_element_type3A : vector<4096x8xi32> to vector<4096x8xf32>
    %reduce_sum3A_52 = arith.constant dense<0.000000e+00> : vector<8xf32>
    %reduce_sum3A_53 = vector.multi_reduction <add>, %convert_element_type3A_51, %reduce_sum3A_52 [0] : vector<4096x8xf32> to vector<8xf32>
    %broadcast_in_dim3A_54 = vector.shape_cast %reduce_sum3A_53 : vector<8xf32> to vector<1x8xf32>
    %div3A_55 = arith.constant 2.560000e+02 : f32
    %div3A_56 = vector.broadcast %div3A_55 : f32 to vector<1x8xf32>
    %div3A_57 = arith.divf %broadcast_in_dim3A_54, %div3A_56 : vector<1x8xf32>
    %ceil3A = math.ceil %div3A_57 : vector<1x8xf32>
    %mul3A_58 = arith.constant 2.560000e+02 : f32
    %mul3A_59 = vector.broadcast %mul3A_58 : f32 to vector<1x8xf32>
    %mul3A_60 = arith.mulf %ceil3A, %mul3A_59 : vector<1x8xf32>
    %get3A_61 = arith.constant 0 : index
    %get3A_62 = arith.constant 0 : index
    %get3A_63 = vector.load %arg4[%get3A_61, %get3A_62] : memref<8x8xf32, #tpu.memory_space<vmem>>, vector<8x8xf32>
    %dot_general3A_64 = arith.constant dense<0.000000e+00> : vector<1x8xf32>
    %dot_general3A_65 = tpu.matmul %mul3A_60, %get3A_63, %dot_general3A_64 {dimension_numbers = #tpu.dot_dimension_numbers<[1], [0], [0], [1], [0, 0, 1, 1], [], []>, transpose_lhs_hint = false} : vector<1x8xf32>, vector<8x8xf32>, vector<1x8xf32> -> vector<1x8xf32>
    %iota3A_66 = tpu.iota {dimensions = array<i32: 1>} : vector<1x128xi32>
    %convert_element_type3A_67 = arith.sitofp %iota3A_66 : vector<1x128xi32> to vector<1x128xf32>
    %mul3A_68 = arith.constant 2.560000e+02 : f32
    %mul3A_69 = vector.broadcast %mul3A_68 : f32 to vector<1x128xf32>
    %mul3A_70 = arith.mulf %convert_element_type3A_67, %mul3A_69 : vector<1x128xf32>
    %broadcast_in_dim3A_71 = arith.constant 0.000000e+00 : f32
    %broadcast_in_dim3A_72 = vector.broadcast %broadcast_in_dim3A_71 : f32 to vector<1x128xf32>
    %broadcast_in_dim3A_73 = arith.constant 0.000000e+00 : f32
    %broadcast_in_dim3A_74 = vector.broadcast %broadcast_in_dim3A_73 : f32 to vector<1x128xf32>
    %slice3A = vector.extract_strided_slice %dot_general3A_65 {offsets = [0, 0], sizes = [1, 1], strides = [1, 1]} : vector<1x8xf32> to vector<1x1xf32>
    %slice3A_75 = vector.extract_strided_slice %mul3A_60 {offsets = [0, 0], sizes = [1, 1], strides = [1, 1]} : vector<1x8xf32> to vector<1x1xf32>
    %add3A_76 = arith.addf %slice3A, %slice3A_75 : vector<1x1xf32>
    %ge3A = vector.broadcast %add3A_76 : vector<1x1xf32> to vector<1x128xf32>
    %ge3A_77 = arith.cmpf oge, %mul3A_70, %ge3A : vector<1x128xf32>
    %convert_element_type3A_78 = arith.extui %ge3A_77 : vector<1x128xi1> to vector<1x128xi32>
    %convert_element_type3A_79 = arith.sitofp %convert_element_type3A_78 : vector<1x128xi32> to vector<1x128xf32>
    %add3A_80 = arith.addf %broadcast_in_dim3A_72, %convert_element_type3A_79 : vector<1x128xf32>
    %slice3A_81 = vector.extract_strided_slice %dot_general3A_65 {offsets = [0, 0], sizes = [1, 1], strides = [1, 1]} : vector<1x8xf32> to vector<1x1xf32>
    %eq3A_82 = vector.broadcast %slice3A_81 : vector<1x1xf32> to vector<1x128xf32>
    %eq3A_83 = arith.cmpf oeq, %mul3A_70, %eq3A_82 : vector<1x128xf32>
    %convert_element_type3A_84 = arith.extui %eq3A_83 : vector<1x128xi1> to vector<1x128xi32>
    %convert_element_type3A_85 = arith.sitofp %convert_element_type3A_84 : vector<1x128xi32> to vector<1x128xf32>
    %add3A_86 = arith.addf %broadcast_in_dim3A_74, %convert_element_type3A_85 : vector<1x128xf32>
    %slice3A_87 = vector.extract_strided_slice %dot_general3A_65 {offsets = [0, 1], sizes = [1, 1], strides = [1, 1]} : vector<1x8xf32> to vector<1x1xf32>
    %slice3A_88 = vector.extract_strided_slice %mul3A_60 {offsets = [0, 1], sizes = [1, 1], strides = [1, 1]} : vector<1x8xf32> to vector<1x1xf32>
    %add3A_89 = arith.addf %slice3A_87, %slice3A_88 : vector<1x1xf32>
    %ge3A_90 = vector.broadcast %add3A_89 : vector<1x1xf32> to vector<1x128xf32>
    %ge3A_91 = arith.cmpf oge, %mul3A_70, %ge3A_90 : vector<1x128xf32>
    %convert_element_type3A_92 = arith.extui %ge3A_91 : vector<1x128xi1> to vector<1x128xi32>
    %convert_element_type3A_93 = arith.sitofp %convert_element_type3A_92 : vector<1x128xi32> to vector<1x128xf32>
    %add3A_94 = arith.addf %add3A_80, %convert_element_type3A_93 : vector<1x128xf32>
    %slice3A_95 = vector.extract_strided_slice %dot_general3A_65 {offsets = [0, 1], sizes = [1, 1], strides = [1, 1]} : vector<1x8xf32> to vector<1x1xf32>
    %eq3A_96 = vector.broadcast %slice3A_95 : vector<1x1xf32> to vector<1x128xf32>
    %eq3A_97 = arith.cmpf oeq, %mul3A_70, %eq3A_96 : vector<1x128xf32>
    %convert_element_type3A_98 = arith.extui %eq3A_97 : vector<1x128xi1> to vector<1x128xi32>
    %convert_element_type3A_99 = arith.sitofp %convert_element_type3A_98 : vector<1x128xi32> to vector<1x128xf32>
    %add3A_100 = arith.addf %add3A_86, %convert_element_type3A_99 : vector<1x128xf32>
    %slice3A_101 = vector.extract_strided_slice %dot_general3A_65 {offsets = [0, 2], sizes = [1, 1], strides = [1, 1]} : vector<1x8xf32> to vector<1x1xf32>
    %slice3A_102 = vector.extract_strided_slice %mul3A_60 {offsets = [0, 2], sizes = [1, 1], strides = [1, 1]} : vector<1x8xf32> to vector<1x1xf32>
    %add3A_103 = arith.addf %slice3A_101, %slice3A_102 : vector<1x1xf32>
    %ge3A_104 = vector.broadcast %add3A_103 : vector<1x1xf32> to vector<1x128xf32>
    %ge3A_105 = arith.cmpf oge, %mul3A_70, %ge3A_104 : vector<1x128xf32>
    %convert_element_type3A_106 = arith.extui %ge3A_105 : vector<1x128xi1> to vector<1x128xi32>
    %convert_element_type3A_107 = arith.sitofp %convert_element_type3A_106 : vector<1x128xi32> to vector<1x128xf32>
    %add3A_108 = arith.addf %add3A_94, %convert_element_type3A_107 : vector<1x128xf32>
    %slice3A_109 = vector.extract_strided_slice %dot_general3A_65 {offsets = [0, 2], sizes = [1, 1], strides = [1, 1]} : vector<1x8xf32> to vector<1x1xf32>
    %eq3A_110 = vector.broadcast %slice3A_109 : vector<1x1xf32> to vector<1x128xf32>
    %eq3A_111 = arith.cmpf oeq, %mul3A_70, %eq3A_110 : vector<1x128xf32>
    %convert_element_type3A_112 = arith.extui %eq3A_111 : vector<1x128xi1> to vector<1x128xi32>
    %convert_element_type3A_113 = arith.sitofp %convert_element_type3A_112 : vector<1x128xi32> to vector<1x128xf32>
    %add3A_114 = arith.addf %add3A_100, %convert_element_type3A_113 : vector<1x128xf32>
    %slice3A_115 = vector.extract_strided_slice %dot_general3A_65 {offsets = [0, 3], sizes = [1, 1], strides = [1, 1]} : vector<1x8xf32> to vector<1x1xf32>
    %slice3A_116 = vector.extract_strided_slice %mul3A_60 {offsets = [0, 3], sizes = [1, 1], strides = [1, 1]} : vector<1x8xf32> to vector<1x1xf32>
    %add3A_117 = arith.addf %slice3A_115, %slice3A_116 : vector<1x1xf32>
    %ge3A_118 = vector.broadcast %add3A_117 : vector<1x1xf32> to vector<1x128xf32>
    %ge3A_119 = arith.cmpf oge, %mul3A_70, %ge3A_118 : vector<1x128xf32>
    %convert_element_type3A_120 = arith.extui %ge3A_119 : vector<1x128xi1> to vector<1x128xi32>
    %convert_element_type3A_121 = arith.sitofp %convert_element_type3A_120 : vector<1x128xi32> to vector<1x128xf32>
    %add3A_122 = arith.addf %add3A_108, %convert_element_type3A_121 : vector<1x128xf32>
    %slice3A_123 = vector.extract_strided_slice %dot_general3A_65 {offsets = [0, 3], sizes = [1, 1], strides = [1, 1]} : vector<1x8xf32> to vector<1x1xf32>
    %eq3A_124 = vector.broadcast %slice3A_123 : vector<1x1xf32> to vector<1x128xf32>
    %eq3A_125 = arith.cmpf oeq, %mul3A_70, %eq3A_124 : vector<1x128xf32>
    %convert_element_type3A_126 = arith.extui %eq3A_125 : vector<1x128xi1> to vector<1x128xi32>
    %convert_element_type3A_127 = arith.sitofp %convert_element_type3A_126 : vector<1x128xi32> to vector<1x128xf32>
    %add3A_128 = arith.addf %add3A_114, %convert_element_type3A_127 : vector<1x128xf32>
    %slice3A_129 = vector.extract_strided_slice %dot_general3A_65 {offsets = [0, 4], sizes = [1, 1], strides = [1, 1]} : vector<1x8xf32> to vector<1x1xf32>
    %slice3A_130 = vector.extract_strided_slice %mul3A_60 {offsets = [0, 4], sizes = [1, 1], strides = [1, 1]} : vector<1x8xf32> to vector<1x1xf32>
    %add3A_131 = arith.addf %slice3A_129, %slice3A_130 : vector<1x1xf32>
    %ge3A_132 = vector.broadcast %add3A_131 : vector<1x1xf32> to vector<1x128xf32>
    %ge3A_133 = arith.cmpf oge, %mul3A_70, %ge3A_132 : vector<1x128xf32>
    %convert_element_type3A_134 = arith.extui %ge3A_133 : vector<1x128xi1> to vector<1x128xi32>
    %convert_element_type3A_135 = arith.sitofp %convert_element_type3A_134 : vector<1x128xi32> to vector<1x128xf32>
    %add3A_136 = arith.addf %add3A_122, %convert_element_type3A_135 : vector<1x128xf32>
    %slice3A_137 = vector.extract_strided_slice %dot_general3A_65 {offsets = [0, 4], sizes = [1, 1], strides = [1, 1]} : vector<1x8xf32> to vector<1x1xf32>
    %eq3A_138 = vector.broadcast %slice3A_137 : vector<1x1xf32> to vector<1x128xf32>
    %eq3A_139 = arith.cmpf oeq, %mul3A_70, %eq3A_138 : vector<1x128xf32>
    %convert_element_type3A_140 = arith.extui %eq3A_139 : vector<1x128xi1> to vector<1x128xi32>
    %convert_element_type3A_141 = arith.sitofp %convert_element_type3A_140 : vector<1x128xi32> to vector<1x128xf32>
    %add3A_142 = arith.addf %add3A_128, %convert_element_type3A_141 : vector<1x128xf32>
    %slice3A_143 = vector.extract_strided_slice %dot_general3A_65 {offsets = [0, 5], sizes = [1, 1], strides = [1, 1]} : vector<1x8xf32> to vector<1x1xf32>
    %slice3A_144 = vector.extract_strided_slice %mul3A_60 {offsets = [0, 5], sizes = [1, 1], strides = [1, 1]} : vector<1x8xf32> to vector<1x1xf32>
    %add3A_145 = arith.addf %slice3A_143, %slice3A_144 : vector<1x1xf32>
    %ge3A_146 = vector.broadcast %add3A_145 : vector<1x1xf32> to vector<1x128xf32>
    %ge3A_147 = arith.cmpf oge, %mul3A_70, %ge3A_146 : vector<1x128xf32>
    %convert_element_type3A_148 = arith.extui %ge3A_147 : vector<1x128xi1> to vector<1x128xi32>
    %convert_element_type3A_149 = arith.sitofp %convert_element_type3A_148 : vector<1x128xi32> to vector<1x128xf32>
    %add3A_150 = arith.addf %add3A_136, %convert_element_type3A_149 : vector<1x128xf32>
    %slice3A_151 = vector.extract_strided_slice %dot_general3A_65 {offsets = [0, 5], sizes = [1, 1], strides = [1, 1]} : vector<1x8xf32> to vector<1x1xf32>
    %eq3A_152 = vector.broadcast %slice3A_151 : vector<1x1xf32> to vector<1x128xf32>
    %eq3A_153 = arith.cmpf oeq, %mul3A_70, %eq3A_152 : vector<1x128xf32>
    %convert_element_type3A_154 = arith.extui %eq3A_153 : vector<1x128xi1> to vector<1x128xi32>
    %convert_element_type3A_155 = arith.sitofp %convert_element_type3A_154 : vector<1x128xi32> to vector<1x128xf32>
    %add3A_156 = arith.addf %add3A_142, %convert_element_type3A_155 : vector<1x128xf32>
    %slice3A_157 = vector.extract_strided_slice %dot_general3A_65 {offsets = [0, 6], sizes = [1, 1], strides = [1, 1]} : vector<1x8xf32> to vector<1x1xf32>
    %slice3A_158 = vector.extract_strided_slice %mul3A_60 {offsets = [0, 6], sizes = [1, 1], strides = [1, 1]} : vector<1x8xf32> to vector<1x1xf32>
    %add3A_159 = arith.addf %slice3A_157, %slice3A_158 : vector<1x1xf32>
    %ge3A_160 = vector.broadcast %add3A_159 : vector<1x1xf32> to vector<1x128xf32>
    %ge3A_161 = arith.cmpf oge, %mul3A_70, %ge3A_160 : vector<1x128xf32>
    %convert_element_type3A_162 = arith.extui %ge3A_161 : vector<1x128xi1> to vector<1x128xi32>
    %convert_element_type3A_163 = arith.sitofp %convert_element_type3A_162 : vector<1x128xi32> to vector<1x128xf32>
    %add3A_164 = arith.addf %add3A_150, %convert_element_type3A_163 : vector<1x128xf32>
    %slice3A_165 = vector.extract_strided_slice %dot_general3A_65 {offsets = [0, 6], sizes = [1, 1], strides = [1, 1]} : vector<1x8xf32> to vector<1x1xf32>
    %eq3A_166 = vector.broadcast %slice3A_165 : vector<1x1xf32> to vector<1x128xf32>
    %eq3A_167 = arith.cmpf oeq, %mul3A_70, %eq3A_166 : vector<1x128xf32>
    %convert_element_type3A_168 = arith.extui %eq3A_167 : vector<1x128xi1> to vector<1x128xi32>
    %convert_element_type3A_169 = arith.sitofp %convert_element_type3A_168 : vector<1x128xi32> to vector<1x128xf32>
    %add3A_170 = arith.addf %add3A_156, %convert_element_type3A_169 : vector<1x128xf32>
    %slice3A_171 = vector.extract_strided_slice %dot_general3A_65 {offsets = [0, 7], sizes = [1, 1], strides = [1, 1]} : vector<1x8xf32> to vector<1x1xf32>
    %slice3A_172 = vector.extract_strided_slice %mul3A_60 {offsets = [0, 7], sizes = [1, 1], strides = [1, 1]} : vector<1x8xf32> to vector<1x1xf32>
    %add3A_173 = arith.addf %slice3A_171, %slice3A_172 : vector<1x1xf32>
    %ge3A_174 = vector.broadcast %add3A_173 : vector<1x1xf32> to vector<1x128xf32>
    %ge3A_175 = arith.cmpf oge, %mul3A_70, %ge3A_174 : vector<1x128xf32>
    %convert_element_type3A_176 = arith.extui %ge3A_175 : vector<1x128xi1> to vector<1x128xi32>
    %convert_element_type3A_177 = arith.sitofp %convert_element_type3A_176 : vector<1x128xi32> to vector<1x128xf32>
    %add3A_178 = arith.addf %add3A_164, %convert_element_type3A_177 : vector<1x128xf32>
    %slice3A_179 = vector.extract_strided_slice %dot_general3A_65 {offsets = [0, 7], sizes = [1, 1], strides = [1, 1]} : vector<1x8xf32> to vector<1x1xf32>
    %eq3A_180 = vector.broadcast %slice3A_179 : vector<1x1xf32> to vector<1x128xf32>
    %eq3A_181 = arith.cmpf oeq, %mul3A_70, %eq3A_180 : vector<1x128xf32>
    %convert_element_type3A_182 = arith.extui %eq3A_181 : vector<1x128xi1> to vector<1x128xi32>
    %convert_element_type3A_183 = arith.sitofp %convert_element_type3A_182 : vector<1x128xi32> to vector<1x128xf32>
    %add3A_184 = arith.addf %add3A_170, %convert_element_type3A_183 : vector<1x128xf32>
    %min3A = arith.constant 7.000000e+00 : f32
    %min3A_185 = vector.broadcast %min3A : f32 to vector<1x128xf32>
    %min3A_186 = arith.minimumf %add3A_178, %min3A_185 : vector<1x128xf32>
    %convert_element_type3A_187 = arith.fptosi %min3A_186 : vector<1x128xf32> to vector<1x128xi32>
    %swap3A_188 = arith.constant 0 : index
    %swap3A_189 = arith.constant 0 : index
    %swap3A_190 = vector.load %arg8[%swap3A_188, %swap3A_189] : memref<1x128xi32, #tpu.memory_space<vmem>>, vector<1x128xi32>
    tpu.vector_store %arg8[%swap3A_188, %swap3A_189], %convert_element_type3A_187 {strides = array<i32>} : memref<1x128xi32, #tpu.memory_space<vmem>>, vector<1x128xi32>,
    %min3A_191 = arith.constant 1.000000e+00 : f32
    %min3A_192 = vector.broadcast %min3A_191 : f32 to vector<1x128xf32>
    %min3A_193 = arith.minimumf %add3A_184, %min3A_192 : vector<1x128xf32>
    %convert_element_type3A_194 = arith.fptosi %min3A_193 : vector<1x128xf32> to vector<1x128xi32>
    %swap3A_195 = arith.constant 0 : index
    %swap3A_196 = arith.constant 0 : index
    %swap3A_197 = vector.load %arg9[%swap3A_195, %swap3A_196] : memref<1x128xi32, #tpu.memory_space<vmem>>, vector<1x128xi32>
    tpu.vector_store %arg9[%swap3A_195, %swap3A_196], %convert_element_type3A_194 {strides = array<i32>} : memref<1x128xi32, #tpu.memory_space<vmem>>, vector<1x128xi32>,
    %broadcast_in_dim3A_198 = arith.constant 0.000000e+00 : f32
    %broadcast_in_dim3A_199 = vector.broadcast %broadcast_in_dim3A_198 : f32 to vector<1x128xf32>
    %slice3A_200 = vector.extract_strided_slice %mul3A_60 {offsets = [0, 0], sizes = [1, 1], strides = [1, 1]} : vector<1x8xf32> to vector<1x1xf32>
    %gt3A = arith.constant 0.000000e+00 : f32
    %gt3A_201 = vector.broadcast %gt3A : f32 to vector<1x1xf32>
    %gt3A_202 = arith.cmpf ogt, %slice3A_200, %gt3A_201 : vector<1x1xf32>
    %convert_element_type3A_203 = arith.extui %gt3A_202 : vector<1x1xi1> to vector<1x1xi32>
    %convert_element_type3A_204 = arith.sitofp %convert_element_type3A_203 : vector<1x1xi32> to vector<1x1xf32>
    %slice3A_205 = vector.extract_strided_slice %dot_general3A_65 {offsets = [0, 0], sizes = [1, 1], strides = [1, 1]} : vector<1x8xf32> to vector<1x1xf32>
    %ge3A_206 = vector.broadcast %slice3A_205 : vector<1x1xf32> to vector<1x128xf32>
    %ge3A_207 = arith.cmpf oge, %mul3A_70, %ge3A_206 : vector<1x128xf32>
    %convert_element_type3A_208 = arith.extui %ge3A_207 : vector<1x128xi1> to vector<1x128xi32>
    %convert_element_type3A_209 = arith.sitofp %convert_element_type3A_208 : vector<1x128xi32> to vector<1x128xf32>
    %mul3A_210 = vector.broadcast %convert_element_type3A_204 : vector<1x1xf32> to vector<1x128xf32>
    %mul3A_211 = arith.mulf %mul3A_210, %convert_element_type3A_209 : vector<1x128xf32>
    %add3A_212 = arith.addf %broadcast_in_dim3A_199, %mul3A_211 : vector<1x128xf32>
    %slice3A_213 = vector.extract_strided_slice %mul3A_60 {offsets = [0, 1], sizes = [1, 1], strides = [1, 1]} : vector<1x8xf32> to vector<1x1xf32>
    %gt3A_214 = arith.constant 0.000000e+00 : f32
    %gt3A_215 = vector.broadcast %gt3A_214 : f32 to vector<1x1xf32>
    %gt3A_216 = arith.cmpf ogt, %slice3A_213, %gt3A_215 : vector<1x1xf32>
    %convert_element_type3A_217 = arith.extui %gt3A_216 : vector<1x1xi1> to vector<1x1xi32>
    %convert_element_type3A_218 = arith.sitofp %convert_element_type3A_217 : vector<1x1xi32> to vector<1x1xf32>
    %slice3A_219 = vector.extract_strided_slice %dot_general3A_65 {offsets = [0, 1], sizes = [1, 1], strides = [1, 1]} : vector<1x8xf32> to vector<1x1xf32>
    %ge3A_220 = vector.broadcast %slice3A_219 : vector<1x1xf32> to vector<1x128xf32>
    %ge3A_221 = arith.cmpf oge, %mul3A_70, %ge3A_220 : vector<1x128xf32>
    %convert_element_type3A_222 = arith.extui %ge3A_221 : vector<1x128xi1> to vector<1x128xi32>
    %convert_element_type3A_223 = arith.sitofp %convert_element_type3A_222 : vector<1x128xi32> to vector<1x128xf32>
    %mul3A_224 = vector.broadcast %convert_element_type3A_218 : vector<1x1xf32> to vector<1x128xf32>
    %mul3A_225 = arith.mulf %mul3A_224, %convert_element_type3A_223 : vector<1x128xf32>
    %add3A_226 = arith.addf %add3A_212, %mul3A_225 : vector<1x128xf32>
    %slice3A_227 = vector.extract_strided_slice %mul3A_60 {offsets = [0, 2], sizes = [1, 1], strides = [1, 1]} : vector<1x8xf32> to vector<1x1xf32>
    %gt3A_228 = arith.constant 0.000000e+00 : f32
    %gt3A_229 = vector.broadcast %gt3A_228 : f32 to vector<1x1xf32>
    %gt3A_230 = arith.cmpf ogt, %slice3A_227, %gt3A_229 : vector<1x1xf32>
    %convert_element_type3A_231 = arith.extui %gt3A_230 : vector<1x1xi1> to vector<1x1xi32>
    %convert_element_type3A_232 = arith.sitofp %convert_element_type3A_231 : vector<1x1xi32> to vector<1x1xf32>
    %slice3A_233 = vector.extract_strided_slice %dot_general3A_65 {offsets = [0, 2], sizes = [1, 1], strides = [1, 1]} : vector<1x8xf32> to vector<1x1xf32>
    %ge3A_234 = vector.broadcast %slice3A_233 : vector<1x1xf32> to vector<1x128xf32>
    %ge3A_235 = arith.cmpf oge, %mul3A_70, %ge3A_234 : vector<1x128xf32>
    %convert_element_type3A_236 = arith.extui %ge3A_235 : vector<1x128xi1> to vector<1x128xi32>
    %convert_element_type3A_237 = arith.sitofp %convert_element_type3A_236 : vector<1x128xi32> to vector<1x128xf32>
    %mul3A_238 = vector.broadcast %convert_element_type3A_232 : vector<1x1xf32> to vector<1x128xf32>
    %mul3A_239 = arith.mulf %mul3A_238, %convert_element_type3A_237 : vector<1x128xf32>
    %add3A_240 = arith.addf %add3A_226, %mul3A_239 : vector<1x128xf32>
    %slice3A_241 = vector.extract_strided_slice %mul3A_60 {offsets = [0, 3], sizes = [1, 1], strides = [1, 1]} : vector<1x8xf32> to vector<1x1xf32>
    %gt3A_242 = arith.constant 0.000000e+00 : f32
    %gt3A_243 = vector.broadcast %gt3A_242 : f32 to vector<1x1xf32>
    %gt3A_244 = arith.cmpf ogt, %slice3A_241, %gt3A_243 : vector<1x1xf32>
    %convert_element_type3A_245 = arith.extui %gt3A_244 : vector<1x1xi1> to vector<1x1xi32>
    %convert_element_type3A_246 = arith.sitofp %convert_element_type3A_245 : vector<1x1xi32> to vector<1x1xf32>
    %slice3A_247 = vector.extract_strided_slice %dot_general3A_65 {offsets = [0, 3], sizes = [1, 1], strides = [1, 1]} : vector<1x8xf32> to vector<1x1xf32>
    %ge3A_248 = vector.broadcast %slice3A_247 : vector<1x1xf32> to vector<1x128xf32>
    %ge3A_249 = arith.cmpf oge, %mul3A_70, %ge3A_248 : vector<1x128xf32>
    %convert_element_type3A_250 = arith.extui %ge3A_249 : vector<1x128xi1> to vector<1x128xi32>
    %convert_element_type3A_251 = arith.sitofp %convert_element_type3A_250 : vector<1x128xi32> to vector<1x128xf32>
    %mul3A_252 = vector.broadcast %convert_element_type3A_246 : vector<1x1xf32> to vector<1x128xf32>
    %mul3A_253 = arith.mulf %mul3A_252, %convert_element_type3A_251 : vector<1x128xf32>
    %add3A_254 = arith.addf %add3A_240, %mul3A_253 : vector<1x128xf32>
    %slice3A_255 = vector.extract_strided_slice %mul3A_60 {offsets = [0, 4], sizes = [1, 1], strides = [1, 1]} : vector<1x8xf32> to vector<1x1xf32>
    %gt3A_256 = arith.constant 0.000000e+00 : f32
    %gt3A_257 = vector.broadcast %gt3A_256 : f32 to vector<1x1xf32>
    %gt3A_258 = arith.cmpf ogt, %slice3A_255, %gt3A_257 : vector<1x1xf32>
    %convert_element_type3A_259 = arith.extui %gt3A_258 : vector<1x1xi1> to vector<1x1xi32>
    %convert_element_type3A_260 = arith.sitofp %convert_element_type3A_259 : vector<1x1xi32> to vector<1x1xf32>
    %slice3A_261 = vector.extract_strided_slice %dot_general3A_65 {offsets = [0, 4], sizes = [1, 1], strides = [1, 1]} : vector<1x8xf32> to vector<1x1xf32>
    %ge3A_262 = vector.broadcast %slice3A_261 : vector<1x1xf32> to vector<1x128xf32>
    %ge3A_263 = arith.cmpf oge, %mul3A_70, %ge3A_262 : vector<1x128xf32>
    %convert_element_type3A_264 = arith.extui %ge3A_263 : vector<1x128xi1> to vector<1x128xi32>
    %convert_element_type3A_265 = arith.sitofp %convert_element_type3A_264 : vector<1x128xi32> to vector<1x128xf32>
    %mul3A_266 = vector.broadcast %convert_element_type3A_260 : vector<1x1xf32> to vector<1x128xf32>
    %mul3A_267 = arith.mulf %mul3A_266, %convert_element_type3A_265 : vector<1x128xf32>
    %add3A_268 = arith.addf %add3A_254, %mul3A_267 : vector<1x128xf32>
    %slice3A_269 = vector.extract_strided_slice %mul3A_60 {offsets = [0, 5], sizes = [1, 1], strides = [1, 1]} : vector<1x8xf32> to vector<1x1xf32>
    %gt3A_270 = arith.constant 0.000000e+00 : f32
    %gt3A_271 = vector.broadcast %gt3A_270 : f32 to vector<1x1xf32>
    %gt3A_272 = arith.cmpf ogt, %slice3A_269, %gt3A_271 : vector<1x1xf32>
    %convert_element_type3A_273 = arith.extui %gt3A_272 : vector<1x1xi1> to vector<1x1xi32>
    %convert_element_type3A_274 = arith.sitofp %convert_element_type3A_273 : vector<1x1xi32> to vector<1x1xf32>
    %slice3A_275 = vector.extract_strided_slice %dot_general3A_65 {offsets = [0, 5], sizes = [1, 1], strides = [1, 1]} : vector<1x8xf32> to vector<1x1xf32>
    %ge3A_276 = vector.broadcast %slice3A_275 : vector<1x1xf32> to vector<1x128xf32>
    %ge3A_277 = arith.cmpf oge, %mul3A_70, %ge3A_276 : vector<1x128xf32>
    %convert_element_type3A_278 = arith.extui %ge3A_277 : vector<1x128xi1> to vector<1x128xi32>
    %convert_element_type3A_279 = arith.sitofp %convert_element_type3A_278 : vector<1x128xi32> to vector<1x128xf32>
    %mul3A_280 = vector.broadcast %convert_element_type3A_274 : vector<1x1xf32> to vector<1x128xf32>
    %mul3A_281 = arith.mulf %mul3A_280, %convert_element_type3A_279 : vector<1x128xf32>
    %add3A_282 = arith.addf %add3A_268, %mul3A_281 : vector<1x128xf32>
    %slice3A_283 = vector.extract_strided_slice %mul3A_60 {offsets = [0, 6], sizes = [1, 1], strides = [1, 1]} : vector<1x8xf32> to vector<1x1xf32>
    %gt3A_284 = arith.constant 0.000000e+00 : f32
    %gt3A_285 = vector.broadcast %gt3A_284 : f32 to vector<1x1xf32>
    %gt3A_286 = arith.cmpf ogt, %slice3A_283, %gt3A_285 : vector<1x1xf32>
    %convert_element_type3A_287 = arith.extui %gt3A_286 : vector<1x1xi1> to vector<1x1xi32>
    %convert_element_type3A_288 = arith.sitofp %convert_element_type3A_287 : vector<1x1xi32> to vector<1x1xf32>
    %slice3A_289 = vector.extract_strided_slice %dot_general3A_65 {offsets = [0, 6], sizes = [1, 1], strides = [1, 1]} : vector<1x8xf32> to vector<1x1xf32>
    %ge3A_290 = vector.broadcast %slice3A_289 : vector<1x1xf32> to vector<1x128xf32>
    %ge3A_291 = arith.cmpf oge, %mul3A_70, %ge3A_290 : vector<1x128xf32>
    %convert_element_type3A_292 = arith.extui %ge3A_291 : vector<1x128xi1> to vector<1x128xi32>
    %convert_element_type3A_293 = arith.sitofp %convert_element_type3A_292 : vector<1x128xi32> to vector<1x128xf32>
    %mul3A_294 = vector.broadcast %convert_element_type3A_288 : vector<1x1xf32> to vector<1x128xf32>
    %mul3A_295 = arith.mulf %mul3A_294, %convert_element_type3A_293 : vector<1x128xf32>
    %add3A_296 = arith.addf %add3A_282, %mul3A_295 : vector<1x128xf32>
    %broadcast_in_dim3A_297 = arith.constant 1.000000e+00 : f32
    %broadcast_in_dim3A_298 = vector.broadcast %broadcast_in_dim3A_297 : f32 to vector<1x1xf32>
    %slice3A_299 = vector.extract_strided_slice %dot_general3A_65 {offsets = [0, 7], sizes = [1, 1], strides = [1, 1]} : vector<1x8xf32> to vector<1x1xf32>
    %ge3A_300 = vector.broadcast %slice3A_299 : vector<1x1xf32> to vector<1x128xf32>
    %ge3A_301 = arith.cmpf oge, %mul3A_70, %ge3A_300 : vector<1x128xf32>
    %convert_element_type3A_302 = arith.extui %ge3A_301 : vector<1x128xi1> to vector<1x128xi32>
    %convert_element_type3A_303 = arith.sitofp %convert_element_type3A_302 : vector<1x128xi32> to vector<1x128xf32>
    %mul3A_304 = vector.broadcast %broadcast_in_dim3A_298 : vector<1x1xf32> to vector<1x128xf32>
    %mul3A_305 = arith.mulf %mul3A_304, %convert_element_type3A_303 : vector<1x128xf32>
    %add3A_306 = arith.addf %add3A_296, %mul3A_305 : vector<1x128xf32>
    %sub3A_307 = arith.constant 1.000000e+00 : f32
    %sub3A_308 = vector.broadcast %sub3A_307 : f32 to vector<1x128xf32>
    %sub3A_309 = arith.subf %add3A_306, %sub3A_308 : vector<1x128xf32>
    %div3A_310 = arith.constant 2.000000e+00 : f32
    %div3A_311 = vector.broadcast %div3A_310 : f32 to vector<1x128xf32>
    %div3A_312 = arith.divf %sub3A_309, %div3A_311 : vector<1x128xf32>
    %floor3A = math.floor %div3A_312 : vector<1x128xf32>
    %mul3A_313 = arith.constant 2.000000e+00 : f32
    %mul3A_314 = vector.broadcast %mul3A_313 : f32 to vector<1x128xf32>
    %mul3A_315 = arith.mulf %mul3A_314, %floor3A : vector<1x128xf32>
    %sub3A_316 = arith.subf %sub3A_309, %mul3A_315 : vector<1x128xf32>
    %convert_element_type3A_317 = arith.fptosi %sub3A_316 : vector<1x128xf32> to vector<1x128xi32>
    %swap3A_318 = arith.constant 0 : index
    %swap3A_319 = arith.constant 0 : index
    %swap3A_320 = vector.load %arg11[%swap3A_318, %swap3A_319] : memref<1x128xi32, #tpu.memory_space<vmem>>, vector<1x128xi32>
    tpu.vector_store %arg11[%swap3A_318, %swap3A_319], %convert_element_type3A_317 {strides = array<i32>} : memref<1x128xi32, #tpu.memory_space<vmem>>, vector<1x128xi32>,
    %broadcast_in_dim3A_321 = arith.constant -1.000000e+00 : f32
    %broadcast_in_dim3A_322 = vector.broadcast %broadcast_in_dim3A_321 : f32 to vector<1x1xf32>
    %broadcast_in_dim3A_323 = arith.constant 7.000000e+00 : f32
    %broadcast_in_dim3A_324 = vector.broadcast %broadcast_in_dim3A_323 : f32 to vector<1x1xf32>
    %slice3A_325 = vector.extract_strided_slice %broadcast_in_dim3A_54 {offsets = [0, 6], sizes = [1, 1], strides = [1, 1]} : vector<1x8xf32> to vector<1x1xf32>
    %gt3A_326 = arith.constant 0.000000e+00 : f32
    %gt3A_327 = vector.broadcast %gt3A_326 : f32 to vector<1x1xf32>
    %gt3A_328 = arith.cmpf ogt, %slice3A_325, %gt3A_327 : vector<1x1xf32>
    %jit3A_329 = arith.constant 6.000000e+00 : f32
    %broadcast_in_dim3A_330 = vector.broadcast %jit3A_329 : f32 to vector<1x1xf32>
    %select_n3A_331 = arith.select %gt3A_328, %broadcast_in_dim3A_330, %broadcast_in_dim3A_324 : vector<1x1xi1>, vector<1x1xf32>
    %slice3A_332 = vector.extract_strided_slice %broadcast_in_dim3A_54 {offsets = [0, 5], sizes = [1, 1], strides = [1, 1]} : vector<1x8xf32> to vector<1x1xf32>
    %gt3A_333 = arith.constant 0.000000e+00 : f32
    %gt3A_334 = vector.broadcast %gt3A_333 : f32 to vector<1x1xf32>
    %gt3A_335 = arith.cmpf ogt, %slice3A_332, %gt3A_334 : vector<1x1xf32>
    %jit3A_336 = arith.constant 5.000000e+00 : f32
    %broadcast_in_dim3A_337 = vector.broadcast %jit3A_336 : f32 to vector<1x1xf32>
    %select_n3A_338 = arith.select %gt3A_335, %broadcast_in_dim3A_337, %select_n3A_331 : vector<1x1xi1>, vector<1x1xf32>
    %slice3A_339 = vector.extract_strided_slice %broadcast_in_dim3A_54 {offsets = [0, 4], sizes = [1, 1], strides = [1, 1]} : vector<1x8xf32> to vector<1x1xf32>
    %gt3A_340 = arith.constant 0.000000e+00 : f32
    %gt3A_341 = vector.broadcast %gt3A_340 : f32 to vector<1x1xf32>
    %gt3A_342 = arith.cmpf ogt, %slice3A_339, %gt3A_341 : vector<1x1xf32>
    %jit3A_343 = arith.constant 4.000000e+00 : f32
    %broadcast_in_dim3A_344 = vector.broadcast %jit3A_343 : f32 to vector<1x1xf32>
    %select_n3A_345 = arith.select %gt3A_342, %broadcast_in_dim3A_344, %select_n3A_338 : vector<1x1xi1>, vector<1x1xf32>
    %slice3A_346 = vector.extract_strided_slice %broadcast_in_dim3A_54 {offsets = [0, 3], sizes = [1, 1], strides = [1, 1]} : vector<1x8xf32> to vector<1x1xf32>
    %gt3A_347 = arith.constant 0.000000e+00 : f32
    %gt3A_348 = vector.broadcast %gt3A_347 : f32 to vector<1x1xf32>
    %gt3A_349 = arith.cmpf ogt, %slice3A_346, %gt3A_348 : vector<1x1xf32>
    %jit3A_350 = arith.constant 3.000000e+00 : f32
    %broadcast_in_dim3A_351 = vector.broadcast %jit3A_350 : f32 to vector<1x1xf32>
    %select_n3A_352 = arith.select %gt3A_349, %broadcast_in_dim3A_351, %select_n3A_345 : vector<1x1xi1>, vector<1x1xf32>
    %slice3A_353 = vector.extract_strided_slice %broadcast_in_dim3A_54 {offsets = [0, 2], sizes = [1, 1], strides = [1, 1]} : vector<1x8xf32> to vector<1x1xf32>
    %gt3A_354 = arith.constant 0.000000e+00 : f32
    %gt3A_355 = vector.broadcast %gt3A_354 : f32 to vector<1x1xf32>
    %gt3A_356 = arith.cmpf ogt, %slice3A_353, %gt3A_355 : vector<1x1xf32>
    %jit3A_357 = arith.constant 2.000000e+00 : f32
    %broadcast_in_dim3A_358 = vector.broadcast %jit3A_357 : f32 to vector<1x1xf32>
    %select_n3A_359 = arith.select %gt3A_356, %broadcast_in_dim3A_358, %select_n3A_352 : vector<1x1xi1>, vector<1x1xf32>
    %slice3A_360 = vector.extract_strided_slice %broadcast_in_dim3A_54 {offsets = [0, 1], sizes = [1, 1], strides = [1, 1]} : vector<1x8xf32> to vector<1x1xf32>
    %gt3A_361 = arith.constant 0.000000e+00 : f32
    %gt3A_362 = vector.broadcast %gt3A_361 : f32 to vector<1x1xf32>
    %gt3A_363 = arith.cmpf ogt, %slice3A_360, %gt3A_362 : vector<1x1xf32>
    %jit3A_364 = arith.constant 1.000000e+00 : f32
    %broadcast_in_dim3A_365 = vector.broadcast %jit3A_364 : f32 to vector<1x1xf32>
    %select_n3A_366 = arith.select %gt3A_363, %broadcast_in_dim3A_365, %select_n3A_359 : vector<1x1xi1>, vector<1x1xf32>
    %broadcast_in_dim3A_367 = arith.constant 0.000000e+00 : f32
    %broadcast_in_dim3A_368 = vector.broadcast %broadcast_in_dim3A_367 : f32 to vector<1x128xf32>
    %eq3A_369 = arith.constant 0.000000e+00 : f32
    %eq3A_370 = vector.broadcast %eq3A_369 : f32 to vector<1x128xf32>
    %eq3A_371 = arith.cmpf oeq, %min3A_186, %eq3A_370 : vector<1x128xf32>
    %broadcast_in_dim3A_372 = vector.shape_cast %select_n3A_366 : vector<1x1xf32> to vector<1x1xf32>
    %broadcast_in_dim3A_373 = vector.broadcast %broadcast_in_dim3A_372 : vector<1x1xf32> to vector<1x128xf32>
    %select_n3A_374 = arith.select %eq3A_371, %broadcast_in_dim3A_373, %broadcast_in_dim3A_368 : vector<1x128xi1>, vector<1x128xf32>
    %eq3A_375 = arith.constant 1.000000e+00 : f32
    %eq3A_376 = vector.broadcast %eq3A_375 : f32 to vector<1x128xf32>
    %eq3A_377 = arith.cmpf oeq, %min3A_186, %eq3A_376 : vector<1x128xf32>
    %broadcast_in_dim3A_378 = vector.shape_cast %select_n3A_359 : vector<1x1xf32> to vector<1x1xf32>
    %broadcast_in_dim3A_379 = vector.broadcast %broadcast_in_dim3A_378 : vector<1x1xf32> to vector<1x128xf32>
    %select_n3A_380 = arith.select %eq3A_377, %broadcast_in_dim3A_379, %select_n3A_374 : vector<1x128xi1>, vector<1x128xf32>
    %eq3A_381 = arith.constant 2.000000e+00 : f32
    %eq3A_382 = vector.broadcast %eq3A_381 : f32 to vector<1x128xf32>
    %eq3A_383 = arith.cmpf oeq, %min3A_186, %eq3A_382 : vector<1x128xf32>
    %broadcast_in_dim3A_384 = vector.shape_cast %select_n3A_352 : vector<1x1xf32> to vector<1x1xf32>
    %broadcast_in_dim3A_385 = vector.broadcast %broadcast_in_dim3A_384 : vector<1x1xf32> to vector<1x128xf32>
    %select_n3A_386 = arith.select %eq3A_383, %broadcast_in_dim3A_385, %select_n3A_380 : vector<1x128xi1>, vector<1x128xf32>
    %eq3A_387 = arith.constant 3.000000e+00 : f32
    %eq3A_388 = vector.broadcast %eq3A_387 : f32 to vector<1x128xf32>
    %eq3A_389 = arith.cmpf oeq, %min3A_186, %eq3A_388 : vector<1x128xf32>
    %broadcast_in_dim3A_390 = vector.shape_cast %select_n3A_345 : vector<1x1xf32> to vector<1x1xf32>
    %broadcast_in_dim3A_391 = vector.broadcast %broadcast_in_dim3A_390 : vector<1x1xf32> to vector<1x128xf32>
    %select_n3A_392 = arith.select %eq3A_389, %broadcast_in_dim3A_391, %select_n3A_386 : vector<1x128xi1>, vector<1x128xf32>
    %eq3A_393 = arith.constant 4.000000e+00 : f32
    %eq3A_394 = vector.broadcast %eq3A_393 : f32 to vector<1x128xf32>
    %eq3A_395 = arith.cmpf oeq, %min3A_186, %eq3A_394 : vector<1x128xf32>
    %broadcast_in_dim3A_396 = vector.shape_cast %select_n3A_338 : vector<1x1xf32> to vector<1x1xf32>
    %broadcast_in_dim3A_397 = vector.broadcast %broadcast_in_dim3A_396 : vector<1x1xf32> to vector<1x128xf32>
    %select_n3A_398 = arith.select %eq3A_395, %broadcast_in_dim3A_397, %select_n3A_392 : vector<1x128xi1>, vector<1x128xf32>
    %eq3A_399 = arith.constant 5.000000e+00 : f32
    %eq3A_400 = vector.broadcast %eq3A_399 : f32 to vector<1x128xf32>
    %eq3A_401 = arith.cmpf oeq, %min3A_186, %eq3A_400 : vector<1x128xf32>
    %broadcast_in_dim3A_402 = vector.shape_cast %select_n3A_331 : vector<1x1xf32> to vector<1x1xf32>
    %broadcast_in_dim3A_403 = vector.broadcast %broadcast_in_dim3A_402 : vector<1x1xf32> to vector<1x128xf32>
    %select_n3A_404 = arith.select %eq3A_401, %broadcast_in_dim3A_403, %select_n3A_398 : vector<1x128xi1>, vector<1x128xf32>
    %eq3A_405 = arith.constant 6.000000e+00 : f32
    %eq3A_406 = vector.broadcast %eq3A_405 : f32 to vector<1x128xf32>
    %eq3A_407 = arith.cmpf oeq, %min3A_186, %eq3A_406 : vector<1x128xf32>
    %broadcast_in_dim3A_408 = vector.shape_cast %broadcast_in_dim3A_324 : vector<1x1xf32> to vector<1x1xf32>
    %broadcast_in_dim3A_409 = vector.broadcast %broadcast_in_dim3A_408 : vector<1x1xf32> to vector<1x128xf32>
    %select_n3A_410 = arith.select %eq3A_407, %broadcast_in_dim3A_409, %select_n3A_404 : vector<1x128xi1>, vector<1x128xf32>
    %eq3A_411 = arith.constant 7.000000e+00 : f32
    %eq3A_412 = vector.broadcast %eq3A_411 : f32 to vector<1x128xf32>
    %eq3A_413 = arith.cmpf oeq, %min3A_186, %eq3A_412 : vector<1x128xf32>
    %broadcast_in_dim3A_414 = vector.shape_cast %broadcast_in_dim3A_322 : vector<1x1xf32> to vector<1x1xf32>
    %broadcast_in_dim3A_415 = vector.broadcast %broadcast_in_dim3A_414 : vector<1x1xf32> to vector<1x128xf32>
    %select_n3A_416 = arith.select %eq3A_413, %broadcast_in_dim3A_415, %select_n3A_410 : vector<1x128xi1>, vector<1x128xf32>
    %convert_element_type3A_417 = arith.fptosi %select_n3A_416 : vector<1x128xf32> to vector<1x128xi32>
    %swap3A_418 = arith.constant 0 : index
    %swap3A_419 = arith.constant 0 : index
    %swap3A_420 = vector.load %arg10[%swap3A_418, %swap3A_419] : memref<1x128xi32, #tpu.memory_space<vmem>>, vector<1x128xi32>
    tpu.vector_store %arg10[%swap3A_418, %swap3A_419], %convert_element_type3A_417 {strides = array<i32>} : memref<1x128xi32, #tpu.memory_space<vmem>>, vector<1x128xi32>,
    %get3A_421 = arith.constant 0 : index
    %get3A_422 = arith.constant 0 : index
    %get3A_423 = vector.load %arg2[%get3A_421, %get3A_422] : memref<128x128xf32, #tpu.memory_space<vmem>>, vector<128x128xf32>
    %slice3A_424 = vector.extract_strided_slice %convert_element_type3A_51 {offsets = [0, 0], sizes = [128, 8], strides = [1, 1]} : vector<4096x8xf32> to vector<128x8xf32>
    %slice3A_425 = vector.extract_strided_slice %convert_element_type3A_51 {offsets = [128, 0], sizes = [128, 8], strides = [1, 1]} : vector<4096x8xf32> to vector<128x8xf32>
    %slice3A_426 = vector.extract_strided_slice %convert_element_type3A_51 {offsets = [256, 0], sizes = [128, 8], strides = [1, 1]} : vector<4096x8xf32> to vector<128x8xf32>
    %slice3A_427 = vector.extract_strided_slice %convert_element_type3A_51 {offsets = [384, 0], sizes = [128, 8], strides = [1, 1]} : vector<4096x8xf32> to vector<128x8xf32>
    %slice3A_428 = vector.extract_strided_slice %convert_element_type3A_51 {offsets = [512, 0], sizes = [128, 8], strides = [1, 1]} : vector<4096x8xf32> to vector<128x8xf32>
    %slice3A_429 = vector.extract_strided_slice %convert_element_type3A_51 {offsets = [640, 0], sizes = [128, 8], strides = [1, 1]} : vector<4096x8xf32> to vector<128x8xf32>
    %slice3A_430 = vector.extract_strided_slice %convert_element_type3A_51 {offsets = [768, 0], sizes = [128, 8], strides = [1, 1]} : vector<4096x8xf32> to vector<128x8xf32>
    %slice3A_431 = vector.extract_strided_slice %convert_element_type3A_51 {offsets = [896, 0], sizes = [128, 8], strides = [1, 1]} : vector<4096x8xf32> to vector<128x8xf32>
    %slice3A_432 = vector.extract_strided_slice %convert_element_type3A_51 {offsets = [1024, 0], sizes = [128, 8], strides = [1, 1]} : vector<4096x8xf32> to vector<128x8xf32>
    %slice3A_433 = vector.extract_strided_slice %convert_element_type3A_51 {offsets = [1152, 0], sizes = [128, 8], strides = [1, 1]} : vector<4096x8xf32> to vector<128x8xf32>
    %slice3A_434 = vector.extract_strided_slice %convert_element_type3A_51 {offsets = [1280, 0], sizes = [128, 8], strides = [1, 1]} : vector<4096x8xf32> to vector<128x8xf32>
    %slice3A_435 = vector.extract_strided_slice %convert_element_type3A_51 {offsets = [1408, 0], sizes = [128, 8], strides = [1, 1]} : vector<4096x8xf32> to vector<128x8xf32>
    %slice3A_436 = vector.extract_strided_slice %convert_element_type3A_51 {offsets = [1536, 0], sizes = [128, 8], strides = [1, 1]} : vector<4096x8xf32> to vector<128x8xf32>
    %slice3A_437 = vector.extract_strided_slice %convert_element_type3A_51 {offsets = [1664, 0], sizes = [128, 8], strides = [1, 1]} : vector<4096x8xf32> to vector<128x8xf32>
    %slice3A_438 = vector.extract_strided_slice %convert_element_type3A_51 {offsets = [1792, 0], sizes = [128, 8], strides = [1, 1]} : vector<4096x8xf32> to vector<128x8xf32>
    %slice3A_439 = vector.extract_strided_slice %convert_element_type3A_51 {offsets = [1920, 0], sizes = [128, 8], strides = [1, 1]} : vector<4096x8xf32> to vector<128x8xf32>
    %slice3A_440 = vector.extract_strided_slice %convert_element_type3A_51 {offsets = [2048, 0], sizes = [128, 8], strides = [1, 1]} : vector<4096x8xf32> to vector<128x8xf32>
    %slice3A_441 = vector.extract_strided_slice %convert_element_type3A_51 {offsets = [2176, 0], sizes = [128, 8], strides = [1, 1]} : vector<4096x8xf32> to vector<128x8xf32>
    %slice3A_442 = vector.extract_strided_slice %convert_element_type3A_51 {offsets = [2304, 0], sizes = [128, 8], strides = [1, 1]} : vector<4096x8xf32> to vector<128x8xf32>
    %slice3A_443 = vector.extract_strided_slice %convert_element_type3A_51 {offsets = [2432, 0], sizes = [128, 8], strides = [1, 1]} : vector<4096x8xf32> to vector<128x8xf32>
    %slice3A_444 = vector.extract_strided_slice %convert_element_type3A_51 {offsets = [2560, 0], sizes = [128, 8], strides = [1, 1]} : vector<4096x8xf32> to vector<128x8xf32>
    %slice3A_445 = vector.extract_strided_slice %convert_element_type3A_51 {offsets = [2688, 0], sizes = [128, 8], strides = [1, 1]} : vector<4096x8xf32> to vector<128x8xf32>
    %slice3A_446 = vector.extract_strided_slice %convert_element_type3A_51 {offsets = [2816, 0], sizes = [128, 8], strides = [1, 1]} : vector<4096x8xf32> to vector<128x8xf32>
    %slice3A_447 = vector.extract_strided_slice %convert_element_type3A_51 {offsets = [2944, 0], sizes = [128, 8], strides = [1, 1]} : vector<4096x8xf32> to vector<128x8xf32>
    %slice3A_448 = vector.extract_strided_slice %convert_element_type3A_51 {offsets = [3072, 0], sizes = [128, 8], strides = [1, 1]} : vector<4096x8xf32> to vector<128x8xf32>
    %slice3A_449 = vector.extract_strided_slice %convert_element_type3A_51 {offsets = [3200, 0], sizes = [128, 8], strides = [1, 1]} : vector<4096x8xf32> to vector<128x8xf32>
    %slice3A_450 = vector.extract_strided_slice %convert_element_type3A_51 {offsets = [3328, 0], sizes = [128, 8], strides = [1, 1]} : vector<4096x8xf32> to vector<128x8xf32>
    %slice3A_451 = vector.extract_strided_slice %convert_element_type3A_51 {offsets = [3456, 0], sizes = [128, 8], strides = [1, 1]} : vector<4096x8xf32> to vector<128x8xf32>
    %slice3A_452 = vector.extract_strided_slice %convert_element_type3A_51 {offsets = [3584, 0], sizes = [128, 8], strides = [1, 1]} : vector<4096x8xf32> to vector<128x8xf32>
    %slice3A_453 = vector.extract_strided_slice %convert_element_type3A_51 {offsets = [3712, 0], sizes = [128, 8], strides = [1, 1]} : vector<4096x8xf32> to vector<128x8xf32>
    %slice3A_454 = vector.extract_strided_slice %convert_element_type3A_51 {offsets = [3840, 0], sizes = [128, 8], strides = [1, 1]} : vector<4096x8xf32> to vector<128x8xf32>
    %slice3A_455 = vector.extract_strided_slice %convert_element_type3A_51 {offsets = [3968, 0], sizes = [128, 8], strides = [1, 1]} : vector<4096x8xf32> to vector<128x8xf32>
    %reduce_sum3A_456 = arith.constant dense<0.000000e+00> : vector<8xf32>
    %reduce_sum3A_457 = vector.multi_reduction <add>, %slice3A_424, %reduce_sum3A_456 [0] : vector<128x8xf32> to vector<8xf32>
    %broadcast_in_dim3A_458 = vector.shape_cast %reduce_sum3A_457 : vector<8xf32> to vector<1x8xf32>
    %reduce_sum3A_459 = arith.constant dense<0.000000e+00> : vector<8xf32>
    %reduce_sum3A_460 = vector.multi_reduction <add>, %slice3A_425, %reduce_sum3A_459 [0] : vector<128x8xf32> to vector<8xf32>
    %broadcast_in_dim3A_461 = vector.shape_cast %reduce_sum3A_460 : vector<8xf32> to vector<1x8xf32>
    %reduce_sum3A_462 = arith.constant dense<0.000000e+00> : vector<8xf32>
    %reduce_sum3A_463 = vector.multi_reduction <add>, %slice3A_426, %reduce_sum3A_462 [0] : vector<128x8xf32> to vector<8xf32>
    %broadcast_in_dim3A_464 = vector.shape_cast %reduce_sum3A_463 : vector<8xf32> to vector<1x8xf32>
    %reduce_sum3A_465 = arith.constant dense<0.000000e+00> : vector<8xf32>
    %reduce_sum3A_466 = vector.multi_reduction <add>, %slice3A_427, %reduce_sum3A_465 [0] : vector<128x8xf32> to vector<8xf32>
    %broadcast_in_dim3A_467 = vector.shape_cast %reduce_sum3A_466 : vector<8xf32> to vector<1x8xf32>
    %reduce_sum3A_468 = arith.constant dense<0.000000e+00> : vector<8xf32>
    %reduce_sum3A_469 = vector.multi_reduction <add>, %slice3A_428, %reduce_sum3A_468 [0] : vector<128x8xf32> to vector<8xf32>
    %broadcast_in_dim3A_470 = vector.shape_cast %reduce_sum3A_469 : vector<8xf32> to vector<1x8xf32>
    %reduce_sum3A_471 = arith.constant dense<0.000000e+00> : vector<8xf32>
    %reduce_sum3A_472 = vector.multi_reduction <add>, %slice3A_429, %reduce_sum3A_471 [0] : vector<128x8xf32> to vector<8xf32>
    %broadcast_in_dim3A_473 = vector.shape_cast %reduce_sum3A_472 : vector<8xf32> to vector<1x8xf32>
    %reduce_sum3A_474 = arith.constant dense<0.000000e+00> : vector<8xf32>
    %reduce_sum3A_475 = vector.multi_reduction <add>, %slice3A_430, %reduce_sum3A_474 [0] : vector<128x8xf32> to vector<8xf32>
    %broadcast_in_dim3A_476 = vector.shape_cast %reduce_sum3A_475 : vector<8xf32> to vector<1x8xf32>
    %reduce_sum3A_477 = arith.constant dense<0.000000e+00> : vector<8xf32>
    %reduce_sum3A_478 = vector.multi_reduction <add>, %slice3A_431, %reduce_sum3A_477 [0] : vector<128x8xf32> to vector<8xf32>
    %broadcast_in_dim3A_479 = vector.shape_cast %reduce_sum3A_478 : vector<8xf32> to vector<1x8xf32>
    %reduce_sum3A_480 = arith.constant dense<0.000000e+00> : vector<8xf32>
    %reduce_sum3A_481 = vector.multi_reduction <add>, %slice3A_432, %reduce_sum3A_480 [0] : vector<128x8xf32> to vector<8xf32>
    %broadcast_in_dim3A_482 = vector.shape_cast %reduce_sum3A_481 : vector<8xf32> to vector<1x8xf32>
    %reduce_sum3A_483 = arith.constant dense<0.000000e+00> : vector<8xf32>
    %reduce_sum3A_484 = vector.multi_reduction <add>, %slice3A_433, %reduce_sum3A_483 [0] : vector<128x8xf32> to vector<8xf32>
    %broadcast_in_dim3A_485 = vector.shape_cast %reduce_sum3A_484 : vector<8xf32> to vector<1x8xf32>
    %reduce_sum3A_486 = arith.constant dense<0.000000e+00> : vector<8xf32>
    %reduce_sum3A_487 = vector.multi_reduction <add>, %slice3A_434, %reduce_sum3A_486 [0] : vector<128x8xf32> to vector<8xf32>
    %broadcast_in_dim3A_488 = vector.shape_cast %reduce_sum3A_487 : vector<8xf32> to vector<1x8xf32>
    %reduce_sum3A_489 = arith.constant dense<0.000000e+00> : vector<8xf32>
    %reduce_sum3A_490 = vector.multi_reduction <add>, %slice3A_435, %reduce_sum3A_489 [0] : vector<128x8xf32> to vector<8xf32>
    %broadcast_in_dim3A_491 = vector.shape_cast %reduce_sum3A_490 : vector<8xf32> to vector<1x8xf32>
    %reduce_sum3A_492 = arith.constant dense<0.000000e+00> : vector<8xf32>
    %reduce_sum3A_493 = vector.multi_reduction <add>, %slice3A_436, %reduce_sum3A_492 [0] : vector<128x8xf32> to vector<8xf32>
    %broadcast_in_dim3A_494 = vector.shape_cast %reduce_sum3A_493 : vector<8xf32> to vector<1x8xf32>
    %reduce_sum3A_495 = arith.constant dense<0.000000e+00> : vector<8xf32>
    %reduce_sum3A_496 = vector.multi_reduction <add>, %slice3A_437, %reduce_sum3A_495 [0] : vector<128x8xf32> to vector<8xf32>
    %broadcast_in_dim3A_497 = vector.shape_cast %reduce_sum3A_496 : vector<8xf32> to vector<1x8xf32>
    %reduce_sum3A_498 = arith.constant dense<0.000000e+00> : vector<8xf32>
    %reduce_sum3A_499 = vector.multi_reduction <add>, %slice3A_438, %reduce_sum3A_498 [0] : vector<128x8xf32> to vector<8xf32>
    %broadcast_in_dim3A_500 = vector.shape_cast %reduce_sum3A_499 : vector<8xf32> to vector<1x8xf32>
    %reduce_sum3A_501 = arith.constant dense<0.000000e+00> : vector<8xf32>
    %reduce_sum3A_502 = vector.multi_reduction <add>, %slice3A_439, %reduce_sum3A_501 [0] : vector<128x8xf32> to vector<8xf32>
    %broadcast_in_dim3A_503 = vector.shape_cast %reduce_sum3A_502 : vector<8xf32> to vector<1x8xf32>
    %reduce_sum3A_504 = arith.constant dense<0.000000e+00> : vector<8xf32>
    %reduce_sum3A_505 = vector.multi_reduction <add>, %slice3A_440, %reduce_sum3A_504 [0] : vector<128x8xf32> to vector<8xf32>
    %broadcast_in_dim3A_506 = vector.shape_cast %reduce_sum3A_505 : vector<8xf32> to vector<1x8xf32>
    %reduce_sum3A_507 = arith.constant dense<0.000000e+00> : vector<8xf32>
    %reduce_sum3A_508 = vector.multi_reduction <add>, %slice3A_441, %reduce_sum3A_507 [0] : vector<128x8xf32> to vector<8xf32>
    %broadcast_in_dim3A_509 = vector.shape_cast %reduce_sum3A_508 : vector<8xf32> to vector<1x8xf32>
    %reduce_sum3A_510 = arith.constant dense<0.000000e+00> : vector<8xf32>
    %reduce_sum3A_511 = vector.multi_reduction <add>, %slice3A_442, %reduce_sum3A_510 [0] : vector<128x8xf32> to vector<8xf32>
    %broadcast_in_dim3A_512 = vector.shape_cast %reduce_sum3A_511 : vector<8xf32> to vector<1x8xf32>
    %reduce_sum3A_513 = arith.constant dense<0.000000e+00> : vector<8xf32>
    %reduce_sum3A_514 = vector.multi_reduction <add>, %slice3A_443, %reduce_sum3A_513 [0] : vector<128x8xf32> to vector<8xf32>
    %broadcast_in_dim3A_515 = vector.shape_cast %reduce_sum3A_514 : vector<8xf32> to vector<1x8xf32>
    %reduce_sum3A_516 = arith.constant dense<0.000000e+00> : vector<8xf32>
    %reduce_sum3A_517 = vector.multi_reduction <add>, %slice3A_444, %reduce_sum3A_516 [0] : vector<128x8xf32> to vector<8xf32>
    %broadcast_in_dim3A_518 = vector.shape_cast %reduce_sum3A_517 : vector<8xf32> to vector<1x8xf32>
    %reduce_sum3A_519 = arith.constant dense<0.000000e+00> : vector<8xf32>
    %reduce_sum3A_520 = vector.multi_reduction <add>, %slice3A_445, %reduce_sum3A_519 [0] : vector<128x8xf32> to vector<8xf32>
    %broadcast_in_dim3A_521 = vector.shape_cast %reduce_sum3A_520 : vector<8xf32> to vector<1x8xf32>
    %reduce_sum3A_522 = arith.constant dense<0.000000e+00> : vector<8xf32>
    %reduce_sum3A_523 = vector.multi_reduction <add>, %slice3A_446, %reduce_sum3A_522 [0] : vector<128x8xf32> to vector<8xf32>
    %broadcast_in_dim3A_524 = vector.shape_cast %reduce_sum3A_523 : vector<8xf32> to vector<1x8xf32>
    %reduce_sum3A_525 = arith.constant dense<0.000000e+00> : vector<8xf32>
    %reduce_sum3A_526 = vector.multi_reduction <add>, %slice3A_447, %reduce_sum3A_525 [0] : vector<128x8xf32> to vector<8xf32>
    %broadcast_in_dim3A_527 = vector.shape_cast %reduce_sum3A_526 : vector<8xf32> to vector<1x8xf32>
    %reduce_sum3A_528 = arith.constant dense<0.000000e+00> : vector<8xf32>
    %reduce_sum3A_529 = vector.multi_reduction <add>, %slice3A_448, %reduce_sum3A_528 [0] : vector<128x8xf32> to vector<8xf32>
    %broadcast_in_dim3A_530 = vector.shape_cast %reduce_sum3A_529 : vector<8xf32> to vector<1x8xf32>
    %reduce_sum3A_531 = arith.constant dense<0.000000e+00> : vector<8xf32>
    %reduce_sum3A_532 = vector.multi_reduction <add>, %slice3A_449, %reduce_sum3A_531 [0] : vector<128x8xf32> to vector<8xf32>
    %broadcast_in_dim3A_533 = vector.shape_cast %reduce_sum3A_532 : vector<8xf32> to vector<1x8xf32>
    %reduce_sum3A_534 = arith.constant dense<0.000000e+00> : vector<8xf32>
    %reduce_sum3A_535 = vector.multi_reduction <add>, %slice3A_450, %reduce_sum3A_534 [0] : vector<128x8xf32> to vector<8xf32>
    %broadcast_in_dim3A_536 = vector.shape_cast %reduce_sum3A_535 : vector<8xf32> to vector<1x8xf32>
    %reduce_sum3A_537 = arith.constant dense<0.000000e+00> : vector<8xf32>
    %reduce_sum3A_538 = vector.multi_reduction <add>, %slice3A_451, %reduce_sum3A_537 [0] : vector<128x8xf32> to vector<8xf32>
    %broadcast_in_dim3A_539 = vector.shape_cast %reduce_sum3A_538 : vector<8xf32> to vector<1x8xf32>
    %reduce_sum3A_540 = arith.constant dense<0.000000e+00> : vector<8xf32>
    %reduce_sum3A_541 = vector.multi_reduction <add>, %slice3A_452, %reduce_sum3A_540 [0] : vector<128x8xf32> to vector<8xf32>
    %broadcast_in_dim3A_542 = vector.shape_cast %reduce_sum3A_541 : vector<8xf32> to vector<1x8xf32>
    %reduce_sum3A_543 = arith.constant dense<0.000000e+00> : vector<8xf32>
    %reduce_sum3A_544 = vector.multi_reduction <add>, %slice3A_453, %reduce_sum3A_543 [0] : vector<128x8xf32> to vector<8xf32>
    %broadcast_in_dim3A_545 = vector.shape_cast %reduce_sum3A_544 : vector<8xf32> to vector<1x8xf32>
    %reduce_sum3A_546 = arith.constant dense<0.000000e+00> : vector<8xf32>
    %reduce_sum3A_547 = vector.multi_reduction <add>, %slice3A_454, %reduce_sum3A_546 [0] : vector<128x8xf32> to vector<8xf32>
    %broadcast_in_dim3A_548 = vector.shape_cast %reduce_sum3A_547 : vector<8xf32> to vector<1x8xf32>
    %reduce_sum3A_549 = arith.constant dense<0.000000e+00> : vector<8xf32>
    %reduce_sum3A_550 = vector.multi_reduction <add>, %slice3A_455, %reduce_sum3A_549 [0] : vector<128x8xf32> to vector<8xf32>
    %broadcast_in_dim3A_551 = vector.shape_cast %reduce_sum3A_550 : vector<8xf32> to vector<1x8xf32>
    %concatenate3A_552 = tpu.concatenate %broadcast_in_dim3A_458, %broadcast_in_dim3A_461, %broadcast_in_dim3A_464, %broadcast_in_dim3A_467, %broadcast_in_dim3A_470, %broadcast_in_dim3A_473, %broadcast_in_dim3A_476, %broadcast_in_dim3A_479, %broadcast_in_dim3A_482, %broadcast_in_dim3A_485, %broadcast_in_dim3A_488, %broadcast_in_dim3A_491, %broadcast_in_dim3A_494, %broadcast_in_dim3A_497, %broadcast_in_dim3A_500, %broadcast_in_dim3A_503, %broadcast_in_dim3A_506, %broadcast_in_dim3A_509, %broadcast_in_dim3A_512, %broadcast_in_dim3A_515, %broadcast_in_dim3A_518, %broadcast_in_dim3A_521, %broadcast_in_dim3A_524, %broadcast_in_dim3A_527, %broadcast_in_dim3A_530, %broadcast_in_dim3A_533, %broadcast_in_dim3A_536, %broadcast_in_dim3A_539, %broadcast_in_dim3A_542, %broadcast_in_dim3A_545, %broadcast_in_dim3A_548, %broadcast_in_dim3A_551 in 0 : vector<1x8xf32>, vector<1x8xf32>, vector<1x8xf32>, vector<1x8xf32>, vector<1x8xf32>, vector<1x8xf32>, vector<1x8xf32>, vector<1x8xf32>, vector<1x8xf32>, vector<1x8xf32>, vector<1x8xf32>, vector<1x8xf32>, vector<1x8xf32>, vector<1x8xf32>, vector<1x8xf32>, vector<1x8xf32>, vector<1x8xf32>, vector<1x8xf32>, vector<1x8xf32>, vector<1x8xf32>, vector<1x8xf32>, vector<1x8xf32>, vector<1x8xf32>, vector<1x8xf32>, vector<1x8xf32>, vector<1x8xf32>, vector<1x8xf32>, vector<1x8xf32>, vector<1x8xf32>, vector<1x8xf32>, vector<1x8xf32>, vector<1x8xf32> -> vector<32x8xf32>
    %get3A_553 = arith.constant 0 : index
    %get3A_554 = arith.constant 0 : index
    %get3A_555 = vector.load %arg3[%get3A_553, %get3A_554] : memref<32x32xf32, #tpu.memory_space<vmem>>, vector<32x32xf32>
    %dot_general3A_556 = arith.constant dense<0.000000e+00> : vector<32x8xf32>
    %dot_general3A_557 = tpu.matmul %get3A_555, %concatenate3A_552, %dot_general3A_556 {dimension_numbers = #tpu.dot_dimension_numbers<[1], [0], [0], [1], [0, 0, 1, 1], [], []>, transpose_lhs_hint = false} : vector<32x32xf32>, vector<32x8xf32>, vector<32x8xf32> -> vector<32x8xf32>
    %dot_general3A_558 = arith.constant dense<0.000000e+00> : vector<128x8xf32>
    %dot_general3A_559 = tpu.matmul %get3A_423, %slice3A_424, %dot_general3A_558 {dimension_numbers = #tpu.dot_dimension_numbers<[1], [0], [0], [1], [0, 0, 1, 1], [], []>, transpose_lhs_hint = false} : vector<128x128xf32>, vector<128x8xf32>, vector<128x8xf32> -> vector<128x8xf32>
    %slice3A_560 = vector.extract_strided_slice %dot_general3A_557 {offsets = [0, 0], sizes = [1, 8], strides = [1, 1]} : vector<32x8xf32> to vector<1x8xf32>
    %add3A_561 = vector.broadcast %slice3A_560 : vector<1x8xf32> to vector<128x8xf32>
    %add3A_562 = arith.addf %dot_general3A_559, %add3A_561 : vector<128x8xf32>
    %add3A_563 = vector.broadcast %dot_general3A_65 : vector<1x8xf32> to vector<128x8xf32>
    %add3A_564 = arith.addf %add3A_562, %add3A_563 : vector<128x8xf32>
    %mul3A_565 = arith.mulf %slice3A_424, %add3A_564 : vector<128x8xf32>
    %reduce_sum3A_566 = arith.constant dense<0.000000e+00> : vector<128xf32>
    %reduce_sum3A_567 = vector.multi_reduction <add>, %mul3A_565, %reduce_sum3A_566 [1] : vector<128x8xf32> to vector<128xf32>
    %broadcast_in_dim3A_568 = vector.shape_cast %reduce_sum3A_567 : vector<128xf32> to vector<128x1xf32>
    %dot_general3A_569 = arith.constant dense<0.000000e+00> : vector<128x8xf32>
    %dot_general3A_570 = tpu.matmul %get3A_423, %slice3A_425, %dot_general3A_569 {dimension_numbers = #tpu.dot_dimension_numbers<[1], [0], [0], [1], [0, 0, 1, 1], [], []>, transpose_lhs_hint = false} : vector<128x128xf32>, vector<128x8xf32>, vector<128x8xf32> -> vector<128x8xf32>
    %slice3A_571 = vector.extract_strided_slice %dot_general3A_557 {offsets = [1, 0], sizes = [1, 8], strides = [1, 1]} : vector<32x8xf32> to vector<1x8xf32>
    %add3A_572 = vector.broadcast %slice3A_571 : vector<1x8xf32> to vector<128x8xf32>
    %add3A_573 = arith.addf %dot_general3A_570, %add3A_572 : vector<128x8xf32>
    %add3A_574 = vector.broadcast %dot_general3A_65 : vector<1x8xf32> to vector<128x8xf32>
    %add3A_575 = arith.addf %add3A_573, %add3A_574 : vector<128x8xf32>
    %mul3A_576 = arith.mulf %slice3A_425, %add3A_575 : vector<128x8xf32>
    %reduce_sum3A_577 = arith.constant dense<0.000000e+00> : vector<128xf32>
    %reduce_sum3A_578 = vector.multi_reduction <add>, %mul3A_576, %reduce_sum3A_577 [1] : vector<128x8xf32> to vector<128xf32>
    %broadcast_in_dim3A_579 = vector.shape_cast %reduce_sum3A_578 : vector<128xf32> to vector<128x1xf32>
    %dot_general3A_580 = arith.constant dense<0.000000e+00> : vector<128x8xf32>
    %dot_general3A_581 = tpu.matmul %get3A_423, %slice3A_426, %dot_general3A_580 {dimension_numbers = #tpu.dot_dimension_numbers<[1], [0], [0], [1], [0, 0, 1, 1], [], []>, transpose_lhs_hint = false} : vector<128x128xf32>, vector<128x8xf32>, vector<128x8xf32> -> vector<128x8xf32>
    %slice3A_582 = vector.extract_strided_slice %dot_general3A_557 {offsets = [2, 0], sizes = [1, 8], strides = [1, 1]} : vector<32x8xf32> to vector<1x8xf32>
    %add3A_583 = vector.broadcast %slice3A_582 : vector<1x8xf32> to vector<128x8xf32>
    %add3A_584 = arith.addf %dot_general3A_581, %add3A_583 : vector<128x8xf32>
    %add3A_585 = vector.broadcast %dot_general3A_65 : vector<1x8xf32> to vector<128x8xf32>
    %add3A_586 = arith.addf %add3A_584, %add3A_585 : vector<128x8xf32>
    %mul3A_587 = arith.mulf %slice3A_426, %add3A_586 : vector<128x8xf32>
    %reduce_sum3A_588 = arith.constant dense<0.000000e+00> : vector<128xf32>
    %reduce_sum3A_589 = vector.multi_reduction <add>, %mul3A_587, %reduce_sum3A_588 [1] : vector<128x8xf32> to vector<128xf32>
    %broadcast_in_dim3A_590 = vector.shape_cast %reduce_sum3A_589 : vector<128xf32> to vector<128x1xf32>
    %dot_general3A_591 = arith.constant dense<0.000000e+00> : vector<128x8xf32>
    %dot_general3A_592 = tpu.matmul %get3A_423, %slice3A_427, %dot_general3A_591 {dimension_numbers = #tpu.dot_dimension_numbers<[1], [0], [0], [1], [0, 0, 1, 1], [], []>, transpose_lhs_hint = false} : vector<128x128xf32>, vector<128x8xf32>, vector<128x8xf32> -> vector<128x8xf32>
    %slice3A_593 = vector.extract_strided_slice %dot_general3A_557 {offsets = [3, 0], sizes = [1, 8], strides = [1, 1]} : vector<32x8xf32> to vector<1x8xf32>
    %add3A_594 = vector.broadcast %slice3A_593 : vector<1x8xf32> to vector<128x8xf32>
    %add3A_595 = arith.addf %dot_general3A_592, %add3A_594 : vector<128x8xf32>
    %add3A_596 = vector.broadcast %dot_general3A_65 : vector<1x8xf32> to vector<128x8xf32>
    %add3A_597 = arith.addf %add3A_595, %add3A_596 : vector<128x8xf32>
    %mul3A_598 = arith.mulf %slice3A_427, %add3A_597 : vector<128x8xf32>
    %reduce_sum3A_599 = arith.constant dense<0.000000e+00> : vector<128xf32>
    %reduce_sum3A_600 = vector.multi_reduction <add>, %mul3A_598, %reduce_sum3A_599 [1] : vector<128x8xf32> to vector<128xf32>
    %broadcast_in_dim3A_601 = vector.shape_cast %reduce_sum3A_600 : vector<128xf32> to vector<128x1xf32>
    %dot_general3A_602 = arith.constant dense<0.000000e+00> : vector<128x8xf32>
    %dot_general3A_603 = tpu.matmul %get3A_423, %slice3A_428, %dot_general3A_602 {dimension_numbers = #tpu.dot_dimension_numbers<[1], [0], [0], [1], [0, 0, 1, 1], [], []>, transpose_lhs_hint = false} : vector<128x128xf32>, vector<128x8xf32>, vector<128x8xf32> -> vector<128x8xf32>
    %slice3A_604 = vector.extract_strided_slice %dot_general3A_557 {offsets = [4, 0], sizes = [1, 8], strides = [1, 1]} : vector<32x8xf32> to vector<1x8xf32>
    %add3A_605 = vector.broadcast %slice3A_604 : vector<1x8xf32> to vector<128x8xf32>
    %add3A_606 = arith.addf %dot_general3A_603, %add3A_605 : vector<128x8xf32>
    %add3A_607 = vector.broadcast %dot_general3A_65 : vector<1x8xf32> to vector<128x8xf32>
    %add3A_608 = arith.addf %add3A_606, %add3A_607 : vector<128x8xf32>
    %mul3A_609 = arith.mulf %slice3A_428, %add3A_608 : vector<128x8xf32>
    %reduce_sum3A_610 = arith.constant dense<0.000000e+00> : vector<128xf32>
    %reduce_sum3A_611 = vector.multi_reduction <add>, %mul3A_609, %reduce_sum3A_610 [1] : vector<128x8xf32> to vector<128xf32>
    %broadcast_in_dim3A_612 = vector.shape_cast %reduce_sum3A_611 : vector<128xf32> to vector<128x1xf32>
    %dot_general3A_613 = arith.constant dense<0.000000e+00> : vector<128x8xf32>
    %dot_general3A_614 = tpu.matmul %get3A_423, %slice3A_429, %dot_general3A_613 {dimension_numbers = #tpu.dot_dimension_numbers<[1], [0], [0], [1], [0, 0, 1, 1], [], []>, transpose_lhs_hint = false} : vector<128x128xf32>, vector<128x8xf32>, vector<128x8xf32> -> vector<128x8xf32>
    %slice3A_615 = vector.extract_strided_slice %dot_general3A_557 {offsets = [5, 0], sizes = [1, 8], strides = [1, 1]} : vector<32x8xf32> to vector<1x8xf32>
    %add3A_616 = vector.broadcast %slice3A_615 : vector<1x8xf32> to vector<128x8xf32>
    %add3A_617 = arith.addf %dot_general3A_614, %add3A_616 : vector<128x8xf32>
    %add3A_618 = vector.broadcast %dot_general3A_65 : vector<1x8xf32> to vector<128x8xf32>
    %add3A_619 = arith.addf %add3A_617, %add3A_618 : vector<128x8xf32>
    %mul3A_620 = arith.mulf %slice3A_429, %add3A_619 : vector<128x8xf32>
    %reduce_sum3A_621 = arith.constant dense<0.000000e+00> : vector<128xf32>
    %reduce_sum3A_622 = vector.multi_reduction <add>, %mul3A_620, %reduce_sum3A_621 [1] : vector<128x8xf32> to vector<128xf32>
    %broadcast_in_dim3A_623 = vector.shape_cast %reduce_sum3A_622 : vector<128xf32> to vector<128x1xf32>
    %dot_general3A_624 = arith.constant dense<0.000000e+00> : vector<128x8xf32>
    %dot_general3A_625 = tpu.matmul %get3A_423, %slice3A_430, %dot_general3A_624 {dimension_numbers = #tpu.dot_dimension_numbers<[1], [0], [0], [1], [0, 0, 1, 1], [], []>, transpose_lhs_hint = false} : vector<128x128xf32>, vector<128x8xf32>, vector<128x8xf32> -> vector<128x8xf32>
    %slice3A_626 = vector.extract_strided_slice %dot_general3A_557 {offsets = [6, 0], sizes = [1, 8], strides = [1, 1]} : vector<32x8xf32> to vector<1x8xf32>
    %add3A_627 = vector.broadcast %slice3A_626 : vector<1x8xf32> to vector<128x8xf32>
    %add3A_628 = arith.addf %dot_general3A_625, %add3A_627 : vector<128x8xf32>
    %add3A_629 = vector.broadcast %dot_general3A_65 : vector<1x8xf32> to vector<128x8xf32>
    %add3A_630 = arith.addf %add3A_628, %add3A_629 : vector<128x8xf32>
    %mul3A_631 = arith.mulf %slice3A_430, %add3A_630 : vector<128x8xf32>
    %reduce_sum3A_632 = arith.constant dense<0.000000e+00> : vector<128xf32>
    %reduce_sum3A_633 = vector.multi_reduction <add>, %mul3A_631, %reduce_sum3A_632 [1] : vector<128x8xf32> to vector<128xf32>
    %broadcast_in_dim3A_634 = vector.shape_cast %reduce_sum3A_633 : vector<128xf32> to vector<128x1xf32>
    %dot_general3A_635 = arith.constant dense<0.000000e+00> : vector<128x8xf32>
    %dot_general3A_636 = tpu.matmul %get3A_423, %slice3A_431, %dot_general3A_635 {dimension_numbers = #tpu.dot_dimension_numbers<[1], [0], [0], [1], [0, 0, 1, 1], [], []>, transpose_lhs_hint = false} : vector<128x128xf32>, vector<128x8xf32>, vector<128x8xf32> -> vector<128x8xf32>
    %slice3A_637 = vector.extract_strided_slice %dot_general3A_557 {offsets = [7, 0], sizes = [1, 8], strides = [1, 1]} : vector<32x8xf32> to vector<1x8xf32>
    %add3A_638 = vector.broadcast %slice3A_637 : vector<1x8xf32> to vector<128x8xf32>
    %add3A_639 = arith.addf %dot_general3A_636, %add3A_638 : vector<128x8xf32>
    %add3A_640 = vector.broadcast %dot_general3A_65 : vector<1x8xf32> to vector<128x8xf32>
    %add3A_641 = arith.addf %add3A_639, %add3A_640 : vector<128x8xf32>
    %mul3A_642 = arith.mulf %slice3A_431, %add3A_641 : vector<128x8xf32>
    %reduce_sum3A_643 = arith.constant dense<0.000000e+00> : vector<128xf32>
    %reduce_sum3A_644 = vector.multi_reduction <add>, %mul3A_642, %reduce_sum3A_643 [1] : vector<128x8xf32> to vector<128xf32>
    %broadcast_in_dim3A_645 = vector.shape_cast %reduce_sum3A_644 : vector<128xf32> to vector<128x1xf32>
    %dot_general3A_646 = arith.constant dense<0.000000e+00> : vector<128x8xf32>
    %dot_general3A_647 = tpu.matmul %get3A_423, %slice3A_432, %dot_general3A_646 {dimension_numbers = #tpu.dot_dimension_numbers<[1], [0], [0], [1], [0, 0, 1, 1], [], []>, transpose_lhs_hint = false} : vector<128x128xf32>, vector<128x8xf32>, vector<128x8xf32> -> vector<128x8xf32>
    %slice3A_648 = vector.extract_strided_slice %dot_general3A_557 {offsets = [8, 0], sizes = [1, 8], strides = [1, 1]} : vector<32x8xf32> to vector<1x8xf32>
    %add3A_649 = vector.broadcast %slice3A_648 : vector<1x8xf32> to vector<128x8xf32>
    %add3A_650 = arith.addf %dot_general3A_647, %add3A_649 : vector<128x8xf32>
    %add3A_651 = vector.broadcast %dot_general3A_65 : vector<1x8xf32> to vector<128x8xf32>
    %add3A_652 = arith.addf %add3A_650, %add3A_651 : vector<128x8xf32>
    %mul3A_653 = arith.mulf %slice3A_432, %add3A_652 : vector<128x8xf32>
    %reduce_sum3A_654 = arith.constant dense<0.000000e+00> : vector<128xf32>
    %reduce_sum3A_655 = vector.multi_reduction <add>, %mul3A_653, %reduce_sum3A_654 [1] : vector<128x8xf32> to vector<128xf32>
    %broadcast_in_dim3A_656 = vector.shape_cast %reduce_sum3A_655 : vector<128xf32> to vector<128x1xf32>
    %dot_general3A_657 = arith.constant dense<0.000000e+00> : vector<128x8xf32>
    %dot_general3A_658 = tpu.matmul %get3A_423, %slice3A_433, %dot_general3A_657 {dimension_numbers = #tpu.dot_dimension_numbers<[1], [0], [0], [1], [0, 0, 1, 1], [], []>, transpose_lhs_hint = false} : vector<128x128xf32>, vector<128x8xf32>, vector<128x8xf32> -> vector<128x8xf32>
    %slice3A_659 = vector.extract_strided_slice %dot_general3A_557 {offsets = [9, 0], sizes = [1, 8], strides = [1, 1]} : vector<32x8xf32> to vector<1x8xf32>
    %add3A_660 = vector.broadcast %slice3A_659 : vector<1x8xf32> to vector<128x8xf32>
    %add3A_661 = arith.addf %dot_general3A_658, %add3A_660 : vector<128x8xf32>
    %add3A_662 = vector.broadcast %dot_general3A_65 : vector<1x8xf32> to vector<128x8xf32>
    %add3A_663 = arith.addf %add3A_661, %add3A_662 : vector<128x8xf32>
    %mul3A_664 = arith.mulf %slice3A_433, %add3A_663 : vector<128x8xf32>
    %reduce_sum3A_665 = arith.constant dense<0.000000e+00> : vector<128xf32>
    %reduce_sum3A_666 = vector.multi_reduction <add>, %mul3A_664, %reduce_sum3A_665 [1] : vector<128x8xf32> to vector<128xf32>
    %broadcast_in_dim3A_667 = vector.shape_cast %reduce_sum3A_666 : vector<128xf32> to vector<128x1xf32>
    %dot_general3A_668 = arith.constant dense<0.000000e+00> : vector<128x8xf32>
    %dot_general3A_669 = tpu.matmul %get3A_423, %slice3A_434, %dot_general3A_668 {dimension_numbers = #tpu.dot_dimension_numbers<[1], [0], [0], [1], [0, 0, 1, 1], [], []>, transpose_lhs_hint = false} : vector<128x128xf32>, vector<128x8xf32>, vector<128x8xf32> -> vector<128x8xf32>
    %slice3A_670 = vector.extract_strided_slice %dot_general3A_557 {offsets = [10, 0], sizes = [1, 8], strides = [1, 1]} : vector<32x8xf32> to vector<1x8xf32>
    %add3A_671 = vector.broadcast %slice3A_670 : vector<1x8xf32> to vector<128x8xf32>
    %add3A_672 = arith.addf %dot_general3A_669, %add3A_671 : vector<128x8xf32>
    %add3A_673 = vector.broadcast %dot_general3A_65 : vector<1x8xf32> to vector<128x8xf32>
    %add3A_674 = arith.addf %add3A_672, %add3A_673 : vector<128x8xf32>
    %mul3A_675 = arith.mulf %slice3A_434, %add3A_674 : vector<128x8xf32>
    %reduce_sum3A_676 = arith.constant dense<0.000000e+00> : vector<128xf32>
    %reduce_sum3A_677 = vector.multi_reduction <add>, %mul3A_675, %reduce_sum3A_676 [1] : vector<128x8xf32> to vector<128xf32>
    %broadcast_in_dim3A_678 = vector.shape_cast %reduce_sum3A_677 : vector<128xf32> to vector<128x1xf32>
    %dot_general3A_679 = arith.constant dense<0.000000e+00> : vector<128x8xf32>
    %dot_general3A_680 = tpu.matmul %get3A_423, %slice3A_435, %dot_general3A_679 {dimension_numbers = #tpu.dot_dimension_numbers<[1], [0], [0], [1], [0, 0, 1, 1], [], []>, transpose_lhs_hint = false} : vector<128x128xf32>, vector<128x8xf32>, vector<128x8xf32> -> vector<128x8xf32>
    %slice3A_681 = vector.extract_strided_slice %dot_general3A_557 {offsets = [11, 0], sizes = [1, 8], strides = [1, 1]} : vector<32x8xf32> to vector<1x8xf32>
    %add3A_682 = vector.broadcast %slice3A_681 : vector<1x8xf32> to vector<128x8xf32>
    %add3A_683 = arith.addf %dot_general3A_680, %add3A_682 : vector<128x8xf32>
    %add3A_684 = vector.broadcast %dot_general3A_65 : vector<1x8xf32> to vector<128x8xf32>
    %add3A_685 = arith.addf %add3A_683, %add3A_684 : vector<128x8xf32>
    %mul3A_686 = arith.mulf %slice3A_435, %add3A_685 : vector<128x8xf32>
    %reduce_sum3A_687 = arith.constant dense<0.000000e+00> : vector<128xf32>
    %reduce_sum3A_688 = vector.multi_reduction <add>, %mul3A_686, %reduce_sum3A_687 [1] : vector<128x8xf32> to vector<128xf32>
    %broadcast_in_dim3A_689 = vector.shape_cast %reduce_sum3A_688 : vector<128xf32> to vector<128x1xf32>
    %dot_general3A_690 = arith.constant dense<0.000000e+00> : vector<128x8xf32>
    %dot_general3A_691 = tpu.matmul %get3A_423, %slice3A_436, %dot_general3A_690 {dimension_numbers = #tpu.dot_dimension_numbers<[1], [0], [0], [1], [0, 0, 1, 1], [], []>, transpose_lhs_hint = false} : vector<128x128xf32>, vector<128x8xf32>, vector<128x8xf32> -> vector<128x8xf32>
    %slice3A_692 = vector.extract_strided_slice %dot_general3A_557 {offsets = [12, 0], sizes = [1, 8], strides = [1, 1]} : vector<32x8xf32> to vector<1x8xf32>
    %add3A_693 = vector.broadcast %slice3A_692 : vector<1x8xf32> to vector<128x8xf32>
    %add3A_694 = arith.addf %dot_general3A_691, %add3A_693 : vector<128x8xf32>
    %add3A_695 = vector.broadcast %dot_general3A_65 : vector<1x8xf32> to vector<128x8xf32>
    %add3A_696 = arith.addf %add3A_694, %add3A_695 : vector<128x8xf32>
    %mul3A_697 = arith.mulf %slice3A_436, %add3A_696 : vector<128x8xf32>
    %reduce_sum3A_698 = arith.constant dense<0.000000e+00> : vector<128xf32>
    %reduce_sum3A_699 = vector.multi_reduction <add>, %mul3A_697, %reduce_sum3A_698 [1] : vector<128x8xf32> to vector<128xf32>
    %broadcast_in_dim3A_700 = vector.shape_cast %reduce_sum3A_699 : vector<128xf32> to vector<128x1xf32>
    %dot_general3A_701 = arith.constant dense<0.000000e+00> : vector<128x8xf32>
    %dot_general3A_702 = tpu.matmul %get3A_423, %slice3A_437, %dot_general3A_701 {dimension_numbers = #tpu.dot_dimension_numbers<[1], [0], [0], [1], [0, 0, 1, 1], [], []>, transpose_lhs_hint = false} : vector<128x128xf32>, vector<128x8xf32>, vector<128x8xf32> -> vector<128x8xf32>
    %slice3A_703 = vector.extract_strided_slice %dot_general3A_557 {offsets = [13, 0], sizes = [1, 8], strides = [1, 1]} : vector<32x8xf32> to vector<1x8xf32>
    %add3A_704 = vector.broadcast %slice3A_703 : vector<1x8xf32> to vector<128x8xf32>
    %add3A_705 = arith.addf %dot_general3A_702, %add3A_704 : vector<128x8xf32>
    %add3A_706 = vector.broadcast %dot_general3A_65 : vector<1x8xf32> to vector<128x8xf32>
    %add3A_707 = arith.addf %add3A_705, %add3A_706 : vector<128x8xf32>
    %mul3A_708 = arith.mulf %slice3A_437, %add3A_707 : vector<128x8xf32>
    %reduce_sum3A_709 = arith.constant dense<0.000000e+00> : vector<128xf32>
    %reduce_sum3A_710 = vector.multi_reduction <add>, %mul3A_708, %reduce_sum3A_709 [1] : vector<128x8xf32> to vector<128xf32>
    %broadcast_in_dim3A_711 = vector.shape_cast %reduce_sum3A_710 : vector<128xf32> to vector<128x1xf32>
    %dot_general3A_712 = arith.constant dense<0.000000e+00> : vector<128x8xf32>
    %dot_general3A_713 = tpu.matmul %get3A_423, %slice3A_438, %dot_general3A_712 {dimension_numbers = #tpu.dot_dimension_numbers<[1], [0], [0], [1], [0, 0, 1, 1], [], []>, transpose_lhs_hint = false} : vector<128x128xf32>, vector<128x8xf32>, vector<128x8xf32> -> vector<128x8xf32>
    %slice3A_714 = vector.extract_strided_slice %dot_general3A_557 {offsets = [14, 0], sizes = [1, 8], strides = [1, 1]} : vector<32x8xf32> to vector<1x8xf32>
    %add3A_715 = vector.broadcast %slice3A_714 : vector<1x8xf32> to vector<128x8xf32>
    %add3A_716 = arith.addf %dot_general3A_713, %add3A_715 : vector<128x8xf32>
    %add3A_717 = vector.broadcast %dot_general3A_65 : vector<1x8xf32> to vector<128x8xf32>
    %add3A_718 = arith.addf %add3A_716, %add3A_717 : vector<128x8xf32>
    %mul3A_719 = arith.mulf %slice3A_438, %add3A_718 : vector<128x8xf32>
    %reduce_sum3A_720 = arith.constant dense<0.000000e+00> : vector<128xf32>
    %reduce_sum3A_721 = vector.multi_reduction <add>, %mul3A_719, %reduce_sum3A_720 [1] : vector<128x8xf32> to vector<128xf32>
    %broadcast_in_dim3A_722 = vector.shape_cast %reduce_sum3A_721 : vector<128xf32> to vector<128x1xf32>
    %dot_general3A_723 = arith.constant dense<0.000000e+00> : vector<128x8xf32>
    %dot_general3A_724 = tpu.matmul %get3A_423, %slice3A_439, %dot_general3A_723 {dimension_numbers = #tpu.dot_dimension_numbers<[1], [0], [0], [1], [0, 0, 1, 1], [], []>, transpose_lhs_hint = false} : vector<128x128xf32>, vector<128x8xf32>, vector<128x8xf32> -> vector<128x8xf32>
    %slice3A_725 = vector.extract_strided_slice %dot_general3A_557 {offsets = [15, 0], sizes = [1, 8], strides = [1, 1]} : vector<32x8xf32> to vector<1x8xf32>
    %add3A_726 = vector.broadcast %slice3A_725 : vector<1x8xf32> to vector<128x8xf32>
    %add3A_727 = arith.addf %dot_general3A_724, %add3A_726 : vector<128x8xf32>
    %add3A_728 = vector.broadcast %dot_general3A_65 : vector<1x8xf32> to vector<128x8xf32>
    %add3A_729 = arith.addf %add3A_727, %add3A_728 : vector<128x8xf32>
    %mul3A_730 = arith.mulf %slice3A_439, %add3A_729 : vector<128x8xf32>
    %reduce_sum3A_731 = arith.constant dense<0.000000e+00> : vector<128xf32>
    %reduce_sum3A_732 = vector.multi_reduction <add>, %mul3A_730, %reduce_sum3A_731 [1] : vector<128x8xf32> to vector<128xf32>
    %broadcast_in_dim3A_733 = vector.shape_cast %reduce_sum3A_732 : vector<128xf32> to vector<128x1xf32>
    %dot_general3A_734 = arith.constant dense<0.000000e+00> : vector<128x8xf32>
    %dot_general3A_735 = tpu.matmul %get3A_423, %slice3A_440, %dot_general3A_734 {dimension_numbers = #tpu.dot_dimension_numbers<[1], [0], [0], [1], [0, 0, 1, 1], [], []>, transpose_lhs_hint = false} : vector<128x128xf32>, vector<128x8xf32>, vector<128x8xf32> -> vector<128x8xf32>
    %slice3A_736 = vector.extract_strided_slice %dot_general3A_557 {offsets = [16, 0], sizes = [1, 8], strides = [1, 1]} : vector<32x8xf32> to vector<1x8xf32>
    %add3A_737 = vector.broadcast %slice3A_736 : vector<1x8xf32> to vector<128x8xf32>
    %add3A_738 = arith.addf %dot_general3A_735, %add3A_737 : vector<128x8xf32>
    %add3A_739 = vector.broadcast %dot_general3A_65 : vector<1x8xf32> to vector<128x8xf32>
    %add3A_740 = arith.addf %add3A_738, %add3A_739 : vector<128x8xf32>
    %mul3A_741 = arith.mulf %slice3A_440, %add3A_740 : vector<128x8xf32>
    %reduce_sum3A_742 = arith.constant dense<0.000000e+00> : vector<128xf32>
    %reduce_sum3A_743 = vector.multi_reduction <add>, %mul3A_741, %reduce_sum3A_742 [1] : vector<128x8xf32> to vector<128xf32>
    %broadcast_in_dim3A_744 = vector.shape_cast %reduce_sum3A_743 : vector<128xf32> to vector<128x1xf32>
    %dot_general3A_745 = arith.constant dense<0.000000e+00> : vector<128x8xf32>
    %dot_general3A_746 = tpu.matmul %get3A_423, %slice3A_441, %dot_general3A_745 {dimension_numbers = #tpu.dot_dimension_numbers<[1], [0], [0], [1], [0, 0, 1, 1], [], []>, transpose_lhs_hint = false} : vector<128x128xf32>, vector<128x8xf32>, vector<128x8xf32> -> vector<128x8xf32>
    %slice3A_747 = vector.extract_strided_slice %dot_general3A_557 {offsets = [17, 0], sizes = [1, 8], strides = [1, 1]} : vector<32x8xf32> to vector<1x8xf32>
    %add3A_748 = vector.broadcast %slice3A_747 : vector<1x8xf32> to vector<128x8xf32>
    %add3A_749 = arith.addf %dot_general3A_746, %add3A_748 : vector<128x8xf32>
    %add3A_750 = vector.broadcast %dot_general3A_65 : vector<1x8xf32> to vector<128x8xf32>
    %add3A_751 = arith.addf %add3A_749, %add3A_750 : vector<128x8xf32>
    %mul3A_752 = arith.mulf %slice3A_441, %add3A_751 : vector<128x8xf32>
    %reduce_sum3A_753 = arith.constant dense<0.000000e+00> : vector<128xf32>
    %reduce_sum3A_754 = vector.multi_reduction <add>, %mul3A_752, %reduce_sum3A_753 [1] : vector<128x8xf32> to vector<128xf32>
    %broadcast_in_dim3A_755 = vector.shape_cast %reduce_sum3A_754 : vector<128xf32> to vector<128x1xf32>
    %dot_general3A_756 = arith.constant dense<0.000000e+00> : vector<128x8xf32>
    %dot_general3A_757 = tpu.matmul %get3A_423, %slice3A_442, %dot_general3A_756 {dimension_numbers = #tpu.dot_dimension_numbers<[1], [0], [0], [1], [0, 0, 1, 1], [], []>, transpose_lhs_hint = false} : vector<128x128xf32>, vector<128x8xf32>, vector<128x8xf32> -> vector<128x8xf32>
    %slice3A_758 = vector.extract_strided_slice %dot_general3A_557 {offsets = [18, 0], sizes = [1, 8], strides = [1, 1]} : vector<32x8xf32> to vector<1x8xf32>
    %add3A_759 = vector.broadcast %slice3A_758 : vector<1x8xf32> to vector<128x8xf32>
    %add3A_760 = arith.addf %dot_general3A_757, %add3A_759 : vector<128x8xf32>
    %add3A_761 = vector.broadcast %dot_general3A_65 : vector<1x8xf32> to vector<128x8xf32>
    %add3A_762 = arith.addf %add3A_760, %add3A_761 : vector<128x8xf32>
    %mul3A_763 = arith.mulf %slice3A_442, %add3A_762 : vector<128x8xf32>
    %reduce_sum3A_764 = arith.constant dense<0.000000e+00> : vector<128xf32>
    %reduce_sum3A_765 = vector.multi_reduction <add>, %mul3A_763, %reduce_sum3A_764 [1] : vector<128x8xf32> to vector<128xf32>
    %broadcast_in_dim3A_766 = vector.shape_cast %reduce_sum3A_765 : vector<128xf32> to vector<128x1xf32>
    %dot_general3A_767 = arith.constant dense<0.000000e+00> : vector<128x8xf32>
    %dot_general3A_768 = tpu.matmul %get3A_423, %slice3A_443, %dot_general3A_767 {dimension_numbers = #tpu.dot_dimension_numbers<[1], [0], [0], [1], [0, 0, 1, 1], [], []>, transpose_lhs_hint = false} : vector<128x128xf32>, vector<128x8xf32>, vector<128x8xf32> -> vector<128x8xf32>
    %slice3A_769 = vector.extract_strided_slice %dot_general3A_557 {offsets = [19, 0], sizes = [1, 8], strides = [1, 1]} : vector<32x8xf32> to vector<1x8xf32>
    %add3A_770 = vector.broadcast %slice3A_769 : vector<1x8xf32> to vector<128x8xf32>
    %add3A_771 = arith.addf %dot_general3A_768, %add3A_770 : vector<128x8xf32>
    %add3A_772 = vector.broadcast %dot_general3A_65 : vector<1x8xf32> to vector<128x8xf32>
    %add3A_773 = arith.addf %add3A_771, %add3A_772 : vector<128x8xf32>
    %mul3A_774 = arith.mulf %slice3A_443, %add3A_773 : vector<128x8xf32>
    %reduce_sum3A_775 = arith.constant dense<0.000000e+00> : vector<128xf32>
    %reduce_sum3A_776 = vector.multi_reduction <add>, %mul3A_774, %reduce_sum3A_775 [1] : vector<128x8xf32> to vector<128xf32>
    %broadcast_in_dim3A_777 = vector.shape_cast %reduce_sum3A_776 : vector<128xf32> to vector<128x1xf32>
    %dot_general3A_778 = arith.constant dense<0.000000e+00> : vector<128x8xf32>
    %dot_general3A_779 = tpu.matmul %get3A_423, %slice3A_444, %dot_general3A_778 {dimension_numbers = #tpu.dot_dimension_numbers<[1], [0], [0], [1], [0, 0, 1, 1], [], []>, transpose_lhs_hint = false} : vector<128x128xf32>, vector<128x8xf32>, vector<128x8xf32> -> vector<128x8xf32>
    %slice3A_780 = vector.extract_strided_slice %dot_general3A_557 {offsets = [20, 0], sizes = [1, 8], strides = [1, 1]} : vector<32x8xf32> to vector<1x8xf32>
    %add3A_781 = vector.broadcast %slice3A_780 : vector<1x8xf32> to vector<128x8xf32>
    %add3A_782 = arith.addf %dot_general3A_779, %add3A_781 : vector<128x8xf32>
    %add3A_783 = vector.broadcast %dot_general3A_65 : vector<1x8xf32> to vector<128x8xf32>
    %add3A_784 = arith.addf %add3A_782, %add3A_783 : vector<128x8xf32>
    %mul3A_785 = arith.mulf %slice3A_444, %add3A_784 : vector<128x8xf32>
    %reduce_sum3A_786 = arith.constant dense<0.000000e+00> : vector<128xf32>
    %reduce_sum3A_787 = vector.multi_reduction <add>, %mul3A_785, %reduce_sum3A_786 [1] : vector<128x8xf32> to vector<128xf32>
    %broadcast_in_dim3A_788 = vector.shape_cast %reduce_sum3A_787 : vector<128xf32> to vector<128x1xf32>
    %dot_general3A_789 = arith.constant dense<0.000000e+00> : vector<128x8xf32>
    %dot_general3A_790 = tpu.matmul %get3A_423, %slice3A_445, %dot_general3A_789 {dimension_numbers = #tpu.dot_dimension_numbers<[1], [0], [0], [1], [0, 0, 1, 1], [], []>, transpose_lhs_hint = false} : vector<128x128xf32>, vector<128x8xf32>, vector<128x8xf32> -> vector<128x8xf32>
    %slice3A_791 = vector.extract_strided_slice %dot_general3A_557 {offsets = [21, 0], sizes = [1, 8], strides = [1, 1]} : vector<32x8xf32> to vector<1x8xf32>
    %add3A_792 = vector.broadcast %slice3A_791 : vector<1x8xf32> to vector<128x8xf32>
    %add3A_793 = arith.addf %dot_general3A_790, %add3A_792 : vector<128x8xf32>
    %add3A_794 = vector.broadcast %dot_general3A_65 : vector<1x8xf32> to vector<128x8xf32>
    %add3A_795 = arith.addf %add3A_793, %add3A_794 : vector<128x8xf32>
    %mul3A_796 = arith.mulf %slice3A_445, %add3A_795 : vector<128x8xf32>
    %reduce_sum3A_797 = arith.constant dense<0.000000e+00> : vector<128xf32>
    %reduce_sum3A_798 = vector.multi_reduction <add>, %mul3A_796, %reduce_sum3A_797 [1] : vector<128x8xf32> to vector<128xf32>
    %broadcast_in_dim3A_799 = vector.shape_cast %reduce_sum3A_798 : vector<128xf32> to vector<128x1xf32>
    %dot_general3A_800 = arith.constant dense<0.000000e+00> : vector<128x8xf32>
    %dot_general3A_801 = tpu.matmul %get3A_423, %slice3A_446, %dot_general3A_800 {dimension_numbers = #tpu.dot_dimension_numbers<[1], [0], [0], [1], [0, 0, 1, 1], [], []>, transpose_lhs_hint = false} : vector<128x128xf32>, vector<128x8xf32>, vector<128x8xf32> -> vector<128x8xf32>
    %slice3A_802 = vector.extract_strided_slice %dot_general3A_557 {offsets = [22, 0], sizes = [1, 8], strides = [1, 1]} : vector<32x8xf32> to vector<1x8xf32>
    %add3A_803 = vector.broadcast %slice3A_802 : vector<1x8xf32> to vector<128x8xf32>
    %add3A_804 = arith.addf %dot_general3A_801, %add3A_803 : vector<128x8xf32>
    %add3A_805 = vector.broadcast %dot_general3A_65 : vector<1x8xf32> to vector<128x8xf32>
    %add3A_806 = arith.addf %add3A_804, %add3A_805 : vector<128x8xf32>
    %mul3A_807 = arith.mulf %slice3A_446, %add3A_806 : vector<128x8xf32>
    %reduce_sum3A_808 = arith.constant dense<0.000000e+00> : vector<128xf32>
    %reduce_sum3A_809 = vector.multi_reduction <add>, %mul3A_807, %reduce_sum3A_808 [1] : vector<128x8xf32> to vector<128xf32>
    %broadcast_in_dim3A_810 = vector.shape_cast %reduce_sum3A_809 : vector<128xf32> to vector<128x1xf32>
    %dot_general3A_811 = arith.constant dense<0.000000e+00> : vector<128x8xf32>
    %dot_general3A_812 = tpu.matmul %get3A_423, %slice3A_447, %dot_general3A_811 {dimension_numbers = #tpu.dot_dimension_numbers<[1], [0], [0], [1], [0, 0, 1, 1], [], []>, transpose_lhs_hint = false} : vector<128x128xf32>, vector<128x8xf32>, vector<128x8xf32> -> vector<128x8xf32>
    %slice3A_813 = vector.extract_strided_slice %dot_general3A_557 {offsets = [23, 0], sizes = [1, 8], strides = [1, 1]} : vector<32x8xf32> to vector<1x8xf32>
    %add3A_814 = vector.broadcast %slice3A_813 : vector<1x8xf32> to vector<128x8xf32>
    %add3A_815 = arith.addf %dot_general3A_812, %add3A_814 : vector<128x8xf32>
    %add3A_816 = vector.broadcast %dot_general3A_65 : vector<1x8xf32> to vector<128x8xf32>
    %add3A_817 = arith.addf %add3A_815, %add3A_816 : vector<128x8xf32>
    %mul3A_818 = arith.mulf %slice3A_447, %add3A_817 : vector<128x8xf32>
    %reduce_sum3A_819 = arith.constant dense<0.000000e+00> : vector<128xf32>
    %reduce_sum3A_820 = vector.multi_reduction <add>, %mul3A_818, %reduce_sum3A_819 [1] : vector<128x8xf32> to vector<128xf32>
    %broadcast_in_dim3A_821 = vector.shape_cast %reduce_sum3A_820 : vector<128xf32> to vector<128x1xf32>
    %dot_general3A_822 = arith.constant dense<0.000000e+00> : vector<128x8xf32>
    %dot_general3A_823 = tpu.matmul %get3A_423, %slice3A_448, %dot_general3A_822 {dimension_numbers = #tpu.dot_dimension_numbers<[1], [0], [0], [1], [0, 0, 1, 1], [], []>, transpose_lhs_hint = false} : vector<128x128xf32>, vector<128x8xf32>, vector<128x8xf32> -> vector<128x8xf32>
    %slice3A_824 = vector.extract_strided_slice %dot_general3A_557 {offsets = [24, 0], sizes = [1, 8], strides = [1, 1]} : vector<32x8xf32> to vector<1x8xf32>
    %add3A_825 = vector.broadcast %slice3A_824 : vector<1x8xf32> to vector<128x8xf32>
    %add3A_826 = arith.addf %dot_general3A_823, %add3A_825 : vector<128x8xf32>
    %add3A_827 = vector.broadcast %dot_general3A_65 : vector<1x8xf32> to vector<128x8xf32>
    %add3A_828 = arith.addf %add3A_826, %add3A_827 : vector<128x8xf32>
    %mul3A_829 = arith.mulf %slice3A_448, %add3A_828 : vector<128x8xf32>
    %reduce_sum3A_830 = arith.constant dense<0.000000e+00> : vector<128xf32>
    %reduce_sum3A_831 = vector.multi_reduction <add>, %mul3A_829, %reduce_sum3A_830 [1] : vector<128x8xf32> to vector<128xf32>
    %broadcast_in_dim3A_832 = vector.shape_cast %reduce_sum3A_831 : vector<128xf32> to vector<128x1xf32>
    %dot_general3A_833 = arith.constant dense<0.000000e+00> : vector<128x8xf32>
    %dot_general3A_834 = tpu.matmul %get3A_423, %slice3A_449, %dot_general3A_833 {dimension_numbers = #tpu.dot_dimension_numbers<[1], [0], [0], [1], [0, 0, 1, 1], [], []>, transpose_lhs_hint = false} : vector<128x128xf32>, vector<128x8xf32>, vector<128x8xf32> -> vector<128x8xf32>
    %slice3A_835 = vector.extract_strided_slice %dot_general3A_557 {offsets = [25, 0], sizes = [1, 8], strides = [1, 1]} : vector<32x8xf32> to vector<1x8xf32>
    %add3A_836 = vector.broadcast %slice3A_835 : vector<1x8xf32> to vector<128x8xf32>
    %add3A_837 = arith.addf %dot_general3A_834, %add3A_836 : vector<128x8xf32>
    %add3A_838 = vector.broadcast %dot_general3A_65 : vector<1x8xf32> to vector<128x8xf32>
    %add3A_839 = arith.addf %add3A_837, %add3A_838 : vector<128x8xf32>
    %mul3A_840 = arith.mulf %slice3A_449, %add3A_839 : vector<128x8xf32>
    %reduce_sum3A_841 = arith.constant dense<0.000000e+00> : vector<128xf32>
    %reduce_sum3A_842 = vector.multi_reduction <add>, %mul3A_840, %reduce_sum3A_841 [1] : vector<128x8xf32> to vector<128xf32>
    %broadcast_in_dim3A_843 = vector.shape_cast %reduce_sum3A_842 : vector<128xf32> to vector<128x1xf32>
    %dot_general3A_844 = arith.constant dense<0.000000e+00> : vector<128x8xf32>
    %dot_general3A_845 = tpu.matmul %get3A_423, %slice3A_450, %dot_general3A_844 {dimension_numbers = #tpu.dot_dimension_numbers<[1], [0], [0], [1], [0, 0, 1, 1], [], []>, transpose_lhs_hint = false} : vector<128x128xf32>, vector<128x8xf32>, vector<128x8xf32> -> vector<128x8xf32>
    %slice3A_846 = vector.extract_strided_slice %dot_general3A_557 {offsets = [26, 0], sizes = [1, 8], strides = [1, 1]} : vector<32x8xf32> to vector<1x8xf32>
    %add3A_847 = vector.broadcast %slice3A_846 : vector<1x8xf32> to vector<128x8xf32>
    %add3A_848 = arith.addf %dot_general3A_845, %add3A_847 : vector<128x8xf32>
    %add3A_849 = vector.broadcast %dot_general3A_65 : vector<1x8xf32> to vector<128x8xf32>
    %add3A_850 = arith.addf %add3A_848, %add3A_849 : vector<128x8xf32>
    %mul3A_851 = arith.mulf %slice3A_450, %add3A_850 : vector<128x8xf32>
    %reduce_sum3A_852 = arith.constant dense<0.000000e+00> : vector<128xf32>
    %reduce_sum3A_853 = vector.multi_reduction <add>, %mul3A_851, %reduce_sum3A_852 [1] : vector<128x8xf32> to vector<128xf32>
    %broadcast_in_dim3A_854 = vector.shape_cast %reduce_sum3A_853 : vector<128xf32> to vector<128x1xf32>
    %dot_general3A_855 = arith.constant dense<0.000000e+00> : vector<128x8xf32>
    %dot_general3A_856 = tpu.matmul %get3A_423, %slice3A_451, %dot_general3A_855 {dimension_numbers = #tpu.dot_dimension_numbers<[1], [0], [0], [1], [0, 0, 1, 1], [], []>, transpose_lhs_hint = false} : vector<128x128xf32>, vector<128x8xf32>, vector<128x8xf32> -> vector<128x8xf32>
    %slice3A_857 = vector.extract_strided_slice %dot_general3A_557 {offsets = [27, 0], sizes = [1, 8], strides = [1, 1]} : vector<32x8xf32> to vector<1x8xf32>
    %add3A_858 = vector.broadcast %slice3A_857 : vector<1x8xf32> to vector<128x8xf32>
    %add3A_859 = arith.addf %dot_general3A_856, %add3A_858 : vector<128x8xf32>
    %add3A_860 = vector.broadcast %dot_general3A_65 : vector<1x8xf32> to vector<128x8xf32>
    %add3A_861 = arith.addf %add3A_859, %add3A_860 : vector<128x8xf32>
    %mul3A_862 = arith.mulf %slice3A_451, %add3A_861 : vector<128x8xf32>
    %reduce_sum3A_863 = arith.constant dense<0.000000e+00> : vector<128xf32>
    %reduce_sum3A_864 = vector.multi_reduction <add>, %mul3A_862, %reduce_sum3A_863 [1] : vector<128x8xf32> to vector<128xf32>
    %broadcast_in_dim3A_865 = vector.shape_cast %reduce_sum3A_864 : vector<128xf32> to vector<128x1xf32>
    %dot_general3A_866 = arith.constant dense<0.000000e+00> : vector<128x8xf32>
    %dot_general3A_867 = tpu.matmul %get3A_423, %slice3A_452, %dot_general3A_866 {dimension_numbers = #tpu.dot_dimension_numbers<[1], [0], [0], [1], [0, 0, 1, 1], [], []>, transpose_lhs_hint = false} : vector<128x128xf32>, vector<128x8xf32>, vector<128x8xf32> -> vector<128x8xf32>
    %slice3A_868 = vector.extract_strided_slice %dot_general3A_557 {offsets = [28, 0], sizes = [1, 8], strides = [1, 1]} : vector<32x8xf32> to vector<1x8xf32>
    %add3A_869 = vector.broadcast %slice3A_868 : vector<1x8xf32> to vector<128x8xf32>
    %add3A_870 = arith.addf %dot_general3A_867, %add3A_869 : vector<128x8xf32>
    %add3A_871 = vector.broadcast %dot_general3A_65 : vector<1x8xf32> to vector<128x8xf32>
    %add3A_872 = arith.addf %add3A_870, %add3A_871 : vector<128x8xf32>
    %mul3A_873 = arith.mulf %slice3A_452, %add3A_872 : vector<128x8xf32>
    %reduce_sum3A_874 = arith.constant dense<0.000000e+00> : vector<128xf32>
    %reduce_sum3A_875 = vector.multi_reduction <add>, %mul3A_873, %reduce_sum3A_874 [1] : vector<128x8xf32> to vector<128xf32>
    %broadcast_in_dim3A_876 = vector.shape_cast %reduce_sum3A_875 : vector<128xf32> to vector<128x1xf32>
    %dot_general3A_877 = arith.constant dense<0.000000e+00> : vector<128x8xf32>
    %dot_general3A_878 = tpu.matmul %get3A_423, %slice3A_453, %dot_general3A_877 {dimension_numbers = #tpu.dot_dimension_numbers<[1], [0], [0], [1], [0, 0, 1, 1], [], []>, transpose_lhs_hint = false} : vector<128x128xf32>, vector<128x8xf32>, vector<128x8xf32> -> vector<128x8xf32>
    %slice3A_879 = vector.extract_strided_slice %dot_general3A_557 {offsets = [29, 0], sizes = [1, 8], strides = [1, 1]} : vector<32x8xf32> to vector<1x8xf32>
    %add3A_880 = vector.broadcast %slice3A_879 : vector<1x8xf32> to vector<128x8xf32>
    %add3A_881 = arith.addf %dot_general3A_878, %add3A_880 : vector<128x8xf32>
    %add3A_882 = vector.broadcast %dot_general3A_65 : vector<1x8xf32> to vector<128x8xf32>
    %add3A_883 = arith.addf %add3A_881, %add3A_882 : vector<128x8xf32>
    %mul3A_884 = arith.mulf %slice3A_453, %add3A_883 : vector<128x8xf32>
    %reduce_sum3A_885 = arith.constant dense<0.000000e+00> : vector<128xf32>
    %reduce_sum3A_886 = vector.multi_reduction <add>, %mul3A_884, %reduce_sum3A_885 [1] : vector<128x8xf32> to vector<128xf32>
    %broadcast_in_dim3A_887 = vector.shape_cast %reduce_sum3A_886 : vector<128xf32> to vector<128x1xf32>
    %dot_general3A_888 = arith.constant dense<0.000000e+00> : vector<128x8xf32>
    %dot_general3A_889 = tpu.matmul %get3A_423, %slice3A_454, %dot_general3A_888 {dimension_numbers = #tpu.dot_dimension_numbers<[1], [0], [0], [1], [0, 0, 1, 1], [], []>, transpose_lhs_hint = false} : vector<128x128xf32>, vector<128x8xf32>, vector<128x8xf32> -> vector<128x8xf32>
    %slice3A_890 = vector.extract_strided_slice %dot_general3A_557 {offsets = [30, 0], sizes = [1, 8], strides = [1, 1]} : vector<32x8xf32> to vector<1x8xf32>
    %add3A_891 = vector.broadcast %slice3A_890 : vector<1x8xf32> to vector<128x8xf32>
    %add3A_892 = arith.addf %dot_general3A_889, %add3A_891 : vector<128x8xf32>
    %add3A_893 = vector.broadcast %dot_general3A_65 : vector<1x8xf32> to vector<128x8xf32>
    %add3A_894 = arith.addf %add3A_892, %add3A_893 : vector<128x8xf32>
    %mul3A_895 = arith.mulf %slice3A_454, %add3A_894 : vector<128x8xf32>
    %reduce_sum3A_896 = arith.constant dense<0.000000e+00> : vector<128xf32>
    %reduce_sum3A_897 = vector.multi_reduction <add>, %mul3A_895, %reduce_sum3A_896 [1] : vector<128x8xf32> to vector<128xf32>
    %broadcast_in_dim3A_898 = vector.shape_cast %reduce_sum3A_897 : vector<128xf32> to vector<128x1xf32>
    %dot_general3A_899 = arith.constant dense<0.000000e+00> : vector<128x8xf32>
    %dot_general3A_900 = tpu.matmul %get3A_423, %slice3A_455, %dot_general3A_899 {dimension_numbers = #tpu.dot_dimension_numbers<[1], [0], [0], [1], [0, 0, 1, 1], [], []>, transpose_lhs_hint = false} : vector<128x128xf32>, vector<128x8xf32>, vector<128x8xf32> -> vector<128x8xf32>
    %slice3A_901 = vector.extract_strided_slice %dot_general3A_557 {offsets = [31, 0], sizes = [1, 8], strides = [1, 1]} : vector<32x8xf32> to vector<1x8xf32>
    %add3A_902 = vector.broadcast %slice3A_901 : vector<1x8xf32> to vector<128x8xf32>
    %add3A_903 = arith.addf %dot_general3A_900, %add3A_902 : vector<128x8xf32>
    %add3A_904 = vector.broadcast %dot_general3A_65 : vector<1x8xf32> to vector<128x8xf32>
    %add3A_905 = arith.addf %add3A_903, %add3A_904 : vector<128x8xf32>
    %mul3A_906 = arith.mulf %slice3A_455, %add3A_905 : vector<128x8xf32>
    %reduce_sum3A_907 = arith.constant dense<0.000000e+00> : vector<128xf32>
    %reduce_sum3A_908 = vector.multi_reduction <add>, %mul3A_906, %reduce_sum3A_907 [1] : vector<128x8xf32> to vector<128xf32>
    %broadcast_in_dim3A_909 = vector.shape_cast %reduce_sum3A_908 : vector<128xf32> to vector<128x1xf32>
    %concatenate3A_910 = tpu.concatenate %broadcast_in_dim3A_568, %broadcast_in_dim3A_579, %broadcast_in_dim3A_590, %broadcast_in_dim3A_601, %broadcast_in_dim3A_612, %broadcast_in_dim3A_623, %broadcast_in_dim3A_634, %broadcast_in_dim3A_645, %broadcast_in_dim3A_656, %broadcast_in_dim3A_667, %broadcast_in_dim3A_678, %broadcast_in_dim3A_689, %broadcast_in_dim3A_700, %broadcast_in_dim3A_711, %broadcast_in_dim3A_722, %broadcast_in_dim3A_733, %broadcast_in_dim3A_744, %broadcast_in_dim3A_755, %broadcast_in_dim3A_766, %broadcast_in_dim3A_777, %broadcast_in_dim3A_788, %broadcast_in_dim3A_799, %broadcast_in_dim3A_810, %broadcast_in_dim3A_821, %broadcast_in_dim3A_832, %broadcast_in_dim3A_843, %broadcast_in_dim3A_854, %broadcast_in_dim3A_865, %broadcast_in_dim3A_876, %broadcast_in_dim3A_887, %broadcast_in_dim3A_898, %broadcast_in_dim3A_909 in 0 : vector<128x1xf32>, vector<128x1xf32>, vector<128x1xf32>, vector<128x1xf32>, vector<128x1xf32>, vector<128x1xf32>, vector<128x1xf32>, vector<128x1xf32>, vector<128x1xf32>, vector<128x1xf32>, vector<128x1xf32>, vector<128x1xf32>, vector<128x1xf32>, vector<128x1xf32>, vector<128x1xf32>, vector<128x1xf32>, vector<128x1xf32>, vector<128x1xf32>, vector<128x1xf32>, vector<128x1xf32>, vector<128x1xf32>, vector<128x1xf32>, vector<128x1xf32>, vector<128x1xf32>, vector<128x1xf32>, vector<128x1xf32>, vector<128x1xf32>, vector<128x1xf32>, vector<128x1xf32>, vector<128x1xf32>, vector<128x1xf32>, vector<128x1xf32> -> vector<4096x1xf32>
    %convert_element_type3A_911 = arith.fptosi %concatenate3A_910 : vector<4096x1xf32> to vector<4096x1xi32>
    %swap3A_912 = arith.constant 0 : index
    %swap3A_913 = arith.constant 0 : index
    %swap3A_914 = vector.load %arg7[%swap3A_912, %swap3A_913] : memref<4096x1xi32, #tpu.memory_space<vmem>>, vector<4096x1xi32>
    tpu.vector_store %arg7[%swap3A_912, %swap3A_913], %convert_element_type3A_911 {strides = array<i32>} : memref<4096x1xi32, #tpu.memory_space<vmem>>, vector<4096x1xi32>,
    return
  }
}

</mosaic_0001>

<sc_bundles>
// kernel: kernel.6.cloned.1.call-start
scs
__scs_entry_jumppad:
0x0: {  	(pc) =	sbr.rel $0x88, $3  }
0x1: {  	(tag) =	ssettag $0x0;
	lr =	simm.s32 $0x1  }
0x2: {  	[smem:$0x3F9C] =	sst lr;
	_ =	strace $0xD0000000  }
0x3: {  	_ = 	snop  }
0x4: {  	_ = 	snop  }
0x5: {  	_ = 	snop  }
0x6: {  	_ = 	snop  }
0x7: {  	_ = 	snop  }
__scs_overlays_trampoline_lowered:
0x8: {  	[smem:$0x3FAB] =	sst s0  }
0x9: {  	[smem:$0x3FAC] =	sst s1  }
0xa: {  	[smem:$0x3FAD] =	sst s2  }
0xb: {  	[smem:$0x3FAE] =	sst s3  }
0xc: {  	[smem:$0x3FAF] =	sst s4  }
0xd: {  	[smem:$0x3FB0] =	sst s5  }
0xe: {  	[smem:$0x3FB1] =	sst s6  }
0xf: {  	[smem:$0x3FB2] =	sst s7  }
0x10: {  	[smem:$0x3FB3] =	sst s8  }
0x11: {  	[smem:$0x3FB4] =	sst s9;
	s0 =	simm.s32 @!p0 $0x0  }
0x12: {  	s1 =	sld [smem:$0x3F9A];
	s0 =	simm.s32 @p0 $0x1  }
0x13: {  	[smem:$0x3FB5] =	sst s0;
	s0 =	simm.s32 @!p1 $0x0  }
0x14: {  	s2 =	sld [smem:$0x3F99];
	s0 =	simm.s32 @p1 $0x1  }
0x15: {  	[smem:$0x3FB6] =	sst s0;
	s0 =	simm.s32 @!p2 $0x0  }
0x16: {  	s3 =	sld [smem:$0x3FDB];
	s0 =	simm.s32 @p2 $0x1  }
0x17: {  	s4 =	simm.s32 $0x1BF5;
	[smem:$0x3FB8] =	sst s0  }
0x18: {  	s0 =	sld [smem:$0x3F9B];
	_ =	swait.ge [sflag:s4], $0x0  }
0x19: {  	s7 =	sld [smem:$0x3F9C]  }
0x1a: {  	s8 =	sadd.s32 $0xFFFFE003, lr  }
0x1b: {  	s9 =	sadd.s32 $0xFFFFFEF7, lr;
	s5 =	simm.s32 $0xFFFFFFFF;
	p2 =	slt.u32 s8, $0xFFFFF086  }
0x1c: {  	p1 =	slt.u32 s9, $0xF7A;
	s5 =	simm.s32 @!p2 $0x0  }
0x1d: {  	s5 =	simm.s32 @p1 $0x1;
	p0 =	seq.s32 s7, s2  }
0x1e: {  	s7 =	smul.u32 @!p0 $0xF7A, s2;
	p2 =	seq.s32 @!p0 s5, $0x0  }
0x1f: {  	s9 =	smul.u32 $0xF7A, s1;
	s8 =	simm.s32 @!p0 $0x1BF5;
	p2 =	por !p2, p0  }
0x20: {  	[sflag:s8] =	ssyncset.s32 @!p0 $0xFFFFF086;
	s6 =	sadd.s32 @!p0 s3, s7;
	s7 =	simm.s32 @!p0 $0x108  }
0x21: {  	s3 =	sadd.s32 s3, s9;
	s6 =	sadd.s32 @!p0 $0x88, s6;
	s7 =	simm.s32 @p2 $0x1082  }
0x22: {  	[simem:s7], [sflag:s8] =	dma.local @!p0 [hbm:s6], $0xF7A  }
0x23: {  	s9 =	sor.u32 $0xD0000000, s2;
	s6 =	simm.s32 $0x108;
	_ =	swait.ge @!p0 [sflag:s8], $0x0  }
0x24: {  	s3 =	sadd.s32 $0x88, s3;
	s6 =	simm.s32 @!p1 $0x1082;
	[sflag:s4] =	ssyncset.s32 $0xFFFFF086  }
0x25: {  	[simem:s6], [sflag:s4] =	dma.local [hbm:s3], $0xF7A  }
0x26: {  	[smem:$0x3F9C] =	sst s1;
	(tag) =	ssettag s2;
	_ =	strace s9  }
0x27: {  	s1 =	sld [smem:$0x3FAC]  }
0x28: {  	s2 =	sld [smem:$0x3FAD]  }
0x29: {  	s4 =	sld [smem:$0x3FAF]  }
0x2a: {  	p0 =	seq.s32 s5, $0x0;
	s5 =	sld [smem:$0x3FB0]  }
0x2b: {  	s6 =	sld [smem:$0x3FB1]  }
0x2c: {  	s7 =	sld [smem:$0x3FB2]  }
0x2d: {  	s3 =	simm.s32 $0x108;
	s8 =	sld [smem:$0x3FB3]  }
0x2e: {  	s3 =	simm.s32 @!p0 $0x1082;
	s9 =	sld [smem:$0x3FB4]  }
0x2f: {  	lr =	sadd.s32 s0, s3;
	s0 =	sld [smem:$0x3FAB]  }
0x30: {  	s3 =	sld [smem:$0x3FAE]  }
0x31: {  	[smem:$0x3FB7] =	sst s10  }
0x32: {  	s10 =	sld [smem:$0x3FB5];
	_ =	sdelay $0x3  }
0x33: {  	p0 =	seq.s32 s10, $0x1;
	s10 =	sld [smem:$0x3FB7];
	_ =	sdelay $0x3  }
0x34: {  	[smem:$0x3FB7] =	sst s10  }
0x35: {  	s10 =	sld [smem:$0x3FB6];
	_ =	sdelay $0x3  }
0x36: {  	p1 =	seq.s32 s10, $0x1;
	s10 =	sld [smem:$0x3FB7];
	_ =	sdelay $0x3  }
0x37: {  	[smem:$0x3FB7] =	sst s10  }
0x38: {  	s10 =	sld [smem:$0x3FB8]  }
0x39: {  	_ = 	snop;
	(pc) =	sbr.ind lr, $3  }
0x3a: {  	_ = 	snop  }
0x3b: {  	_ = 	snop  }
0x3c: {  	p2 =	seq.s32 s10, $0x1;
	s10 =	sld [smem:$0x3FB7]  }
0x3d: {  	_ =	shalt  }
0x3e: {  	_ =	shalt  }
0x3f: {  	_ =	shalt  }
0x40: {  	_ =	shalt  }
0x41: {  	_ =	shalt  }
0x42: {  	_ =	shalt  }
0x43: {  	_ =	shalt  }
0x44: {  	_ =	shalt  }
0x45: {  	_ =	shalt  }
0x46: {  	_ =	shalt  }
0x47: {  	_ =	shalt  }
0x48: {  	_ =	shalt  }
0x49: {  	_ =	shalt  }
0x4a: {  	_ =	shalt  }
0x4b: {  	_ =	shalt  }
0x4c: {  	_ =	shalt  }
0x4d: {  	_ =	shalt  }
0x4e: {  	_ =	shalt  }
0x4f: {  	_ =	shalt  }
0x50: {  	_ =	shalt  }
0x51: {  	_ =	shalt  }
0x52: {  	_ =	shalt  }
0x53: {  	_ =	shalt  }
0x54: {  	_ =	shalt  }
0x55: {  	_ =	shalt  }
0x56: {  	_ =	shalt  }
0x57: {  	_ =	shalt  }
0x58: {  	_ =	shalt  }
0x59: {  	_ =	shalt  }
0x5a: {  	_ =	shalt  }
0x5b: {  	_ =	shalt  }
0x5c: {  	_ =	shalt  }
0x5d: {  	_ =	shalt  }
0x5e: {  	_ =	shalt  }
0x5f: {  	_ =	shalt  }
0x60: {  	_ =	shalt  }
0x61: {  	_ =	shalt  }
0x62: {  	_ =	shalt  }
0x63: {  	_ =	shalt  }
0x64: {  	_ =	shalt  }
0x65: {  	_ =	shalt  }
0x66: {  	_ =	shalt  }
0x67: {  	_ =	shalt  }
0x68: {  	_ =	shalt  }
0x69: {  	_ =	shalt  }
0x6a: {  	_ =	shalt  }
0x6b: {  	_ =	shalt  }
0x6c: {  	_ =	shalt  }
0x6d: {  	_ =	shalt  }
0x6e: {  	_ =	shalt  }
0x6f: {  	_ =	shalt  }
0x70: {  	_ =	shalt  }
0x71: {  	_ =	shalt  }
0x72: {  	_ =	shalt  }
0x73: {  	_ =	shalt  }
0x74: {  	_ =	shalt  }
0x75: {  	_ =	shalt  }
0x76: {  	_ =	shalt  }
0x77: {  	_ =	shalt  }
0x78: {  	_ =	shalt  }
0x79: {  	_ =	shalt  }
0x7a: {  	_ =	shalt  }
0x7b: {  	_ =	shalt  }
0x7c: {  	_ =	shalt  }
0x7d: {  	_ =	shalt  }
0x7e: {  	_ =	shalt  }
0x7f: {  	_ =	shalt  }
0x80: {  	_ =	shalt  }
0x81: {  	_ =	shalt  }
0x82: {  	_ =	shalt  }
0x83: {  	_ =	shalt  }
0x84: {  	_ =	shalt  }
0x85: {  	_ =	shalt  }
0x86: {  	_ =	shalt  }
0x87: {  	_ =	shalt  }
.Lfunc_end0:
.L_simem_size_0:
called_computation_lowered:
.L_overlay_start_0:
0x88: {  	s2 =	sld [smem:$0x3FD9]  }
0x89: {  	s3 =	sld [smem:$0x3FFE];
	_ =	sdelay $0x1  }
0x8a: {  	s1 =	srdreg.scid  }
0x8b: {  	s0 =	sand.u32 $0x1, s1  }
0x8c: {  	s14 =	sshll.u32 s0, $0xA;
	s2 =	sadd.s32 s3, s2  }
0x8d: {  	s2 =	sadd.s32 s2, s14  }
0x8e: {  	[smem:$0x3FC3] =	sst s2  }
0x8f: {  	_ = 	snop  }
0x90: {  	s2 =	sld [smem:$0x3FD0];
	_ =	sdelay $0x2  }
0x91: {  	s4 =	simm.s32 $0xA;
	s5 =	simm.s32 $0x10;
	s15 =	sld [smem:$0x3FC9]  }
0x92: {  	[smem:s5], [sflag:s4] =	dma.local [hbm:s2], $0x1  }
0x93: {  	_ =	swait.eq [sflag:s4], $0x1  }
0x94: {  	[sflag:s4] =	ssyncset.done $0x0  }
0x95: {  	[sflag:s4] =	ssyncadd.s32 $0xFFFFFFFF  }
0x96: {  	s16 =	sld [smem:$0x10];
	(tm) =	ssettm $0x1  }
0x97: {  	s17 =	sld [smem:$0x3FFB];
	_ =	sdelay $0x3  }
0x98: {  	_ =	strace s17  }
0x99: {  	s4 =	sld [smem:$0x3FFC];
	_ =	sdelay $0x3  }
0x9a: {  	_ =	strace s4  }
0x9b: {  	s4 =	sld [smem:$0x3FFD];
	_ =	sdelay $0x3  }
0x9c: {  	_ =	strace s4  }
0x9d: {  	_ =	strace $0x8FFFFFFF  }
0x9e: {  	s18 =	sld [smem:$0x3FDB];
	_ =	sdelay $0x1  }
0x9f: {  	s19 =	simm.s32 $_scs_section_size  }
0xa0: {  	s6 =	simm.s32 $_size__tile_overlayer_lowered;
	s7 =	simm.s32 $_tile_overlayer_lowered  }
0xa1: {  	s22 =	simm.s32 $0x1BFF;
	s21 =	sshll.u32 s7, $0x1;
	s4 =	sadd.s32 s19, s18  }
0xa2: {  	s8 =	simm.s32 $0x0;
	s20 =	sshll.u32 s6, $0x1;
	s6 =	sadd.s32 s21, s4  }
0xa3: {  	[timem:s8], [sflag:s22] =	dma.local [hbm:s6], s20  }
0xa4: {  	_ =	swait.ge [sflag:s22], s20  }
0xa5: {  	s5 =	ssub.s32 $0x0, s20;
	[sflag:s22] =	ssyncset.done $0x0  }
0xa6: {  	[sflag:s22] =	ssyncadd.s32 s5;
	_ =	sdelay $0x1  }
0xa7: {  	s23 =	simm.s32 $0x1B8B  }
0xa8: {  	_ =	swait.ge [sflag:s23], $0x1  }
0xa9: {  	[sflag:s23] =	ssyncset.done $0x0  }
0xaa: {  	s25 =	simm.s32 $0x1B8E;
	s24 =	sld [smem:$0x3FFE];
	[sflag:s23] =	ssyncadd.s32 $0xFFFFFFFF  }
0xab: {  	s26 =	simm.s32 $execute0_lowered;
	[smem:$0x3FD2] =	sst s25  }
0xac: {  	s6 =	sshll.u32 s26, $0x1;
	_ =	strace $0x80000046;
	[dreg:$0x1] =	wrdreg $0xFFFFFFFF  }
0xad: {  	s28 =	simm.s32 $_size_execute0_lowered;
	s4 =	sadd.s32 s4, s6;
	[dreg:$0x0] =	wrdreg $0x0  }
0xae: {  	s6 =	sshll.u32 s28, $0x1;
	[dreg:$0x2] =	wrdreg s4  }
0xaf: {  	[dreg:$0x3] =	wrdreg s6  }
0xb0: {  	[dreg:$0x4] =	wrdreg $0xC0  }
0xb1: {  	_ =	task [dreg:s8], $0x5FFFF  }
0xb2: {  	[dreg:$0x1] =	wrdreg $0xFFFFFFFF  }
0xb3: {  	[dreg:$0x0] =	wrdreg $0x60  }
0xb4: {  	[dreg:$0x2] =	wrdreg s15  }
0xb5: {  	[dreg:$0x3] =	wrdreg s24  }
0xb6: {  	[dreg:$0x4] =	wrdreg s16  }
0xb7: {  	[dreg:$0x5] =	wrdreg $0x9  }
0xb8: {  	_ =	task.clear_ibuf [dreg:s8], $0x6FFFF;
	_ =	strace $0x90000046  }
0xb9: {  	s29 =	simm.s32 $0x9;
	_ =	strace $0x80000048  }
0xba: {  	_ =	swait.ge [sflag:s29], $0x1  }
0xbb: {  	[sflag:s29] =	ssyncadd.s32 $0xFFFFFFFF  }
0xbc: {  	_ =	strace $0x90000048  }
0xbd: {  	_ =	sfence  }
0xbe: {  	s30 =	sld [smem:$0x0];
	_ =	sdelay $0x2  }
0xbf: {  	s31 =	sshll.u32 s1, $0xD;
	s1 =	sshrl.u32 s1, $0x2  }
0xc0: {  	s3 =	sand.u32 $0x4000, s31;
	s1 =	sadd.s32 s1, s30  }
0xc1: {  	s0 =	sor.u32 s3, s0;
	s1 =	sshll.u32 s1, $0x11  }
0xc2: {  	s0 =	sor.u32 s1, s0  }
0xc3: {  	s0 =	sadd.s32 $0x8F2B, s0  }
0xc4: {  	[sflag:s0] =	ssyncadd.remote.s32 $0x1  }
0xc5: {  	_ =	sfence.sel $0xFFFF  }
0xc6: {  	[dreg:$0x0] =	wrdreg $0xFFFFFFFF;
	(pc) =	sbr.abs _section_cstart, $3  }
0xc7: {  	[dreg:$0x1] =	wrdreg $0xFFFFFFFF  }
0xc8: {  	_ =	task.clear_ibuf [dreg:s8], $0x2FFFF;
	_ =	strace $0x9FFFFFFF  }
0xc9: {  	(tm) =	ssettm $0x7FFFFFFF  }
tec
execute0_lowered:
.L_overlay_start_1:
0x0: {  	(tag) =	ssettag $0x1  }
0x1: {  	s0 =	rddreg [dreg:$0x0]  }
0x2: {  	s1 =	rddreg [dreg:$0x1];
	s4 =	srdreg.scid;
	s3 =	simm.s32 $0x0  }
0x3: {  	s10 =	stileid.u32;
	s28 =	simm.s32 $0x10100;
	s29 =	simm.s32 $0x7100  }
0x4: {  	s30 =	simm.s32 $0x7900;
	s31 =	simm.s32 $0x20;
	s5 =	sand.u32 $0x1, s4  }
0x5: {  	[smem:$0x7FF] =	sst s3;
	s22 =	sshll.u32 s10, $0x8;
	s7 =	sadd.s32 $0x1A800, s1  }
0x6: {  	s8 =	sadd.s32 $0xA200, s1;
	p0 =	sgt.u32 s10, $0x7;
	s6 =	sshll.u32 s5, $0x7  }
0x7: {  	_ =	strace $0x80000047;
	s5 =	ssub.s32 $0x2, s5;
	s6 =	sor.u32 s6, s22  }
0x8: {  	s18 =	sshrl.u32 s5, $0x1;
	s4 =	sshrl.u32 s6, $0x3;
	s9 =	sshll.u32 s6, $0x7  }
0x9: {  	s25 =	sshll.u32 s6, $0x4;
	s12 =	sor.u32 $0x20, s6;
	s15 =	sor.u32 $0x40, s6  }
0xa: {  	s20 =	ssub.s32 s5, s18;
	s5 =	sadd.s32 $0x1AB00, s1;
	s22 =	sor.u32 $0x60, s6  }
0xb: {  	s6 =	sadd.s32 $0x1AC00, s1;
	s18 =	simm.s32 $0x2900;
	s23 =	sadd.s32 s7, s4  }
0xc: {  	s11 =	sadd.s32 $0xFFFC0000, s9;
	s4 =	sadd.s32 $0x1AA00, s1;
	s26 =	sadd.s32 s8, s25  }
0xd: {  	s2 =	sshrl.u32 s12, $0x3;
	s14 =	sshll.u32 s12, $0x4;
	s17 =	sshrl.u32 s15, $0x3  }
0xe: {  	s25 =	sshll.u32 s22, $0x4;
	[dreg:$0x4] =	wrdreg s23;
	s9 =	smov.u32 @p0 s11  }
0xf: {  	[dreg:$0x6] =	wrdreg s26;
	s13 =	sadd.s32 s7, s2;
	s16 =	sadd.s32 s8, s14  }
0x10: {  	s19 =	sadd.s32 s7, s17;
	s11 =	sshll.u32 s15, $0x4;
	s26 =	sadd.s32 s8, s25  }
0x11: {  	s17 =	simm.s32 $0x2100;
	s25 =	simm.s32 $0x6100;
	[dreg:$0x7] =	wrdreg s13  }
0x12: {  	s15 =	simm.s32 $0x80;
	s24 =	sadd.s32 s0, s9;
	[dreg:$0x9] =	wrdreg s16  }
0x13: {  	s9 =	sand.u32 $0x1FFFC000, s9;
	[dreg:$0xa] =	wrdreg s19;
	s23 =	sadd.s32 s8, s11  }
0x14: {  	[dreg:$0xf] =	wrdreg s26;
	s8 =	smax.u32 s20, $0x1;
	s11 =	simm.s32 $0x1  }
0x15: {  	s26 =	simm.s32 $0x3;
	s16 =	simm.s32 $0x1900;
	s19 =	simm.s32 $0x3100  }
0x16: {  	s20 =	simm.s32 $0x3900;
	[dreg:$0x5] =	wrdreg s24;
	s0 =	sadd.s32 s9, s0  }
0x17: {  	s24 =	sshrl.u32 s22, $0x3;
	[dreg:$0xc] =	wrdreg s23;
	s9 =	sadd.s32 $0x1000, s0  }
0x18: {  	s22 =	simm.s32 $0x4900;
	s21 =	sadd.s32 $0x2000, s0;
	[dreg:$0x8] =	wrdreg s9  }
0x19: {  	s23 =	simm.s32 $0x5100;
	s7 =	sadd.s32 s7, s24;
	[dreg:$0xb] =	wrdreg s21  }
0x1a: {  	v2 =	vlaneseq.u32;
	s0 =	sadd.s32 $0x3000, s0;
	s24 =	simm.s32 $0x5900;
	[dreg:$0xd] =	wrdreg s7  }
0x1b: {  	vm0 =	vmmov $0xffff;
	v1 =	vshrl.u32 v2, $0x3;
	s7 =	sadd.s32 $0x1AD00, s1;
	[dreg:$0xe] =	wrdreg s0;
	s0 =	simm.s32 $0x2  }
0x1c: {  	v0 =	vand.u32 $0x7, v2;
	v2 =	vor.u32 $0x8, v2;
	v1 =	vmul.u32 $0x8, v1;
	s1 =	simm.s32 $0x4;
	s21 =	simm.s32 $0x4100;
	s9 =	simm.s32 $0x11100  }
.LBB2_1:
0x1d: {  	s12 =	rddreg [dreg:$0x4]  }
0x1e: {  	[tilespmem:s3], [sflag:$0x1] =	stream.linear.gather [hbm4b:s12+s3], $0x20, $0x38;
	[tilespmem:$0x12100] =	vst v63  }
0x1f: {  	s13 =	rddreg [dreg:$0x5];
	s10 =	simm.s32 $0x100  }
0x20: {  	[tilespmem:s10], [sflag:$0x1] =	stream.linear.gather [hbm4b:s13+s3], $0x8000, $0x38;
	[tilespmem:$0x12100] =	vst v63  }
0x21: {  	s2 =	rddreg [dreg:$0x6]  }
0x22: {  	[tilespmem:s28], [sflag:$0x1] =	stream.linear.gather [hbm4b:s2+s3], $0x1000, $0x38;
	[tilespmem:$0x12100] =	vst v63  }
0x23: {  	_ =	swait.ge [sflag:s11], $0x20  }
0x24: {  	[sflag:s11] =	ssyncset.done $0x0  }
0x25: {  	[sflag:s11] =	ssyncadd.s32 $0xFFFFFFE0  }
0x26: {  	_ =	swait.ge [sflag:s11], $0x8000  }
0x27: {  	[sflag:s11] =	ssyncset.done $0x0  }
0x28: {  	[sflag:s11] =	ssyncadd.s32 $0xFFFF8000  }
0x29: {  	_ =	swait.ge [sflag:s11], $0x1000  }
0x2a: {  	[sflag:s11] =	ssyncset.done $0x0  }
0x2b: {  	[sflag:s11] =	ssyncadd.s32 $0xFFFFF000  }
0x2c: {  	v3 =	vld [tilespmem:$0x0];
	_ =	sdelay $0x4  }
0x2d: {  	v4 =	vshll.u32 v3, $0x3  }
0x2e: {  	v3 =	vand.u32 $0x7, v3;
	v4 =	vand.u32 $0xFFFFFFC0, v4  }
0x2f: {  	v3 =	vor.u32 v3, v4  }
0x30: {  	v4 =	vperm.xlane v3, v0;
	_ =	sdelay $0x1  }
0x31: {  	v4 =	vadd.s32 v1, v4;
	_ =	sdelay $0x4  }
0x32: {  	[hbm4b:s4+s3] =	stream.indirect_vreg.scatter [tilespmem:s10], [sflag:$0x3], $0x80, v4, vm0, $0xb8;
	[tilespmem:$0x12100] =	vst v63  }
0x33: {  	s2 =	simm.s32 $0x900;
	v3 =	vperm.xlane v3, v2  }
0x34: {  	[hbm4b:s5+s3] =	stream.indirect_vreg.scatter [tilespmem:s2], [sflag:$0x3], $0x80, v4, vm0, $0xb8;
	[tilespmem:$0x12100] =	vst v63  }
0x35: {  	s13 =	simm.s32 $0x1100;
	v3 =	vadd.s32 v1, v3  }
0x36: {  	[hbm4b:s6+s3] =	stream.indirect_vreg.scatter [tilespmem:s13], [sflag:$0x3], $0x80, v4, vm0, $0xb8;
	[tilespmem:$0x12100] =	vst v63  }
0x37: {  	_ = 	snop  }
0x38: {  	[hbm4b:s7+s3] =	stream.indirect_vreg.scatter [tilespmem:s16], [sflag:$0x3], $0x80, v4, vm0, $0xb8;
	[tilespmem:$0x12100] =	vst v63  }
0x39: {  	_ = 	snop  }
0x3a: {  	[hbm4b:s4+s3] =	stream.indirect_vreg.scatter [tilespmem:s17], [sflag:$0x3], $0x80, v3, vm0, $0xb8;
	[tilespmem:$0x12100] =	vst v63  }
0x3b: {  	_ = 	snop  }
0x3c: {  	[hbm4b:s5+s3] =	stream.indirect_vreg.scatter [tilespmem:s18], [sflag:$0x3], $0x80, v3, vm0, $0xb8;
	[tilespmem:$0x12100] =	vst v63  }
0x3d: {  	_ = 	snop  }
0x3e: {  	[hbm4b:s6+s3] =	stream.indirect_vreg.scatter [tilespmem:s19], [sflag:$0x3], $0x80, v3, vm0, $0xb8;
	[tilespmem:$0x12100] =	vst v63  }
0x3f: {  	_ = 	snop  }
0x40: {  	[hbm4b:s7+s3] =	stream.indirect_vreg.scatter [tilespmem:s20], [sflag:$0x3], $0x80, v3, vm0, $0xb8;
	[tilespmem:$0x12100] =	vst v63  }
0x41: {  	v3 =	vld [tilespmem:$0x10];
	_ =	sdelay $0x4  }
0x42: {  	v57 =	vshll.u32 v3, $0x3  }
0x43: {  	v3 =	vand.u32 $0x7, v3;
	v4 =	vand.u32 $0xFFFFFFC0, v57  }
0x44: {  	v3 =	vor.u32 v3, v4  }
0x45: {  	v4 =	vperm.xlane v3, v0;
	_ =	sdelay $0x1  }
0x46: {  	v4 =	vadd.s32 v1, v4;
	_ =	sdelay $0x4  }
0x47: {  	[hbm4b:s4+s3] =	stream.indirect_vreg.scatter [tilespmem:s21], [sflag:$0x3], $0x80, v4, vm0, $0xb8;
	[tilespmem:$0x12100] =	vst v63  }
0x48: {  	v3 =	vperm.xlane v3, v2  }
0x49: {  	[hbm4b:s5+s3] =	stream.indirect_vreg.scatter [tilespmem:s22], [sflag:$0x3], $0x80, v4, vm0, $0xb8;
	[tilespmem:$0x12100] =	vst v63  }
0x4a: {  	v3 =	vadd.s32 v1, v3  }
0x4b: {  	[hbm4b:s6+s3] =	stream.indirect_vreg.scatter [tilespmem:s23], [sflag:$0x3], $0x80, v4, vm0, $0xb8;
	[tilespmem:$0x12100] =	vst v63  }
0x4c: {  	_ = 	snop  }
0x4d: {  	[hbm4b:s7+s3] =	stream.indirect_vreg.scatter [tilespmem:s24], [sflag:$0x3], $0x80, v4, vm0, $0xb8;
	[tilespmem:$0x12100] =	vst v63  }
0x4e: {  	_ = 	snop  }
0x4f: {  	[hbm4b:s4+s3] =	stream.indirect_vreg.scatter [tilespmem:s25], [sflag:$0x3], $0x80, v3, vm0, $0xb8;
	[tilespmem:$0x12100] =	vst v63  }
0x50: {  	s14 =	simm.s32 $0x6900  }
0x51: {  	[hbm4b:s5+s3] =	stream.indirect_vreg.scatter [tilespmem:s14], [sflag:$0x3], $0x80, v3, vm0, $0xb8;
	[tilespmem:$0x12100] =	vst v63  }
0x52: {  	_ = 	snop  }
0x53: {  	[hbm4b:s6+s3] =	stream.indirect_vreg.scatter [tilespmem:s29], [sflag:$0x3], $0x80, v3, vm0, $0xb8;
	[tilespmem:$0x12100] =	vst v63  }
0x54: {  	_ = 	snop  }
0x55: {  	[hbm4b:s7+s3] =	stream.indirect_vreg.scatter [tilespmem:s30], [sflag:$0x3], $0x80, v3, vm0, $0xb8;
	[tilespmem:$0x12100] =	vst v63  }
0x56: {  	s14 =	rddreg [dreg:$0x2]  }
0x57: {  	[hbm4b:s14+s31] =	stream.indirect.scatter [tilespmem:s28], [sflag:$0x3], $0x80, s3, s31, $0xb8;
	[tilespmem:$0x12100] =	vst v63  }
0x58: {  	s2 =	rddreg [dreg:$0x7]  }
0x59: {  	[tilespmem:s15], [sflag:$0x2] =	stream.linear.gather [hbm4b:s2+s3], $0x20, $0x38;
	[tilespmem:$0x12100] =	vst v63  }
0x5a: {  	s13 =	rddreg [dreg:$0x8];
	s2 =	simm.s32 $0x8100  }
0x5b: {  	[tilespmem:s2], [sflag:$0x2] =	stream.linear.gather [hbm4b:s13+s3], $0x8000, $0x38;
	[tilespmem:$0x12100] =	vst v63  }
0x5c: {  	s12 =	rddreg [dreg:$0x9]  }
0x5d: {  	[tilespmem:s9], [sflag:$0x2] =	stream.linear.gather [hbm4b:s12+s3], $0x1000, $0x38;
	[tilespmem:$0x12100] =	vst v63  }
0x5e: {  	_ =	swait.ge [sflag:s0], $0x20  }
0x5f: {  	[sflag:s0] =	ssyncset.done $0x0  }
0x60: {  	[sflag:s0] =	ssyncadd.s32 $0xFFFFFFE0  }
0x61: {  	_ =	swait.ge [sflag:s0], $0x8000  }
0x62: {  	[sflag:s0] =	ssyncset.done $0x0  }
0x63: {  	[sflag:s0] =	ssyncadd.s32 $0xFFFF8000  }
0x64: {  	_ =	swait.ge [sflag:s0], $0x1000  }
0x65: {  	[sflag:s0] =	ssyncset.done $0x0  }
0x66: {  	[sflag:s0] =	ssyncadd.s32 $0xFFFFF000  }
0x67: {  	v3 =	vld [tilespmem:$0x80];
	_ =	sdelay $0x4  }
0x68: {  	v58 =	vshll.u32 v3, $0x3  }
0x69: {  	v3 =	vand.u32 $0x7, v3;
	v4 =	vand.u32 $0xFFFFFFC0, v58  }
0x6a: {  	v3 =	vor.u32 v3, v4  }
0x6b: {  	v4 =	vperm.xlane v3, v0;
	_ =	sdelay $0x1  }
0x6c: {  	v4 =	vadd.s32 v1, v4;
	_ =	sdelay $0x4  }
0x6d: {  	[hbm4b:s4+s3] =	stream.indirect_vreg.scatter [tilespmem:s2], [sflag:$0x4], $0x80, v4, vm0, $0xb8;
	[tilespmem:$0x12100] =	vst v63  }
0x6e: {  	s13 =	simm.s32 $0x8900;
	v3 =	vperm.xlane v3, v2  }
0x6f: {  	[hbm4b:s5+s3] =	stream.indirect_vreg.scatter [tilespmem:s13], [sflag:$0x4], $0x80, v4, vm0, $0xb8;
	[tilespmem:$0x12100] =	vst v63  }
0x70: {  	v3 =	vadd.s32 v1, v3;
	s13 =	simm.s32 $0x9100  }
0x71: {  	[hbm4b:s6+s3] =	stream.indirect_vreg.scatter [tilespmem:s13], [sflag:$0x4], $0x80, v4, vm0, $0xb8;
	[tilespmem:$0x12100] =	vst v63  }
0x72: {  	s13 =	simm.s32 $0x9900  }
0x73: {  	[hbm4b:s7+s3] =	stream.indirect_vreg.scatter [tilespmem:s13], [sflag:$0x4], $0x80, v4, vm0, $0xb8;
	[tilespmem:$0x12100] =	vst v63  }
0x74: {  	s13 =	simm.s32 $0xA100  }
0x75: {  	[hbm4b:s4+s3] =	stream.indirect_vreg.scatter [tilespmem:s13], [sflag:$0x4], $0x80, v3, vm0, $0xb8;
	[tilespmem:$0x12100] =	vst v63  }
0x76: {  	s13 =	simm.s32 $0xA900  }
0x77: {  	[hbm4b:s5+s3] =	stream.indirect_vreg.scatter [tilespmem:s13], [sflag:$0x4], $0x80, v3, vm0, $0xb8;
	[tilespmem:$0x12100] =	vst v63  }
0x78: {  	s13 =	simm.s32 $0xB100  }
0x79: {  	[hbm4b:s6+s3] =	stream.indirect_vreg.scatter [tilespmem:s13], [sflag:$0x4], $0x80, v3, vm0, $0xb8;
	[tilespmem:$0x12100] =	vst v63  }
0x7a: {  	s13 =	simm.s32 $0xB900  }
0x7b: {  	[hbm4b:s7+s3] =	stream.indirect_vreg.scatter [tilespmem:s13], [sflag:$0x4], $0x80, v3, vm0, $0xb8;
	[tilespmem:$0x12100] =	vst v63  }
0x7c: {  	v3 =	vld [tilespmem:$0x90];
	_ =	sdelay $0x4  }
0x7d: {  	v59 =	vshll.u32 v3, $0x3  }
0x7e: {  	v3 =	vand.u32 $0x7, v3;
	v4 =	vand.u32 $0xFFFFFFC0, v59  }
0x7f: {  	v3 =	vor.u32 v3, v4  }
0x80: {  	v4 =	vperm.xlane v3, v0;
	_ =	sdelay $0x1  }
0x81: {  	v4 =	vadd.s32 v1, v4;
	_ =	sdelay $0x3  }
0x82: {  	s13 =	simm.s32 $0xC100  }
0x83: {  	[hbm4b:s4+s3] =	stream.indirect_vreg.scatter [tilespmem:s13], [sflag:$0x4], $0x80, v4, vm0, $0xb8;
	[tilespmem:$0x12100] =	vst v63  }
0x84: {  	v3 =	vperm.xlane v3, v2;
	s13 =	simm.s32 $0xC900  }
0x85: {  	[hbm4b:s5+s3] =	stream.indirect_vreg.scatter [tilespmem:s13], [sflag:$0x4], $0x80, v4, vm0, $0xb8;
	[tilespmem:$0x12100] =	vst v63  }
0x86: {  	v3 =	vadd.s32 v1, v3;
	s13 =	simm.s32 $0xD100  }
0x87: {  	[hbm4b:s6+s3] =	stream.indirect_vreg.scatter [tilespmem:s13], [sflag:$0x4], $0x80, v4, vm0, $0xb8;
	[tilespmem:$0x12100] =	vst v63  }
0x88: {  	s13 =	simm.s32 $0xD900  }
0x89: {  	[hbm4b:s7+s3] =	stream.indirect_vreg.scatter [tilespmem:s13], [sflag:$0x4], $0x80, v4, vm0, $0xb8;
	[tilespmem:$0x12100] =	vst v63  }
0x8a: {  	s13 =	simm.s32 $0xE100  }
0x8b: {  	[hbm4b:s4+s3] =	stream.indirect_vreg.scatter [tilespmem:s13], [sflag:$0x4], $0x80, v3, vm0, $0xb8;
	[tilespmem:$0x12100] =	vst v63  }
0x8c: {  	s13 =	simm.s32 $0xE900  }
0x8d: {  	[hbm4b:s5+s3] =	stream.indirect_vreg.scatter [tilespmem:s13], [sflag:$0x4], $0x80, v3, vm0, $0xb8;
	[tilespmem:$0x12100] =	vst v63  }
0x8e: {  	s13 =	simm.s32 $0xF100  }
0x8f: {  	[hbm4b:s6+s3] =	stream.indirect_vreg.scatter [tilespmem:s13], [sflag:$0x4], $0x80, v3, vm0, $0xb8;
	[tilespmem:$0x12100] =	vst v63  }
0x90: {  	s13 =	simm.s32 $0xF900  }
0x91: {  	[hbm4b:s7+s3] =	stream.indirect_vreg.scatter [tilespmem:s13], [sflag:$0x4], $0x80, v3, vm0, $0xb8;
	[tilespmem:$0x12100] =	vst v63  }
0x92: {  	_ = 	snop  }
0x93: {  	[hbm4b:s14+s31] =	stream.indirect.scatter [tilespmem:s9], [sflag:$0x4], $0x80, s15, s31, $0xb8;
	[tilespmem:$0x12100] =	vst v63  }
0x94: {  	_ =	swait.ge [sflag:s26], $0x8000  }
0x95: {  	[sflag:s26] =	ssyncset.done $0x0  }
0x96: {  	[sflag:s26] =	ssyncadd.s32 $0xFFFF8000  }
0x97: {  	_ =	swait.ge [sflag:s26], $0x1000  }
0x98: {  	[sflag:s26] =	ssyncset.done $0x0  }
0x99: {  	s12 =	rddreg [dreg:$0xa];
	[sflag:s26] =	ssyncadd.s32 $0xFFFFF000  }
0x9a: {  	[tilespmem:s3], [sflag:$0x1] =	stream.linear.gather [hbm4b:s12+s3], $0x20, $0x38;
	[tilespmem:$0x12100] =	vst v63  }
0x9b: {  	s13 =	rddreg [dreg:$0xb]  }
0x9c: {  	[tilespmem:s10], [sflag:$0x1] =	stream.linear.gather [hbm4b:s13+s3], $0x8000, $0x38;
	[tilespmem:$0x12100] =	vst v63  }
0x9d: {  	s12 =	rddreg [dreg:$0xc]  }
0x9e: {  	[tilespmem:s28], [sflag:$0x1] =	stream.linear.gather [hbm4b:s12+s3], $0x1000, $0x38;
	[tilespmem:$0x12100] =	vst v63  }
0x9f: {  	_ =	swait.ge [sflag:s11], $0x20  }
0xa0: {  	[sflag:s11] =	ssyncset.done $0x0  }
0xa1: {  	[sflag:s11] =	ssyncadd.s32 $0xFFFFFFE0  }
0xa2: {  	_ =	swait.ge [sflag:s11], $0x8000  }
0xa3: {  	[sflag:s11] =	ssyncset.done $0x0  }
0xa4: {  	[sflag:s11] =	ssyncadd.s32 $0xFFFF8000  }
0xa5: {  	_ =	swait.ge [sflag:s11], $0x1000  }
0xa6: {  	[sflag:s11] =	ssyncset.done $0x0  }
0xa7: {  	[sflag:s11] =	ssyncadd.s32 $0xFFFFF000  }
0xa8: {  	v3 =	vld [tilespmem:$0x0];
	_ =	sdelay $0x4  }
0xa9: {  	v60 =	vshll.u32 v3, $0x3  }
0xaa: {  	v3 =	vand.u32 $0x7, v3;
	v4 =	vand.u32 $0xFFFFFFC0, v60  }
0xab: {  	v3 =	vor.u32 v3, v4  }
0xac: {  	v4 =	vperm.xlane v3, v0;
	_ =	sdelay $0x1  }
0xad: {  	v4 =	vadd.s32 v1, v4;
	_ =	sdelay $0x4  }
0xae: {  	[hbm4b:s4+s3] =	stream.indirect_vreg.scatter [tilespmem:s10], [sflag:$0x3], $0x80, v4, vm0, $0xb8;
	[tilespmem:$0x12100] =	vst v63  }
0xaf: {  	s13 =	simm.s32 $0x900;
	v3 =	vperm.xlane v3, v2  }
0xb0: {  	[hbm4b:s5+s3] =	stream.indirect_vreg.scatter [tilespmem:s13], [sflag:$0x3], $0x80, v4, vm0, $0xb8;
	[tilespmem:$0x12100] =	vst v63  }
0xb1: {  	s12 =	simm.s32 $0x1100;
	v3 =	vadd.s32 v1, v3  }
0xb2: {  	[hbm4b:s6+s3] =	stream.indirect_vreg.scatter [tilespmem:s12], [sflag:$0x3], $0x80, v4, vm0, $0xb8;
	[tilespmem:$0x12100] =	vst v63  }
0xb3: {  	_ = 	snop  }
0xb4: {  	[hbm4b:s7+s3] =	stream.indirect_vreg.scatter [tilespmem:s16], [sflag:$0x3], $0x80, v4, vm0, $0xb8;
	[tilespmem:$0x12100] =	vst v63  }
0xb5: {  	_ = 	snop  }
0xb6: {  	[hbm4b:s4+s3] =	stream.indirect_vreg.scatter [tilespmem:s17], [sflag:$0x3], $0x80, v3, vm0, $0xb8;
	[tilespmem:$0x12100] =	vst v63  }
0xb7: {  	_ = 	snop  }
0xb8: {  	[hbm4b:s5+s3] =	stream.indirect_vreg.scatter [tilespmem:s18], [sflag:$0x3], $0x80, v3, vm0, $0xb8;
	[tilespmem:$0x12100] =	vst v63  }
0xb9: {  	_ = 	snop  }
0xba: {  	[hbm4b:s6+s3] =	stream.indirect_vreg.scatter [tilespmem:s19], [sflag:$0x3], $0x80, v3, vm0, $0xb8;
	[tilespmem:$0x12100] =	vst v63  }
0xbb: {  	_ = 	snop  }
0xbc: {  	[hbm4b:s7+s3] =	stream.indirect_vreg.scatter [tilespmem:s20], [sflag:$0x3], $0x80, v3, vm0, $0xb8;
	[tilespmem:$0x12100] =	vst v63  }
0xbd: {  	v3 =	vld [tilespmem:$0x10];
	_ =	sdelay $0x4  }
0xbe: {  	v61 =	vshll.u32 v3, $0x3  }
0xbf: {  	v3 =	vand.u32 $0x7, v3;
	v4 =	vand.u32 $0xFFFFFFC0, v61  }
0xc0: {  	v3 =	vor.u32 v3, v4  }
0xc1: {  	v4 =	vperm.xlane v3, v0;
	_ =	sdelay $0x1  }
0xc2: {  	v4 =	vadd.s32 v1, v4;
	_ =	sdelay $0x4  }
0xc3: {  	[hbm4b:s4+s3] =	stream.indirect_vreg.scatter [tilespmem:s21], [sflag:$0x3], $0x80, v4, vm0, $0xb8;
	[tilespmem:$0x12100] =	vst v63  }
0xc4: {  	v3 =	vperm.xlane v3, v2  }
0xc5: {  	[hbm4b:s5+s3] =	stream.indirect_vreg.scatter [tilespmem:s22], [sflag:$0x3], $0x80, v4, vm0, $0xb8;
	[tilespmem:$0x12100] =	vst v63  }
0xc6: {  	v3 =	vadd.s32 v1, v3  }
0xc7: {  	[hbm4b:s6+s3] =	stream.indirect_vreg.scatter [tilespmem:s23], [sflag:$0x3], $0x80, v4, vm0, $0xb8;
	[tilespmem:$0x12100] =	vst v63  }
0xc8: {  	_ = 	snop  }
0xc9: {  	[hbm4b:s7+s3] =	stream.indirect_vreg.scatter [tilespmem:s24], [sflag:$0x3], $0x80, v4, vm0, $0xb8;
	[tilespmem:$0x12100] =	vst v63  }
0xca: {  	_ = 	snop  }
0xcb: {  	[hbm4b:s4+s3] =	stream.indirect_vreg.scatter [tilespmem:s25], [sflag:$0x3], $0x80, v3, vm0, $0xb8;
	[tilespmem:$0x12100] =	vst v63  }
0xcc: {  	s13 =	simm.s32 $0x6900  }
0xcd: {  	[hbm4b:s5+s3] =	stream.indirect_vreg.scatter [tilespmem:s13], [sflag:$0x3], $0x80, v3, vm0, $0xb8;
	[tilespmem:$0x12100] =	vst v63  }
0xce: {  	_ = 	snop  }
0xcf: {  	[hbm4b:s6+s3] =	stream.indirect_vreg.scatter [tilespmem:s29], [sflag:$0x3], $0x80, v3, vm0, $0xb8;
	[tilespmem:$0x12100] =	vst v63  }
0xd0: {  	_ = 	snop  }
0xd1: {  	[hbm4b:s7+s3] =	stream.indirect_vreg.scatter [tilespmem:s30], [sflag:$0x3], $0x80, v3, vm0, $0xb8;
	[tilespmem:$0x12100] =	vst v63  }
0xd2: {  	_ = 	snop  }
0xd3: {  	[hbm4b:s14+s31] =	stream.indirect.scatter [tilespmem:s28], [sflag:$0x3], $0x80, s3, s31, $0xb8;
	[tilespmem:$0x12100] =	vst v63  }
0xd4: {  	_ =	swait.ge [sflag:s1], $0x8000  }
0xd5: {  	[sflag:s1] =	ssyncset.done $0x0  }
0xd6: {  	[sflag:s1] =	ssyncadd.s32 $0xFFFF8000  }
0xd7: {  	_ =	swait.ge [sflag:s1], $0x1000  }
0xd8: {  	[sflag:s1] =	ssyncset.done $0x0  }
0xd9: {  	s10 =	rddreg [dreg:$0xd];
	[sflag:s1] =	ssyncadd.s32 $0xFFFFF000  }
0xda: {  	[tilespmem:s15], [sflag:$0x2] =	stream.linear.gather [hbm4b:s10+s3], $0x20, $0x38;
	[tilespmem:$0x12100] =	vst v63  }
0xdb: {  	s13 =	rddreg [dreg:$0xe]  }
0xdc: {  	[tilespmem:s2], [sflag:$0x2] =	stream.linear.gather [hbm4b:s13+s3], $0x8000, $0x38;
	[tilespmem:$0x12100] =	vst v63  }
0xdd: {  	s10 =	rddreg [dreg:$0xf]  }
0xde: {  	[tilespmem:s9], [sflag:$0x2] =	stream.linear.gather [hbm4b:s10+s3], $0x1000, $0x38;
	[tilespmem:$0x12100] =	vst v63  }
0xdf: {  	_ =	swait.ge [sflag:s0], $0x20  }
0xe0: {  	[sflag:s0] =	ssyncset.done $0x0  }
0xe1: {  	[sflag:s0] =	ssyncadd.s32 $0xFFFFFFE0  }
0xe2: {  	_ =	swait.ge [sflag:s0], $0x8000  }
0xe3: {  	[sflag:s0] =	ssyncset.done $0x0  }
0xe4: {  	[sflag:s0] =	ssyncadd.s32 $0xFFFF8000  }
0xe5: {  	_ =	swait.ge [sflag:s0], $0x1000  }
0xe6: {  	[sflag:s0] =	ssyncset.done $0x0  }
0xe7: {  	[sflag:s0] =	ssyncadd.s32 $0xFFFFF000  }
0xe8: {  	v3 =	vld [tilespmem:$0x80];
	_ =	sdelay $0x4  }
0xe9: {  	v62 =	vshll.u32 v3, $0x3  }
0xea: {  	v3 =	vand.u32 $0x7, v3;
	v4 =	vand.u32 $0xFFFFFFC0, v62  }
0xeb: {  	v3 =	vor.u32 v3, v4  }
0xec: {  	v4 =	vperm.xlane v3, v0;
	_ =	sdelay $0x1  }
0xed: {  	v4 =	vadd.s32 v1, v4;
	_ =	sdelay $0x4  }
0xee: {  	[hbm4b:s4+s3] =	stream.indirect_vreg.scatter [tilespmem:s2], [sflag:$0x4], $0x80, v4, vm0, $0xb8;
	[tilespmem:$0x12100] =	vst v63  }
0xef: {  	s10 =	simm.s32 $0x8900;
	v3 =	vperm.xlane v3, v2  }
0xf0: {  	[hbm4b:s5+s3] =	stream.indirect_vreg.scatter [tilespmem:s10], [sflag:$0x4], $0x80, v4, vm0, $0xb8;
	[tilespmem:$0x12100] =	vst v63  }
0xf1: {  	s12 =	simm.s32 $0x9100;
	v3 =	vadd.s32 v1, v3  }
0xf2: {  	[hbm4b:s6+s3] =	stream.indirect_vreg.scatter [tilespmem:s12], [sflag:$0x4], $0x80, v4, vm0, $0xb8;
	[tilespmem:$0x12100] =	vst v63  }
0xf3: {  	s13 =	simm.s32 $0x9900  }
0xf4: {  	[hbm4b:s7+s3] =	stream.indirect_vreg.scatter [tilespmem:s13], [sflag:$0x4], $0x80, v4, vm0, $0xb8;
	[tilespmem:$0x12100] =	vst v63  }
0xf5: {  	s10 =	simm.s32 $0xA100  }
0xf6: {  	[hbm4b:s4+s3] =	stream.indirect_vreg.scatter [tilespmem:s10], [sflag:$0x4], $0x80, v3, vm0, $0xb8;
	[tilespmem:$0x12100] =	vst v63  }
0xf7: {  	s12 =	simm.s32 $0xA900  }
0xf8: {  	[hbm4b:s5+s3] =	stream.indirect_vreg.scatter [tilespmem:s12], [sflag:$0x4], $0x80, v3, vm0, $0xb8;
	[tilespmem:$0x12100] =	vst v63  }
0xf9: {  	s13 =	simm.s32 $0xB100  }
0xfa: {  	[hbm4b:s6+s3] =	stream.indirect_vreg.scatter [tilespmem:s13], [sflag:$0x4], $0x80, v3, vm0, $0xb8;
	[tilespmem:$0x12100] =	vst v63  }
0xfb: {  	s10 =	simm.s32 $0xB900  }
0xfc: {  	[hbm4b:s7+s3] =	stream.indirect_vreg.scatter [tilespmem:s10], [sflag:$0x4], $0x80, v3, vm0, $0xb8;
	[tilespmem:$0x12100] =	vst v63  }
0xfd: {  	v3 =	vld [tilespmem:$0x90];
	_ =	sdelay $0x4  }
0xfe: {  	v63 =	vshll.u32 v3, $0x3  }
0xff: {  	v3 =	vand.u32 $0x7, v3;
	v4 =	vand.u32 $0xFFFFFFC0, v63  }
0x100: {  	v3 =	vor.u32 v3, v4  }
0x101: {  	v4 =	vperm.xlane v3, v0;
	_ =	sdelay $0x1  }
0x102: {  	v4 =	vadd.s32 v1, v4;
	_ =	sdelay $0x3  }
0x103: {  	s12 =	simm.s32 $0xC100  }
0x104: {  	[hbm4b:s4+s3] =	stream.indirect_vreg.scatter [tilespmem:s12], [sflag:$0x4], $0x80, v4, vm0, $0xb8;
	[tilespmem:$0x12100] =	vst v63  }
0x105: {  	s13 =	simm.s32 $0xC900;
	v3 =	vperm.xlane v3, v2  }
0x106: {  	[hbm4b:s5+s3] =	stream.indirect_vreg.scatter [tilespmem:s13], [sflag:$0x4], $0x80, v4, vm0, $0xb8;
	[tilespmem:$0x12100] =	vst v63  }
0x107: {  	s10 =	simm.s32 $0xD100;
	v3 =	vadd.s32 v1, v3  }
0x108: {  	[hbm4b:s6+s3] =	stream.indirect_vreg.scatter [tilespmem:s10], [sflag:$0x4], $0x80, v4, vm0, $0xb8;
	[tilespmem:$0x12100] =	vst v63  }
0x109: {  	s12 =	simm.s32 $0xD900  }
0x10a: {  	[hbm4b:s7+s3] =	stream.indirect_vreg.scatter [tilespmem:s12], [sflag:$0x4], $0x80, v4, vm0, $0xb8;
	[tilespmem:$0x12100] =	vst v63  }
0x10b: {  	s13 =	simm.s32 $0xE100  }
0x10c: {  	[hbm4b:s4+s3] =	stream.indirect_vreg.scatter [tilespmem:s13], [sflag:$0x4], $0x80, v3, vm0, $0xb8;
	[tilespmem:$0x12100] =	vst v63  }
0x10d: {  	s10 =	simm.s32 $0xE900  }
0x10e: {  	[hbm4b:s5+s3] =	stream.indirect_vreg.scatter [tilespmem:s10], [sflag:$0x4], $0x80, v3, vm0, $0xb8;
	[tilespmem:$0x12100] =	vst v63  }
0x10f: {  	s12 =	simm.s32 $0xF100  }
0x110: {  	[hbm4b:s6+s3] =	stream.indirect_vreg.scatter [tilespmem:s12], [sflag:$0x4], $0x80, v3, vm0, $0xb8;
	[tilespmem:$0x12100] =	vst v63  }
0x111: {  	s13 =	simm.s32 $0xF900  }
0x112: {  	[hbm4b:s7+s3] =	stream.indirect_vreg.scatter [tilespmem:s13], [sflag:$0x4], $0x80, v3, vm0, $0xb8;
	[tilespmem:$0x12100] =	vst v63  }
0x113: {  	_ = 	snop  }
0x114: {  	[hbm4b:s14+s31] =	stream.indirect.scatter [tilespmem:s9], [sflag:$0x4], $0x80, s15, s31, $0xb8;
	[tilespmem:$0x12100] =	vst v63  }
0x115: {  	_ =	swait.ge [sflag:s26], $0x8000  }
0x116: {  	[sflag:s26] =	ssyncset.done $0x0  }
0x117: {  	[sflag:s26] =	ssyncadd.s32 $0xFFFF8000  }
0x118: {  	_ =	swait.ge [sflag:s26], $0x1000  }
0x119: {  	[sflag:s26] =	ssyncset.done $0x0  }
0x11a: {  	[sflag:s26] =	ssyncadd.s32 $0xFFFFF000  }
0x11b: {  	p0 =	sne.s32 s8, $0x1;
	_ =	swait.ge [sflag:s1], $0x8000  }
.Ltmp0:
0x11c: {  	[sflag:s1] =	ssyncset.done $0x0;
	(pc) =	sbr.rel @p0 .LBB2_1-.Ltmp0, $4  }
0x11d: {  	[sflag:s1] =	ssyncadd.s32 $0xFFFF8000  }
0x11e: {  	_ =	swait.ge [sflag:s1], $0x1000  }
0x11f: {  	[sflag:s1] =	ssyncset.done $0x0  }
0x120: {  	s8 =	sadd.s32 $0xFFFFFFFF, s8;
	[sflag:s1] =	ssyncadd.s32 $0xFFFFF000  }
0x121: {  	_ =	sfence.sel $0x180000  }
0x122: {  	[bflag:$0x0] =	sbarrier.arrive $0xFFFF  }
0x123: {  	_ =	strace $0x90000047  }
0x124: {  	s0 =	stileid.u32;
	[bflag:$0x2] =	sbarrier.arrive $0xFFFF  }
0x125: {  	p0 =	sne.s32 s0, $0x0;
	s0 =	rddreg [dreg:$0x3]  }
0x126: {  	s0 =	sadd.s32 @!p0 $0x100000, s0  }
0x127: {  	[sflag:s0] =	ssyncadd.tile.s32 @!p0 $0x1;
	_ =	shalt  }
.Lfunc_end2:
_tile_overlayer_lowered:
.L_overlay_start_2:
0x128: {  	(tag) =	ssettag $0x2  }
0x129: {  	s0 =	rddreg [dreg:$0x0];
	s2 =	stileid.u32  }
0x12a: {  	s1 =	rddreg [dreg:$0x1];
	p0 =	sne.s32 s2, $0x0  }
0x12b: {  	s3 =	rddreg [dreg:$0x2];
	[bflag:$0x3] =	sbarrier.arrive $0xFFFF;
	s2 =	simm.s32 @!p0 $0x1C05  }
0x12c: {  	[timem:s3], [sflag:s2] =	dma.local @!p0 [hbm:s0], s1  }
0x12d: {  	s0 =	simm.s32 @!p0 $0x5  }
0x12e: {  	_ =	swait.ge @!p0 [sflag:s0], s1  }
0x12f: {  	s1 =	ssub.s32 @!p0 $0x0, s1;
	[sflag:s0] =	ssyncset.done @!p0 $0x0  }
0x130: {  	[sflag:s0] =	ssyncadd.s32 @!p0 s1  }
0x131: {  	[bflag:$0x3] =	sbarrier.arrive $0xFFFF  }
0x132: {  	_ =	shalt  }

// kernel: kernel.9.cloned.1.call-start
scs
__scs_entry_jumppad:
0x0: {  	(pc) =	sbr.rel $0x88, $3  }
0x1: {  	(tag) =	ssettag $0x0;
	lr =	simm.s32 $0x1  }
0x2: {  	[smem:$0x3F9C] =	sst lr;
	_ =	strace $0xD0000000  }
0x3: {  	_ = 	snop  }
0x4: {  	_ = 	snop  }
0x5: {  	_ = 	snop  }
0x6: {  	_ = 	snop  }
0x7: {  	_ = 	snop  }
__scs_overlays_trampoline_lowered:
0x8: {  	[smem:$0x3FAB] =	sst s0  }
0x9: {  	[smem:$0x3FAC] =	sst s1  }
0xa: {  	[smem:$0x3FAD] =	sst s2  }
0xb: {  	[smem:$0x3FAE] =	sst s3  }
0xc: {  	[smem:$0x3FAF] =	sst s4  }
0xd: {  	[smem:$0x3FB0] =	sst s5  }
0xe: {  	[smem:$0x3FB1] =	sst s6  }
0xf: {  	[smem:$0x3FB2] =	sst s7  }
0x10: {  	[smem:$0x3FB3] =	sst s8  }
0x11: {  	[smem:$0x3FB4] =	sst s9;
	s0 =	simm.s32 @!p0 $0x0  }
0x12: {  	s1 =	sld [smem:$0x3F9A];
	s0 =	simm.s32 @p0 $0x1  }
0x13: {  	[smem:$0x3FB5] =	sst s0;
	s0 =	simm.s32 @!p1 $0x0  }
0x14: {  	s2 =	sld [smem:$0x3F99];
	s0 =	simm.s32 @p1 $0x1  }
0x15: {  	[smem:$0x3FB6] =	sst s0;
	s0 =	simm.s32 @!p2 $0x0  }
0x16: {  	s3 =	sld [smem:$0x3FDB];
	s0 =	simm.s32 @p2 $0x1  }
0x17: {  	s4 =	simm.s32 $0x1BF5;
	[smem:$0x3FB8] =	sst s0  }
0x18: {  	s0 =	sld [smem:$0x3F9B];
	_ =	swait.ge [sflag:s4], $0x0  }
0x19: {  	s7 =	sld [smem:$0x3F9C]  }
0x1a: {  	s8 =	sadd.s32 $0xFFFFE003, lr  }
0x1b: {  	s9 =	sadd.s32 $0xFFFFFEF7, lr;
	s5 =	simm.s32 $0xFFFFFFFF;
	p2 =	slt.u32 s8, $0xFFFFF086  }
0x1c: {  	p1 =	slt.u32 s9, $0xF7A;
	s5 =	simm.s32 @!p2 $0x0  }
0x1d: {  	s5 =	simm.s32 @p1 $0x1;
	p0 =	seq.s32 s7, s2  }
0x1e: {  	s7 =	smul.u32 @!p0 $0xF7A, s2;
	p2 =	seq.s32 @!p0 s5, $0x0  }
0x1f: {  	s9 =	smul.u32 $0xF7A, s1;
	s8 =	simm.s32 @!p0 $0x1BF5;
	p2 =	por !p2, p0  }
0x20: {  	[sflag:s8] =	ssyncset.s32 @!p0 $0xFFFFF086;
	s6 =	sadd.s32 @!p0 s3, s7;
	s7 =	simm.s32 @!p0 $0x108  }
0x21: {  	s3 =	sadd.s32 s3, s9;
	s6 =	sadd.s32 @!p0 $0x88, s6;
	s7 =	simm.s32 @p2 $0x1082  }
0x22: {  	[simem:s7], [sflag:s8] =	dma.local @!p0 [hbm:s6], $0xF7A  }
0x23: {  	s9 =	sor.u32 $0xD0000000, s2;
	s6 =	simm.s32 $0x108;
	_ =	swait.ge @!p0 [sflag:s8], $0x0  }
0x24: {  	s3 =	sadd.s32 $0x88, s3;
	s6 =	simm.s32 @!p1 $0x1082;
	[sflag:s4] =	ssyncset.s32 $0xFFFFF086  }
0x25: {  	[simem:s6], [sflag:s4] =	dma.local [hbm:s3], $0xF7A  }
0x26: {  	[smem:$0x3F9C] =	sst s1;
	(tag) =	ssettag s2;
	_ =	strace s9  }
0x27: {  	s1 =	sld [smem:$0x3FAC]  }
0x28: {  	s2 =	sld [smem:$0x3FAD]  }
0x29: {  	s4 =	sld [smem:$0x3FAF]  }
0x2a: {  	p0 =	seq.s32 s5, $0x0;
	s5 =	sld [smem:$0x3FB0]  }
0x2b: {  	s6 =	sld [smem:$0x3FB1]  }
0x2c: {  	s7 =	sld [smem:$0x3FB2]  }
0x2d: {  	s3 =	simm.s32 $0x108;
	s8 =	sld [smem:$0x3FB3]  }
0x2e: {  	s3 =	simm.s32 @!p0 $0x1082;
	s9 =	sld [smem:$0x3FB4]  }
0x2f: {  	lr =	sadd.s32 s0, s3;
	s0 =	sld [smem:$0x3FAB]  }
0x30: {  	s3 =	sld [smem:$0x3FAE]  }
0x31: {  	[smem:$0x3FB7] =	sst s10  }
0x32: {  	s10 =	sld [smem:$0x3FB5];
	_ =	sdelay $0x3  }
0x33: {  	p0 =	seq.s32 s10, $0x1;
	s10 =	sld [smem:$0x3FB7];
	_ =	sdelay $0x3  }
0x34: {  	[smem:$0x3FB7] =	sst s10  }
0x35: {  	s10 =	sld [smem:$0x3FB6];
	_ =	sdelay $0x3  }
0x36: {  	p1 =	seq.s32 s10, $0x1;
	s10 =	sld [smem:$0x3FB7];
	_ =	sdelay $0x3  }
0x37: {  	[smem:$0x3FB7] =	sst s10  }
0x38: {  	s10 =	sld [smem:$0x3FB8]  }
0x39: {  	_ = 	snop;
	(pc) =	sbr.ind lr, $3  }
0x3a: {  	_ = 	snop  }
0x3b: {  	_ = 	snop  }
0x3c: {  	p2 =	seq.s32 s10, $0x1;
	s10 =	sld [smem:$0x3FB7]  }
0x3d: {  	_ =	shalt  }
0x3e: {  	_ =	shalt  }
0x3f: {  	_ =	shalt  }
0x40: {  	_ =	shalt  }
0x41: {  	_ =	shalt  }
0x42: {  	_ =	shalt  }
0x43: {  	_ =	shalt  }
0x44: {  	_ =	shalt  }
0x45: {  	_ =	shalt  }
0x46: {  	_ =	shalt  }
0x47: {  	_ =	shalt  }
0x48: {  	_ =	shalt  }
0x49: {  	_ =	shalt  }
0x4a: {  	_ =	shalt  }
0x4b: {  	_ =	shalt  }
0x4c: {  	_ =	shalt  }
0x4d: {  	_ =	shalt  }
0x4e: {  	_ =	shalt  }
0x4f: {  	_ =	shalt  }
0x50: {  	_ =	shalt  }
0x51: {  	_ =	shalt  }
0x52: {  	_ =	shalt  }
0x53: {  	_ =	shalt  }
0x54: {  	_ =	shalt  }
0x55: {  	_ =	shalt  }
0x56: {  	_ =	shalt  }
0x57: {  	_ =	shalt  }
0x58: {  	_ =	shalt  }
0x59: {  	_ =	shalt  }
0x5a: {  	_ =	shalt  }
0x5b: {  	_ =	shalt  }
0x5c: {  	_ =	shalt  }
0x5d: {  	_ =	shalt  }
0x5e: {  	_ =	shalt  }
0x5f: {  	_ =	shalt  }
0x60: {  	_ =	shalt  }
0x61: {  	_ =	shalt  }
0x62: {  	_ =	shalt  }
0x63: {  	_ =	shalt  }
0x64: {  	_ =	shalt  }
0x65: {  	_ =	shalt  }
0x66: {  	_ =	shalt  }
0x67: {  	_ =	shalt  }
0x68: {  	_ =	shalt  }
0x69: {  	_ =	shalt  }
0x6a: {  	_ =	shalt  }
0x6b: {  	_ =	shalt  }
0x6c: {  	_ =	shalt  }
0x6d: {  	_ =	shalt  }
0x6e: {  	_ =	shalt  }
0x6f: {  	_ =	shalt  }
0x70: {  	_ =	shalt  }
0x71: {  	_ =	shalt  }
0x72: {  	_ =	shalt  }
0x73: {  	_ =	shalt  }
0x74: {  	_ =	shalt  }
0x75: {  	_ =	shalt  }
0x76: {  	_ =	shalt  }
0x77: {  	_ =	shalt  }
0x78: {  	_ =	shalt  }
0x79: {  	_ =	shalt  }
0x7a: {  	_ =	shalt  }
0x7b: {  	_ =	shalt  }
0x7c: {  	_ =	shalt  }
0x7d: {  	_ =	shalt  }
0x7e: {  	_ =	shalt  }
0x7f: {  	_ =	shalt  }
0x80: {  	_ =	shalt  }
0x81: {  	_ =	shalt  }
0x82: {  	_ =	shalt  }
0x83: {  	_ =	shalt  }
0x84: {  	_ =	shalt  }
0x85: {  	_ =	shalt  }
0x86: {  	_ =	shalt  }
0x87: {  	_ =	shalt  }
.Lfunc_end0:
.L_simem_size_0:
called_computation.1_lowered:
.L_overlay_start_0:
0x88: {  	s2 =	sld [smem:$0x3FD9]  }
0x89: {  	s3 =	sld [smem:$0x3FFE];
	_ =	sdelay $0x1  }
0x8a: {  	s1 =	srdreg.scid  }
0x8b: {  	s0 =	sand.u32 $0x1, s1  }
0x8c: {  	s14 =	sshll.u32 s0, $0xA;
	s2 =	sadd.s32 s3, s2  }
0x8d: {  	s2 =	sadd.s32 s2, s14  }
0x8e: {  	[smem:$0x3FC3] =	sst s2  }
0x8f: {  	_ = 	snop  }
0x90: {  	s2 =	sld [smem:$0x3FD0];
	_ =	sdelay $0x2  }
0x91: {  	s15 =	simm.s32 $0xA;
	s4 =	simm.s32 $0x10  }
0x92: {  	[smem:s4], [sflag:s15] =	dma.local [hbm:s2], $0x1  }
0x93: {  	_ =	swait.eq [sflag:s15], $0x1  }
0x94: {  	[sflag:s15] =	ssyncset.done $0x0  }
0x95: {  	[sflag:s15] =	ssyncadd.s32 $0xFFFFFFFF  }
0x96: {  	s16 =	sld [smem:$0x10];
	(tm) =	ssettm $0x1  }
0x97: {  	s17 =	sld [smem:$0x3FFB];
	_ =	sdelay $0x3  }
0x98: {  	_ =	strace s17  }
0x99: {  	s3 =	sld [smem:$0x3FFC];
	_ =	sdelay $0x3  }
0x9a: {  	_ =	strace s3  }
0x9b: {  	s3 =	sld [smem:$0x3FFD];
	_ =	sdelay $0x3  }
0x9c: {  	_ =	strace s3  }
0x9d: {  	_ =	strace $0x8FFFFFFF  }
0x9e: {  	s18 =	sld [smem:$0x3FDB];
	_ =	sdelay $0x1  }
0x9f: {  	s19 =	simm.s32 $_scs_section_size  }
0xa0: {  	s5 =	simm.s32 $_size__tile_overlayer_lowered;
	s6 =	simm.s32 $_tile_overlayer_lowered  }
0xa1: {  	s22 =	simm.s32 $0x1BFF;
	s21 =	sshll.u32 s6, $0x1;
	s3 =	sadd.s32 s19, s18  }
0xa2: {  	s7 =	simm.s32 $0x0;
	s20 =	sshll.u32 s5, $0x1;
	s5 =	sadd.s32 s21, s3  }
0xa3: {  	[timem:s7], [sflag:s22] =	dma.local [hbm:s5], s20  }
0xa4: {  	_ =	swait.ge [sflag:s22], s20  }
0xa5: {  	s4 =	ssub.s32 $0x0, s20;
	[sflag:s22] =	ssyncset.done $0x0  }
0xa6: {  	[sflag:s22] =	ssyncadd.s32 s4;
	_ =	sdelay $0x1  }
0xa7: {  	s23 =	simm.s32 $0x1B8B  }
0xa8: {  	_ =	swait.ge [sflag:s23], $0x1  }
0xa9: {  	[sflag:s23] =	ssyncset.done $0x0  }
0xaa: {  	s25 =	simm.s32 $0x1B8E;
	s24 =	sld [smem:$0x3FFE];
	[sflag:s23] =	ssyncadd.s32 $0xFFFFFFFF  }
0xab: {  	s26 =	simm.s32 $execute0_lowered;
	[smem:$0x3FD2] =	sst s25  }
0xac: {  	s5 =	sshll.u32 s26, $0x1;
	_ =	strace $0x80000049;
	[dreg:$0x1] =	wrdreg $0xFFFFFFFF  }
0xad: {  	s28 =	simm.s32 $_size_execute0_lowered;
	s3 =	sadd.s32 s3, s5;
	[dreg:$0x0] =	wrdreg $0x0  }
0xae: {  	s5 =	sshll.u32 s28, $0x1;
	[dreg:$0x2] =	wrdreg s3  }
0xaf: {  	[dreg:$0x3] =	wrdreg s5  }
0xb0: {  	[dreg:$0x4] =	wrdreg $0xC0  }
0xb1: {  	_ =	task [dreg:s7], $0x5FFFF  }
0xb2: {  	[dreg:$0x1] =	wrdreg $0xFFFFFFFF  }
0xb3: {  	[dreg:$0x0] =	wrdreg $0x60  }
0xb4: {  	[dreg:$0x2] =	wrdreg s24  }
0xb5: {  	[dreg:$0x3] =	wrdreg s16  }
0xb6: {  	[dreg:$0x4] =	wrdreg $0x9  }
0xb7: {  	_ =	task.clear_ibuf [dreg:s7], $0x5FFFF;
	_ =	strace $0x90000049  }
0xb8: {  	s29 =	simm.s32 $0x9;
	_ =	strace $0x8000004B  }
0xb9: {  	_ =	swait.ge [sflag:s29], $0x1  }
0xba: {  	[sflag:s29] =	ssyncadd.s32 $0xFFFFFFFF  }
0xbb: {  	_ =	strace $0x9000004B  }
0xbc: {  	_ =	sfence  }
0xbd: {  	s30 =	sld [smem:$0x0];
	_ =	sdelay $0x2  }
0xbe: {  	s31 =	sshll.u32 s1, $0xD;
	s1 =	sshrl.u32 s1, $0x2  }
0xbf: {  	s3 =	sand.u32 $0x4000, s31;
	s1 =	sadd.s32 s1, s30  }
0xc0: {  	s0 =	sor.u32 s3, s0;
	s1 =	sshll.u32 s1, $0x11  }
0xc1: {  	s0 =	sor.u32 s1, s0  }
0xc2: {  	s0 =	sadd.s32 $0x8F2B, s0  }
0xc3: {  	[sflag:s0] =	ssyncadd.remote.s32 $0x1  }
0xc4: {  	_ =	sfence.sel $0xFFFF  }
0xc5: {  	[dreg:$0x0] =	wrdreg $0xFFFFFFFF;
	(pc) =	sbr.abs _section_cstart, $3  }
0xc6: {  	[dreg:$0x1] =	wrdreg $0xFFFFFFFF  }
0xc7: {  	_ =	task.clear_ibuf [dreg:s7], $0x2FFFF;
	_ =	strace $0x9FFFFFFF  }
0xc8: {  	(tm) =	ssettm $0x7FFFFFFF  }
0xc9: {  	_ =	shalt  }
tec
execute0_lowered:
.L_overlay_start_1:
0x0: {  	(tag) =	ssettag $0x1  }
0x1: {  	s0 =	rddreg [dreg:$0x0]  }
0x2: {  	s1 =	rddreg [dreg:$0x1]  }
0x3: {  	s2 =	srdreg.scid;
	s4 =	stileid.u32;
	s14 =	simm.s32 $0x5  }
0x4: {  	s16 =	simm.s32 $0x200;
	s28 =	simm.s32 $0xE200;
	s29 =	simm.s32 $0xEA00  }
0x5: {  	s30 =	simm.s32 $0xF200;
	s31 =	simm.s32 $0xFA00;
	s15 =	simm.s32 $0x3  }
0x6: {  	s17 =	simm.s32 $0x2;
	s18 =	simm.s32 $0x4;
	s19 =	simm.s32 $0x0  }
0x7: {  	s3 =	sand.u32 $0x1, s2;
	s2 =	simm.s32 $0x0;
	s4 =	sshll.u32 s4, $0x7  }
0x8: {  	s9 =	sadd.s32 $0xDAD00, s0;
	s5 =	sshll.u32 s3, $0x6;
	[smem:$0x7FF] =	sst s2  }
0x9: {  	s6 =	ssub.s32 $0x2, s3;
	s3 =	sadd.s32 $0xDAA00, s0;
	s5 =	sor.u32 s5, s4  }
0xa: {  	_ =	strace $0x8000004A;
	s25 =	sshrl.u32 s6, $0x1;
	s4 =	sshrl.u32 s5, $0x3  }
0xb: {  	s13 =	ssub.s32 s6, s25;
	s8 =	sshll.u32 s5, $0x7;
	s7 =	sadd.s32 s4, s0  }
0xc: {  	s6 =	sadd.s32 $0xDAB00, s0;
	s13 =	smax.u32 s13, $0x1;
	s26 =	sadd.s32 $0x1A800, s7  }
0xd: {  	v2 =	vlaneseq.u32;
	s5 =	sadd.s32 $0x1A900, s7;
	s7 =	sadd.s32 s1, s8;
	s8 =	sadd.s32 $0xDAC00, s0  }
0xe: {  	vm0 =	vmmov $0xffff;
	v1 =	vshrl.u32 v2, $0x3;
	s1 =	simm.s32 $0x8200;
	s0 =	simm.s32 $0x1;
	[dreg:$0x3] =	wrdreg s26  }
0xf: {  	v0 =	vand.u32 $0x7, v2;
	v2 =	vor.u32 $0x8, v2;
	v1 =	vmul.u32 $0x8, v1;
	s10 =	sadd.s32 $0x800, s7;
	s11 =	sadd.s32 $0x1000, s7;
	s12 =	sadd.s32 $0x1800, s7  }
.LBB2_1:
0x10: {  	s4 =	rddreg [dreg:$0x3]  }
0x11: {  	[tilespmem:s2], [sflag:$0x5] =	stream.linear.gather [hbm4b:s4+s2], $0x40, $0x38;
	[tilespmem:$0x10200] =	vst v63  }
0x12: {  	_ =	swait.ge [sflag:s14], $0x40  }
0x13: {  	[sflag:s14] =	ssyncset.done $0x0  }
0x14: {  	s21 =	simm.s32 $0x80;
	[sflag:s14] =	ssyncadd.s32 $0xFFFFFFC0  }
0x15: {  	[tilespmem:s21], [sflag:$0x5] =	stream.linear.gather [hbm4b:s5+s2], $0x40, $0x38;
	[tilespmem:$0x10200] =	vst v63  }
0x16: {  	_ =	swait.ge [sflag:s14], $0x40  }
0x17: {  	[sflag:s14] =	ssyncset.done $0x0  }
0x18: {  	[sflag:s14] =	ssyncadd.s32 $0xFFFFFFC0  }
0x19: {  	v3 =	vld [tilespmem:$0x0];
	_ =	sdelay $0x4  }
0x1a: {  	v4 =	vshll.u32 v3, $0x3  }
0x1b: {  	v5 =	vand.u32 $0x7, v3;
	v4 =	vand.u32 $0xFFFFFFC0, v4  }
0x1c: {  	v4 =	vor.u32 v5, v4  }
0x1d: {  	v5 =	vperm.xlane v4, v0  }
0x1e: {  	v6 =	vld [tilespmem:$0x80]  }
0x1f: {  	v5 =	vadd.s32 v1, v5;
	_ =	sdelay $0x2  }
0x20: {  	[tilespmem:$0x100] =	vst v3  }
0x21: {  	[tilespmem:$0x110] =	vst v6  }
0x22: {  	[tilespmem:s16], [sflag:$0x1] =	stream.indirect_vreg.gather [hbm4b:s3+s2], $0x80, v5, vm0, $0xb8;
	[tilespmem:$0x10200] =	vst v63  }
0x23: {  	s22 =	simm.s32 $0xA00;
	v3 =	vperm.xlane v4, v2  }
0x24: {  	[tilespmem:s22], [sflag:$0x1] =	stream.indirect_vreg.gather [hbm4b:s6+s2], $0x80, v5, vm0, $0xb8;
	[tilespmem:$0x10200] =	vst v63  }
0x25: {  	s23 =	simm.s32 $0x1200;
	v3 =	vadd.s32 v1, v3  }
0x26: {  	[tilespmem:s23], [sflag:$0x1] =	stream.indirect_vreg.gather [hbm4b:s8+s2], $0x80, v5, vm0, $0xb8;
	[tilespmem:$0x10200] =	vst v63  }
0x27: {  	s24 =	simm.s32 $0x1A00  }
0x28: {  	[tilespmem:s24], [sflag:$0x1] =	stream.indirect_vreg.gather [hbm4b:s9+s2], $0x80, v5, vm0, $0xb8;
	[tilespmem:$0x10200] =	vst v63  }
0x29: {  	s25 =	simm.s32 $0x2200  }
0x2a: {  	[tilespmem:s25], [sflag:$0x1] =	stream.indirect_vreg.gather [hbm4b:s3+s2], $0x80, v3, vm0, $0xb8;
	[tilespmem:$0x10200] =	vst v63  }
0x2b: {  	s26 =	simm.s32 $0x2A00  }
0x2c: {  	[tilespmem:s26], [sflag:$0x1] =	stream.indirect_vreg.gather [hbm4b:s6+s2], $0x80, v3, vm0, $0xb8;
	[tilespmem:$0x10200] =	vst v63  }
0x2d: {  	s20 =	simm.s32 $0x3200  }
0x2e: {  	[tilespmem:s20], [sflag:$0x1] =	stream.indirect_vreg.gather [hbm4b:s8+s2], $0x80, v3, vm0, $0xb8;
	[tilespmem:$0x10200] =	vst v63  }
0x2f: {  	s21 =	simm.s32 $0x3A00  }
0x30: {  	[tilespmem:s21], [sflag:$0x1] =	stream.indirect_vreg.gather [hbm4b:s9+s2], $0x80, v3, vm0, $0xb8;
	[tilespmem:$0x10200] =	vst v63  }
0x31: {  	v3 =	vld [tilespmem:$0x110];
	_ =	sdelay $0x4  }
0x32: {  	v4 =	vshll.u32 v3, $0x3  }
0x33: {  	v3 =	vand.u32 $0x7, v3;
	v4 =	vand.u32 $0xFFFFFFC0, v4  }
0x34: {  	v3 =	vor.u32 v3, v4  }
0x35: {  	v4 =	vperm.xlane v3, v0;
	_ =	sdelay $0x1  }
0x36: {  	v4 =	vadd.s32 v1, v4;
	_ =	sdelay $0x3  }
0x37: {  	s22 =	simm.s32 $0x4200  }
0x38: {  	[tilespmem:s22], [sflag:$0x1] =	stream.indirect_vreg.gather [hbm4b:s3+s2], $0x80, v4, vm0, $0xb8;
	[tilespmem:$0x10200] =	vst v63  }
0x39: {  	s23 =	simm.s32 $0x4A00;
	v3 =	vperm.xlane v3, v2  }
0x3a: {  	[tilespmem:s23], [sflag:$0x1] =	stream.indirect_vreg.gather [hbm4b:s6+s2], $0x80, v4, vm0, $0xb8;
	[tilespmem:$0x10200] =	vst v63  }
0x3b: {  	s24 =	simm.s32 $0x5200;
	v3 =	vadd.s32 v1, v3  }
0x3c: {  	[tilespmem:s24], [sflag:$0x1] =	stream.indirect_vreg.gather [hbm4b:s8+s2], $0x80, v4, vm0, $0xb8;
	[tilespmem:$0x10200] =	vst v63  }
0x3d: {  	s25 =	simm.s32 $0x5A00  }
0x3e: {  	[tilespmem:s25], [sflag:$0x1] =	stream.indirect_vreg.gather [hbm4b:s9+s2], $0x80, v4, vm0, $0xb8;
	[tilespmem:$0x10200] =	vst v63  }
0x3f: {  	s26 =	simm.s32 $0x6200  }
0x40: {  	[tilespmem:s26], [sflag:$0x1] =	stream.indirect_vreg.gather [hbm4b:s3+s2], $0x80, v3, vm0, $0xb8;
	[tilespmem:$0x10200] =	vst v63  }
0x41: {  	s20 =	simm.s32 $0x6A00  }
0x42: {  	[tilespmem:s20], [sflag:$0x1] =	stream.indirect_vreg.gather [hbm4b:s6+s2], $0x80, v3, vm0, $0xb8;
	[tilespmem:$0x10200] =	vst v63  }
0x43: {  	s21 =	simm.s32 $0x7200  }
0x44: {  	[tilespmem:s21], [sflag:$0x1] =	stream.indirect_vreg.gather [hbm4b:s8+s2], $0x80, v3, vm0, $0xb8;
	[tilespmem:$0x10200] =	vst v63  }
0x45: {  	s22 =	simm.s32 $0x7A00  }
0x46: {  	[tilespmem:s22], [sflag:$0x1] =	stream.indirect_vreg.gather [hbm4b:s9+s2], $0x80, v3, vm0, $0xb8;
	[tilespmem:$0x10200] =	vst v63  }
0x47: {  	v3 =	vld [tilespmem:$0x10];
	_ =	sdelay $0x4  }
0x48: {  	v4 =	vshll.u32 v3, $0x3  }
0x49: {  	v5 =	vand.u32 $0x7, v3;
	v4 =	vand.u32 $0xFFFFFFC0, v4  }
0x4a: {  	v4 =	vor.u32 v5, v4  }
0x4b: {  	v5 =	vperm.xlane v4, v0  }
0x4c: {  	v63 =	vld [tilespmem:$0x90]  }
0x4d: {  	v5 =	vadd.s32 v1, v5;
	_ =	sdelay $0x2  }
0x4e: {  	[tilespmem:$0x180] =	vst v3  }
0x4f: {  	[tilespmem:$0x190] =	vst v63  }
0x50: {  	[tilespmem:s1], [sflag:$0x2] =	stream.indirect_vreg.gather [hbm4b:s3+s2], $0x80, v5, vm0, $0xb8;
	[tilespmem:$0x10200] =	vst v63  }
0x51: {  	s23 =	simm.s32 $0x8A00;
	v3 =	vperm.xlane v4, v2  }
0x52: {  	[tilespmem:s23], [sflag:$0x2] =	stream.indirect_vreg.gather [hbm4b:s6+s2], $0x80, v5, vm0, $0xb8;
	[tilespmem:$0x10200] =	vst v63  }
0x53: {  	s24 =	simm.s32 $0x9200;
	v3 =	vadd.s32 v1, v3  }
0x54: {  	[tilespmem:s24], [sflag:$0x2] =	stream.indirect_vreg.gather [hbm4b:s8+s2], $0x80, v5, vm0, $0xb8;
	[tilespmem:$0x10200] =	vst v63  }
0x55: {  	s25 =	simm.s32 $0x9A00  }
0x56: {  	[tilespmem:s25], [sflag:$0x2] =	stream.indirect_vreg.gather [hbm4b:s9+s2], $0x80, v5, vm0, $0xb8;
	[tilespmem:$0x10200] =	vst v63  }
0x57: {  	s26 =	simm.s32 $0xA200  }
0x58: {  	[tilespmem:s26], [sflag:$0x2] =	stream.indirect_vreg.gather [hbm4b:s3+s2], $0x80, v3, vm0, $0xb8;
	[tilespmem:$0x10200] =	vst v63  }
0x59: {  	s20 =	simm.s32 $0xAA00  }
0x5a: {  	[tilespmem:s20], [sflag:$0x2] =	stream.indirect_vreg.gather [hbm4b:s6+s2], $0x80, v3, vm0, $0xb8;
	[tilespmem:$0x10200] =	vst v63  }
0x5b: {  	s21 =	simm.s32 $0xB200  }
0x5c: {  	[tilespmem:s21], [sflag:$0x2] =	stream.indirect_vreg.gather [hbm4b:s8+s2], $0x80, v3, vm0, $0xb8;
	[tilespmem:$0x10200] =	vst v63  }
0x5d: {  	s22 =	simm.s32 $0xBA00  }
0x5e: {  	[tilespmem:s22], [sflag:$0x2] =	stream.indirect_vreg.gather [hbm4b:s9+s2], $0x80, v3, vm0, $0xb8;
	[tilespmem:$0x10200] =	vst v63  }
0x5f: {  	v3 =	vld [tilespmem:$0x190];
	_ =	sdelay $0x4  }
0x60: {  	v4 =	vshll.u32 v3, $0x3  }
0x61: {  	v3 =	vand.u32 $0x7, v3;
	v4 =	vand.u32 $0xFFFFFFC0, v4  }
0x62: {  	v3 =	vor.u32 v3, v4  }
0x63: {  	v4 =	vperm.xlane v3, v0;
	_ =	sdelay $0x1  }
0x64: {  	v4 =	vadd.s32 v1, v4;
	_ =	sdelay $0x3  }
0x65: {  	s23 =	simm.s32 $0xC200  }
0x66: {  	[tilespmem:s23], [sflag:$0x2] =	stream.indirect_vreg.gather [hbm4b:s3+s2], $0x80, v4, vm0, $0xb8;
	[tilespmem:$0x10200] =	vst v63  }
0x67: {  	s24 =	simm.s32 $0xCA00;
	v3 =	vperm.xlane v3, v2  }
0x68: {  	[tilespmem:s24], [sflag:$0x2] =	stream.indirect_vreg.gather [hbm4b:s6+s2], $0x80, v4, vm0, $0xb8;
	[tilespmem:$0x10200] =	vst v63  }
0x69: {  	s25 =	simm.s32 $0xD200;
	v3 =	vadd.s32 v1, v3  }
0x6a: {  	[tilespmem:s25], [sflag:$0x2] =	stream.indirect_vreg.gather [hbm4b:s8+s2], $0x80, v4, vm0, $0xb8;
	[tilespmem:$0x10200] =	vst v63  }
0x6b: {  	s26 =	simm.s32 $0xDA00  }
0x6c: {  	[tilespmem:s26], [sflag:$0x2] =	stream.indirect_vreg.gather [hbm4b:s9+s2], $0x80, v4, vm0, $0xb8;
	[tilespmem:$0x10200] =	vst v63  }
0x6d: {  	_ = 	snop  }
0x6e: {  	[tilespmem:s28], [sflag:$0x2] =	stream.indirect_vreg.gather [hbm4b:s3+s2], $0x80, v3, vm0, $0xb8;
	[tilespmem:$0x10200] =	vst v63  }
0x6f: {  	_ = 	snop  }
0x70: {  	[tilespmem:s29], [sflag:$0x2] =	stream.indirect_vreg.gather [hbm4b:s6+s2], $0x80, v3, vm0, $0xb8;
	[tilespmem:$0x10200] =	vst v63  }
0x71: {  	_ = 	snop  }
0x72: {  	[tilespmem:s30], [sflag:$0x2] =	stream.indirect_vreg.gather [hbm4b:s8+s2], $0x80, v3, vm0, $0xb8;
	[tilespmem:$0x10200] =	vst v63  }
0x73: {  	_ = 	snop  }
0x74: {  	[tilespmem:s31], [sflag:$0x2] =	stream.indirect_vreg.gather [hbm4b:s9+s2], $0x80, v3, vm0, $0xb8;
	[tilespmem:$0x10200] =	vst v63  }
0x75: {  	_ =	swait.ge [sflag:s0], $0x8000  }
0x76: {  	s20 =	sand.u32 $0x70, s2;
	s21 =	sand.u32 $0x1C00, s2;
	[sflag:s0] =	ssyncset.done $0x0  }
0x77: {  	s20 =	sor.u32 s20, s21;
	[sflag:s0] =	ssyncadd.s32 $0xFFFF8000  }
0x78: {  	v3 =	vld [tilespmem:s20+$0x4200]  }
0x79: {  	v4 =	vld [tilespmem:s20+$0x200];
	_ =	sdelay $0x3  }
0x7a: {  	s21 =	simm.s32 $0x80;
	s22 =	simm.s32 $0x10  }
0x7b: {  	s22 =	sand.u32 $0x70, s22;
	s23 =	sand.u32 $0x1C00, s21;
	v3 =	vadd.f32 v3, v4  }
0x7c: {  	s23 =	sor.u32 s22, s23;
	s22 =	simm.s32 $0x20  }
.LBB2_2:
0x7d: {  	p0 =	sne.s32 s22, $0x3F0;
	v4 =	vld [tilespmem:s23+$0x4200];
	[tilespmem:s20+$0x200] =	vst v3;
	s20 =	smov.u32 s23  }
0x7e: {  	v3 =	vld [tilespmem:s20+$0x200];
	_ =	sdelay $0x1  }
.Ltmp0:
0x7f: {  	(pc) =	sbr.rel @p0 .LBB2_2-.Ltmp0, $4  }
0x80: {  	_ = 	snop  }
0x81: {  	s21 =	sadd.s32 $0x80, s21  }
0x82: {  	s23 =	sand.u32 $0x70, s22;
	s24 =	sand.u32 $0x1C00, s21;
	v3 =	vadd.f32 v4, v3  }
0x83: {  	s22 =	sadd.s32 $0x10, s22;
	s23 =	sor.u32 s23, s24  }
0x84: {  	v4 =	vld [tilespmem:s23+$0x4200];
	[tilespmem:s20+$0x200] =	vst v3  }
0x85: {  	v3 =	vld [tilespmem:s23+$0x200];
	_ =	sdelay $0x4  }
0x86: {  	s24 =	simm.s32 $0x0;
	v3 =	vadd.f32 v4, v3  }
0x87: {  	s21 =	sand.u32 $0x70, s24;
	s20 =	sand.u32 $0x1C00, s24  }
0x88: {  	s20 =	sor.u32 s21, s20;
	[tilespmem:s23+$0x200] =	vst v3  }
0x89: {  	v3 =	vld [tilespmem:s20+$0x4280]  }
0x8a: {  	v4 =	vld [tilespmem:s20+$0x280];
	_ =	sdelay $0x3  }
0x8b: {  	s25 =	simm.s32 $0x10;
	s22 =	simm.s32 $0x80  }
0x8c: {  	s26 =	sand.u32 $0x1C00, s22;
	s21 =	sand.u32 $0x70, s25;
	v3 =	vadd.f32 v3, v4  }
0x8d: {  	s24 =	simm.s32 $0x20;
	s25 =	sor.u32 s21, s26;
	s23 =	smov.u32 s20  }
.LBB2_4:
0x8e: {  	p0 =	sne.s32 s24, $0x3F0;
	v4 =	vld [tilespmem:s25+$0x4280];
	[tilespmem:s23+$0x280] =	vst v3;
	s23 =	smov.u32 s25  }
0x8f: {  	v3 =	vld [tilespmem:s23+$0x280];
	_ =	sdelay $0x1  }
.Ltmp1:
0x90: {  	(pc) =	sbr.rel @p0 .LBB2_4-.Ltmp1, $4  }
0x91: {  	_ = 	snop  }
0x92: {  	s22 =	sadd.s32 $0x80, s22  }
0x93: {  	s25 =	sand.u32 $0x70, s24;
	s26 =	sand.u32 $0x1C00, s22;
	v3 =	vadd.f32 v4, v3  }
0x94: {  	s24 =	sadd.s32 $0x10, s24;
	s25 =	sor.u32 s25, s26  }
0x95: {  	v4 =	vld [tilespmem:s25+$0x4280];
	[tilespmem:s23+$0x280] =	vst v3  }
0x96: {  	v3 =	vld [tilespmem:s25+$0x280];
	_ =	sdelay $0x4  }
0x97: {  	v3 =	vadd.f32 v4, v3;
	_ =	sdelay $0x1  }
0x98: {  	[tilespmem:s25+$0x280] =	vst v3  }
0x99: {  	v3 =	vld [tilespmem:s20+$0x4300]  }
0x9a: {  	v4 =	vld [tilespmem:s20+$0x300];
	_ =	sdelay $0x3  }
0x9b: {  	s22 =	simm.s32 $0x80  }
0x9c: {  	s26 =	sand.u32 $0x1C00, s22;
	v3 =	vadd.f32 v3, v4  }
0x9d: {  	s23 =	sor.u32 s21, s26;
	s21 =	simm.s32 $0x20  }
.LBB2_6:
0x9e: {  	p0 =	sne.s32 s21, $0x3F0;
	v4 =	vld [tilespmem:s23+$0x4300];
	[tilespmem:s20+$0x300] =	vst v3;
	s20 =	smov.u32 s23  }
0x9f: {  	v3 =	vld [tilespmem:s20+$0x300];
	_ =	sdelay $0x1  }
.Ltmp2:
0xa0: {  	(pc) =	sbr.rel @p0 .LBB2_6-.Ltmp2, $4  }
0xa1: {  	_ = 	snop  }
0xa2: {  	s22 =	sadd.s32 $0x80, s22  }
0xa3: {  	s23 =	sand.u32 $0x70, s21;
	s24 =	sand.u32 $0x1C00, s22;
	v3 =	vadd.f32 v4, v3  }
0xa4: {  	s21 =	sadd.s32 $0x10, s21;
	s23 =	sor.u32 s23, s24  }
0xa5: {  	v4 =	vld [tilespmem:s23+$0x4300];
	[tilespmem:s20+$0x300] =	vst v3  }
0xa6: {  	v3 =	vld [tilespmem:s23+$0x300];
	_ =	sdelay $0x4  }
0xa7: {  	s24 =	simm.s32 $0x0;
	v3 =	vadd.f32 v4, v3  }
0xa8: {  	s21 =	sand.u32 $0x70, s24;
	s20 =	sand.u32 $0x1C00, s24  }
0xa9: {  	s20 =	sor.u32 s21, s20;
	[tilespmem:s23+$0x300] =	vst v3  }
0xaa: {  	v3 =	vld [tilespmem:s20+$0x4380]  }
0xab: {  	v4 =	vld [tilespmem:s20+$0x380];
	_ =	sdelay $0x3  }
0xac: {  	s25 =	simm.s32 $0x10;
	s22 =	simm.s32 $0x80  }
0xad: {  	s26 =	sand.u32 $0x1C00, s22;
	s21 =	sand.u32 $0x70, s25;
	v3 =	vadd.f32 v3, v4  }
0xae: {  	s24 =	simm.s32 $0x20;
	s25 =	sor.u32 s21, s26;
	s23 =	smov.u32 s20  }
.LBB2_8:
0xaf: {  	p0 =	sne.s32 s24, $0x3F0;
	v4 =	vld [tilespmem:s25+$0x4380];
	[tilespmem:s23+$0x380] =	vst v3;
	s23 =	smov.u32 s25  }
0xb0: {  	v3 =	vld [tilespmem:s23+$0x380];
	_ =	sdelay $0x1  }
.Ltmp3:
0xb1: {  	(pc) =	sbr.rel @p0 .LBB2_8-.Ltmp3, $4  }
0xb2: {  	_ = 	snop  }
0xb3: {  	s22 =	sadd.s32 $0x80, s22  }
0xb4: {  	s25 =	sand.u32 $0x70, s24;
	s26 =	sand.u32 $0x1C00, s22;
	v3 =	vadd.f32 v4, v3  }
0xb5: {  	s24 =	sadd.s32 $0x10, s24;
	s25 =	sor.u32 s25, s26  }
0xb6: {  	v4 =	vld [tilespmem:s25+$0x4380];
	[tilespmem:s23+$0x380] =	vst v3  }
0xb7: {  	v3 =	vld [tilespmem:s25+$0x380];
	_ =	sdelay $0x4  }
0xb8: {  	v3 =	vadd.f32 v4, v3;
	_ =	sdelay $0x1  }
0xb9: {  	[tilespmem:s25+$0x380] =	vst v3  }
0xba: {  	v3 =	vld [tilespmem:s20+$0x4400]  }
0xbb: {  	v4 =	vld [tilespmem:s20+$0x400];
	_ =	sdelay $0x3  }
0xbc: {  	s22 =	simm.s32 $0x80  }
0xbd: {  	s26 =	sand.u32 $0x1C00, s22;
	v3 =	vadd.f32 v3, v4  }
0xbe: {  	s23 =	sor.u32 s21, s26;
	s21 =	simm.s32 $0x20  }
.LBB2_10:
0xbf: {  	p0 =	sne.s32 s21, $0x3F0;
	v4 =	vld [tilespmem:s23+$0x4400];
	[tilespmem:s20+$0x400] =	vst v3;
	s20 =	smov.u32 s23  }
0xc0: {  	v3 =	vld [tilespmem:s20+$0x400];
	_ =	sdelay $0x1  }
.Ltmp4:
0xc1: {  	(pc) =	sbr.rel @p0 .LBB2_10-.Ltmp4, $4  }
0xc2: {  	_ = 	snop  }
0xc3: {  	s22 =	sadd.s32 $0x80, s22  }
0xc4: {  	s23 =	sand.u32 $0x70, s21;
	s24 =	sand.u32 $0x1C00, s22;
	v3 =	vadd.f32 v4, v3  }
0xc5: {  	s21 =	sadd.s32 $0x10, s21;
	s23 =	sor.u32 s23, s24  }
0xc6: {  	v4 =	vld [tilespmem:s23+$0x4400];
	[tilespmem:s20+$0x400] =	vst v3  }
0xc7: {  	v3 =	vld [tilespmem:s23+$0x400];
	_ =	sdelay $0x4  }
0xc8: {  	s24 =	simm.s32 $0x0;
	v3 =	vadd.f32 v4, v3  }
0xc9: {  	s21 =	sand.u32 $0x70, s24;
	s20 =	sand.u32 $0x1C00, s24  }
0xca: {  	s20 =	sor.u32 s21, s20;
	[tilespmem:s23+$0x400] =	vst v3  }
0xcb: {  	v3 =	vld [tilespmem:s20+$0x4480]  }
0xcc: {  	v4 =	vld [tilespmem:s20+$0x480];
	_ =	sdelay $0x3  }
0xcd: {  	s25 =	simm.s32 $0x10;
	s22 =	simm.s32 $0x80  }
0xce: {  	s26 =	sand.u32 $0x1C00, s22;
	s21 =	sand.u32 $0x70, s25;
	v3 =	vadd.f32 v3, v4  }
0xcf: {  	s24 =	simm.s32 $0x20;
	s25 =	sor.u32 s21, s26;
	s23 =	smov.u32 s20  }
.LBB2_12:
0xd0: {  	p0 =	sne.s32 s24, $0x3F0;
	v4 =	vld [tilespmem:s25+$0x4480];
	[tilespmem:s23+$0x480] =	vst v3;
	s23 =	smov.u32 s25  }
0xd1: {  	v3 =	vld [tilespmem:s23+$0x480];
	_ =	sdelay $0x1  }
.Ltmp5:
0xd2: {  	(pc) =	sbr.rel @p0 .LBB2_12-.Ltmp5, $4  }
0xd3: {  	_ = 	snop  }
0xd4: {  	s22 =	sadd.s32 $0x80, s22  }
0xd5: {  	s25 =	sand.u32 $0x70, s24;
	s26 =	sand.u32 $0x1C00, s22;
	v3 =	vadd.f32 v4, v3  }
0xd6: {  	s24 =	sadd.s32 $0x10, s24;
	s25 =	sor.u32 s25, s26  }
0xd7: {  	v4 =	vld [tilespmem:s25+$0x4480];
	[tilespmem:s23+$0x480] =	vst v3  }
0xd8: {  	v3 =	vld [tilespmem:s25+$0x480];
	_ =	sdelay $0x4  }
0xd9: {  	v3 =	vadd.f32 v4, v3;
	_ =	sdelay $0x1  }
0xda: {  	[tilespmem:s25+$0x480] =	vst v3  }
0xdb: {  	v3 =	vld [tilespmem:s20+$0x4500]  }
0xdc: {  	v4 =	vld [tilespmem:s20+$0x500];
	_ =	sdelay $0x3  }
0xdd: {  	s22 =	simm.s32 $0x80  }
0xde: {  	s26 =	sand.u32 $0x1C00, s22;
	v3 =	vadd.f32 v3, v4  }
0xdf: {  	s23 =	sor.u32 s21, s26;
	s21 =	simm.s32 $0x20  }
.LBB2_14:
0xe0: {  	p0 =	sne.s32 s21, $0x3F0;
	v4 =	vld [tilespmem:s23+$0x4500];
	[tilespmem:s20+$0x500] =	vst v3;
	s20 =	smov.u32 s23  }
0xe1: {  	v3 =	vld [tilespmem:s20+$0x500];
	_ =	sdelay $0x1  }
.Ltmp6:
0xe2: {  	(pc) =	sbr.rel @p0 .LBB2_14-.Ltmp6, $4  }
0xe3: {  	_ = 	snop  }
0xe4: {  	s22 =	sadd.s32 $0x80, s22  }
0xe5: {  	s23 =	sand.u32 $0x70, s21;
	s24 =	sand.u32 $0x1C00, s22;
	v3 =	vadd.f32 v4, v3  }
0xe6: {  	s21 =	sadd.s32 $0x10, s21;
	s23 =	sor.u32 s23, s24  }
0xe7: {  	v4 =	vld [tilespmem:s23+$0x4500];
	[tilespmem:s20+$0x500] =	vst v3  }
0xe8: {  	v3 =	vld [tilespmem:s23+$0x500];
	_ =	sdelay $0x4  }
0xe9: {  	s22 =	simm.s32 $0x0;
	v3 =	vadd.f32 v4, v3  }
0xea: {  	s20 =	sand.u32 $0x70, s22;
	s21 =	sand.u32 $0x1C00, s22  }
0xeb: {  	s24 =	sor.u32 s22, s22;
	s25 =	sor.u32 s20, s21;
	[tilespmem:s23+$0x500] =	vst v3;
	s23 =	simm.s32 $0x10  }
.LBB2_16:
0xec: {  	p0 =	sne.s32 s23, $0x3F0;
	s26 =	sor.u32 $0x380, s24;
	v3 =	vld [tilespmem:s25+$0x4580]  }
0xed: {  	v4 =	vld [tilespmem:s26+$0x200];
	_ =	sdelay $0x2  }
.Ltmp7:
0xee: {  	(pc) =	sbr.rel @p0 .LBB2_16-.Ltmp7, $4  }
0xef: {  	_ = 	snop  }
0xf0: {  	s22 =	sadd.s32 $0x80, s22;
	v3 =	vadd.f32 v3, v4  }
0xf1: {  	s25 =	sand.u32 $0x70, s23;
	s4 =	sand.u32 $0x1C00, s22  }
0xf2: {  	s24 =	sor.u32 s22, s23;
	s23 =	sadd.s32 $0x10, s23;
	s25 =	sor.u32 s25, s4;
	[tilespmem:s26+$0x200] =	vst v3  }
0xf3: {  	s4 =	sor.u32 $0x380, s24;
	v3 =	vld [tilespmem:s25+$0x4580]  }
0xf4: {  	v4 =	vld [tilespmem:s4+$0x200];
	_ =	sdelay $0x4  }
0xf5: {  	v3 =	vadd.f32 v3, v4;
	_ =	sdelay $0x1  }
0xf6: {  	s20 =	sor.u32 s20, s21;
	[tilespmem:s4+$0x200] =	vst v3  }
0xf7: {  	v3 =	vld [tilespmem:s20+$0x6200]  }
0xf8: {  	v4 =	vld [tilespmem:s20+$0x2200];
	_ =	sdelay $0x3  }
0xf9: {  	s26 =	simm.s32 $0x10;
	s21 =	simm.s32 $0x80  }
0xfa: {  	s22 =	sand.u32 $0x1C00, s21;
	s4 =	sand.u32 $0x70, s26;
	v3 =	vadd.f32 v3, v4  }
0xfb: {  	s23 =	sor.u32 s4, s22;
	s22 =	simm.s32 $0x20  }
.LBB2_18:
0xfc: {  	p0 =	sne.s32 s22, $0x3F0;
	v4 =	vld [tilespmem:s23+$0x6200];
	[tilespmem:s20+$0x2200] =	vst v3;
	s20 =	smov.u32 s23  }
0xfd: {  	v3 =	vld [tilespmem:s20+$0x2200];
	_ =	sdelay $0x1  }
.Ltmp8:
0xfe: {  	(pc) =	sbr.rel @p0 .LBB2_18-.Ltmp8, $4  }
0xff: {  	_ = 	snop  }
0x100: {  	s21 =	sadd.s32 $0x80, s21  }
0x101: {  	s4 =	sand.u32 $0x70, s22;
	s23 =	sand.u32 $0x1C00, s21;
	v3 =	vadd.f32 v4, v3  }
0x102: {  	s22 =	sadd.s32 $0x10, s22;
	s23 =	sor.u32 s4, s23  }
0x103: {  	v4 =	vld [tilespmem:s23+$0x6200];
	[tilespmem:s20+$0x2200] =	vst v3  }
0x104: {  	v3 =	vld [tilespmem:s23+$0x2200];
	_ =	sdelay $0x4  }
0x105: {  	s4 =	simm.s32 $0x0;
	v3 =	vadd.f32 v4, v3  }
0x106: {  	s24 =	sand.u32 $0x70, s4;
	s4 =	sand.u32 $0x1C00, s4  }
0x107: {  	s20 =	sor.u32 s24, s4;
	[tilespmem:s23+$0x2200] =	vst v3  }
0x108: {  	v3 =	vld [tilespmem:s20+$0x6280]  }
0x109: {  	v4 =	vld [tilespmem:s20+$0x2280];
	_ =	sdelay $0x3  }
0x10a: {  	s25 =	simm.s32 $0x10;
	s22 =	simm.s32 $0x80  }
0x10b: {  	s21 =	sand.u32 $0x70, s25;
	s26 =	sand.u32 $0x1C00, s22;
	v3 =	vadd.f32 v3, v4  }
0x10c: {  	s25 =	sor.u32 s21, s26;
	s24 =	simm.s32 $0x20;
	s23 =	smov.u32 s20  }
.LBB2_20:
0x10d: {  	p0 =	sne.s32 s24, $0x3F0;
	v4 =	vld [tilespmem:s25+$0x6280];
	[tilespmem:s23+$0x2280] =	vst v3;
	s23 =	smov.u32 s25  }
0x10e: {  	v3 =	vld [tilespmem:s23+$0x2280];
	_ =	sdelay $0x1  }
.Ltmp9:
0x10f: {  	(pc) =	sbr.rel @p0 .LBB2_20-.Ltmp9, $4  }
0x110: {  	_ = 	snop  }
0x111: {  	s22 =	sadd.s32 $0x80, s22  }
0x112: {  	s4 =	sand.u32 $0x70, s24;
	s25 =	sand.u32 $0x1C00, s22;
	v3 =	vadd.f32 v4, v3  }
0x113: {  	s24 =	sadd.s32 $0x10, s24;
	s25 =	sor.u32 s4, s25  }
0x114: {  	v4 =	vld [tilespmem:s25+$0x6280];
	[tilespmem:s23+$0x2280] =	vst v3  }
0x115: {  	v3 =	vld [tilespmem:s25+$0x2280];
	_ =	sdelay $0x4  }
0x116: {  	v3 =	vadd.f32 v4, v3;
	_ =	sdelay $0x1  }
0x117: {  	[tilespmem:s25+$0x2280] =	vst v3  }
0x118: {  	v3 =	vld [tilespmem:s20+$0x6300]  }
0x119: {  	v4 =	vld [tilespmem:s20+$0x2300];
	_ =	sdelay $0x3  }
0x11a: {  	s22 =	simm.s32 $0x80  }
0x11b: {  	s4 =	sand.u32 $0x1C00, s22;
	v3 =	vadd.f32 v3, v4  }
0x11c: {  	s23 =	sor.u32 s21, s4;
	s21 =	simm.s32 $0x20  }
.LBB2_22:
0x11d: {  	p0 =	sne.s32 s21, $0x3F0;
	v4 =	vld [tilespmem:s23+$0x6300];
	[tilespmem:s20+$0x2300] =	vst v3;
	s20 =	smov.u32 s23  }
0x11e: {  	v3 =	vld [tilespmem:s20+$0x2300];
	_ =	sdelay $0x1  }
.Ltmp10:
0x11f: {  	(pc) =	sbr.rel @p0 .LBB2_22-.Ltmp10, $4  }
0x120: {  	_ = 	snop  }
0x121: {  	s22 =	sadd.s32 $0x80, s22  }
0x122: {  	s4 =	sand.u32 $0x70, s21;
	s23 =	sand.u32 $0x1C00, s22;
	v3 =	vadd.f32 v4, v3  }
0x123: {  	s21 =	sadd.s32 $0x10, s21;
	s23 =	sor.u32 s4, s23  }
0x124: {  	v4 =	vld [tilespmem:s23+$0x6300];
	[tilespmem:s20+$0x2300] =	vst v3  }
0x125: {  	v3 =	vld [tilespmem:s23+$0x2300];
	_ =	sdelay $0x4  }
0x126: {  	s4 =	simm.s32 $0x0;
	v3 =	vadd.f32 v4, v3  }
0x127: {  	s24 =	sand.u32 $0x70, s4;
	s4 =	sand.u32 $0x1C00, s4  }
0x128: {  	s20 =	sor.u32 s24, s4;
	[tilespmem:s23+$0x2300] =	vst v3  }
0x129: {  	v3 =	vld [tilespmem:s20+$0x6380]  }
0x12a: {  	v4 =	vld [tilespmem:s20+$0x2380];
	_ =	sdelay $0x3  }
0x12b: {  	s25 =	simm.s32 $0x10;
	s22 =	simm.s32 $0x80  }
0x12c: {  	s21 =	sand.u32 $0x70, s25;
	s26 =	sand.u32 $0x1C00, s22;
	v3 =	vadd.f32 v3, v4  }
0x12d: {  	s25 =	sor.u32 s21, s26;
	s24 =	simm.s32 $0x20;
	s23 =	smov.u32 s20  }
.LBB2_24:
0x12e: {  	p0 =	sne.s32 s24, $0x3F0;
	v4 =	vld [tilespmem:s25+$0x6380];
	[tilespmem:s23+$0x2380] =	vst v3;
	s23 =	smov.u32 s25  }
0x12f: {  	v3 =	vld [tilespmem:s23+$0x2380];
	_ =	sdelay $0x1  }
.Ltmp11:
0x130: {  	(pc) =	sbr.rel @p0 .LBB2_24-.Ltmp11, $4  }
0x131: {  	_ = 	snop  }
0x132: {  	s22 =	sadd.s32 $0x80, s22  }
0x133: {  	s4 =	sand.u32 $0x70, s24;
	s25 =	sand.u32 $0x1C00, s22;
	v3 =	vadd.f32 v4, v3  }
0x134: {  	s24 =	sadd.s32 $0x10, s24;
	s25 =	sor.u32 s4, s25  }
0x135: {  	v4 =	vld [tilespmem:s25+$0x6380];
	[tilespmem:s23+$0x2380] =	vst v3  }
0x136: {  	v3 =	vld [tilespmem:s25+$0x2380];
	_ =	sdelay $0x4  }
0x137: {  	v3 =	vadd.f32 v4, v3;
	_ =	sdelay $0x1  }
0x138: {  	[tilespmem:s25+$0x2380] =	vst v3  }
0x139: {  	v3 =	vld [tilespmem:s20+$0x6400]  }
0x13a: {  	v4 =	vld [tilespmem:s20+$0x2400];
	_ =	sdelay $0x3  }
0x13b: {  	s22 =	simm.s32 $0x80  }
0x13c: {  	s4 =	sand.u32 $0x1C00, s22;
	v3 =	vadd.f32 v3, v4  }
0x13d: {  	s23 =	sor.u32 s21, s4;
	s21 =	simm.s32 $0x20  }
.LBB2_26:
0x13e: {  	p0 =	sne.s32 s21, $0x3F0;
	v4 =	vld [tilespmem:s23+$0x6400];
	[tilespmem:s20+$0x2400] =	vst v3;
	s20 =	smov.u32 s23  }
0x13f: {  	v3 =	vld [tilespmem:s20+$0x2400];
	_ =	sdelay $0x1  }
.Ltmp12:
0x140: {  	(pc) =	sbr.rel @p0 .LBB2_26-.Ltmp12, $4  }
0x141: {  	_ = 	snop  }
0x142: {  	s22 =	sadd.s32 $0x80, s22  }
0x143: {  	s4 =	sand.u32 $0x70, s21;
	s23 =	sand.u32 $0x1C00, s22;
	v3 =	vadd.f32 v4, v3  }
0x144: {  	s21 =	sadd.s32 $0x10, s21;
	s23 =	sor.u32 s4, s23  }
0x145: {  	v4 =	vld [tilespmem:s23+$0x6400];
	[tilespmem:s20+$0x2400] =	vst v3  }
0x146: {  	v3 =	vld [tilespmem:s23+$0x2400];
	_ =	sdelay $0x4  }
0x147: {  	s4 =	simm.s32 $0x0;
	v3 =	vadd.f32 v4, v3  }
0x148: {  	s24 =	sand.u32 $0x70, s4;
	s4 =	sand.u32 $0x1C00, s4  }
0x149: {  	s20 =	sor.u32 s24, s4;
	[tilespmem:s23+$0x2400] =	vst v3  }
0x14a: {  	v3 =	vld [tilespmem:s20+$0x6480]  }
0x14b: {  	v4 =	vld [tilespmem:s20+$0x2480];
	_ =	sdelay $0x3  }
0x14c: {  	s25 =	simm.s32 $0x10;
	s22 =	simm.s32 $0x80  }
0x14d: {  	s21 =	sand.u32 $0x70, s25;
	s26 =	sand.u32 $0x1C00, s22;
	v3 =	vadd.f32 v3, v4  }
0x14e: {  	s25 =	sor.u32 s21, s26;
	s24 =	simm.s32 $0x20;
	s23 =	smov.u32 s20  }
.LBB2_28:
0x14f: {  	p0 =	sne.s32 s24, $0x3F0;
	v4 =	vld [tilespmem:s25+$0x6480];
	[tilespmem:s23+$0x2480] =	vst v3;
	s23 =	smov.u32 s25  }
0x150: {  	v3 =	vld [tilespmem:s23+$0x2480];
	_ =	sdelay $0x1  }
.Ltmp13:
0x151: {  	(pc) =	sbr.rel @p0 .LBB2_28-.Ltmp13, $4  }
0x152: {  	_ = 	snop  }
0x153: {  	s22 =	sadd.s32 $0x80, s22  }
0x154: {  	s4 =	sand.u32 $0x70, s24;
	s25 =	sand.u32 $0x1C00, s22;
	v3 =	vadd.f32 v4, v3  }
0x155: {  	s24 =	sadd.s32 $0x10, s24;
	s25 =	sor.u32 s4, s25  }
0x156: {  	v4 =	vld [tilespmem:s25+$0x6480];
	[tilespmem:s23+$0x2480] =	vst v3  }
0x157: {  	v3 =	vld [tilespmem:s25+$0x2480];
	_ =	sdelay $0x4  }
0x158: {  	v3 =	vadd.f32 v4, v3;
	_ =	sdelay $0x1  }
0x159: {  	[tilespmem:s25+$0x2480] =	vst v3  }
0x15a: {  	v3 =	vld [tilespmem:s20+$0x6500]  }
0x15b: {  	v4 =	vld [tilespmem:s20+$0x2500];
	_ =	sdelay $0x3  }
0x15c: {  	s22 =	simm.s32 $0x80  }
0x15d: {  	s4 =	sand.u32 $0x1C00, s22;
	v3 =	vadd.f32 v3, v4  }
0x15e: {  	s23 =	sor.u32 s21, s4;
	s21 =	simm.s32 $0x20  }
.LBB2_30:
0x15f: {  	p0 =	sne.s32 s21, $0x3F0;
	v4 =	vld [tilespmem:s23+$0x6500];
	[tilespmem:s20+$0x2500] =	vst v3;
	s20 =	smov.u32 s23  }
0x160: {  	v3 =	vld [tilespmem:s20+$0x2500];
	_ =	sdelay $0x1  }
.Ltmp14:
0x161: {  	(pc) =	sbr.rel @p0 .LBB2_30-.Ltmp14, $4  }
0x162: {  	_ = 	snop  }
0x163: {  	s22 =	sadd.s32 $0x80, s22  }
0x164: {  	s4 =	sand.u32 $0x70, s21;
	s23 =	sand.u32 $0x1C00, s22;
	v3 =	vadd.f32 v4, v3  }
0x165: {  	s21 =	sadd.s32 $0x10, s21;
	s23 =	sor.u32 s4, s23  }
0x166: {  	v4 =	vld [tilespmem:s23+$0x6500];
	[tilespmem:s20+$0x2500] =	vst v3  }
0x167: {  	v3 =	vld [tilespmem:s23+$0x2500];
	_ =	sdelay $0x4  }
0x168: {  	s4 =	simm.s32 $0x0;
	v3 =	vadd.f32 v4, v3  }
0x169: {  	s25 =	sand.u32 $0x70, s4;
	s4 =	sand.u32 $0x1C00, s4  }
0x16a: {  	s20 =	sor.u32 s25, s4;
	[tilespmem:s23+$0x2500] =	vst v3  }
0x16b: {  	v3 =	vld [tilespmem:s20+$0x6580]  }
0x16c: {  	v4 =	vld [tilespmem:s20+$0x2580];
	_ =	sdelay $0x3  }
0x16d: {  	s26 =	simm.s32 $0x10;
	s21 =	simm.s32 $0x80  }
0x16e: {  	s22 =	sand.u32 $0x1C00, s21;
	s4 =	sand.u32 $0x70, s26;
	v3 =	vadd.f32 v3, v4  }
0x16f: {  	s23 =	sor.u32 s4, s22;
	s22 =	simm.s32 $0x20  }
.LBB2_32:
0x170: {  	p0 =	sne.s32 s22, $0x3F0;
	v4 =	vld [tilespmem:s23+$0x6580];
	[tilespmem:s20+$0x2580] =	vst v3;
	s20 =	smov.u32 s23  }
0x171: {  	v3 =	vld [tilespmem:s20+$0x2580];
	_ =	sdelay $0x1  }
.Ltmp15:
0x172: {  	(pc) =	sbr.rel @p0 .LBB2_32-.Ltmp15, $4  }
0x173: {  	_ = 	snop  }
0x174: {  	s21 =	sadd.s32 $0x80, s21  }
0x175: {  	s4 =	sand.u32 $0x70, s22;
	s23 =	sand.u32 $0x1C00, s21;
	v3 =	vadd.f32 v4, v3  }
0x176: {  	s22 =	sadd.s32 $0x10, s22;
	s23 =	sor.u32 s4, s23  }
0x177: {  	v4 =	vld [tilespmem:s23+$0x6580];
	[tilespmem:s20+$0x2580] =	vst v3  }
0x178: {  	v3 =	vld [tilespmem:s23+$0x2580];
	_ =	sdelay $0x4  }
0x179: {  	v3 =	vadd.f32 v4, v3;
	_ =	sdelay $0x1  }
0x17a: {  	s4 =	simm.s32 $0x0;
	[tilespmem:s23+$0x2580] =	vst v3  }
0x17b: {  	[hbm4b:s7+s4] =	stream.linear.scatter [tilespmem:s16], [sflag:$0x3], $0x4000, $0x38;
	[tilespmem:$0x10200] =	vst v63  }
0x17c: {  	_ =	swait.ge [sflag:s15], $0x4000  }
0x17d: {  	[sflag:s15] =	ssyncset.done $0x0  }
0x17e: {  	[sflag:s15] =	ssyncadd.s32 $0xFFFFC000  }
0x17f: {  	v3 =	vld [tilespmem:$0x20];
	_ =	sdelay $0x4  }
0x180: {  	v4 =	vshll.u32 v3, $0x3  }
0x181: {  	v5 =	vand.u32 $0x7, v3;
	v4 =	vand.u32 $0xFFFFFFC0, v4  }
0x182: {  	v4 =	vor.u32 v5, v4  }
0x183: {  	v5 =	vperm.xlane v4, v0  }
0x184: {  	v6 =	vld [tilespmem:$0xA0]  }
0x185: {  	v5 =	vadd.s32 v1, v5;
	_ =	sdelay $0x2  }
0x186: {  	[tilespmem:$0x100] =	vst v3  }
0x187: {  	[tilespmem:$0x110] =	vst v6  }
0x188: {  	[tilespmem:s16], [sflag:$0x1] =	stream.indirect_vreg.gather [hbm4b:s3+s4], $0x80, v5, vm0, $0xb8;
	[tilespmem:$0x10200] =	vst v63  }
0x189: {  	s21 =	simm.s32 $0xA00;
	v3 =	vperm.xlane v4, v2  }
0x18a: {  	[tilespmem:s21], [sflag:$0x1] =	stream.indirect_vreg.gather [hbm4b:s6+s4], $0x80, v5, vm0, $0xb8;
	[tilespmem:$0x10200] =	vst v63  }
0x18b: {  	s22 =	simm.s32 $0x1200;
	v3 =	vadd.s32 v1, v3  }
0x18c: {  	[tilespmem:s22], [sflag:$0x1] =	stream.indirect_vreg.gather [hbm4b:s8+s4], $0x80, v5, vm0, $0xb8;
	[tilespmem:$0x10200] =	vst v63  }
0x18d: {  	s23 =	simm.s32 $0x1A00  }
0x18e: {  	[tilespmem:s23], [sflag:$0x1] =	stream.indirect_vreg.gather [hbm4b:s9+s4], $0x80, v5, vm0, $0xb8;
	[tilespmem:$0x10200] =	vst v63  }
0x18f: {  	s24 =	simm.s32 $0x2200  }
0x190: {  	[tilespmem:s24], [sflag:$0x1] =	stream.indirect_vreg.gather [hbm4b:s3+s4], $0x80, v3, vm0, $0xb8;
	[tilespmem:$0x10200] =	vst v63  }
0x191: {  	s25 =	simm.s32 $0x2A00  }
0x192: {  	[tilespmem:s25], [sflag:$0x1] =	stream.indirect_vreg.gather [hbm4b:s6+s4], $0x80, v3, vm0, $0xb8;
	[tilespmem:$0x10200] =	vst v63  }
0x193: {  	s26 =	simm.s32 $0x3200  }
0x194: {  	[tilespmem:s26], [sflag:$0x1] =	stream.indirect_vreg.gather [hbm4b:s8+s4], $0x80, v3, vm0, $0xb8;
	[tilespmem:$0x10200] =	vst v63  }
0x195: {  	s21 =	simm.s32 $0x3A00  }
0x196: {  	[tilespmem:s21], [sflag:$0x1] =	stream.indirect_vreg.gather [hbm4b:s9+s4], $0x80, v3, vm0, $0xb8;
	[tilespmem:$0x10200] =	vst v63  }
0x197: {  	v3 =	vld [tilespmem:$0x110];
	_ =	sdelay $0x4  }
0x198: {  	v4 =	vshll.u32 v3, $0x3  }
0x199: {  	v3 =	vand.u32 $0x7, v3;
	v4 =	vand.u32 $0xFFFFFFC0, v4  }
0x19a: {  	v3 =	vor.u32 v3, v4  }
0x19b: {  	v4 =	vperm.xlane v3, v0;
	_ =	sdelay $0x1  }
0x19c: {  	v4 =	vadd.s32 v1, v4;
	_ =	sdelay $0x3  }
0x19d: {  	s22 =	simm.s32 $0x4200  }
0x19e: {  	[tilespmem:s22], [sflag:$0x1] =	stream.indirect_vreg.gather [hbm4b:s3+s4], $0x80, v4, vm0, $0xb8;
	[tilespmem:$0x10200] =	vst v63  }
0x19f: {  	s23 =	simm.s32 $0x4A00;
	v3 =	vperm.xlane v3, v2  }
0x1a0: {  	[tilespmem:s23], [sflag:$0x1] =	stream.indirect_vreg.gather [hbm4b:s6+s4], $0x80, v4, vm0, $0xb8;
	[tilespmem:$0x10200] =	vst v63  }
0x1a1: {  	s24 =	simm.s32 $0x5200;
	v3 =	vadd.s32 v1, v3  }
0x1a2: {  	[tilespmem:s24], [sflag:$0x1] =	stream.indirect_vreg.gather [hbm4b:s8+s4], $0x80, v4, vm0, $0xb8;
	[tilespmem:$0x10200] =	vst v63  }
0x1a3: {  	s25 =	simm.s32 $0x5A00  }
0x1a4: {  	[tilespmem:s25], [sflag:$0x1] =	stream.indirect_vreg.gather [hbm4b:s9+s4], $0x80, v4, vm0, $0xb8;
	[tilespmem:$0x10200] =	vst v63  }
0x1a5: {  	s26 =	simm.s32 $0x6200  }
0x1a6: {  	[tilespmem:s26], [sflag:$0x1] =	stream.indirect_vreg.gather [hbm4b:s3+s4], $0x80, v3, vm0, $0xb8;
	[tilespmem:$0x10200] =	vst v63  }
0x1a7: {  	s21 =	simm.s32 $0x6A00  }
0x1a8: {  	[tilespmem:s21], [sflag:$0x1] =	stream.indirect_vreg.gather [hbm4b:s6+s4], $0x80, v3, vm0, $0xb8;
	[tilespmem:$0x10200] =	vst v63  }
0x1a9: {  	s22 =	simm.s32 $0x7200  }
0x1aa: {  	[tilespmem:s22], [sflag:$0x1] =	stream.indirect_vreg.gather [hbm4b:s8+s4], $0x80, v3, vm0, $0xb8;
	[tilespmem:$0x10200] =	vst v63  }
0x1ab: {  	s23 =	simm.s32 $0x7A00  }
0x1ac: {  	[tilespmem:s23], [sflag:$0x1] =	stream.indirect_vreg.gather [hbm4b:s9+s4], $0x80, v3, vm0, $0xb8;
	[tilespmem:$0x10200] =	vst v63  }
0x1ad: {  	_ =	swait.ge [sflag:s17], $0x8000  }
0x1ae: {  	s24 =	sand.u32 $0x70, s4;
	s4 =	sand.u32 $0x1C00, s4;
	[sflag:s17] =	ssyncset.done $0x0  }
0x1af: {  	s20 =	sor.u32 s24, s4;
	[sflag:s17] =	ssyncadd.s32 $0xFFFF8000  }
0x1b0: {  	v3 =	vld [tilespmem:s20+$0xC200]  }
0x1b1: {  	v4 =	vld [tilespmem:s20+$0x8200];
	_ =	sdelay $0x3  }
0x1b2: {  	s25 =	simm.s32 $0x10;
	s22 =	simm.s32 $0x80  }
0x1b3: {  	s21 =	sand.u32 $0x70, s25;
	s26 =	sand.u32 $0x1C00, s22;
	v3 =	vadd.f32 v3, v4  }
0x1b4: {  	s25 =	sor.u32 s21, s26;
	s24 =	simm.s32 $0x20;
	s23 =	smov.u32 s20  }
.LBB2_34:
0x1b5: {  	p0 =	sne.s32 s24, $0x3F0;
	v4 =	vld [tilespmem:s25+$0xC200];
	[tilespmem:s23+$0x8200] =	vst v3;
	s23 =	smov.u32 s25  }
0x1b6: {  	v3 =	vld [tilespmem:s23+$0x8200];
	_ =	sdelay $0x1  }
.Ltmp16:
0x1b7: {  	(pc) =	sbr.rel @p0 .LBB2_34-.Ltmp16, $4  }
0x1b8: {  	_ = 	snop  }
0x1b9: {  	s22 =	sadd.s32 $0x80, s22  }
0x1ba: {  	s4 =	sand.u32 $0x70, s24;
	s25 =	sand.u32 $0x1C00, s22;
	v3 =	vadd.f32 v4, v3  }
0x1bb: {  	s24 =	sadd.s32 $0x10, s24;
	s25 =	sor.u32 s4, s25  }
0x1bc: {  	v4 =	vld [tilespmem:s25+$0xC200];
	[tilespmem:s23+$0x8200] =	vst v3  }
0x1bd: {  	v3 =	vld [tilespmem:s25+$0x8200];
	_ =	sdelay $0x4  }
0x1be: {  	v3 =	vadd.f32 v4, v3;
	_ =	sdelay $0x1  }
0x1bf: {  	[tilespmem:s25+$0x8200] =	vst v3  }
0x1c0: {  	v3 =	vld [tilespmem:s20+$0xC280]  }
0x1c1: {  	v4 =	vld [tilespmem:s20+$0x8280];
	_ =	sdelay $0x3  }
0x1c2: {  	s22 =	simm.s32 $0x80  }
0x1c3: {  	s4 =	sand.u32 $0x1C00, s22;
	v3 =	vadd.f32 v3, v4  }
0x1c4: {  	s23 =	sor.u32 s21, s4;
	s21 =	simm.s32 $0x20  }
.LBB2_36:
0x1c5: {  	p0 =	sne.s32 s21, $0x3F0;
	v4 =	vld [tilespmem:s23+$0xC280];
	[tilespmem:s20+$0x8280] =	vst v3;
	s20 =	smov.u32 s23  }
0x1c6: {  	v3 =	vld [tilespmem:s20+$0x8280];
	_ =	sdelay $0x1  }
.Ltmp17:
0x1c7: {  	(pc) =	sbr.rel @p0 .LBB2_36-.Ltmp17, $4  }
0x1c8: {  	_ = 	snop  }
0x1c9: {  	s22 =	sadd.s32 $0x80, s22  }
0x1ca: {  	s4 =	sand.u32 $0x70, s21;
	s23 =	sand.u32 $0x1C00, s22;
	v3 =	vadd.f32 v4, v3  }
0x1cb: {  	s21 =	sadd.s32 $0x10, s21;
	s23 =	sor.u32 s4, s23  }
0x1cc: {  	v4 =	vld [tilespmem:s23+$0xC280];
	[tilespmem:s20+$0x8280] =	vst v3  }
0x1cd: {  	v3 =	vld [tilespmem:s23+$0x8280];
	_ =	sdelay $0x4  }
0x1ce: {  	s4 =	simm.s32 $0x0;
	v3 =	vadd.f32 v4, v3  }
0x1cf: {  	s24 =	sand.u32 $0x70, s4;
	s4 =	sand.u32 $0x1C00, s4  }
0x1d0: {  	s20 =	sor.u32 s24, s4;
	[tilespmem:s23+$0x8280] =	vst v3  }
0x1d1: {  	v3 =	vld [tilespmem:s20+$0xC300]  }
0x1d2: {  	v4 =	vld [tilespmem:s20+$0x8300];
	_ =	sdelay $0x3  }
0x1d3: {  	s25 =	simm.s32 $0x10;
	s22 =	simm.s32 $0x80  }
0x1d4: {  	s21 =	sand.u32 $0x70, s25;
	s26 =	sand.u32 $0x1C00, s22;
	v3 =	vadd.f32 v3, v4  }
0x1d5: {  	s25 =	sor.u32 s21, s26;
	s24 =	simm.s32 $0x20;
	s23 =	smov.u32 s20  }
.LBB2_38:
0x1d6: {  	p0 =	sne.s32 s24, $0x3F0;
	v4 =	vld [tilespmem:s25+$0xC300];
	[tilespmem:s23+$0x8300] =	vst v3;
	s23 =	smov.u32 s25  }
0x1d7: {  	v3 =	vld [tilespmem:s23+$0x8300];
	_ =	sdelay $0x1  }
.Ltmp18:
0x1d8: {  	(pc) =	sbr.rel @p0 .LBB2_38-.Ltmp18, $4  }
0x1d9: {  	_ = 	snop  }
0x1da: {  	s22 =	sadd.s32 $0x80, s22  }
0x1db: {  	s4 =	sand.u32 $0x70, s24;
	s25 =	sand.u32 $0x1C00, s22;
	v3 =	vadd.f32 v4, v3  }
0x1dc: {  	s24 =	sadd.s32 $0x10, s24;
	s25 =	sor.u32 s4, s25  }
0x1dd: {  	v4 =	vld [tilespmem:s25+$0xC300];
	[tilespmem:s23+$0x8300] =	vst v3  }
0x1de: {  	v3 =	vld [tilespmem:s25+$0x8300];
	_ =	sdelay $0x4  }
0x1df: {  	v3 =	vadd.f32 v4, v3;
	_ =	sdelay $0x1  }
0x1e0: {  	[tilespmem:s25+$0x8300] =	vst v3  }
0x1e1: {  	v3 =	vld [tilespmem:s20+$0xC380]  }
0x1e2: {  	v4 =	vld [tilespmem:s20+$0x8380];
	_ =	sdelay $0x3  }
0x1e3: {  	s22 =	simm.s32 $0x80  }
0x1e4: {  	s4 =	sand.u32 $0x1C00, s22;
	v3 =	vadd.f32 v3, v4  }
0x1e5: {  	s23 =	sor.u32 s21, s4;
	s21 =	simm.s32 $0x20  }
.LBB2_40:
0x1e6: {  	p0 =	sne.s32 s21, $0x3F0;
	v4 =	vld [tilespmem:s23+$0xC380];
	[tilespmem:s20+$0x8380] =	vst v3;
	s20 =	smov.u32 s23  }
0x1e7: {  	v3 =	vld [tilespmem:s20+$0x8380];
	_ =	sdelay $0x1  }
.Ltmp19:
0x1e8: {  	(pc) =	sbr.rel @p0 .LBB2_40-.Ltmp19, $4  }
0x1e9: {  	_ = 	snop  }
0x1ea: {  	s22 =	sadd.s32 $0x80, s22  }
0x1eb: {  	s4 =	sand.u32 $0x70, s21;
	s23 =	sand.u32 $0x1C00, s22;
	v3 =	vadd.f32 v4, v3  }
0x1ec: {  	s21 =	sadd.s32 $0x10, s21;
	s23 =	sor.u32 s4, s23  }
0x1ed: {  	v4 =	vld [tilespmem:s23+$0xC380];
	[tilespmem:s20+$0x8380] =	vst v3  }
0x1ee: {  	v3 =	vld [tilespmem:s23+$0x8380];
	_ =	sdelay $0x4  }
0x1ef: {  	s4 =	simm.s32 $0x0;
	v3 =	vadd.f32 v4, v3  }
0x1f0: {  	s24 =	sand.u32 $0x70, s4;
	s4 =	sand.u32 $0x1C00, s4  }
0x1f1: {  	s20 =	sor.u32 s24, s4;
	[tilespmem:s23+$0x8380] =	vst v3  }
0x1f2: {  	v3 =	vld [tilespmem:s20+$0xC400]  }
0x1f3: {  	v4 =	vld [tilespmem:s20+$0x8400];
	_ =	sdelay $0x3  }
0x1f4: {  	s25 =	simm.s32 $0x10;
	s22 =	simm.s32 $0x80  }
0x1f5: {  	s21 =	sand.u32 $0x70, s25;
	s26 =	sand.u32 $0x1C00, s22;
	v3 =	vadd.f32 v3, v4  }
0x1f6: {  	s25 =	sor.u32 s21, s26;
	s24 =	simm.s32 $0x20;
	s23 =	smov.u32 s20  }
.LBB2_42:
0x1f7: {  	p0 =	sne.s32 s24, $0x3F0;
	v4 =	vld [tilespmem:s25+$0xC400];
	[tilespmem:s23+$0x8400] =	vst v3;
	s23 =	smov.u32 s25  }
0x1f8: {  	v3 =	vld [tilespmem:s23+$0x8400];
	_ =	sdelay $0x1  }
.Ltmp20:
0x1f9: {  	(pc) =	sbr.rel @p0 .LBB2_42-.Ltmp20, $4  }
0x1fa: {  	_ = 	snop  }
0x1fb: {  	s22 =	sadd.s32 $0x80, s22  }
0x1fc: {  	s4 =	sand.u32 $0x70, s24;
	s25 =	sand.u32 $0x1C00, s22;
	v3 =	vadd.f32 v4, v3  }
0x1fd: {  	s24 =	sadd.s32 $0x10, s24;
	s25 =	sor.u32 s4, s25  }
0x1fe: {  	v4 =	vld [tilespmem:s25+$0xC400];
	[tilespmem:s23+$0x8400] =	vst v3  }
0x1ff: {  	v3 =	vld [tilespmem:s25+$0x8400];
	_ =	sdelay $0x4  }
0x200: {  	v3 =	vadd.f32 v4, v3;
	_ =	sdelay $0x1  }
0x201: {  	[tilespmem:s25+$0x8400] =	vst v3  }
0x202: {  	v3 =	vld [tilespmem:s20+$0xC480]  }
0x203: {  	v4 =	vld [tilespmem:s20+$0x8480];
	_ =	sdelay $0x3  }
0x204: {  	s22 =	simm.s32 $0x80  }
0x205: {  	s4 =	sand.u32 $0x1C00, s22;
	v3 =	vadd.f32 v3, v4  }
0x206: {  	s23 =	sor.u32 s21, s4;
	s21 =	simm.s32 $0x20  }
.LBB2_44:
0x207: {  	p0 =	sne.s32 s21, $0x3F0;
	v4 =	vld [tilespmem:s23+$0xC480];
	[tilespmem:s20+$0x8480] =	vst v3;
	s20 =	smov.u32 s23  }
0x208: {  	v3 =	vld [tilespmem:s20+$0x8480];
	_ =	sdelay $0x1  }
.Ltmp21:
0x209: {  	(pc) =	sbr.rel @p0 .LBB2_44-.Ltmp21, $4  }
0x20a: {  	_ = 	snop  }
0x20b: {  	s22 =	sadd.s32 $0x80, s22  }
0x20c: {  	s4 =	sand.u32 $0x70, s21;
	s23 =	sand.u32 $0x1C00, s22;
	v3 =	vadd.f32 v4, v3  }
0x20d: {  	s21 =	sadd.s32 $0x10, s21;
	s23 =	sor.u32 s4, s23  }
0x20e: {  	v4 =	vld [tilespmem:s23+$0xC480];
	[tilespmem:s20+$0x8480] =	vst v3  }
0x20f: {  	v3 =	vld [tilespmem:s23+$0x8480];
	_ =	sdelay $0x4  }
0x210: {  	s20 =	simm.s32 $0x0;
	v3 =	vadd.f32 v4, v3  }
0x211: {  	s4 =	sand.u32 $0x70, s20;
	s21 =	sand.u32 $0x1C00, s20  }
0x212: {  	s24 =	sor.u32 s4, s21;
	[tilespmem:s23+$0x8480] =	vst v3  }
0x213: {  	v3 =	vld [tilespmem:s24+$0xC500]  }
0x214: {  	v4 =	vld [tilespmem:s24+$0x8500];
	_ =	sdelay $0x3  }
0x215: {  	s21 =	simm.s32 $0x10;
	s23 =	simm.s32 $0x80  }
0x216: {  	s26 =	sand.u32 $0x70, s21;
	s22 =	sand.u32 $0x1C00, s23;
	v3 =	vadd.f32 v3, v4  }
0x217: {  	s25 =	simm.s32 $0x20;
	s26 =	sor.u32 s26, s22;
	s22 =	smov.u32 s24  }
.LBB2_46:
0x218: {  	p0 =	sne.s32 s25, $0x3F0;
	v4 =	vld [tilespmem:s26+$0xC500];
	[tilespmem:s22+$0x8500] =	vst v3;
	s22 =	smov.u32 s26  }
0x219: {  	v3 =	vld [tilespmem:s22+$0x8500];
	_ =	sdelay $0x1  }
.Ltmp22:
0x21a: {  	(pc) =	sbr.rel @p0 .LBB2_46-.Ltmp22, $4  }
0x21b: {  	_ = 	snop  }
0x21c: {  	s23 =	sadd.s32 $0x80, s23  }
0x21d: {  	s4 =	sand.u32 $0x70, s25;
	s26 =	sand.u32 $0x1C00, s23;
	v3 =	vadd.f32 v4, v3  }
0x21e: {  	s25 =	sadd.s32 $0x10, s25;
	s26 =	sor.u32 s4, s26  }
0x21f: {  	v4 =	vld [tilespmem:s26+$0xC500];
	[tilespmem:s22+$0x8500] =	vst v3  }
0x220: {  	v3 =	vld [tilespmem:s26+$0x8500];
	_ =	sdelay $0x4  }
0x221: {  	v3 =	vadd.f32 v4, v3;
	_ =	sdelay $0x1  }
0x222: {  	s22 =	sor.u32 s20, s20;
	[tilespmem:s26+$0x8500] =	vst v3  }
.LBB2_48:
0x223: {  	p0 =	sne.s32 s21, $0x3F0;
	s4 =	sor.u32 $0x380, s22;
	v3 =	vld [tilespmem:s24+$0xC580]  }
0x224: {  	v4 =	vld [tilespmem:s4+$0x8200];
	_ =	sdelay $0x2  }
.Ltmp23:
0x225: {  	(pc) =	sbr.rel @p0 .LBB2_48-.Ltmp23, $4  }
0x226: {  	_ = 	snop  }
0x227: {  	s20 =	sadd.s32 $0x80, s20;
	v3 =	vadd.f32 v3, v4  }
0x228: {  	s23 =	sand.u32 $0x70, s21;
	s24 =	sand.u32 $0x1C00, s20  }
0x229: {  	s22 =	sor.u32 s20, s21;
	s21 =	sadd.s32 $0x10, s21;
	s24 =	sor.u32 s23, s24;
	[tilespmem:s4+$0x8200] =	vst v3  }
0x22a: {  	s4 =	sor.u32 $0x380, s22;
	v3 =	vld [tilespmem:s24+$0xC580]  }
0x22b: {  	v4 =	vld [tilespmem:s4+$0x8200];
	_ =	sdelay $0x4  }
0x22c: {  	s20 =	simm.s32 $0x0;
	v3 =	vadd.f32 v3, v4  }
0x22d: {  	s21 =	sand.u32 $0x70, s20;
	s20 =	sand.u32 $0x1C00, s20  }
0x22e: {  	s20 =	sor.u32 s21, s20;
	[tilespmem:s4+$0x8200] =	vst v3  }
0x22f: {  	v3 =	vld [tilespmem:s20+$0xE200]  }
0x230: {  	v4 =	vld [tilespmem:s20+$0xA200];
	_ =	sdelay $0x3  }
0x231: {  	s25 =	simm.s32 $0x10;
	s22 =	simm.s32 $0x80  }
0x232: {  	s26 =	sand.u32 $0x1C00, s22;
	s21 =	sand.u32 $0x70, s25;
	v3 =	vadd.f32 v3, v4  }
0x233: {  	s24 =	simm.s32 $0x20;
	s25 =	sor.u32 s21, s26;
	s23 =	smov.u32 s20  }
.LBB2_50:
0x234: {  	p0 =	sne.s32 s24, $0x3F0;
	v4 =	vld [tilespmem:s25+$0xE200];
	[tilespmem:s23+$0xA200] =	vst v3;
	s23 =	smov.u32 s25  }
0x235: {  	v3 =	vld [tilespmem:s23+$0xA200];
	_ =	sdelay $0x1  }
.Ltmp24:
0x236: {  	(pc) =	sbr.rel @p0 .LBB2_50-.Ltmp24, $4  }
0x237: {  	_ = 	snop  }
0x238: {  	s22 =	sadd.s32 $0x80, s22  }
0x239: {  	s4 =	sand.u32 $0x70, s24;
	s25 =	sand.u32 $0x1C00, s22;
	v3 =	vadd.f32 v4, v3  }
0x23a: {  	s24 =	sadd.s32 $0x10, s24;
	s25 =	sor.u32 s4, s25  }
0x23b: {  	v4 =	vld [tilespmem:s25+$0xE200];
	[tilespmem:s23+$0xA200] =	vst v3  }
0x23c: {  	v3 =	vld [tilespmem:s25+$0xA200];
	_ =	sdelay $0x4  }
0x23d: {  	v3 =	vadd.f32 v4, v3;
	_ =	sdelay $0x1  }
0x23e: {  	[tilespmem:s25+$0xA200] =	vst v3  }
0x23f: {  	v3 =	vld [tilespmem:s20+$0xE280]  }
0x240: {  	v4 =	vld [tilespmem:s20+$0xA280];
	_ =	sdelay $0x3  }
0x241: {  	s22 =	simm.s32 $0x80  }
0x242: {  	s4 =	sand.u32 $0x1C00, s22;
	v3 =	vadd.f32 v3, v4  }
0x243: {  	s23 =	sor.u32 s21, s4;
	s21 =	simm.s32 $0x20  }
.LBB2_52:
0x244: {  	p0 =	sne.s32 s21, $0x3F0;
	v4 =	vld [tilespmem:s23+$0xE280];
	[tilespmem:s20+$0xA280] =	vst v3;
	s20 =	smov.u32 s23  }
0x245: {  	v3 =	vld [tilespmem:s20+$0xA280];
	_ =	sdelay $0x1  }
.Ltmp25:
0x246: {  	(pc) =	sbr.rel @p0 .LBB2_52-.Ltmp25, $4  }
0x247: {  	_ = 	snop  }
0x248: {  	s22 =	sadd.s32 $0x80, s22  }
0x249: {  	s4 =	sand.u32 $0x70, s21;
	s23 =	sand.u32 $0x1C00, s22;
	v3 =	vadd.f32 v4, v3  }
0x24a: {  	s21 =	sadd.s32 $0x10, s21;
	s23 =	sor.u32 s4, s23  }
0x24b: {  	v4 =	vld [tilespmem:s23+$0xE280];
	[tilespmem:s20+$0xA280] =	vst v3  }
0x24c: {  	v3 =	vld [tilespmem:s23+$0xA280];
	_ =	sdelay $0x4  }
0x24d: {  	s4 =	simm.s32 $0x0;
	v3 =	vadd.f32 v4, v3  }
0x24e: {  	s24 =	sand.u32 $0x70, s4;
	s4 =	sand.u32 $0x1C00, s4  }
0x24f: {  	s20 =	sor.u32 s24, s4;
	[tilespmem:s23+$0xA280] =	vst v3  }
0x250: {  	v3 =	vld [tilespmem:s20+$0xE300]  }
0x251: {  	v4 =	vld [tilespmem:s20+$0xA300];
	_ =	sdelay $0x3  }
0x252: {  	s25 =	simm.s32 $0x10;
	s22 =	simm.s32 $0x80  }
0x253: {  	s21 =	sand.u32 $0x70, s25;
	s26 =	sand.u32 $0x1C00, s22;
	v3 =	vadd.f32 v3, v4  }
0x254: {  	s25 =	sor.u32 s21, s26;
	s24 =	simm.s32 $0x20;
	s23 =	smov.u32 s20  }
.LBB2_54:
0x255: {  	p0 =	sne.s32 s24, $0x3F0;
	v4 =	vld [tilespmem:s25+$0xE300];
	[tilespmem:s23+$0xA300] =	vst v3;
	s23 =	smov.u32 s25  }
0x256: {  	v3 =	vld [tilespmem:s23+$0xA300];
	_ =	sdelay $0x1  }
.Ltmp26:
0x257: {  	(pc) =	sbr.rel @p0 .LBB2_54-.Ltmp26, $4  }
0x258: {  	_ = 	snop  }
0x259: {  	s22 =	sadd.s32 $0x80, s22  }
0x25a: {  	s4 =	sand.u32 $0x70, s24;
	s25 =	sand.u32 $0x1C00, s22;
	v3 =	vadd.f32 v4, v3  }
0x25b: {  	s24 =	sadd.s32 $0x10, s24;
	s25 =	sor.u32 s4, s25  }
0x25c: {  	v4 =	vld [tilespmem:s25+$0xE300];
	[tilespmem:s23+$0xA300] =	vst v3  }
0x25d: {  	v3 =	vld [tilespmem:s25+$0xA300];
	_ =	sdelay $0x4  }
0x25e: {  	v3 =	vadd.f32 v4, v3;
	_ =	sdelay $0x1  }
0x25f: {  	[tilespmem:s25+$0xA300] =	vst v3  }
0x260: {  	v3 =	vld [tilespmem:s20+$0xE380]  }
0x261: {  	v4 =	vld [tilespmem:s20+$0xA380];
	_ =	sdelay $0x3  }
0x262: {  	s22 =	simm.s32 $0x80  }
0x263: {  	s4 =	sand.u32 $0x1C00, s22;
	v3 =	vadd.f32 v3, v4  }
0x264: {  	s23 =	sor.u32 s21, s4;
	s21 =	simm.s32 $0x20  }
.LBB2_56:
0x265: {  	p0 =	sne.s32 s21, $0x3F0;
	v4 =	vld [tilespmem:s23+$0xE380];
	[tilespmem:s20+$0xA380] =	vst v3;
	s20 =	smov.u32 s23  }
0x266: {  	v3 =	vld [tilespmem:s20+$0xA380];
	_ =	sdelay $0x1  }
.Ltmp27:
0x267: {  	(pc) =	sbr.rel @p0 .LBB2_56-.Ltmp27, $4  }
0x268: {  	_ = 	snop  }
0x269: {  	s22 =	sadd.s32 $0x80, s22  }
0x26a: {  	s4 =	sand.u32 $0x70, s21;
	s23 =	sand.u32 $0x1C00, s22;
	v3 =	vadd.f32 v4, v3  }
0x26b: {  	s21 =	sadd.s32 $0x10, s21;
	s23 =	sor.u32 s4, s23  }
0x26c: {  	v4 =	vld [tilespmem:s23+$0xE380];
	[tilespmem:s20+$0xA380] =	vst v3  }
0x26d: {  	v3 =	vld [tilespmem:s23+$0xA380];
	_ =	sdelay $0x4  }
0x26e: {  	s4 =	simm.s32 $0x0;
	v3 =	vadd.f32 v4, v3  }
0x26f: {  	s24 =	sand.u32 $0x70, s4;
	s4 =	sand.u32 $0x1C00, s4  }
0x270: {  	s20 =	sor.u32 s24, s4;
	[tilespmem:s23+$0xA380] =	vst v3  }
0x271: {  	v3 =	vld [tilespmem:s20+$0xE400]  }
0x272: {  	v4 =	vld [tilespmem:s20+$0xA400];
	_ =	sdelay $0x3  }
0x273: {  	s25 =	simm.s32 $0x10;
	s22 =	simm.s32 $0x80  }
0x274: {  	s21 =	sand.u32 $0x70, s25;
	s26 =	sand.u32 $0x1C00, s22;
	v3 =	vadd.f32 v3, v4  }
0x275: {  	s25 =	sor.u32 s21, s26;
	s24 =	simm.s32 $0x20;
	s23 =	smov.u32 s20  }
.LBB2_58:
0x276: {  	p0 =	sne.s32 s24, $0x3F0;
	v4 =	vld [tilespmem:s25+$0xE400];
	[tilespmem:s23+$0xA400] =	vst v3;
	s23 =	smov.u32 s25  }
0x277: {  	v3 =	vld [tilespmem:s23+$0xA400];
	_ =	sdelay $0x1  }
.Ltmp28:
0x278: {  	(pc) =	sbr.rel @p0 .LBB2_58-.Ltmp28, $4  }
0x279: {  	_ = 	snop  }
0x27a: {  	s22 =	sadd.s32 $0x80, s22  }
0x27b: {  	s4 =	sand.u32 $0x70, s24;
	s25 =	sand.u32 $0x1C00, s22;
	v3 =	vadd.f32 v4, v3  }
0x27c: {  	s24 =	sadd.s32 $0x10, s24;
	s25 =	sor.u32 s4, s25  }
0x27d: {  	v4 =	vld [tilespmem:s25+$0xE400];
	[tilespmem:s23+$0xA400] =	vst v3  }
0x27e: {  	v3 =	vld [tilespmem:s25+$0xA400];
	_ =	sdelay $0x4  }
0x27f: {  	v3 =	vadd.f32 v4, v3;
	_ =	sdelay $0x1  }
0x280: {  	[tilespmem:s25+$0xA400] =	vst v3  }
0x281: {  	v3 =	vld [tilespmem:s20+$0xE480]  }
0x282: {  	v4 =	vld [tilespmem:s20+$0xA480];
	_ =	sdelay $0x3  }
0x283: {  	s22 =	simm.s32 $0x80  }
0x284: {  	s4 =	sand.u32 $0x1C00, s22;
	v3 =	vadd.f32 v3, v4  }
0x285: {  	s23 =	sor.u32 s21, s4;
	s21 =	simm.s32 $0x20  }
.LBB2_60:
0x286: {  	p0 =	sne.s32 s21, $0x3F0;
	v4 =	vld [tilespmem:s23+$0xE480];
	[tilespmem:s20+$0xA480] =	vst v3;
	s20 =	smov.u32 s23  }
0x287: {  	v3 =	vld [tilespmem:s20+$0xA480];
	_ =	sdelay $0x1  }
.Ltmp29:
0x288: {  	(pc) =	sbr.rel @p0 .LBB2_60-.Ltmp29, $4  }
0x289: {  	_ = 	snop  }
0x28a: {  	s22 =	sadd.s32 $0x80, s22  }
0x28b: {  	s4 =	sand.u32 $0x70, s21;
	s23 =	sand.u32 $0x1C00, s22;
	v3 =	vadd.f32 v4, v3  }
0x28c: {  	s21 =	sadd.s32 $0x10, s21;
	s23 =	sor.u32 s4, s23  }
0x28d: {  	v4 =	vld [tilespmem:s23+$0xE480];
	[tilespmem:s20+$0xA480] =	vst v3  }
0x28e: {  	v3 =	vld [tilespmem:s23+$0xA480];
	_ =	sdelay $0x4  }
0x28f: {  	s4 =	simm.s32 $0x0;
	v3 =	vadd.f32 v4, v3  }
0x290: {  	s24 =	sand.u32 $0x70, s4;
	s4 =	sand.u32 $0x1C00, s4  }
0x291: {  	s20 =	sor.u32 s24, s4;
	[tilespmem:s23+$0xA480] =	vst v3  }
0x292: {  	v3 =	vld [tilespmem:s20+$0xE500]  }
0x293: {  	v4 =	vld [tilespmem:s20+$0xA500];
	_ =	sdelay $0x3  }
0x294: {  	s25 =	simm.s32 $0x10;
	s22 =	simm.s32 $0x80  }
0x295: {  	s21 =	sand.u32 $0x70, s25;
	s26 =	sand.u32 $0x1C00, s22;
	v3 =	vadd.f32 v3, v4  }
0x296: {  	s25 =	sor.u32 s21, s26;
	s24 =	simm.s32 $0x20;
	s23 =	smov.u32 s20  }
.LBB2_62:
0x297: {  	p0 =	sne.s32 s24, $0x3F0;
	v4 =	vld [tilespmem:s25+$0xE500];
	[tilespmem:s23+$0xA500] =	vst v3;
	s23 =	smov.u32 s25  }
0x298: {  	v3 =	vld [tilespmem:s23+$0xA500];
	_ =	sdelay $0x1  }
.Ltmp30:
0x299: {  	(pc) =	sbr.rel @p0 .LBB2_62-.Ltmp30, $4  }
0x29a: {  	_ = 	snop  }
0x29b: {  	s22 =	sadd.s32 $0x80, s22  }
0x29c: {  	s4 =	sand.u32 $0x70, s24;
	s25 =	sand.u32 $0x1C00, s22;
	v3 =	vadd.f32 v4, v3  }
0x29d: {  	s24 =	sadd.s32 $0x10, s24;
	s25 =	sor.u32 s4, s25  }
0x29e: {  	v4 =	vld [tilespmem:s25+$0xE500];
	[tilespmem:s23+$0xA500] =	vst v3  }
0x29f: {  	v3 =	vld [tilespmem:s25+$0xA500];
	_ =	sdelay $0x4  }
0x2a0: {  	v3 =	vadd.f32 v4, v3;
	_ =	sdelay $0x1  }
0x2a1: {  	[tilespmem:s25+$0xA500] =	vst v3  }
0x2a2: {  	v3 =	vld [tilespmem:s20+$0xE580]  }
0x2a3: {  	v4 =	vld [tilespmem:s20+$0xA580];
	_ =	sdelay $0x3  }
0x2a4: {  	s22 =	simm.s32 $0x80  }
0x2a5: {  	s4 =	sand.u32 $0x1C00, s22;
	v3 =	vadd.f32 v3, v4  }
0x2a6: {  	s23 =	sor.u32 s21, s4;
	s21 =	simm.s32 $0x20  }
.LBB2_64:
0x2a7: {  	p0 =	sne.s32 s21, $0x3F0;
	v4 =	vld [tilespmem:s23+$0xE580];
	[tilespmem:s20+$0xA580] =	vst v3;
	s20 =	smov.u32 s23  }
0x2a8: {  	v3 =	vld [tilespmem:s20+$0xA580];
	_ =	sdelay $0x1  }
.Ltmp31:
0x2a9: {  	(pc) =	sbr.rel @p0 .LBB2_64-.Ltmp31, $4  }
0x2aa: {  	_ = 	snop  }
0x2ab: {  	s22 =	sadd.s32 $0x80, s22  }
0x2ac: {  	s4 =	sand.u32 $0x70, s21;
	s23 =	sand.u32 $0x1C00, s22;
	v3 =	vadd.f32 v4, v3  }
0x2ad: {  	s21 =	sadd.s32 $0x10, s21;
	s23 =	sor.u32 s4, s23  }
0x2ae: {  	v4 =	vld [tilespmem:s23+$0xE580];
	[tilespmem:s20+$0xA580] =	vst v3  }
0x2af: {  	v3 =	vld [tilespmem:s23+$0xA580];
	_ =	sdelay $0x4  }
0x2b0: {  	v3 =	vadd.f32 v4, v3;
	_ =	sdelay $0x1  }
0x2b1: {  	s4 =	simm.s32 $0x0;
	[tilespmem:s23+$0xA580] =	vst v3  }
0x2b2: {  	[hbm4b:s10+s4] =	stream.linear.scatter [tilespmem:s1], [sflag:$0x4], $0x4000, $0x38;
	[tilespmem:$0x10200] =	vst v63  }
0x2b3: {  	_ =	swait.ge [sflag:s18], $0x4000  }
0x2b4: {  	[sflag:s18] =	ssyncset.done $0x0  }
0x2b5: {  	[sflag:s18] =	ssyncadd.s32 $0xFFFFC000  }
0x2b6: {  	v3 =	vld [tilespmem:$0x30];
	_ =	sdelay $0x4  }
0x2b7: {  	v4 =	vshll.u32 v3, $0x3  }
0x2b8: {  	v5 =	vand.u32 $0x7, v3;
	v4 =	vand.u32 $0xFFFFFFC0, v4  }
0x2b9: {  	v4 =	vor.u32 v5, v4  }
0x2ba: {  	v5 =	vperm.xlane v4, v0  }
0x2bb: {  	v6 =	vld [tilespmem:$0xB0]  }
0x2bc: {  	v5 =	vadd.s32 v1, v5;
	_ =	sdelay $0x2  }
0x2bd: {  	[tilespmem:$0x180] =	vst v3  }
0x2be: {  	[tilespmem:$0x190] =	vst v6  }
0x2bf: {  	[tilespmem:s1], [sflag:$0x2] =	stream.indirect_vreg.gather [hbm4b:s3+s4], $0x80, v5, vm0, $0xb8;
	[tilespmem:$0x10200] =	vst v63  }
0x2c0: {  	s25 =	simm.s32 $0x8A00;
	v3 =	vperm.xlane v4, v2  }
0x2c1: {  	[tilespmem:s25], [sflag:$0x2] =	stream.indirect_vreg.gather [hbm4b:s6+s4], $0x80, v5, vm0, $0xb8;
	[tilespmem:$0x10200] =	vst v63  }
0x2c2: {  	s26 =	simm.s32 $0x9200;
	v3 =	vadd.s32 v1, v3  }
0x2c3: {  	[tilespmem:s26], [sflag:$0x2] =	stream.indirect_vreg.gather [hbm4b:s8+s4], $0x80, v5, vm0, $0xb8;
	[tilespmem:$0x10200] =	vst v63  }
0x2c4: {  	s21 =	simm.s32 $0x9A00  }
0x2c5: {  	[tilespmem:s21], [sflag:$0x2] =	stream.indirect_vreg.gather [hbm4b:s9+s4], $0x80, v5, vm0, $0xb8;
	[tilespmem:$0x10200] =	vst v63  }
0x2c6: {  	s22 =	simm.s32 $0xA200  }
0x2c7: {  	[tilespmem:s22], [sflag:$0x2] =	stream.indirect_vreg.gather [hbm4b:s3+s4], $0x80, v3, vm0, $0xb8;
	[tilespmem:$0x10200] =	vst v63  }
0x2c8: {  	s23 =	simm.s32 $0xAA00  }
0x2c9: {  	[tilespmem:s23], [sflag:$0x2] =	stream.indirect_vreg.gather [hbm4b:s6+s4], $0x80, v3, vm0, $0xb8;
	[tilespmem:$0x10200] =	vst v63  }
0x2ca: {  	s24 =	simm.s32 $0xB200  }
0x2cb: {  	[tilespmem:s24], [sflag:$0x2] =	stream.indirect_vreg.gather [hbm4b:s8+s4], $0x80, v3, vm0, $0xb8;
	[tilespmem:$0x10200] =	vst v63  }
0x2cc: {  	s25 =	simm.s32 $0xBA00  }
0x2cd: {  	[tilespmem:s25], [sflag:$0x2] =	stream.indirect_vreg.gather [hbm4b:s9+s4], $0x80, v3, vm0, $0xb8;
	[tilespmem:$0x10200] =	vst v63  }
0x2ce: {  	v3 =	vld [tilespmem:$0x190];
	_ =	sdelay $0x4  }
0x2cf: {  	v4 =	vshll.u32 v3, $0x3  }
0x2d0: {  	v3 =	vand.u32 $0x7, v3;
	v4 =	vand.u32 $0xFFFFFFC0, v4  }
0x2d1: {  	v3 =	vor.u32 v3, v4  }
0x2d2: {  	v4 =	vperm.xlane v3, v0;
	_ =	sdelay $0x1  }
0x2d3: {  	v4 =	vadd.s32 v1, v4;
	_ =	sdelay $0x3  }
0x2d4: {  	s26 =	simm.s32 $0xC200  }
0x2d5: {  	[tilespmem:s26], [sflag:$0x2] =	stream.indirect_vreg.gather [hbm4b:s3+s4], $0x80, v4, vm0, $0xb8;
	[tilespmem:$0x10200] =	vst v63  }
0x2d6: {  	s21 =	simm.s32 $0xCA00;
	v3 =	vperm.xlane v3, v2  }
0x2d7: {  	[tilespmem:s21], [sflag:$0x2] =	stream.indirect_vreg.gather [hbm4b:s6+s4], $0x80, v4, vm0, $0xb8;
	[tilespmem:$0x10200] =	vst v63  }
0x2d8: {  	s22 =	simm.s32 $0xD200;
	v3 =	vadd.s32 v1, v3  }
0x2d9: {  	[tilespmem:s22], [sflag:$0x2] =	stream.indirect_vreg.gather [hbm4b:s8+s4], $0x80, v4, vm0, $0xb8;
	[tilespmem:$0x10200] =	vst v63  }
0x2da: {  	s23 =	simm.s32 $0xDA00  }
0x2db: {  	[tilespmem:s23], [sflag:$0x2] =	stream.indirect_vreg.gather [hbm4b:s9+s4], $0x80, v4, vm0, $0xb8;
	[tilespmem:$0x10200] =	vst v63  }
0x2dc: {  	_ = 	snop  }
0x2dd: {  	[tilespmem:s28], [sflag:$0x2] =	stream.indirect_vreg.gather [hbm4b:s3+s4], $0x80, v3, vm0, $0xb8;
	[tilespmem:$0x10200] =	vst v63  }
0x2de: {  	_ = 	snop  }
0x2df: {  	[tilespmem:s29], [sflag:$0x2] =	stream.indirect_vreg.gather [hbm4b:s6+s4], $0x80, v3, vm0, $0xb8;
	[tilespmem:$0x10200] =	vst v63  }
0x2e0: {  	_ = 	snop  }
0x2e1: {  	[tilespmem:s30], [sflag:$0x2] =	stream.indirect_vreg.gather [hbm4b:s8+s4], $0x80, v3, vm0, $0xb8;
	[tilespmem:$0x10200] =	vst v63  }
0x2e2: {  	_ = 	snop  }
0x2e3: {  	[tilespmem:s31], [sflag:$0x2] =	stream.indirect_vreg.gather [hbm4b:s9+s4], $0x80, v3, vm0, $0xb8;
	[tilespmem:$0x10200] =	vst v63  }
0x2e4: {  	_ =	swait.ge [sflag:s0], $0x8000  }
0x2e5: {  	s24 =	sand.u32 $0x70, s4;
	s4 =	sand.u32 $0x1C00, s4;
	[sflag:s0] =	ssyncset.done $0x0  }
0x2e6: {  	s20 =	sor.u32 s24, s4;
	[sflag:s0] =	ssyncadd.s32 $0xFFFF8000  }
0x2e7: {  	v3 =	vld [tilespmem:s20+$0x4200]  }
0x2e8: {  	v4 =	vld [tilespmem:s20+$0x200];
	_ =	sdelay $0x3  }
0x2e9: {  	s25 =	simm.s32 $0x10;
	s22 =	simm.s32 $0x80  }
0x2ea: {  	s21 =	sand.u32 $0x70, s25;
	s26 =	sand.u32 $0x1C00, s22;
	v3 =	vadd.f32 v3, v4  }
0x2eb: {  	s25 =	sor.u32 s21, s26;
	s24 =	simm.s32 $0x20;
	s23 =	smov.u32 s20  }
.LBB2_66:
0x2ec: {  	p0 =	sne.s32 s24, $0x3F0;
	v4 =	vld [tilespmem:s25+$0x4200];
	[tilespmem:s23+$0x200] =	vst v3;
	s23 =	smov.u32 s25  }
0x2ed: {  	v3 =	vld [tilespmem:s23+$0x200];
	_ =	sdelay $0x1  }
.Ltmp32:
0x2ee: {  	(pc) =	sbr.rel @p0 .LBB2_66-.Ltmp32, $4  }
0x2ef: {  	_ = 	snop  }
0x2f0: {  	s22 =	sadd.s32 $0x80, s22  }
0x2f1: {  	s4 =	sand.u32 $0x70, s24;
	s25 =	sand.u32 $0x1C00, s22;
	v3 =	vadd.f32 v4, v3  }
0x2f2: {  	s24 =	sadd.s32 $0x10, s24;
	s25 =	sor.u32 s4, s25  }
0x2f3: {  	v4 =	vld [tilespmem:s25+$0x4200];
	[tilespmem:s23+$0x200] =	vst v3  }
0x2f4: {  	v3 =	vld [tilespmem:s25+$0x200];
	_ =	sdelay $0x4  }
0x2f5: {  	v3 =	vadd.f32 v4, v3;
	_ =	sdelay $0x1  }
0x2f6: {  	[tilespmem:s25+$0x200] =	vst v3  }
0x2f7: {  	v3 =	vld [tilespmem:s20+$0x4280]  }
0x2f8: {  	v4 =	vld [tilespmem:s20+$0x280];
	_ =	sdelay $0x3  }
0x2f9: {  	s22 =	simm.s32 $0x80  }
0x2fa: {  	s4 =	sand.u32 $0x1C00, s22;
	v3 =	vadd.f32 v3, v4  }
0x2fb: {  	s23 =	sor.u32 s21, s4;
	s21 =	simm.s32 $0x20  }
.LBB2_68:
0x2fc: {  	p0 =	sne.s32 s21, $0x3F0;
	v4 =	vld [tilespmem:s23+$0x4280];
	[tilespmem:s20+$0x280] =	vst v3;
	s20 =	smov.u32 s23  }
0x2fd: {  	v3 =	vld [tilespmem:s20+$0x280];
	_ =	sdelay $0x1  }
.Ltmp33:
0x2fe: {  	(pc) =	sbr.rel @p0 .LBB2_68-.Ltmp33, $4  }
0x2ff: {  	_ = 	snop  }
0x300: {  	s22 =	sadd.s32 $0x80, s22  }
0x301: {  	s4 =	sand.u32 $0x70, s21;
	s23 =	sand.u32 $0x1C00, s22;
	v3 =	vadd.f32 v4, v3  }
0x302: {  	s21 =	sadd.s32 $0x10, s21;
	s23 =	sor.u32 s4, s23  }
0x303: {  	v4 =	vld [tilespmem:s23+$0x4280];
	[tilespmem:s20+$0x280] =	vst v3  }
0x304: {  	v3 =	vld [tilespmem:s23+$0x280];
	_ =	sdelay $0x4  }
0x305: {  	s4 =	simm.s32 $0x0;
	v3 =	vadd.f32 v4, v3  }
0x306: {  	s24 =	sand.u32 $0x70, s4;
	s4 =	sand.u32 $0x1C00, s4  }
0x307: {  	s20 =	sor.u32 s24, s4;
	[tilespmem:s23+$0x280] =	vst v3  }
0x308: {  	v3 =	vld [tilespmem:s20+$0x4300]  }
0x309: {  	v4 =	vld [tilespmem:s20+$0x300];
	_ =	sdelay $0x3  }
0x30a: {  	s25 =	simm.s32 $0x10;
	s22 =	simm.s32 $0x80  }
0x30b: {  	s21 =	sand.u32 $0x70, s25;
	s26 =	sand.u32 $0x1C00, s22;
	v3 =	vadd.f32 v3, v4  }
0x30c: {  	s25 =	sor.u32 s21, s26;
	s24 =	simm.s32 $0x20;
	s23 =	smov.u32 s20  }
.LBB2_70:
0x30d: {  	p0 =	sne.s32 s24, $0x3F0;
	v4 =	vld [tilespmem:s25+$0x4300];
	[tilespmem:s23+$0x300] =	vst v3;
	s23 =	smov.u32 s25  }
0x30e: {  	v3 =	vld [tilespmem:s23+$0x300];
	_ =	sdelay $0x1  }
.Ltmp34:
0x30f: {  	(pc) =	sbr.rel @p0 .LBB2_70-.Ltmp34, $4  }
0x310: {  	_ = 	snop  }
0x311: {  	s22 =	sadd.s32 $0x80, s22  }
0x312: {  	s4 =	sand.u32 $0x70, s24;
	s25 =	sand.u32 $0x1C00, s22;
	v3 =	vadd.f32 v4, v3  }
0x313: {  	s24 =	sadd.s32 $0x10, s24;
	s25 =	sor.u32 s4, s25  }
0x314: {  	v4 =	vld [tilespmem:s25+$0x4300];
	[tilespmem:s23+$0x300] =	vst v3  }
0x315: {  	v3 =	vld [tilespmem:s25+$0x300];
	_ =	sdelay $0x4  }
0x316: {  	v3 =	vadd.f32 v4, v3;
	_ =	sdelay $0x1  }
0x317: {  	[tilespmem:s25+$0x300] =	vst v3  }
0x318: {  	v3 =	vld [tilespmem:s20+$0x4380]  }
0x319: {  	v4 =	vld [tilespmem:s20+$0x380];
	_ =	sdelay $0x3  }
0x31a: {  	s22 =	simm.s32 $0x80  }
0x31b: {  	s4 =	sand.u32 $0x1C00, s22;
	v3 =	vadd.f32 v3, v4  }
0x31c: {  	s23 =	sor.u32 s21, s4;
	s21 =	simm.s32 $0x20  }
.LBB2_72:
0x31d: {  	p0 =	sne.s32 s21, $0x3F0;
	v4 =	vld [tilespmem:s23+$0x4380];
	[tilespmem:s20+$0x380] =	vst v3;
	s20 =	smov.u32 s23  }
0x31e: {  	v3 =	vld [tilespmem:s20+$0x380];
	_ =	sdelay $0x1  }
.Ltmp35:
0x31f: {  	(pc) =	sbr.rel @p0 .LBB2_72-.Ltmp35, $4  }
0x320: {  	_ = 	snop  }
0x321: {  	s22 =	sadd.s32 $0x80, s22  }
0x322: {  	s4 =	sand.u32 $0x70, s21;
	s23 =	sand.u32 $0x1C00, s22;
	v3 =	vadd.f32 v4, v3  }
0x323: {  	s21 =	sadd.s32 $0x10, s21;
	s23 =	sor.u32 s4, s23  }
0x324: {  	v4 =	vld [tilespmem:s23+$0x4380];
	[tilespmem:s20+$0x380] =	vst v3  }
0x325: {  	v3 =	vld [tilespmem:s23+$0x380];
	_ =	sdelay $0x4  }
0x326: {  	s4 =	simm.s32 $0x0;
	v3 =	vadd.f32 v4, v3  }
0x327: {  	s24 =	sand.u32 $0x70, s4;
	s4 =	sand.u32 $0x1C00, s4  }
0x328: {  	s20 =	sor.u32 s24, s4;
	[tilespmem:s23+$0x380] =	vst v3  }
0x329: {  	v3 =	vld [tilespmem:s20+$0x4400]  }
0x32a: {  	v4 =	vld [tilespmem:s20+$0x400];
	_ =	sdelay $0x3  }
0x32b: {  	s25 =	simm.s32 $0x10;
	s22 =	simm.s32 $0x80  }
0x32c: {  	s21 =	sand.u32 $0x70, s25;
	s26 =	sand.u32 $0x1C00, s22;
	v3 =	vadd.f32 v3, v4  }
0x32d: {  	s25 =	sor.u32 s21, s26;
	s24 =	simm.s32 $0x20;
	s23 =	smov.u32 s20  }
.LBB2_74:
0x32e: {  	p0 =	sne.s32 s24, $0x3F0;
	v4 =	vld [tilespmem:s25+$0x4400];
	[tilespmem:s23+$0x400] =	vst v3;
	s23 =	smov.u32 s25  }
0x32f: {  	v3 =	vld [tilespmem:s23+$0x400];
	_ =	sdelay $0x1  }
.Ltmp36:
0x330: {  	(pc) =	sbr.rel @p0 .LBB2_74-.Ltmp36, $4  }
0x331: {  	_ = 	snop  }
0x332: {  	s22 =	sadd.s32 $0x80, s22  }
0x333: {  	s4 =	sand.u32 $0x70, s24;
	s25 =	sand.u32 $0x1C00, s22;
	v3 =	vadd.f32 v4, v3  }
0x334: {  	s24 =	sadd.s32 $0x10, s24;
	s25 =	sor.u32 s4, s25  }
0x335: {  	v4 =	vld [tilespmem:s25+$0x4400];
	[tilespmem:s23+$0x400] =	vst v3  }
0x336: {  	v3 =	vld [tilespmem:s25+$0x400];
	_ =	sdelay $0x4  }
0x337: {  	v3 =	vadd.f32 v4, v3;
	_ =	sdelay $0x1  }
0x338: {  	[tilespmem:s25+$0x400] =	vst v3  }
0x339: {  	v3 =	vld [tilespmem:s20+$0x4480]  }
0x33a: {  	v4 =	vld [tilespmem:s20+$0x480];
	_ =	sdelay $0x3  }
0x33b: {  	s22 =	simm.s32 $0x80  }
0x33c: {  	s4 =	sand.u32 $0x1C00, s22;
	v3 =	vadd.f32 v3, v4  }
0x33d: {  	s23 =	sor.u32 s21, s4;
	s21 =	simm.s32 $0x20  }
.LBB2_76:
0x33e: {  	p0 =	sne.s32 s21, $0x3F0;
	v4 =	vld [tilespmem:s23+$0x4480];
	[tilespmem:s20+$0x480] =	vst v3;
	s20 =	smov.u32 s23  }
0x33f: {  	v3 =	vld [tilespmem:s20+$0x480];
	_ =	sdelay $0x1  }
.Ltmp37:
0x340: {  	(pc) =	sbr.rel @p0 .LBB2_76-.Ltmp37, $4  }
0x341: {  	_ = 	snop  }
0x342: {  	s22 =	sadd.s32 $0x80, s22  }
0x343: {  	s4 =	sand.u32 $0x70, s21;
	s23 =	sand.u32 $0x1C00, s22;
	v3 =	vadd.f32 v4, v3  }
0x344: {  	s21 =	sadd.s32 $0x10, s21;
	s23 =	sor.u32 s4, s23  }
0x345: {  	v4 =	vld [tilespmem:s23+$0x4480];
	[tilespmem:s20+$0x480] =	vst v3  }
0x346: {  	v3 =	vld [tilespmem:s23+$0x480];
	_ =	sdelay $0x4  }
0x347: {  	s20 =	simm.s32 $0x0;
	v3 =	vadd.f32 v4, v3  }
0x348: {  	s4 =	sand.u32 $0x70, s20;
	s21 =	sand.u32 $0x1C00, s20  }
0x349: {  	s22 =	sor.u32 s4, s21;
	[tilespmem:s23+$0x480] =	vst v3  }
0x34a: {  	v3 =	vld [tilespmem:s22+$0x4500]  }
0x34b: {  	v4 =	vld [tilespmem:s22+$0x500];
	_ =	sdelay $0x3  }
0x34c: {  	s21 =	simm.s32 $0x10;
	s23 =	simm.s32 $0x80  }
0x34d: {  	s26 =	sand.u32 $0x70, s21;
	s24 =	sand.u32 $0x1C00, s23;
	v3 =	vadd.f32 v3, v4  }
0x34e: {  	s25 =	simm.s32 $0x20;
	s26 =	sor.u32 s26, s24;
	s24 =	smov.u32 s22  }
.LBB2_78:
0x34f: {  	p0 =	sne.s32 s25, $0x3F0;
	v4 =	vld [tilespmem:s26+$0x4500];
	[tilespmem:s24+$0x500] =	vst v3;
	s24 =	smov.u32 s26  }
0x350: {  	v3 =	vld [tilespmem:s24+$0x500];
	_ =	sdelay $0x1  }
.Ltmp38:
0x351: {  	(pc) =	sbr.rel @p0 .LBB2_78-.Ltmp38, $4  }
0x352: {  	_ = 	snop  }
0x353: {  	s23 =	sadd.s32 $0x80, s23  }
0x354: {  	s4 =	sand.u32 $0x70, s25;
	s26 =	sand.u32 $0x1C00, s23;
	v3 =	vadd.f32 v4, v3  }
0x355: {  	s25 =	sadd.s32 $0x10, s25;
	s26 =	sor.u32 s4, s26  }
0x356: {  	v4 =	vld [tilespmem:s26+$0x4500];
	[tilespmem:s24+$0x500] =	vst v3  }
0x357: {  	v3 =	vld [tilespmem:s26+$0x500];
	_ =	sdelay $0x4  }
0x358: {  	v3 =	vadd.f32 v4, v3;
	_ =	sdelay $0x1  }
0x359: {  	s23 =	sor.u32 s20, s20;
	[tilespmem:s26+$0x500] =	vst v3  }
.LBB2_80:
0x35a: {  	p0 =	sne.s32 s21, $0x3F0;
	s4 =	sor.u32 $0x380, s23;
	v3 =	vld [tilespmem:s22+$0x4580]  }
0x35b: {  	v4 =	vld [tilespmem:s4+$0x200];
	_ =	sdelay $0x2  }
.Ltmp39:
0x35c: {  	(pc) =	sbr.rel @p0 .LBB2_80-.Ltmp39, $4  }
0x35d: {  	_ = 	snop  }
0x35e: {  	s20 =	sadd.s32 $0x80, s20;
	v3 =	vadd.f32 v3, v4  }
0x35f: {  	s22 =	sand.u32 $0x70, s21;
	s24 =	sand.u32 $0x1C00, s20  }
0x360: {  	s23 =	sor.u32 s20, s21;
	s21 =	sadd.s32 $0x10, s21;
	s22 =	sor.u32 s22, s24;
	[tilespmem:s4+$0x200] =	vst v3  }
0x361: {  	s4 =	sor.u32 $0x380, s23;
	v3 =	vld [tilespmem:s22+$0x4580]  }
0x362: {  	v4 =	vld [tilespmem:s4+$0x200];
	_ =	sdelay $0x4  }
0x363: {  	s20 =	simm.s32 $0x0;
	v3 =	vadd.f32 v3, v4  }
0x364: {  	s21 =	sand.u32 $0x70, s20;
	s20 =	sand.u32 $0x1C00, s20  }
0x365: {  	s20 =	sor.u32 s21, s20;
	[tilespmem:s4+$0x200] =	vst v3  }
0x366: {  	v3 =	vld [tilespmem:s20+$0x6200]  }
0x367: {  	v4 =	vld [tilespmem:s20+$0x2200];
	_ =	sdelay $0x3  }
0x368: {  	s25 =	simm.s32 $0x10;
	s22 =	simm.s32 $0x80  }
0x369: {  	s26 =	sand.u32 $0x1C00, s22;
	s21 =	sand.u32 $0x70, s25;
	v3 =	vadd.f32 v3, v4  }
0x36a: {  	s24 =	simm.s32 $0x20;
	s25 =	sor.u32 s21, s26;
	s23 =	smov.u32 s20  }
.LBB2_82:
0x36b: {  	p0 =	sne.s32 s24, $0x3F0;
	v4 =	vld [tilespmem:s25+$0x6200];
	[tilespmem:s23+$0x2200] =	vst v3;
	s23 =	smov.u32 s25  }
0x36c: {  	v3 =	vld [tilespmem:s23+$0x2200];
	_ =	sdelay $0x1  }
.Ltmp40:
0x36d: {  	(pc) =	sbr.rel @p0 .LBB2_82-.Ltmp40, $4  }
0x36e: {  	_ = 	snop  }
0x36f: {  	s22 =	sadd.s32 $0x80, s22  }
0x370: {  	s4 =	sand.u32 $0x70, s24;
	s25 =	sand.u32 $0x1C00, s22;
	v3 =	vadd.f32 v4, v3  }
0x371: {  	s24 =	sadd.s32 $0x10, s24;
	s25 =	sor.u32 s4, s25  }
0x372: {  	v4 =	vld [tilespmem:s25+$0x6200];
	[tilespmem:s23+$0x2200] =	vst v3  }
0x373: {  	v3 =	vld [tilespmem:s25+$0x2200];
	_ =	sdelay $0x4  }
0x374: {  	v3 =	vadd.f32 v4, v3;
	_ =	sdelay $0x1  }
0x375: {  	[tilespmem:s25+$0x2200] =	vst v3  }
0x376: {  	v3 =	vld [tilespmem:s20+$0x6280]  }
0x377: {  	v4 =	vld [tilespmem:s20+$0x2280];
	_ =	sdelay $0x3  }
0x378: {  	s22 =	simm.s32 $0x80  }
0x379: {  	s4 =	sand.u32 $0x1C00, s22;
	v3 =	vadd.f32 v3, v4  }
0x37a: {  	s23 =	sor.u32 s21, s4;
	s21 =	simm.s32 $0x20  }
.LBB2_84:
0x37b: {  	p0 =	sne.s32 s21, $0x3F0;
	v4 =	vld [tilespmem:s23+$0x6280];
	[tilespmem:s20+$0x2280] =	vst v3;
	s20 =	smov.u32 s23  }
0x37c: {  	v3 =	vld [tilespmem:s20+$0x2280];
	_ =	sdelay $0x1  }
.Ltmp41:
0x37d: {  	(pc) =	sbr.rel @p0 .LBB2_84-.Ltmp41, $4  }
0x37e: {  	_ = 	snop  }
0x37f: {  	s22 =	sadd.s32 $0x80, s22  }
0x380: {  	s4 =	sand.u32 $0x70, s21;
	s23 =	sand.u32 $0x1C00, s22;
	v3 =	vadd.f32 v4, v3  }
0x381: {  	s21 =	sadd.s32 $0x10, s21;
	s23 =	sor.u32 s4, s23  }
0x382: {  	v4 =	vld [tilespmem:s23+$0x6280];
	[tilespmem:s20+$0x2280] =	vst v3  }
0x383: {  	v3 =	vld [tilespmem:s23+$0x2280];
	_ =	sdelay $0x4  }
0x384: {  	s4 =	simm.s32 $0x0;
	v3 =	vadd.f32 v4, v3  }
0x385: {  	s24 =	sand.u32 $0x70, s4;
	s4 =	sand.u32 $0x1C00, s4  }
0x386: {  	s20 =	sor.u32 s24, s4;
	[tilespmem:s23+$0x2280] =	vst v3  }
0x387: {  	v3 =	vld [tilespmem:s20+$0x6300]  }
0x388: {  	v4 =	vld [tilespmem:s20+$0x2300];
	_ =	sdelay $0x3  }
0x389: {  	s25 =	simm.s32 $0x10;
	s22 =	simm.s32 $0x80  }
0x38a: {  	s21 =	sand.u32 $0x70, s25;
	s26 =	sand.u32 $0x1C00, s22;
	v3 =	vadd.f32 v3, v4  }
0x38b: {  	s25 =	sor.u32 s21, s26;
	s24 =	simm.s32 $0x20;
	s23 =	smov.u32 s20  }
.LBB2_86:
0x38c: {  	p0 =	sne.s32 s24, $0x3F0;
	v4 =	vld [tilespmem:s25+$0x6300];
	[tilespmem:s23+$0x2300] =	vst v3;
	s23 =	smov.u32 s25  }
0x38d: {  	v3 =	vld [tilespmem:s23+$0x2300];
	_ =	sdelay $0x1  }
.Ltmp42:
0x38e: {  	(pc) =	sbr.rel @p0 .LBB2_86-.Ltmp42, $4  }
0x38f: {  	_ = 	snop  }
0x390: {  	s22 =	sadd.s32 $0x80, s22  }
0x391: {  	s4 =	sand.u32 $0x70, s24;
	s25 =	sand.u32 $0x1C00, s22;
	v3 =	vadd.f32 v4, v3  }
0x392: {  	s24 =	sadd.s32 $0x10, s24;
	s25 =	sor.u32 s4, s25  }
0x393: {  	v4 =	vld [tilespmem:s25+$0x6300];
	[tilespmem:s23+$0x2300] =	vst v3  }
0x394: {  	v3 =	vld [tilespmem:s25+$0x2300];
	_ =	sdelay $0x4  }
0x395: {  	v3 =	vadd.f32 v4, v3;
	_ =	sdelay $0x1  }
0x396: {  	[tilespmem:s25+$0x2300] =	vst v3  }
0x397: {  	v3 =	vld [tilespmem:s20+$0x6380]  }
0x398: {  	v4 =	vld [tilespmem:s20+$0x2380];
	_ =	sdelay $0x3  }
0x399: {  	s22 =	simm.s32 $0x80  }
0x39a: {  	s4 =	sand.u32 $0x1C00, s22;
	v3 =	vadd.f32 v3, v4  }
0x39b: {  	s23 =	sor.u32 s21, s4;
	s21 =	simm.s32 $0x20  }
.LBB2_88:
0x39c: {  	p0 =	sne.s32 s21, $0x3F0;
	v4 =	vld [tilespmem:s23+$0x6380];
	[tilespmem:s20+$0x2380] =	vst v3;
	s20 =	smov.u32 s23  }
0x39d: {  	v3 =	vld [tilespmem:s20+$0x2380];
	_ =	sdelay $0x1  }
.Ltmp43:
0x39e: {  	(pc) =	sbr.rel @p0 .LBB2_88-.Ltmp43, $4  }
0x39f: {  	_ = 	snop  }
0x3a0: {  	s22 =	sadd.s32 $0x80, s22  }
0x3a1: {  	s4 =	sand.u32 $0x70, s21;
	s23 =	sand.u32 $0x1C00, s22;
	v3 =	vadd.f32 v4, v3  }
0x3a2: {  	s21 =	sadd.s32 $0x10, s21;
	s23 =	sor.u32 s4, s23  }
0x3a3: {  	v4 =	vld [tilespmem:s23+$0x6380];
	[tilespmem:s20+$0x2380] =	vst v3  }
0x3a4: {  	v3 =	vld [tilespmem:s23+$0x2380];
	_ =	sdelay $0x4  }
0x3a5: {  	s4 =	simm.s32 $0x0;
	v3 =	vadd.f32 v4, v3  }
0x3a6: {  	s24 =	sand.u32 $0x70, s4;
	s4 =	sand.u32 $0x1C00, s4  }
0x3a7: {  	s20 =	sor.u32 s24, s4;
	[tilespmem:s23+$0x2380] =	vst v3  }
0x3a8: {  	v3 =	vld [tilespmem:s20+$0x6400]  }
0x3a9: {  	v4 =	vld [tilespmem:s20+$0x2400];
	_ =	sdelay $0x3  }
0x3aa: {  	s25 =	simm.s32 $0x10;
	s22 =	simm.s32 $0x80  }
0x3ab: {  	s21 =	sand.u32 $0x70, s25;
	s26 =	sand.u32 $0x1C00, s22;
	v3 =	vadd.f32 v3, v4  }
0x3ac: {  	s25 =	sor.u32 s21, s26;
	s24 =	simm.s32 $0x20;
	s23 =	smov.u32 s20  }
.LBB2_90:
0x3ad: {  	p0 =	sne.s32 s24, $0x3F0;
	v4 =	vld [tilespmem:s25+$0x6400];
	[tilespmem:s23+$0x2400] =	vst v3;
	s23 =	smov.u32 s25  }
0x3ae: {  	v3 =	vld [tilespmem:s23+$0x2400];
	_ =	sdelay $0x1  }
.Ltmp44:
0x3af: {  	(pc) =	sbr.rel @p0 .LBB2_90-.Ltmp44, $4  }
0x3b0: {  	_ = 	snop  }
0x3b1: {  	s22 =	sadd.s32 $0x80, s22  }
0x3b2: {  	s4 =	sand.u32 $0x70, s24;
	s25 =	sand.u32 $0x1C00, s22;
	v3 =	vadd.f32 v4, v3  }
0x3b3: {  	s24 =	sadd.s32 $0x10, s24;
	s25 =	sor.u32 s4, s25  }
0x3b4: {  	v4 =	vld [tilespmem:s25+$0x6400];
	[tilespmem:s23+$0x2400] =	vst v3  }
0x3b5: {  	v3 =	vld [tilespmem:s25+$0x2400];
	_ =	sdelay $0x4  }
0x3b6: {  	v3 =	vadd.f32 v4, v3;
	_ =	sdelay $0x1  }
0x3b7: {  	[tilespmem:s25+$0x2400] =	vst v3  }
0x3b8: {  	v3 =	vld [tilespmem:s20+$0x6480]  }
0x3b9: {  	v4 =	vld [tilespmem:s20+$0x2480];
	_ =	sdelay $0x3  }
0x3ba: {  	s22 =	simm.s32 $0x80  }
0x3bb: {  	s4 =	sand.u32 $0x1C00, s22;
	v3 =	vadd.f32 v3, v4  }
0x3bc: {  	s23 =	sor.u32 s21, s4;
	s21 =	simm.s32 $0x20  }
.LBB2_92:
0x3bd: {  	p0 =	sne.s32 s21, $0x3F0;
	v4 =	vld [tilespmem:s23+$0x6480];
	[tilespmem:s20+$0x2480] =	vst v3;
	s20 =	smov.u32 s23  }
0x3be: {  	v3 =	vld [tilespmem:s20+$0x2480];
	_ =	sdelay $0x1  }
.Ltmp45:
0x3bf: {  	(pc) =	sbr.rel @p0 .LBB2_92-.Ltmp45, $4  }
0x3c0: {  	_ = 	snop  }
0x3c1: {  	s22 =	sadd.s32 $0x80, s22  }
0x3c2: {  	s4 =	sand.u32 $0x70, s21;
	s23 =	sand.u32 $0x1C00, s22;
	v3 =	vadd.f32 v4, v3  }
0x3c3: {  	s21 =	sadd.s32 $0x10, s21;
	s23 =	sor.u32 s4, s23  }
0x3c4: {  	v4 =	vld [tilespmem:s23+$0x6480];
	[tilespmem:s20+$0x2480] =	vst v3  }
0x3c5: {  	v3 =	vld [tilespmem:s23+$0x2480];
	_ =	sdelay $0x4  }
0x3c6: {  	s4 =	simm.s32 $0x0;
	v3 =	vadd.f32 v4, v3  }
0x3c7: {  	s24 =	sand.u32 $0x70, s4;
	s4 =	sand.u32 $0x1C00, s4  }
0x3c8: {  	s20 =	sor.u32 s24, s4;
	[tilespmem:s23+$0x2480] =	vst v3  }
0x3c9: {  	v3 =	vld [tilespmem:s20+$0x6500]  }
0x3ca: {  	v4 =	vld [tilespmem:s20+$0x2500];
	_ =	sdelay $0x3  }
0x3cb: {  	s25 =	simm.s32 $0x10;
	s22 =	simm.s32 $0x80  }
0x3cc: {  	s21 =	sand.u32 $0x70, s25;
	s26 =	sand.u32 $0x1C00, s22;
	v3 =	vadd.f32 v3, v4  }
0x3cd: {  	s25 =	sor.u32 s21, s26;
	s24 =	simm.s32 $0x20;
	s23 =	smov.u32 s20  }
.LBB2_94:
0x3ce: {  	p0 =	sne.s32 s24, $0x3F0;
	v4 =	vld [tilespmem:s25+$0x6500];
	[tilespmem:s23+$0x2500] =	vst v3;
	s23 =	smov.u32 s25  }
0x3cf: {  	v3 =	vld [tilespmem:s23+$0x2500];
	_ =	sdelay $0x1  }
.Ltmp46:
0x3d0: {  	(pc) =	sbr.rel @p0 .LBB2_94-.Ltmp46, $4  }
0x3d1: {  	_ = 	snop  }
0x3d2: {  	s22 =	sadd.s32 $0x80, s22  }
0x3d3: {  	s4 =	sand.u32 $0x70, s24;
	s25 =	sand.u32 $0x1C00, s22;
	v3 =	vadd.f32 v4, v3  }
0x3d4: {  	s24 =	sadd.s32 $0x10, s24;
	s25 =	sor.u32 s4, s25  }
0x3d5: {  	v4 =	vld [tilespmem:s25+$0x6500];
	[tilespmem:s23+$0x2500] =	vst v3  }
0x3d6: {  	v3 =	vld [tilespmem:s25+$0x2500];
	_ =	sdelay $0x4  }
0x3d7: {  	v3 =	vadd.f32 v4, v3;
	_ =	sdelay $0x1  }
0x3d8: {  	[tilespmem:s25+$0x2500] =	vst v3  }
0x3d9: {  	v3 =	vld [tilespmem:s20+$0x6580]  }
0x3da: {  	v4 =	vld [tilespmem:s20+$0x2580];
	_ =	sdelay $0x3  }
0x3db: {  	s22 =	simm.s32 $0x80  }
0x3dc: {  	s4 =	sand.u32 $0x1C00, s22;
	v3 =	vadd.f32 v3, v4  }
0x3dd: {  	s23 =	sor.u32 s21, s4;
	s21 =	simm.s32 $0x20  }
.LBB2_96:
0x3de: {  	p0 =	sne.s32 s21, $0x3F0;
	v4 =	vld [tilespmem:s23+$0x6580];
	[tilespmem:s20+$0x2580] =	vst v3;
	s20 =	smov.u32 s23  }
0x3df: {  	v3 =	vld [tilespmem:s20+$0x2580];
	_ =	sdelay $0x1  }
.Ltmp47:
0x3e0: {  	(pc) =	sbr.rel @p0 .LBB2_96-.Ltmp47, $4  }
0x3e1: {  	_ = 	snop  }
0x3e2: {  	s22 =	sadd.s32 $0x80, s22  }
0x3e3: {  	s4 =	sand.u32 $0x70, s21;
	s23 =	sand.u32 $0x1C00, s22;
	v3 =	vadd.f32 v4, v3  }
0x3e4: {  	s21 =	sadd.s32 $0x10, s21;
	s23 =	sor.u32 s4, s23  }
0x3e5: {  	v4 =	vld [tilespmem:s23+$0x6580];
	[tilespmem:s20+$0x2580] =	vst v3  }
0x3e6: {  	v3 =	vld [tilespmem:s23+$0x2580];
	_ =	sdelay $0x4  }
0x3e7: {  	v3 =	vadd.f32 v4, v3;
	_ =	sdelay $0x1  }
0x3e8: {  	s4 =	simm.s32 $0x0;
	[tilespmem:s23+$0x2580] =	vst v3  }
0x3e9: {  	[hbm4b:s11+s4] =	stream.linear.scatter [tilespmem:s16], [sflag:$0x3], $0x4000, $0x38;
	[tilespmem:$0x10200] =	vst v63  }
0x3ea: {  	_ =	swait.ge [sflag:s17], $0x8000  }
0x3eb: {  	s24 =	sand.u32 $0x70, s4;
	s4 =	sand.u32 $0x1C00, s4;
	[sflag:s17] =	ssyncset.done $0x0  }
0x3ec: {  	s20 =	sor.u32 s24, s4;
	[sflag:s17] =	ssyncadd.s32 $0xFFFF8000  }
0x3ed: {  	v3 =	vld [tilespmem:s20+$0xC200]  }
0x3ee: {  	v4 =	vld [tilespmem:s20+$0x8200];
	_ =	sdelay $0x3  }
0x3ef: {  	s25 =	simm.s32 $0x10;
	s22 =	simm.s32 $0x80  }
0x3f0: {  	s21 =	sand.u32 $0x70, s25;
	s26 =	sand.u32 $0x1C00, s22;
	v3 =	vadd.f32 v3, v4  }
0x3f1: {  	s25 =	sor.u32 s21, s26;
	s24 =	simm.s32 $0x20;
	s23 =	smov.u32 s20  }
.LBB2_98:
0x3f2: {  	p0 =	sne.s32 s24, $0x3F0;
	v4 =	vld [tilespmem:s25+$0xC200];
	[tilespmem:s23+$0x8200] =	vst v3;
	s23 =	smov.u32 s25  }
0x3f3: {  	v3 =	vld [tilespmem:s23+$0x8200];
	_ =	sdelay $0x1  }
.Ltmp48:
0x3f4: {  	(pc) =	sbr.rel @p0 .LBB2_98-.Ltmp48, $4  }
0x3f5: {  	_ = 	snop  }
0x3f6: {  	s22 =	sadd.s32 $0x80, s22  }
0x3f7: {  	s4 =	sand.u32 $0x70, s24;
	s25 =	sand.u32 $0x1C00, s22;
	v3 =	vadd.f32 v4, v3  }
0x3f8: {  	s24 =	sadd.s32 $0x10, s24;
	s25 =	sor.u32 s4, s25  }
0x3f9: {  	v4 =	vld [tilespmem:s25+$0xC200];
	[tilespmem:s23+$0x8200] =	vst v3  }
0x3fa: {  	v3 =	vld [tilespmem:s25+$0x8200];
	_ =	sdelay $0x4  }
0x3fb: {  	v3 =	vadd.f32 v4, v3;
	_ =	sdelay $0x1  }
0x3fc: {  	[tilespmem:s25+$0x8200] =	vst v3  }
0x3fd: {  	v3 =	vld [tilespmem:s20+$0xC280]  }
0x3fe: {  	v4 =	vld [tilespmem:s20+$0x8280];
	_ =	sdelay $0x3  }
0x3ff: {  	s22 =	simm.s32 $0x80  }
0x400: {  	s4 =	sand.u32 $0x1C00, s22;
	v3 =	vadd.f32 v3, v4  }
0x401: {  	s23 =	sor.u32 s21, s4;
	s21 =	simm.s32 $0x20  }
.LBB2_100:
0x402: {  	p0 =	sne.s32 s21, $0x3F0;
	v4 =	vld [tilespmem:s23+$0xC280];
	[tilespmem:s20+$0x8280] =	vst v3;
	s20 =	smov.u32 s23  }
0x403: {  	v3 =	vld [tilespmem:s20+$0x8280];
	_ =	sdelay $0x1  }
.Ltmp49:
0x404: {  	(pc) =	sbr.rel @p0 .LBB2_100-.Ltmp49, $4  }
0x405: {  	_ = 	snop  }
0x406: {  	s22 =	sadd.s32 $0x80, s22  }
0x407: {  	s4 =	sand.u32 $0x70, s21;
	s23 =	sand.u32 $0x1C00, s22;
	v3 =	vadd.f32 v4, v3  }
0x408: {  	s21 =	sadd.s32 $0x10, s21;
	s23 =	sor.u32 s4, s23  }
0x409: {  	v4 =	vld [tilespmem:s23+$0xC280];
	[tilespmem:s20+$0x8280] =	vst v3  }
0x40a: {  	v3 =	vld [tilespmem:s23+$0x8280];
	_ =	sdelay $0x4  }
0x40b: {  	s4 =	simm.s32 $0x0;
	v3 =	vadd.f32 v4, v3  }
0x40c: {  	s24 =	sand.u32 $0x70, s4;
	s4 =	sand.u32 $0x1C00, s4  }
0x40d: {  	s20 =	sor.u32 s24, s4;
	[tilespmem:s23+$0x8280] =	vst v3  }
0x40e: {  	v3 =	vld [tilespmem:s20+$0xC300]  }
0x40f: {  	v4 =	vld [tilespmem:s20+$0x8300];
	_ =	sdelay $0x3  }
0x410: {  	s25 =	simm.s32 $0x10;
	s22 =	simm.s32 $0x80  }
0x411: {  	s21 =	sand.u32 $0x70, s25;
	s26 =	sand.u32 $0x1C00, s22;
	v3 =	vadd.f32 v3, v4  }
0x412: {  	s25 =	sor.u32 s21, s26;
	s24 =	simm.s32 $0x20;
	s23 =	smov.u32 s20  }
.LBB2_102:
0x413: {  	p0 =	sne.s32 s24, $0x3F0;
	v4 =	vld [tilespmem:s25+$0xC300];
	[tilespmem:s23+$0x8300] =	vst v3;
	s23 =	smov.u32 s25  }
0x414: {  	v3 =	vld [tilespmem:s23+$0x8300];
	_ =	sdelay $0x1  }
.Ltmp50:
0x415: {  	(pc) =	sbr.rel @p0 .LBB2_102-.Ltmp50, $4  }
0x416: {  	_ = 	snop  }
0x417: {  	s22 =	sadd.s32 $0x80, s22  }
0x418: {  	s4 =	sand.u32 $0x70, s24;
	s25 =	sand.u32 $0x1C00, s22;
	v3 =	vadd.f32 v4, v3  }
0x419: {  	s24 =	sadd.s32 $0x10, s24;
	s25 =	sor.u32 s4, s25  }
0x41a: {  	v4 =	vld [tilespmem:s25+$0xC300];
	[tilespmem:s23+$0x8300] =	vst v3  }
0x41b: {  	v3 =	vld [tilespmem:s25+$0x8300];
	_ =	sdelay $0x4  }
0x41c: {  	v3 =	vadd.f32 v4, v3;
	_ =	sdelay $0x1  }
0x41d: {  	[tilespmem:s25+$0x8300] =	vst v3  }
0x41e: {  	v3 =	vld [tilespmem:s20+$0xC380]  }
0x41f: {  	v4 =	vld [tilespmem:s20+$0x8380];
	_ =	sdelay $0x3  }
0x420: {  	s22 =	simm.s32 $0x80  }
0x421: {  	s4 =	sand.u32 $0x1C00, s22;
	v3 =	vadd.f32 v3, v4  }
0x422: {  	s23 =	sor.u32 s21, s4;
	s21 =	simm.s32 $0x20  }
.LBB2_104:
0x423: {  	p0 =	sne.s32 s21, $0x3F0;
	v4 =	vld [tilespmem:s23+$0xC380];
	[tilespmem:s20+$0x8380] =	vst v3;
	s20 =	smov.u32 s23  }
0x424: {  	v3 =	vld [tilespmem:s20+$0x8380];
	_ =	sdelay $0x1  }
.Ltmp51:
0x425: {  	(pc) =	sbr.rel @p0 .LBB2_104-.Ltmp51, $4  }
0x426: {  	_ = 	snop  }
0x427: {  	s22 =	sadd.s32 $0x80, s22  }
0x428: {  	s4 =	sand.u32 $0x70, s21;
	s23 =	sand.u32 $0x1C00, s22;
	v3 =	vadd.f32 v4, v3  }
0x429: {  	s21 =	sadd.s32 $0x10, s21;
	s23 =	sor.u32 s4, s23  }
0x42a: {  	v4 =	vld [tilespmem:s23+$0xC380];
	[tilespmem:s20+$0x8380] =	vst v3  }
0x42b: {  	v3 =	vld [tilespmem:s23+$0x8380];
	_ =	sdelay $0x4  }
0x42c: {  	s4 =	simm.s32 $0x0;
	v3 =	vadd.f32 v4, v3  }
0x42d: {  	s24 =	sand.u32 $0x70, s4;
	s4 =	sand.u32 $0x1C00, s4  }
0x42e: {  	s20 =	sor.u32 s24, s4;
	[tilespmem:s23+$0x8380] =	vst v3  }
0x42f: {  	v3 =	vld [tilespmem:s20+$0xC400]  }
0x430: {  	v4 =	vld [tilespmem:s20+$0x8400];
	_ =	sdelay $0x3  }
0x431: {  	s25 =	simm.s32 $0x10;
	s22 =	simm.s32 $0x80  }
0x432: {  	s21 =	sand.u32 $0x70, s25;
	s26 =	sand.u32 $0x1C00, s22;
	v3 =	vadd.f32 v3, v4  }
0x433: {  	s25 =	sor.u32 s21, s26;
	s24 =	simm.s32 $0x20;
	s23 =	smov.u32 s20  }
.LBB2_106:
0x434: {  	p0 =	sne.s32 s24, $0x3F0;
	v4 =	vld [tilespmem:s25+$0xC400];
	[tilespmem:s23+$0x8400] =	vst v3;
	s23 =	smov.u32 s25  }
0x435: {  	v3 =	vld [tilespmem:s23+$0x8400];
	_ =	sdelay $0x1  }
.Ltmp52:
0x436: {  	(pc) =	sbr.rel @p0 .LBB2_106-.Ltmp52, $4  }
0x437: {  	_ = 	snop  }
0x438: {  	s22 =	sadd.s32 $0x80, s22  }
0x439: {  	s4 =	sand.u32 $0x70, s24;
	s25 =	sand.u32 $0x1C00, s22;
	v3 =	vadd.f32 v4, v3  }
0x43a: {  	s24 =	sadd.s32 $0x10, s24;
	s25 =	sor.u32 s4, s25  }
0x43b: {  	v4 =	vld [tilespmem:s25+$0xC400];
	[tilespmem:s23+$0x8400] =	vst v3  }
0x43c: {  	v3 =	vld [tilespmem:s25+$0x8400];
	_ =	sdelay $0x4  }
0x43d: {  	v3 =	vadd.f32 v4, v3;
	_ =	sdelay $0x1  }
0x43e: {  	[tilespmem:s25+$0x8400] =	vst v3  }
0x43f: {  	v3 =	vld [tilespmem:s20+$0xC480]  }
0x440: {  	v4 =	vld [tilespmem:s20+$0x8480];
	_ =	sdelay $0x3  }
0x441: {  	s22 =	simm.s32 $0x80  }
0x442: {  	s4 =	sand.u32 $0x1C00, s22;
	v3 =	vadd.f32 v3, v4  }
0x443: {  	s23 =	sor.u32 s21, s4;
	s21 =	simm.s32 $0x20  }
.LBB2_108:
0x444: {  	p0 =	sne.s32 s21, $0x3F0;
	v4 =	vld [tilespmem:s23+$0xC480];
	[tilespmem:s20+$0x8480] =	vst v3;
	s20 =	smov.u32 s23  }
0x445: {  	v3 =	vld [tilespmem:s20+$0x8480];
	_ =	sdelay $0x1  }
.Ltmp53:
0x446: {  	(pc) =	sbr.rel @p0 .LBB2_108-.Ltmp53, $4  }
0x447: {  	_ = 	snop  }
0x448: {  	s22 =	sadd.s32 $0x80, s22  }
0x449: {  	s4 =	sand.u32 $0x70, s21;
	s23 =	sand.u32 $0x1C00, s22;
	v3 =	vadd.f32 v4, v3  }
0x44a: {  	s21 =	sadd.s32 $0x10, s21;
	s23 =	sor.u32 s4, s23  }
0x44b: {  	v4 =	vld [tilespmem:s23+$0xC480];
	[tilespmem:s20+$0x8480] =	vst v3  }
0x44c: {  	v3 =	vld [tilespmem:s23+$0x8480];
	_ =	sdelay $0x4  }
0x44d: {  	s20 =	simm.s32 $0x0;
	v3 =	vadd.f32 v4, v3  }
0x44e: {  	s4 =	sand.u32 $0x70, s20;
	s21 =	sand.u32 $0x1C00, s20  }
0x44f: {  	s22 =	sor.u32 s4, s21;
	[tilespmem:s23+$0x8480] =	vst v3  }
0x450: {  	v3 =	vld [tilespmem:s22+$0xC500]  }
0x451: {  	v4 =	vld [tilespmem:s22+$0x8500];
	_ =	sdelay $0x3  }
0x452: {  	s21 =	simm.s32 $0x10;
	s23 =	simm.s32 $0x80  }
0x453: {  	s26 =	sand.u32 $0x70, s21;
	s24 =	sand.u32 $0x1C00, s23;
	v3 =	vadd.f32 v3, v4  }
0x454: {  	s25 =	simm.s32 $0x20;
	s26 =	sor.u32 s26, s24;
	s24 =	smov.u32 s22  }
.LBB2_110:
0x455: {  	p0 =	sne.s32 s25, $0x3F0;
	v4 =	vld [tilespmem:s26+$0xC500];
	[tilespmem:s24+$0x8500] =	vst v3;
	s24 =	smov.u32 s26  }
0x456: {  	v3 =	vld [tilespmem:s24+$0x8500];
	_ =	sdelay $0x1  }
.Ltmp54:
0x457: {  	(pc) =	sbr.rel @p0 .LBB2_110-.Ltmp54, $4  }
0x458: {  	_ = 	snop  }
0x459: {  	s23 =	sadd.s32 $0x80, s23  }
0x45a: {  	s4 =	sand.u32 $0x70, s25;
	s26 =	sand.u32 $0x1C00, s23;
	v3 =	vadd.f32 v4, v3  }
0x45b: {  	s25 =	sadd.s32 $0x10, s25;
	s26 =	sor.u32 s4, s26  }
0x45c: {  	v4 =	vld [tilespmem:s26+$0xC500];
	[tilespmem:s24+$0x8500] =	vst v3  }
0x45d: {  	v3 =	vld [tilespmem:s26+$0x8500];
	_ =	sdelay $0x4  }
0x45e: {  	v3 =	vadd.f32 v4, v3;
	_ =	sdelay $0x1  }
0x45f: {  	s23 =	sor.u32 s20, s20;
	[tilespmem:s26+$0x8500] =	vst v3  }
.LBB2_112:
0x460: {  	p0 =	sne.s32 s21, $0x3F0;
	s4 =	sor.u32 $0x380, s23;
	v3 =	vld [tilespmem:s22+$0xC580]  }
0x461: {  	v4 =	vld [tilespmem:s4+$0x8200];
	_ =	sdelay $0x2  }
.Ltmp55:
0x462: {  	(pc) =	sbr.rel @p0 .LBB2_112-.Ltmp55, $4  }
0x463: {  	_ = 	snop  }
0x464: {  	s20 =	sadd.s32 $0x80, s20;
	v3 =	vadd.f32 v3, v4  }
0x465: {  	s22 =	sand.u32 $0x70, s21;
	s24 =	sand.u32 $0x1C00, s20  }
0x466: {  	s23 =	sor.u32 s20, s21;
	s21 =	sadd.s32 $0x10, s21;
	s22 =	sor.u32 s22, s24;
	[tilespmem:s4+$0x8200] =	vst v3  }
0x467: {  	s4 =	sor.u32 $0x380, s23;
	v3 =	vld [tilespmem:s22+$0xC580]  }
0x468: {  	v4 =	vld [tilespmem:s4+$0x8200];
	_ =	sdelay $0x4  }
0x469: {  	s20 =	simm.s32 $0x0;
	v3 =	vadd.f32 v3, v4  }
0x46a: {  	s21 =	sand.u32 $0x70, s20;
	s20 =	sand.u32 $0x1C00, s20  }
0x46b: {  	s20 =	sor.u32 s21, s20;
	[tilespmem:s4+$0x8200] =	vst v3  }
0x46c: {  	v3 =	vld [tilespmem:s20+$0xE200]  }
0x46d: {  	v4 =	vld [tilespmem:s20+$0xA200];
	_ =	sdelay $0x3  }
0x46e: {  	s25 =	simm.s32 $0x10;
	s22 =	simm.s32 $0x80  }
0x46f: {  	s26 =	sand.u32 $0x1C00, s22;
	s21 =	sand.u32 $0x70, s25;
	v3 =	vadd.f32 v3, v4  }
0x470: {  	s24 =	simm.s32 $0x20;
	s25 =	sor.u32 s21, s26;
	s23 =	smov.u32 s20  }
.LBB2_114:
0x471: {  	p0 =	sne.s32 s24, $0x3F0;
	v4 =	vld [tilespmem:s25+$0xE200];
	[tilespmem:s23+$0xA200] =	vst v3;
	s23 =	smov.u32 s25  }
0x472: {  	v3 =	vld [tilespmem:s23+$0xA200];
	_ =	sdelay $0x1  }
.Ltmp56:
0x473: {  	(pc) =	sbr.rel @p0 .LBB2_114-.Ltmp56, $4  }
0x474: {  	_ = 	snop  }
0x475: {  	s22 =	sadd.s32 $0x80, s22  }
0x476: {  	s4 =	sand.u32 $0x70, s24;
	s25 =	sand.u32 $0x1C00, s22;
	v3 =	vadd.f32 v4, v3  }
0x477: {  	s24 =	sadd.s32 $0x10, s24;
	s25 =	sor.u32 s4, s25  }
0x478: {  	v4 =	vld [tilespmem:s25+$0xE200];
	[tilespmem:s23+$0xA200] =	vst v3  }
0x479: {  	v3 =	vld [tilespmem:s25+$0xA200];
	_ =	sdelay $0x4  }
0x47a: {  	v3 =	vadd.f32 v4, v3;
	_ =	sdelay $0x1  }
0x47b: {  	[tilespmem:s25+$0xA200] =	vst v3  }
0x47c: {  	v3 =	vld [tilespmem:s20+$0xE280]  }
0x47d: {  	v4 =	vld [tilespmem:s20+$0xA280];
	_ =	sdelay $0x3  }
0x47e: {  	s22 =	simm.s32 $0x80  }
0x47f: {  	s4 =	sand.u32 $0x1C00, s22;
	v3 =	vadd.f32 v3, v4  }
0x480: {  	s23 =	sor.u32 s21, s4;
	s21 =	simm.s32 $0x20  }
.LBB2_116:
0x481: {  	p0 =	sne.s32 s21, $0x3F0;
	v4 =	vld [tilespmem:s23+$0xE280];
	[tilespmem:s20+$0xA280] =	vst v3;
	s20 =	smov.u32 s23  }
0x482: {  	v3 =	vld [tilespmem:s20+$0xA280];
	_ =	sdelay $0x1  }
.Ltmp57:
0x483: {  	(pc) =	sbr.rel @p0 .LBB2_116-.Ltmp57, $4  }
0x484: {  	_ = 	snop  }
0x485: {  	s22 =	sadd.s32 $0x80, s22  }
0x486: {  	s4 =	sand.u32 $0x70, s21;
	s23 =	sand.u32 $0x1C00, s22;
	v3 =	vadd.f32 v4, v3  }
0x487: {  	s21 =	sadd.s32 $0x10, s21;
	s23 =	sor.u32 s4, s23  }
0x488: {  	v4 =	vld [tilespmem:s23+$0xE280];
	[tilespmem:s20+$0xA280] =	vst v3  }
0x489: {  	v3 =	vld [tilespmem:s23+$0xA280];
	_ =	sdelay $0x4  }
0x48a: {  	s4 =	simm.s32 $0x0;
	v3 =	vadd.f32 v4, v3  }
0x48b: {  	s24 =	sand.u32 $0x70, s4;
	s4 =	sand.u32 $0x1C00, s4  }
0x48c: {  	s20 =	sor.u32 s24, s4;
	[tilespmem:s23+$0xA280] =	vst v3  }
0x48d: {  	v3 =	vld [tilespmem:s20+$0xE300]  }
0x48e: {  	v4 =	vld [tilespmem:s20+$0xA300];
	_ =	sdelay $0x3  }
0x48f: {  	s25 =	simm.s32 $0x10;
	s22 =	simm.s32 $0x80  }
0x490: {  	s21 =	sand.u32 $0x70, s25;
	s26 =	sand.u32 $0x1C00, s22;
	v3 =	vadd.f32 v3, v4  }
0x491: {  	s25 =	sor.u32 s21, s26;
	s24 =	simm.s32 $0x20;
	s23 =	smov.u32 s20  }
.LBB2_118:
0x492: {  	p0 =	sne.s32 s24, $0x3F0;
	v4 =	vld [tilespmem:s25+$0xE300];
	[tilespmem:s23+$0xA300] =	vst v3;
	s23 =	smov.u32 s25  }
0x493: {  	v3 =	vld [tilespmem:s23+$0xA300];
	_ =	sdelay $0x1  }
.Ltmp58:
0x494: {  	(pc) =	sbr.rel @p0 .LBB2_118-.Ltmp58, $4  }
0x495: {  	_ = 	snop  }
0x496: {  	s22 =	sadd.s32 $0x80, s22  }
0x497: {  	s4 =	sand.u32 $0x70, s24;
	s25 =	sand.u32 $0x1C00, s22;
	v3 =	vadd.f32 v4, v3  }
0x498: {  	s24 =	sadd.s32 $0x10, s24;
	s25 =	sor.u32 s4, s25  }
0x499: {  	v4 =	vld [tilespmem:s25+$0xE300];
	[tilespmem:s23+$0xA300] =	vst v3  }
0x49a: {  	v3 =	vld [tilespmem:s25+$0xA300];
	_ =	sdelay $0x4  }
0x49b: {  	v3 =	vadd.f32 v4, v3;
	_ =	sdelay $0x1  }
0x49c: {  	[tilespmem:s25+$0xA300] =	vst v3  }
0x49d: {  	v3 =	vld [tilespmem:s20+$0xE380]  }
0x49e: {  	v4 =	vld [tilespmem:s20+$0xA380];
	_ =	sdelay $0x3  }
0x49f: {  	s22 =	simm.s32 $0x80  }
0x4a0: {  	s4 =	sand.u32 $0x1C00, s22;
	v3 =	vadd.f32 v3, v4  }
0x4a1: {  	s23 =	sor.u32 s21, s4;
	s21 =	simm.s32 $0x20  }
.LBB2_120:
0x4a2: {  	p0 =	sne.s32 s21, $0x3F0;
	v4 =	vld [tilespmem:s23+$0xE380];
	[tilespmem:s20+$0xA380] =	vst v3;
	s20 =	smov.u32 s23  }
0x4a3: {  	v3 =	vld [tilespmem:s20+$0xA380];
	_ =	sdelay $0x1  }
.Ltmp59:
0x4a4: {  	(pc) =	sbr.rel @p0 .LBB2_120-.Ltmp59, $4  }
0x4a5: {  	_ = 	snop  }
0x4a6: {  	s22 =	sadd.s32 $0x80, s22  }
0x4a7: {  	s4 =	sand.u32 $0x70, s21;
	s23 =	sand.u32 $0x1C00, s22;
	v3 =	vadd.f32 v4, v3  }
0x4a8: {  	s21 =	sadd.s32 $0x10, s21;
	s23 =	sor.u32 s4, s23  }
0x4a9: {  	v4 =	vld [tilespmem:s23+$0xE380];
	[tilespmem:s20+$0xA380] =	vst v3  }
0x4aa: {  	v3 =	vld [tilespmem:s23+$0xA380];
	_ =	sdelay $0x4  }
0x4ab: {  	s4 =	simm.s32 $0x0;
	v3 =	vadd.f32 v4, v3  }
0x4ac: {  	s24 =	sand.u32 $0x70, s4;
	s4 =	sand.u32 $0x1C00, s4  }
0x4ad: {  	s20 =	sor.u32 s24, s4;
	[tilespmem:s23+$0xA380] =	vst v3  }
0x4ae: {  	v3 =	vld [tilespmem:s20+$0xE400]  }
0x4af: {  	v4 =	vld [tilespmem:s20+$0xA400];
	_ =	sdelay $0x3  }
0x4b0: {  	s25 =	simm.s32 $0x10;
	s22 =	simm.s32 $0x80  }
0x4b1: {  	s21 =	sand.u32 $0x70, s25;
	s26 =	sand.u32 $0x1C00, s22;
	v3 =	vadd.f32 v3, v4  }
0x4b2: {  	s25 =	sor.u32 s21, s26;
	s24 =	simm.s32 $0x20;
	s23 =	smov.u32 s20  }
.LBB2_122:
0x4b3: {  	p0 =	sne.s32 s24, $0x3F0;
	v4 =	vld [tilespmem:s25+$0xE400];
	[tilespmem:s23+$0xA400] =	vst v3;
	s23 =	smov.u32 s25  }
0x4b4: {  	v3 =	vld [tilespmem:s23+$0xA400];
	_ =	sdelay $0x1  }
.Ltmp60:
0x4b5: {  	(pc) =	sbr.rel @p0 .LBB2_122-.Ltmp60, $4  }
0x4b6: {  	_ = 	snop  }
0x4b7: {  	s22 =	sadd.s32 $0x80, s22  }
0x4b8: {  	s4 =	sand.u32 $0x70, s24;
	s25 =	sand.u32 $0x1C00, s22;
	v3 =	vadd.f32 v4, v3  }
0x4b9: {  	s24 =	sadd.s32 $0x10, s24;
	s25 =	sor.u32 s4, s25  }
0x4ba: {  	v4 =	vld [tilespmem:s25+$0xE400];
	[tilespmem:s23+$0xA400] =	vst v3  }
0x4bb: {  	v3 =	vld [tilespmem:s25+$0xA400];
	_ =	sdelay $0x4  }
0x4bc: {  	v3 =	vadd.f32 v4, v3;
	_ =	sdelay $0x1  }
0x4bd: {  	[tilespmem:s25+$0xA400] =	vst v3  }
0x4be: {  	v3 =	vld [tilespmem:s20+$0xE480]  }
0x4bf: {  	v4 =	vld [tilespmem:s20+$0xA480];
	_ =	sdelay $0x3  }
0x4c0: {  	s22 =	simm.s32 $0x80  }
0x4c1: {  	s4 =	sand.u32 $0x1C00, s22;
	v3 =	vadd.f32 v3, v4  }
0x4c2: {  	s23 =	sor.u32 s21, s4;
	s21 =	simm.s32 $0x20  }
.LBB2_124:
0x4c3: {  	p0 =	sne.s32 s21, $0x3F0;
	v4 =	vld [tilespmem:s23+$0xE480];
	[tilespmem:s20+$0xA480] =	vst v3;
	s20 =	smov.u32 s23  }
0x4c4: {  	v3 =	vld [tilespmem:s20+$0xA480];
	_ =	sdelay $0x1  }
.Ltmp61:
0x4c5: {  	(pc) =	sbr.rel @p0 .LBB2_124-.Ltmp61, $4  }
0x4c6: {  	_ = 	snop  }
0x4c7: {  	s22 =	sadd.s32 $0x80, s22  }
0x4c8: {  	s4 =	sand.u32 $0x70, s21;
	s23 =	sand.u32 $0x1C00, s22;
	v3 =	vadd.f32 v4, v3  }
0x4c9: {  	s21 =	sadd.s32 $0x10, s21;
	s23 =	sor.u32 s4, s23  }
0x4ca: {  	v4 =	vld [tilespmem:s23+$0xE480];
	[tilespmem:s20+$0xA480] =	vst v3  }
0x4cb: {  	v3 =	vld [tilespmem:s23+$0xA480];
	_ =	sdelay $0x4  }
0x4cc: {  	s4 =	simm.s32 $0x0;
	v3 =	vadd.f32 v4, v3  }
0x4cd: {  	s24 =	sand.u32 $0x70, s4;
	s4 =	sand.u32 $0x1C00, s4  }
0x4ce: {  	s20 =	sor.u32 s24, s4;
	[tilespmem:s23+$0xA480] =	vst v3  }
0x4cf: {  	v3 =	vld [tilespmem:s20+$0xE500]  }
0x4d0: {  	v4 =	vld [tilespmem:s20+$0xA500];
	_ =	sdelay $0x3  }
0x4d1: {  	s25 =	simm.s32 $0x10;
	s22 =	simm.s32 $0x80  }
0x4d2: {  	s21 =	sand.u32 $0x70, s25;
	s26 =	sand.u32 $0x1C00, s22;
	v3 =	vadd.f32 v3, v4  }
0x4d3: {  	s25 =	sor.u32 s21, s26;
	s24 =	simm.s32 $0x20;
	s23 =	smov.u32 s20  }
.LBB2_126:
0x4d4: {  	p0 =	sne.s32 s24, $0x3F0;
	v4 =	vld [tilespmem:s25+$0xE500];
	[tilespmem:s23+$0xA500] =	vst v3;
	s23 =	smov.u32 s25  }
0x4d5: {  	v3 =	vld [tilespmem:s23+$0xA500];
	_ =	sdelay $0x1  }
.Ltmp62:
0x4d6: {  	(pc) =	sbr.rel @p0 .LBB2_126-.Ltmp62, $4  }
0x4d7: {  	_ = 	snop  }
0x4d8: {  	s22 =	sadd.s32 $0x80, s22  }
0x4d9: {  	s4 =	sand.u32 $0x70, s24;
	s25 =	sand.u32 $0x1C00, s22;
	v3 =	vadd.f32 v4, v3  }
0x4da: {  	s24 =	sadd.s32 $0x10, s24;
	s25 =	sor.u32 s4, s25  }
0x4db: {  	v4 =	vld [tilespmem:s25+$0xE500];
	[tilespmem:s23+$0xA500] =	vst v3  }
0x4dc: {  	v3 =	vld [tilespmem:s25+$0xA500];
	_ =	sdelay $0x4  }
0x4dd: {  	v3 =	vadd.f32 v4, v3;
	_ =	sdelay $0x1  }
0x4de: {  	[tilespmem:s25+$0xA500] =	vst v3  }
0x4df: {  	v3 =	vld [tilespmem:s20+$0xE580]  }
0x4e0: {  	v4 =	vld [tilespmem:s20+$0xA580];
	_ =	sdelay $0x3  }
0x4e1: {  	s22 =	simm.s32 $0x80  }
0x4e2: {  	s4 =	sand.u32 $0x1C00, s22;
	v3 =	vadd.f32 v3, v4  }
0x4e3: {  	s23 =	sor.u32 s21, s4;
	s21 =	simm.s32 $0x20  }
.LBB2_128:
0x4e4: {  	p0 =	sne.s32 s21, $0x3F0;
	v4 =	vld [tilespmem:s23+$0xE580];
	[tilespmem:s20+$0xA580] =	vst v3;
	s20 =	smov.u32 s23  }
0x4e5: {  	v3 =	vld [tilespmem:s20+$0xA580];
	_ =	sdelay $0x1  }
.Ltmp63:
0x4e6: {  	(pc) =	sbr.rel @p0 .LBB2_128-.Ltmp63, $4  }
0x4e7: {  	_ = 	snop  }
0x4e8: {  	s22 =	sadd.s32 $0x80, s22  }
0x4e9: {  	s4 =	sand.u32 $0x70, s21;
	s23 =	sand.u32 $0x1C00, s22;
	v3 =	vadd.f32 v4, v3  }
0x4ea: {  	s21 =	sadd.s32 $0x10, s21;
	s23 =	sor.u32 s4, s23  }
0x4eb: {  	v4 =	vld [tilespmem:s23+$0xE580];
	[tilespmem:s20+$0xA580] =	vst v3  }
0x4ec: {  	v3 =	vld [tilespmem:s23+$0xA580];
	_ =	sdelay $0x4  }
0x4ed: {  	v3 =	vadd.f32 v4, v3;
	_ =	sdelay $0x1  }
0x4ee: {  	s19 =	sadd.s32 $0x1, s19;
	[tilespmem:s23+$0xA580] =	vst v3  }
0x4ef: {  	[hbm4b:s12+s2] =	stream.linear.scatter [tilespmem:s1], [sflag:$0x4], $0x4000, $0x38;
	[tilespmem:$0x10200] =	vst v63  }
0x4f0: {  	p0 =	sne.s32 s19, s13;
	_ =	swait.ge [sflag:s15], $0x4000  }
.Ltmp64:
0x4f1: {  	[sflag:s15] =	ssyncset.done $0x0;
	(pc) =	sbr.rel @p0 .LBB2_1-.Ltmp64, $4  }
0x4f2: {  	[sflag:s15] =	ssyncadd.s32 $0xFFFFC000  }
0x4f3: {  	_ =	swait.ge [sflag:s18], $0x4000  }
0x4f4: {  	[sflag:s18] =	ssyncset.done $0x0  }
0x4f5: {  	[sflag:s18] =	ssyncadd.s32 $0xFFFFC000  }
0x4f6: {  	_ =	sfence.sel $0x180000  }
0x4f7: {  	[bflag:$0x0] =	sbarrier.arrive $0xFFFF  }
0x4f8: {  	_ =	strace $0x9000004A  }
0x4f9: {  	s0 =	stileid.u32;
	[bflag:$0x2] =	sbarrier.arrive $0xFFFF  }
0x4fa: {  	p0 =	sne.s32 s0, $0x0;
	s0 =	rddreg [dreg:$0x2]  }
0x4fb: {  	s0 =	sadd.s32 @!p0 $0x100000, s0  }
0x4fc: {  	[sflag:s0] =	ssyncadd.tile.s32 @!p0 $0x1;
	_ =	shalt  }
.Lfunc_end2:
_tile_overlayer_lowered:
.L_overlay_start_2:
0x4fd: {  	(tag) =	ssettag $0x2  }
0x4fe: {  	s0 =	rddreg [dreg:$0x0];
	s2 =	stileid.u32  }
0x4ff: {  	s1 =	rddreg [dreg:$0x1];
	p0 =	sne.s32 s2, $0x0  }
0x500: {  	s3 =	rddreg [dreg:$0x2];
	[bflag:$0x3] =	sbarrier.arrive $0xFFFF;
	s2 =	simm.s32 @!p0 $0x1C05  }
0x501: {  	[timem:s3], [sflag:s2] =	dma.local @!p0 [hbm:s0], s1  }
0x502: {  	s0 =	simm.s32 @!p0 $0x5  }
0x503: {  	_ =	swait.ge @!p0 [sflag:s0], s1  }
0x504: {  	s1 =	ssub.s32 @!p0 $0x0, s1;
	[sflag:s0] =	ssyncset.done @!p0 $0x0  }
0x505: {  	[sflag:s0] =	ssyncadd.s32 @!p0 s1  }
0x506: {  	[bflag:$0x3] =	sbarrier.arrive $0xFFFF  }
0x507: {  	_ =	shalt  }

</sc_bundles>
